<compile_context>
chip_gen: v7x
topology: tpu7x:2x2x1
jax: 0.10.2.dev20260603
libtpu: 0.0.44.dev20260713+nightly
codegen_flags: <defaults>
</compile_context>

<pallas_src>
import functools

import jax
import jax.numpy as jnp
from jax import lax
from jax.experimental import pallas as pl
from jax.experimental.pallas import tpu as pltpu
from jax.experimental.pallas import tpu_sc as plsc

NC = 2
NS = 16
NW = NC * NS
L = 16

CHUNK = 2048
NCHUNK = 8
PER_TILE = CHUNK * NCHUNK


def _make_sc_loss(n, nobj2, s_img, s_head, s_y, plane):

    @functools.partial(
        pl.kernel,
        out_type=jax.ShapeDtypeStruct((NW, L), jnp.float32),
        mesh=plsc.VectorSubcoreMesh(core_axis_name="c", subcore_axis_name="s"),
        compiler_params=pltpu.CompilerParams(needs_layout_passes=False),
        scratch_types=[
            pltpu.VMEM((nobj2,), jnp.float32),
            pltpu.VMEM((CHUNK,), jnp.int32),
            pltpu.VMEM((CHUNK,), jnp.int32),
            pltpu.VMEM((CHUNK,), jnp.int32),
            pltpu.VMEM((CHUNK,), jnp.int32),
            pltpu.VMEM((CHUNK,), jnp.int32),
            pltpu.VMEM((CHUNK,), jnp.int32),
            pltpu.VMEM((CHUNK,), jnp.int32),
            pltpu.VMEM((CHUNK,), jnp.int32),
            pltpu.VMEM((CHUNK,), jnp.int32),
            pltpu.VMEM((CHUNK,), jnp.int32),
            pltpu.VMEM((CHUNK,), jnp.float32),
            pltpu.VMEM((CHUNK,), jnp.float32),
            pltpu.VMEM((CHUNK,), jnp.float32),
            pltpu.VMEM((CHUNK,), jnp.float32),
            pltpu.VMEM((L,), jnp.float32),
            pltpu.SemaphoreType.DMA,
            pltpu.SemaphoreType.DMA,
        ],
    )
    def sc_loss(pa_hbm, cent_hbm, img_hbm, head_hbm, gy_hbm, gx_hbm,
                obj_hbm, out_hbm, cent_v, img_v, head_v, gy_v, gx_v,
                obj0_v, obj1_v, idxy0_v, idxy1_v, idxx0_v, idxx1_v,
                predy0_v, predy1_v, predx0_v, predx1_v, acc_v, sem0, sem1):
        wid = lax.axis_index("s") * NC + lax.axis_index("c")
        base = wid * PER_TILE
        sems = (sem0, sem1)
        objs = (obj0_v, obj1_v)
        idxys = (idxy0_v, idxy1_v)
        idxxs = (idxx0_v, idxx1_v)
        predys = (predy0_v, predy1_v)
        predxs = (predx0_v, predx1_v)
        pltpu.sync_copy(cent_hbm, cent_v)

        def stage(ci):
            p = ci & 1
            off = base + ci * CHUNK
            off_c = jnp.minimum(off, n - CHUNK)
            pltpu.sync_copy(img_hbm.at[pl.ds(off_c, CHUNK)], img_v)
            pltpu.sync_copy(head_hbm.at[pl.ds(off_c, CHUNK)], head_v)
            pltpu.sync_copy(gy_hbm.at[pl.ds(off_c, CHUNK)], gy_v)
            pltpu.sync_copy(gx_hbm.at[pl.ds(off_c, CHUNK)], gx_v)
            pltpu.sync_copy(obj_hbm.at[pl.ds(off_c, CHUNK)], objs[p])

            def ix_body(j, _):
                s = pl.ds(j * L, L)
                fy = (img_v[s] * s_img + head_v[s] * s_head
                      + gy_v[s] * s_y + gx_v[s])
                idxys[p][s] = fy
                idxxs[p][s] = fy + plane
                return 0

            lax.fori_loop(0, CHUNK // L, ix_body, 0, unroll=4)
            cpy = pltpu.async_copy(pa_hbm.at[idxys[p]], predys[p], sems[p])
            cpx = pltpu.async_copy(pa_hbm.at[idxxs[p]], predxs[p], sems[p])
            return cpy, cpx

        def consume(ci, cpy, cpx, acc):
            p = ci & 1
            off = base + ci * CHUNK
            off_c = jnp.minimum(off, n - CHUNK)
            cpy.wait()
            cpx.wait()
            lane = lax.iota(jnp.int32, L) + (off_c - off)

            def loss_body(j, a):
                s = pl.ds(j * L, L)
                ob2 = objs[p][s] * 2
                cy = plsc.load_gather(cent_v, [ob2])
                cx = plsc.load_gather(cent_v, [ob2 + 1])
                dy = predys[p][s] - cy
                dx = predxs[p][s] - cx
                contrib = dy * dy + dx * dx
                keep = (lane + j * L) >= 0
                return a + jnp.where(keep, contrib, 0.0)

            return lax.fori_loop(0, CHUNK // L, loss_body, acc, unroll=4)

        acc = jnp.zeros((L,), jnp.float32)
        cps = stage(0)
        for ci in range(NCHUNK):
            nxt = stage(ci + 1) if ci + 1 < NCHUNK else None
            acc = consume(ci, *cps, acc)
            cps = nxt

        acc_v[...] = acc
        pltpu.sync_copy(acc_v, out_hbm.at[wid])

    return sc_loss


def kernel(post_activation_yx, center_yx, img_idxs, head_idxs,
           grid_y_idxs, grid_x_idxs, object_idxs):
    b, nh, two, gy, gx = post_activation_yx.shape
    n = img_idxs.shape[0]
    nobj = center_yx.shape[0]
    assert two == 2 and n <= NW * PER_TILE and n >= CHUNK and n % 16 == 0

    plane = gy * gx
    s_head = two * plane
    s_img = nh * s_head
    s_y = gx

    pa_flat = post_activation_yx.reshape(-1)
    cent_flat = center_yx.reshape(-1)
    sc_loss = _make_sc_loss(n, nobj * 2, s_img, s_head, s_y, plane)
    partials = sc_loss(
        pa_flat, cent_flat,
        img_idxs.astype(jnp.int32), head_idxs.astype(jnp.int32),
        grid_y_idxs.astype(jnp.int32), grid_x_idxs.astype(jnp.int32),
        object_idxs.astype(jnp.int32),
    )
    return jnp.sum(partials)

# --- scband reference (transcript-rebuilt; emitter-appended) ---
"""Pipeline reference for scband-center-yxloss-43946105373121 (READ-ONLY COPY).

The authoritative reference and input builder live on the scoring server;
editing this copy changes nothing except your own understanding.
"""

import jax, jax.numpy as jnp
import numpy as np


def setup_inputs(seed: int = 0) -> dict:
    key = jax.random.key(seed)
    ks = jax.random.split(key, 7)
    B, NH, GY, GX = 16, 4, 512, 512
    N = 500000
    NOBJ = 50000
    post_activation_yx = jax.random.normal(ks[0], (B, NH, 2, GY, GX), dtype=jnp.float32)
    center_yx = jax.random.uniform(ks[1], (NOBJ, 2), dtype=jnp.float32)
    img_idxs = jax.random.randint(ks[2], (N,), 0, B, dtype=jnp.int64) if jax.config.read('jax_enable_x64') else jax.random.randint(ks[2], (N,), 0, B).astype(jnp.int64)
    head_idxs = jax.random.randint(ks[3], (N,), 0, NH).astype(jnp.int64)
    grid_y_idxs = jax.random.randint(ks[4], (N,), 0, GY).astype(jnp.int64)
    grid_x_idxs = jax.random.randint(ks[5], (N,), 0, GX).astype(jnp.int64)
    object_idxs = jax.random.randint(ks[6], (N,), 0, NOBJ).astype(jnp.int64)
    return {
        'post_activation_yx': post_activation_yx,
        'center_yx': center_yx,
        'img_idxs': img_idxs,
        'head_idxs': head_idxs,
        'grid_y_idxs': grid_y_idxs,
        'grid_x_idxs': grid_x_idxs,
        'object_idxs': object_idxs,
    }


def _core_loss_implementation(n, m, diffs):
    # concrete squared-L2 core: sum over the yx dim -> (n, m)
    assert diffs.shape == (n, m, 2)
    loss = jnp.sum(diffs * diffs, axis=-1)
    assert loss.shape == (n, m)
    return loss


def reference(post_activation_yx, center_yx, img_idxs, head_idxs, grid_y_idxs, grid_x_idxs, object_idxs):
    # get_loss: gather predicted yx at assigned (img, head, gy, gx) cells
    num_assignments = img_idxs.shape[0]
    predicted_yx = post_activation_yx[img_idxs, head_idxs, :, grid_y_idxs, grid_x_idxs]
    true_yx = jnp.take(center_yx, object_idxs, axis=0)
    diffs = (predicted_yx - true_yx)[:, None, :]
    loss = _core_loss_implementation(num_assignments, 1, diffs)
    return loss.sum()

if __name__ == "__main__":
    import jax
    _d = setup_inputs()
    print(jax.jit(kernel)(*tuple(_d.values())))

</pallas_src>

<mosaic_0001>
#map = affine_map<(d0, d1) -> (0)>
#map1 = affine_map<(d0, d1) -> (0, 0)>
module attributes {stable_mosaic.version = 14 : i64} {
  func.func @sc_loss(%arg0: i32, %arg1: i32, %arg2: memref<33554432xf32, #tpu.memory_space<hbm>>, %arg3: memref<100000xf32, #tpu.memory_space<hbm>>, %arg4: memref<500000xi32, #tpu.memory_space<hbm>>, %arg5: memref<500000xi32, #tpu.memory_space<hbm>>, %arg6: memref<500000xi32, #tpu.memory_space<hbm>>, %arg7: memref<500000xi32, #tpu.memory_space<hbm>>, %arg8: memref<500000xi32, #tpu.memory_space<hbm>>, %arg9: memref<32x16xf32, #tpu.memory_space<hbm>>, %arg10: memref<100000xf32, #tpu.memory_space<vmem>>, %arg11: memref<2048xi32, #tpu.memory_space<vmem>>, %arg12: memref<2048xi32, #tpu.memory_space<vmem>>, %arg13: memref<2048xi32, #tpu.memory_space<vmem>>, %arg14: memref<2048xi32, #tpu.memory_space<vmem>>, %arg15: memref<2048xi32, #tpu.memory_space<vmem>>, %arg16: memref<2048xi32, #tpu.memory_space<vmem>>, %arg17: memref<2048xi32, #tpu.memory_space<vmem>>, %arg18: memref<2048xi32, #tpu.memory_space<vmem>>, %arg19: memref<2048xi32, #tpu.memory_space<vmem>>, %arg20: memref<2048xi32, #tpu.memory_space<vmem>>, %arg21: memref<2048xf32, #tpu.memory_space<vmem>>, %arg22: memref<2048xf32, #tpu.memory_space<vmem>>, %arg23: memref<2048xf32, #tpu.memory_space<vmem>>, %arg24: memref<2048xf32, #tpu.memory_space<vmem>>, %arg25: memref<16xf32, #tpu.memory_space<vmem>>, %arg26: memref<!tpu.dma_semaphore, #tpu.memory_space<semaphore_mem>>, %arg27: memref<!tpu.dma_semaphore, #tpu.memory_space<semaphore_mem>>) attributes {dimension_semantics = [#tpu.dimension_semantics<core_parallel>, #tpu.dimension_semantics<subcore_parallel>], iteration_bounds = array<i64: 2, 16>, scalar_prefetch = 0 : i64, scratch_operands = 18 : i64, tpu.core_type = #tpu.core_type<sc_vector_subcore>, window_params = [{transform_indices = #map}, {transform_indices = #map}, {transform_indices = #map}, {transform_indices = #map}, {transform_indices = #map}, {transform_indices = #map}, {transform_indices = #map}, {transform_indices = #map1}]} {
    %mul3A = arith.constant 2 : i32
    %mul3A_0 = arith.muli %arg1, %mul3A : i32
    %add3A = arith.addi %mul3A_0, %arg0 : i32
    %mul3A_1 = arith.constant 16384 : i32
    %mul3A_2 = arith.muli %add3A, %mul3A_1 : i32
    "tpu.region"() ({
      %run_scoped3A = tpu.sem_alloc : memref<!tpu.dma_semaphore, #tpu.memory_space<semaphore_mem>>
      tpu.enqueue_dma source(%arg3 : memref<100000xf32, #tpu.memory_space<hbm>>) target(%arg10 : memref<100000xf32, #tpu.memory_space<vmem>>) target_semaphore(%run_scoped3A : memref<!tpu.dma_semaphore, #tpu.memory_space<semaphore_mem>>)
      tpu.wait_dma2 semaphore(%run_scoped3A : memref<!tpu.dma_semaphore, #tpu.memory_space<semaphore_mem>>) src(%arg3 : memref<100000xf32, #tpu.memory_space<hbm>>) dst(%arg10 : memref<100000xf32, #tpu.memory_space<vmem>>)
      tpu.yield
    }) : () -> ()
    %broadcast_in_dim3A = arith.constant 0.000000e+00 : f32
    %broadcast_in_dim3A_3 = vector.broadcast %broadcast_in_dim3A : f32 to vector<16xf32>
    %add3A_4 = arith.constant 0 : i32
    %add3A_5 = arith.addi %mul3A_2, %add3A_4 : i32
    %min3A = arith.constant 497952 : i32
    %min3A_6 = arith.minsi %add3A_5, %min3A : i32
    "tpu.region"() ({
      %run_scoped3A = tpu.sem_alloc : memref<!tpu.dma_semaphore, #tpu.memory_space<semaphore_mem>>
      %dma_start3A_263 = tpu.memref_slice %arg4[%min3A_6] : memref<500000xi32, #tpu.memory_space<hbm>> -> memref<2048xi32, #tpu.memory_space<hbm>>
      %dma_start3A_264 = tpu.memref_slice %arg4[%min3A_6] : memref<500000xi32, #tpu.memory_space<hbm>> -> memref<2048xi32, #tpu.memory_space<hbm>>
      tpu.enqueue_dma source(%dma_start3A_264 : memref<2048xi32, #tpu.memory_space<hbm>>) target(%arg11 : memref<2048xi32, #tpu.memory_space<vmem>>) target_semaphore(%run_scoped3A : memref<!tpu.dma_semaphore, #tpu.memory_space<semaphore_mem>>)
      %dma_wait3A_265 = tpu.memref_slice %arg4[%min3A_6] : memref<500000xi32, #tpu.memory_space<hbm>> -> memref<2048xi32, #tpu.memory_space<hbm>>
      %dma_wait3A_266 = tpu.memref_slice %arg4[%min3A_6] : memref<500000xi32, #tpu.memory_space<hbm>> -> memref<2048xi32, #tpu.memory_space<hbm>>
      tpu.wait_dma2 semaphore(%run_scoped3A : memref<!tpu.dma_semaphore, #tpu.memory_space<semaphore_mem>>) src(%dma_wait3A_266 : memref<2048xi32, #tpu.memory_space<hbm>>) dst(%arg11 : memref<2048xi32, #tpu.memory_space<vmem>>)
      tpu.yield
    }) : () -> ()
    "tpu.region"() ({
      %run_scoped3A = tpu.sem_alloc : memref<!tpu.dma_semaphore, #tpu.memory_space<semaphore_mem>>
      %dma_start3A_263 = tpu.memref_slice %arg5[%min3A_6] : memref<500000xi32, #tpu.memory_space<hbm>> -> memref<2048xi32, #tpu.memory_space<hbm>>
      %dma_start3A_264 = tpu.memref_slice %arg5[%min3A_6] : memref<500000xi32, #tpu.memory_space<hbm>> -> memref<2048xi32, #tpu.memory_space<hbm>>
      tpu.enqueue_dma source(%dma_start3A_264 : memref<2048xi32, #tpu.memory_space<hbm>>) target(%arg12 : memref<2048xi32, #tpu.memory_space<vmem>>) target_semaphore(%run_scoped3A : memref<!tpu.dma_semaphore, #tpu.memory_space<semaphore_mem>>)
      %dma_wait3A_265 = tpu.memref_slice %arg5[%min3A_6] : memref<500000xi32, #tpu.memory_space<hbm>> -> memref<2048xi32, #tpu.memory_space<hbm>>
      %dma_wait3A_266 = tpu.memref_slice %arg5[%min3A_6] : memref<500000xi32, #tpu.memory_space<hbm>> -> memref<2048xi32, #tpu.memory_space<hbm>>
      tpu.wait_dma2 semaphore(%run_scoped3A : memref<!tpu.dma_semaphore, #tpu.memory_space<semaphore_mem>>) src(%dma_wait3A_266 : memref<2048xi32, #tpu.memory_space<hbm>>) dst(%arg12 : memref<2048xi32, #tpu.memory_space<vmem>>)
      tpu.yield
    }) : () -> ()
    "tpu.region"() ({
      %run_scoped3A = tpu.sem_alloc : memref<!tpu.dma_semaphore, #tpu.memory_space<semaphore_mem>>
      %dma_start3A_263 = tpu.memref_slice %arg6[%min3A_6] : memref<500000xi32, #tpu.memory_space<hbm>> -> memref<2048xi32, #tpu.memory_space<hbm>>
      %dma_start3A_264 = tpu.memref_slice %arg6[%min3A_6] : memref<500000xi32, #tpu.memory_space<hbm>> -> memref<2048xi32, #tpu.memory_space<hbm>>
      tpu.enqueue_dma source(%dma_start3A_264 : memref<2048xi32, #tpu.memory_space<hbm>>) target(%arg13 : memref<2048xi32, #tpu.memory_space<vmem>>) target_semaphore(%run_scoped3A : memref<!tpu.dma_semaphore, #tpu.memory_space<semaphore_mem>>)
      %dma_wait3A_265 = tpu.memref_slice %arg6[%min3A_6] : memref<500000xi32, #tpu.memory_space<hbm>> -> memref<2048xi32, #tpu.memory_space<hbm>>
      %dma_wait3A_266 = tpu.memref_slice %arg6[%min3A_6] : memref<500000xi32, #tpu.memory_space<hbm>> -> memref<2048xi32, #tpu.memory_space<hbm>>
      tpu.wait_dma2 semaphore(%run_scoped3A : memref<!tpu.dma_semaphore, #tpu.memory_space<semaphore_mem>>) src(%dma_wait3A_266 : memref<2048xi32, #tpu.memory_space<hbm>>) dst(%arg13 : memref<2048xi32, #tpu.memory_space<vmem>>)
      tpu.yield
    }) : () -> ()
    "tpu.region"() ({
      %run_scoped3A = tpu.sem_alloc : memref<!tpu.dma_semaphore, #tpu.memory_space<semaphore_mem>>
      %dma_start3A_263 = tpu.memref_slice %arg7[%min3A_6] : memref<500000xi32, #tpu.memory_space<hbm>> -> memref<2048xi32, #tpu.memory_space<hbm>>
      %dma_start3A_264 = tpu.memref_slice %arg7[%min3A_6] : memref<500000xi32, #tpu.memory_space<hbm>> -> memref<2048xi32, #tpu.memory_space<hbm>>
      tpu.enqueue_dma source(%dma_start3A_264 : memref<2048xi32, #tpu.memory_space<hbm>>) target(%arg14 : memref<2048xi32, #tpu.memory_space<vmem>>) target_semaphore(%run_scoped3A : memref<!tpu.dma_semaphore, #tpu.memory_space<semaphore_mem>>)
      %dma_wait3A_265 = tpu.memref_slice %arg7[%min3A_6] : memref<500000xi32, #tpu.memory_space<hbm>> -> memref<2048xi32, #tpu.memory_space<hbm>>
      %dma_wait3A_266 = tpu.memref_slice %arg7[%min3A_6] : memref<500000xi32, #tpu.memory_space<hbm>> -> memref<2048xi32, #tpu.memory_space<hbm>>
      tpu.wait_dma2 semaphore(%run_scoped3A : memref<!tpu.dma_semaphore, #tpu.memory_space<semaphore_mem>>) src(%dma_wait3A_266 : memref<2048xi32, #tpu.memory_space<hbm>>) dst(%arg14 : memref<2048xi32, #tpu.memory_space<vmem>>)
      tpu.yield
    }) : () -> ()
    "tpu.region"() ({
      %run_scoped3A = tpu.sem_alloc : memref<!tpu.dma_semaphore, #tpu.memory_space<semaphore_mem>>
      %dma_start3A_263 = tpu.memref_slice %arg8[%min3A_6] : memref<500000xi32, #tpu.memory_space<hbm>> -> memref<2048xi32, #tpu.memory_space<hbm>>
      %dma_start3A_264 = tpu.memref_slice %arg8[%min3A_6] : memref<500000xi32, #tpu.memory_space<hbm>> -> memref<2048xi32, #tpu.memory_space<hbm>>
      tpu.enqueue_dma source(%dma_start3A_264 : memref<2048xi32, #tpu.memory_space<hbm>>) target(%arg15 : memref<2048xi32, #tpu.memory_space<vmem>>) target_semaphore(%run_scoped3A : memref<!tpu.dma_semaphore, #tpu.memory_space<semaphore_mem>>)
      %dma_wait3A_265 = tpu.memref_slice %arg8[%min3A_6] : memref<500000xi32, #tpu.memory_space<hbm>> -> memref<2048xi32, #tpu.memory_space<hbm>>
      %dma_wait3A_266 = tpu.memref_slice %arg8[%min3A_6] : memref<500000xi32, #tpu.memory_space<hbm>> -> memref<2048xi32, #tpu.memory_space<hbm>>
      tpu.wait_dma2 semaphore(%run_scoped3A : memref<!tpu.dma_semaphore, #tpu.memory_space<semaphore_mem>>) src(%dma_wait3A_266 : memref<2048xi32, #tpu.memory_space<hbm>>) dst(%arg15 : memref<2048xi32, #tpu.memory_space<vmem>>)
      tpu.yield
    }) : () -> ()
    %scan3A = arith.constant 0 : i32
    %scan3A_7 = arith.constant 0 : i32
    %scan3A_8 = arith.constant 128 : i32
    %scan3A_9 = arith.addi %scan3A_7, %scan3A_8 : i32
    %scan3A_10 = arith.constant 4 : i32
    %scan3A_11 = scf.for %scan3A_263 = %scan3A_7 to %scan3A_9 step %scan3A_10 iter_args(%scan3A_264 = %scan3A) -> (i32)  : i32 {
      %mul3A_265 = arith.constant 16 : i32
      %mul3A_266 = arith.muli %scan3A_263, %mul3A_265 : i32
      %get3A = arith.index_cast %mul3A_266 : i32 to index
      %get3A_267 = tpu.vector_load %arg11[%get3A] {strides = array<i32>} : memref<2048xi32, #tpu.memory_space<vmem>>, vector<16xi32>,
      %mul3A_268 = arith.constant 2097152 : i32
      %mul3A_269 = vector.broadcast %mul3A_268 : i32 to vector<16xi32>
      %mul3A_270 = arith.muli %get3A_267, %mul3A_269 : vector<16xi32>
      %get3A_271 = arith.index_cast %mul3A_266 : i32 to index
      %get3A_272 = tpu.vector_load %arg12[%get3A_271] {strides = array<i32>} : memref<2048xi32, #tpu.memory_space<vmem>>, vector<16xi32>,
      %mul3A_273 = arith.constant 524288 : i32
      %mul3A_274 = vector.broadcast %mul3A_273 : i32 to vector<16xi32>
      %mul3A_275 = arith.muli %get3A_272, %mul3A_274 : vector<16xi32>
      %add3A_276 = arith.addi %mul3A_270, %mul3A_275 : vector<16xi32>
      %get3A_277 = arith.index_cast %mul3A_266 : i32 to index
      %get3A_278 = tpu.vector_load %arg13[%get3A_277] {strides = array<i32>} : memref<2048xi32, #tpu.memory_space<vmem>>, vector<16xi32>,
      %mul3A_279 = arith.constant 512 : i32
      %mul3A_280 = vector.broadcast %mul3A_279 : i32 to vector<16xi32>
      %mul3A_281 = arith.muli %get3A_278, %mul3A_280 : vector<16xi32>
      %add3A_282 = arith.addi %add3A_276, %mul3A_281 : vector<16xi32>
      %get3A_283 = arith.index_cast %mul3A_266 : i32 to index
      %get3A_284 = tpu.vector_load %arg14[%get3A_283] {strides = array<i32>} : memref<2048xi32, #tpu.memory_space<vmem>>, vector<16xi32>,
      %add3A_285 = arith.addi %add3A_282, %get3A_284 : vector<16xi32>
      %swap3A_286 = arith.index_cast %mul3A_266 : i32 to index
      %swap3A_287 = tpu.vector_load %arg17[%swap3A_286] {strides = array<i32>} : memref<2048xi32, #tpu.memory_space<vmem>>, vector<16xi32>,
      tpu.vector_store %arg17[%swap3A_286], %add3A_285 {strides = array<i32>} : memref<2048xi32, #tpu.memory_space<vmem>>, vector<16xi32>,
      %add3A_288 = arith.constant 262144 : i32
      %add3A_289 = vector.broadcast %add3A_288 : i32 to vector<16xi32>
      %add3A_290 = arith.addi %add3A_285, %add3A_289 : vector<16xi32>
      %swap3A_291 = arith.index_cast %mul3A_266 : i32 to index
      %swap3A_292 = tpu.vector_load %arg19[%swap3A_291] {strides = array<i32>} : memref<2048xi32, #tpu.memory_space<vmem>>, vector<16xi32>,
      tpu.vector_store %arg19[%swap3A_291], %add3A_290 {strides = array<i32>} : memref<2048xi32, #tpu.memory_space<vmem>>, vector<16xi32>,
      %scan3A_293 = arith.constant 0 : i32
      %scan3A_294 = arith.constant 1 : i32
      %scan3A_295 = arith.addi %scan3A_263, %scan3A_294 : i32
      %mul3A_296 = arith.constant 16 : i32
      %mul3A_297 = arith.muli %scan3A_295, %mul3A_296 : i32
      %get3A_298 = arith.index_cast %mul3A_297 : i32 to index
      %get3A_299 = tpu.vector_load %arg11[%get3A_298] {strides = array<i32>} : memref<2048xi32, #tpu.memory_space<vmem>>, vector<16xi32>,
      %mul3A_300 = arith.constant 2097152 : i32
      %mul3A_301 = vector.broadcast %mul3A_300 : i32 to vector<16xi32>
      %mul3A_302 = arith.muli %get3A_299, %mul3A_301 : vector<16xi32>
      %get3A_303 = arith.index_cast %mul3A_297 : i32 to index
      %get3A_304 = tpu.vector_load %arg12[%get3A_303] {strides = array<i32>} : memref<2048xi32, #tpu.memory_space<vmem>>, vector<16xi32>,
      %mul3A_305 = arith.constant 524288 : i32
      %mul3A_306 = vector.broadcast %mul3A_305 : i32 to vector<16xi32>
      %mul3A_307 = arith.muli %get3A_304, %mul3A_306 : vector<16xi32>
      %add3A_308 = arith.addi %mul3A_302, %mul3A_307 : vector<16xi32>
      %get3A_309 = arith.index_cast %mul3A_297 : i32 to index
      %get3A_310 = tpu.vector_load %arg13[%get3A_309] {strides = array<i32>} : memref<2048xi32, #tpu.memory_space<vmem>>, vector<16xi32>,
      %mul3A_311 = arith.constant 512 : i32
      %mul3A_312 = vector.broadcast %mul3A_311 : i32 to vector<16xi32>
      %mul3A_313 = arith.muli %get3A_310, %mul3A_312 : vector<16xi32>
      %add3A_314 = arith.addi %add3A_308, %mul3A_313 : vector<16xi32>
      %get3A_315 = arith.index_cast %mul3A_297 : i32 to index
      %get3A_316 = tpu.vector_load %arg14[%get3A_315] {strides = array<i32>} : memref<2048xi32, #tpu.memory_space<vmem>>, vector<16xi32>,
      %add3A_317 = arith.addi %add3A_314, %get3A_316 : vector<16xi32>
      %swap3A_318 = arith.index_cast %mul3A_297 : i32 to index
      %swap3A_319 = tpu.vector_load %arg17[%swap3A_318] {strides = array<i32>} : memref<2048xi32, #tpu.memory_space<vmem>>, vector<16xi32>,
      tpu.vector_store %arg17[%swap3A_318], %add3A_317 {strides = array<i32>} : memref<2048xi32, #tpu.memory_space<vmem>>, vector<16xi32>,
      %add3A_320 = arith.constant 262144 : i32
      %add3A_321 = vector.broadcast %add3A_320 : i32 to vector<16xi32>
      %add3A_322 = arith.addi %add3A_317, %add3A_321 : vector<16xi32>
      %swap3A_323 = arith.index_cast %mul3A_297 : i32 to index
      %swap3A_324 = tpu.vector_load %arg19[%swap3A_323] {strides = array<i32>} : memref<2048xi32, #tpu.memory_space<vmem>>, vector<16xi32>,
      tpu.vector_store %arg19[%swap3A_323], %add3A_322 {strides = array<i32>} : memref<2048xi32, #tpu.memory_space<vmem>>, vector<16xi32>,
      %scan3A_325 = arith.constant 0 : i32
      %scan3A_326 = arith.constant 2 : i32
      %scan3A_327 = arith.addi %scan3A_263, %scan3A_326 : i32
      %mul3A_328 = arith.constant 16 : i32
      %mul3A_329 = arith.muli %scan3A_327, %mul3A_328 : i32
      %get3A_330 = arith.index_cast %mul3A_329 : i32 to index
      %get3A_331 = tpu.vector_load %arg11[%get3A_330] {strides = array<i32>} : memref<2048xi32, #tpu.memory_space<vmem>>, vector<16xi32>,
      %mul3A_332 = arith.constant 2097152 : i32
      %mul3A_333 = vector.broadcast %mul3A_332 : i32 to vector<16xi32>
      %mul3A_334 = arith.muli %get3A_331, %mul3A_333 : vector<16xi32>
      %get3A_335 = arith.index_cast %mul3A_329 : i32 to index
      %get3A_336 = tpu.vector_load %arg12[%get3A_335] {strides = array<i32>} : memref<2048xi32, #tpu.memory_space<vmem>>, vector<16xi32>,
      %mul3A_337 = arith.constant 524288 : i32
      %mul3A_338 = vector.broadcast %mul3A_337 : i32 to vector<16xi32>
      %mul3A_339 = arith.muli %get3A_336, %mul3A_338 : vector<16xi32>
      %add3A_340 = arith.addi %mul3A_334, %mul3A_339 : vector<16xi32>
      %get3A_341 = arith.index_cast %mul3A_329 : i32 to index
      %get3A_342 = tpu.vector_load %arg13[%get3A_341] {strides = array<i32>} : memref<2048xi32, #tpu.memory_space<vmem>>, vector<16xi32>,
      %mul3A_343 = arith.constant 512 : i32
      %mul3A_344 = vector.broadcast %mul3A_343 : i32 to vector<16xi32>
      %mul3A_345 = arith.muli %get3A_342, %mul3A_344 : vector<16xi32>
      %add3A_346 = arith.addi %add3A_340, %mul3A_345 : vector<16xi32>
      %get3A_347 = arith.index_cast %mul3A_329 : i32 to index
      %get3A_348 = tpu.vector_load %arg14[%get3A_347] {strides = array<i32>} : memref<2048xi32, #tpu.memory_space<vmem>>, vector<16xi32>,
      %add3A_349 = arith.addi %add3A_346, %get3A_348 : vector<16xi32>
      %swap3A_350 = arith.index_cast %mul3A_329 : i32 to index
      %swap3A_351 = tpu.vector_load %arg17[%swap3A_350] {strides = array<i32>} : memref<2048xi32, #tpu.memory_space<vmem>>, vector<16xi32>,
      tpu.vector_store %arg17[%swap3A_350], %add3A_349 {strides = array<i32>} : memref<2048xi32, #tpu.memory_space<vmem>>, vector<16xi32>,
      %add3A_352 = arith.constant 262144 : i32
      %add3A_353 = vector.broadcast %add3A_352 : i32 to vector<16xi32>
      %add3A_354 = arith.addi %add3A_349, %add3A_353 : vector<16xi32>
      %swap3A_355 = arith.index_cast %mul3A_329 : i32 to index
      %swap3A_356 = tpu.vector_load %arg19[%swap3A_355] {strides = array<i32>} : memref<2048xi32, #tpu.memory_space<vmem>>, vector<16xi32>,
      tpu.vector_store %arg19[%swap3A_355], %add3A_354 {strides = array<i32>} : memref<2048xi32, #tpu.memory_space<vmem>>, vector<16xi32>,
      %scan3A_357 = arith.constant 0 : i32
      %scan3A_358 = arith.constant 3 : i32
      %scan3A_359 = arith.addi %scan3A_263, %scan3A_358 : i32
      %mul3A_360 = arith.constant 16 : i32
      %mul3A_361 = arith.muli %scan3A_359, %mul3A_360 : i32
      %get3A_362 = arith.index_cast %mul3A_361 : i32 to index
      %get3A_363 = tpu.vector_load %arg11[%get3A_362] {strides = array<i32>} : memref<2048xi32, #tpu.memory_space<vmem>>, vector<16xi32>,
      %mul3A_364 = arith.constant 2097152 : i32
      %mul3A_365 = vector.broadcast %mul3A_364 : i32 to vector<16xi32>
      %mul3A_366 = arith.muli %get3A_363, %mul3A_365 : vector<16xi32>
      %get3A_367 = arith.index_cast %mul3A_361 : i32 to index
      %get3A_368 = tpu.vector_load %arg12[%get3A_367] {strides = array<i32>} : memref<2048xi32, #tpu.memory_space<vmem>>, vector<16xi32>,
      %mul3A_369 = arith.constant 524288 : i32
      %mul3A_370 = vector.broadcast %mul3A_369 : i32 to vector<16xi32>
      %mul3A_371 = arith.muli %get3A_368, %mul3A_370 : vector<16xi32>
      %add3A_372 = arith.addi %mul3A_366, %mul3A_371 : vector<16xi32>
      %get3A_373 = arith.index_cast %mul3A_361 : i32 to index
      %get3A_374 = tpu.vector_load %arg13[%get3A_373] {strides = array<i32>} : memref<2048xi32, #tpu.memory_space<vmem>>, vector<16xi32>,
      %mul3A_375 = arith.constant 512 : i32
      %mul3A_376 = vector.broadcast %mul3A_375 : i32 to vector<16xi32>
      %mul3A_377 = arith.muli %get3A_374, %mul3A_376 : vector<16xi32>
      %add3A_378 = arith.addi %add3A_372, %mul3A_377 : vector<16xi32>
      %get3A_379 = arith.index_cast %mul3A_361 : i32 to index
      %get3A_380 = tpu.vector_load %arg14[%get3A_379] {strides = array<i32>} : memref<2048xi32, #tpu.memory_space<vmem>>, vector<16xi32>,
      %add3A_381 = arith.addi %add3A_378, %get3A_380 : vector<16xi32>
      %swap3A_382 = arith.index_cast %mul3A_361 : i32 to index
      %swap3A_383 = tpu.vector_load %arg17[%swap3A_382] {strides = array<i32>} : memref<2048xi32, #tpu.memory_space<vmem>>, vector<16xi32>,
      tpu.vector_store %arg17[%swap3A_382], %add3A_381 {strides = array<i32>} : memref<2048xi32, #tpu.memory_space<vmem>>, vector<16xi32>,
      %add3A_384 = arith.constant 262144 : i32
      %add3A_385 = vector.broadcast %add3A_384 : i32 to vector<16xi32>
      %add3A_386 = arith.addi %add3A_381, %add3A_385 : vector<16xi32>
      %swap3A_387 = arith.index_cast %mul3A_361 : i32 to index
      %swap3A_388 = tpu.vector_load %arg19[%swap3A_387] {strides = array<i32>} : memref<2048xi32, #tpu.memory_space<vmem>>, vector<16xi32>,
      tpu.vector_store %arg19[%swap3A_387], %add3A_386 {strides = array<i32>} : memref<2048xi32, #tpu.memory_space<vmem>>, vector<16xi32>,
      %scan3A_389 = arith.constant 0 : i32
      scf.yield %scan3A_389 : i32
    }
    %scan3A_12 = arith.constant 128 : i32
    %dma_start3A = arith.constant 0 : i32
    %dma_start3A_13 = tpu.memref_slice %arg2[%dma_start3A] : memref<33554432xf32, #tpu.memory_space<hbm>> -> memref<33554432xf32, #tpu.memory_space<hbm>>
    tpu.enqueue_indirect_dma source(%dma_start3A_13 : memref<33554432xf32, #tpu.memory_space<hbm>>) target(%arg21 : memref<2048xf32, #tpu.memory_space<vmem>>) offsets(%arg17 : memref<2048xi32, #tpu.memory_space<vmem>>) semaphore(%arg26 : memref<!tpu.dma_semaphore, #tpu.memory_space<semaphore_mem>>)
    %dma_start3A_14 = arith.constant 0 : i32
    %dma_start3A_15 = tpu.memref_slice %arg2[%dma_start3A_14] : memref<33554432xf32, #tpu.memory_space<hbm>> -> memref<33554432xf32, #tpu.memory_space<hbm>>
    tpu.enqueue_indirect_dma source(%dma_start3A_15 : memref<33554432xf32, #tpu.memory_space<hbm>>) target(%arg23 : memref<2048xf32, #tpu.memory_space<vmem>>) offsets(%arg19 : memref<2048xi32, #tpu.memory_space<vmem>>) semaphore(%arg26 : memref<!tpu.dma_semaphore, #tpu.memory_space<semaphore_mem>>)
    %add3A_16 = arith.constant 2048 : i32
    %add3A_17 = arith.addi %mul3A_2, %add3A_16 : i32
    %min3A_18 = arith.constant 497952 : i32
    %min3A_19 = arith.minsi %add3A_17, %min3A_18 : i32
    "tpu.region"() ({
      %run_scoped3A = tpu.sem_alloc : memref<!tpu.dma_semaphore, #tpu.memory_space<semaphore_mem>>
      %dma_start3A_263 = tpu.memref_slice %arg4[%min3A_19] : memref<500000xi32, #tpu.memory_space<hbm>> -> memref<2048xi32, #tpu.memory_space<hbm>>
      %dma_start3A_264 = tpu.memref_slice %arg4[%min3A_19] : memref<500000xi32, #tpu.memory_space<hbm>> -> memref<2048xi32, #tpu.memory_space<hbm>>
      tpu.enqueue_dma source(%dma_start3A_264 : memref<2048xi32, #tpu.memory_space<hbm>>) target(%arg11 : memref<2048xi32, #tpu.memory_space<vmem>>) target_semaphore(%run_scoped3A : memref<!tpu.dma_semaphore, #tpu.memory_space<semaphore_mem>>)
      %dma_wait3A_265 = tpu.memref_slice %arg4[%min3A_19] : memref<500000xi32, #tpu.memory_space<hbm>> -> memref<2048xi32, #tpu.memory_space<hbm>>
      %dma_wait3A_266 = tpu.memref_slice %arg4[%min3A_19] : memref<500000xi32, #tpu.memory_space<hbm>> -> memref<2048xi32, #tpu.memory_space<hbm>>
      tpu.wait_dma2 semaphore(%run_scoped3A : memref<!tpu.dma_semaphore, #tpu.memory_space<semaphore_mem>>) src(%dma_wait3A_266 : memref<2048xi32, #tpu.memory_space<hbm>>) dst(%arg11 : memref<2048xi32, #tpu.memory_space<vmem>>)
      tpu.yield
    }) : () -> ()
    "tpu.region"() ({
      %run_scoped3A = tpu.sem_alloc : memref<!tpu.dma_semaphore, #tpu.memory_space<semaphore_mem>>
      %dma_start3A_263 = tpu.memref_slice %arg5[%min3A_19] : memref<500000xi32, #tpu.memory_space<hbm>> -> memref<2048xi32, #tpu.memory_space<hbm>>
      %dma_start3A_264 = tpu.memref_slice %arg5[%min3A_19] : memref<500000xi32, #tpu.memory_space<hbm>> -> memref<2048xi32, #tpu.memory_space<hbm>>
      tpu.enqueue_dma source(%dma_start3A_264 : memref<2048xi32, #tpu.memory_space<hbm>>) target(%arg12 : memref<2048xi32, #tpu.memory_space<vmem>>) target_semaphore(%run_scoped3A : memref<!tpu.dma_semaphore, #tpu.memory_space<semaphore_mem>>)
      %dma_wait3A_265 = tpu.memref_slice %arg5[%min3A_19] : memref<500000xi32, #tpu.memory_space<hbm>> -> memref<2048xi32, #tpu.memory_space<hbm>>
      %dma_wait3A_266 = tpu.memref_slice %arg5[%min3A_19] : memref<500000xi32, #tpu.memory_space<hbm>> -> memref<2048xi32, #tpu.memory_space<hbm>>
      tpu.wait_dma2 semaphore(%run_scoped3A : memref<!tpu.dma_semaphore, #tpu.memory_space<semaphore_mem>>) src(%dma_wait3A_266 : memref<2048xi32, #tpu.memory_space<hbm>>) dst(%arg12 : memref<2048xi32, #tpu.memory_space<vmem>>)
      tpu.yield
    }) : () -> ()
    "tpu.region"() ({
      %run_scoped3A = tpu.sem_alloc : memref<!tpu.dma_semaphore, #tpu.memory_space<semaphore_mem>>
      %dma_start3A_263 = tpu.memref_slice %arg6[%min3A_19] : memref<500000xi32, #tpu.memory_space<hbm>> -> memref<2048xi32, #tpu.memory_space<hbm>>
      %dma_start3A_264 = tpu.memref_slice %arg6[%min3A_19] : memref<500000xi32, #tpu.memory_space<hbm>> -> memref<2048xi32, #tpu.memory_space<hbm>>
      tpu.enqueue_dma source(%dma_start3A_264 : memref<2048xi32, #tpu.memory_space<hbm>>) target(%arg13 : memref<2048xi32, #tpu.memory_space<vmem>>) target_semaphore(%run_scoped3A : memref<!tpu.dma_semaphore, #tpu.memory_space<semaphore_mem>>)
      %dma_wait3A_265 = tpu.memref_slice %arg6[%min3A_19] : memref<500000xi32, #tpu.memory_space<hbm>> -> memref<2048xi32, #tpu.memory_space<hbm>>
      %dma_wait3A_266 = tpu.memref_slice %arg6[%min3A_19] : memref<500000xi32, #tpu.memory_space<hbm>> -> memref<2048xi32, #tpu.memory_space<hbm>>
      tpu.wait_dma2 semaphore(%run_scoped3A : memref<!tpu.dma_semaphore, #tpu.memory_space<semaphore_mem>>) src(%dma_wait3A_266 : memref<2048xi32, #tpu.memory_space<hbm>>) dst(%arg13 : memref<2048xi32, #tpu.memory_space<vmem>>)
      tpu.yield
    }) : () -> ()
    "tpu.region"() ({
      %run_scoped3A = tpu.sem_alloc : memref<!tpu.dma_semaphore, #tpu.memory_space<semaphore_mem>>
      %dma_start3A_263 = tpu.memref_slice %arg7[%min3A_19] : memref<500000xi32, #tpu.memory_space<hbm>> -> memref<2048xi32, #tpu.memory_space<hbm>>
      %dma_start3A_264 = tpu.memref_slice %arg7[%min3A_19] : memref<500000xi32, #tpu.memory_space<hbm>> -> memref<2048xi32, #tpu.memory_space<hbm>>
      tpu.enqueue_dma source(%dma_start3A_264 : memref<2048xi32, #tpu.memory_space<hbm>>) target(%arg14 : memref<2048xi32, #tpu.memory_space<vmem>>) target_semaphore(%run_scoped3A : memref<!tpu.dma_semaphore, #tpu.memory_space<semaphore_mem>>)
      %dma_wait3A_265 = tpu.memref_slice %arg7[%min3A_19] : memref<500000xi32, #tpu.memory_space<hbm>> -> memref<2048xi32, #tpu.memory_space<hbm>>
      %dma_wait3A_266 = tpu.memref_slice %arg7[%min3A_19] : memref<500000xi32, #tpu.memory_space<hbm>> -> memref<2048xi32, #tpu.memory_space<hbm>>
      tpu.wait_dma2 semaphore(%run_scoped3A : memref<!tpu.dma_semaphore, #tpu.memory_space<semaphore_mem>>) src(%dma_wait3A_266 : memref<2048xi32, #tpu.memory_space<hbm>>) dst(%arg14 : memref<2048xi32, #tpu.memory_space<vmem>>)
      tpu.yield
    }) : () -> ()
    "tpu.region"() ({
      %run_scoped3A = tpu.sem_alloc : memref<!tpu.dma_semaphore, #tpu.memory_space<semaphore_mem>>
      %dma_start3A_263 = tpu.memref_slice %arg8[%min3A_19] : memref<500000xi32, #tpu.memory_space<hbm>> -> memref<2048xi32, #tpu.memory_space<hbm>>
      %dma_start3A_264 = tpu.memref_slice %arg8[%min3A_19] : memref<500000xi32, #tpu.memory_space<hbm>> -> memref<2048xi32, #tpu.memory_space<hbm>>
      tpu.enqueue_dma source(%dma_start3A_264 : memref<2048xi32, #tpu.memory_space<hbm>>) target(%arg16 : memref<2048xi32, #tpu.memory_space<vmem>>) target_semaphore(%run_scoped3A : memref<!tpu.dma_semaphore, #tpu.memory_space<semaphore_mem>>)
      %dma_wait3A_265 = tpu.memref_slice %arg8[%min3A_19] : memref<500000xi32, #tpu.memory_space<hbm>> -> memref<2048xi32, #tpu.memory_space<hbm>>
      %dma_wait3A_266 = tpu.memref_slice %arg8[%min3A_19] : memref<500000xi32, #tpu.memory_space<hbm>> -> memref<2048xi32, #tpu.memory_space<hbm>>
      tpu.wait_dma2 semaphore(%run_scoped3A : memref<!tpu.dma_semaphore, #tpu.memory_space<semaphore_mem>>) src(%dma_wait3A_266 : memref<2048xi32, #tpu.memory_space<hbm>>) dst(%arg16 : memref<2048xi32, #tpu.memory_space<vmem>>)
      tpu.yield
    }) : () -> ()
    %scan3A_20 = arith.constant 0 : i32
    %scan3A_21 = arith.constant 0 : i32
    %scan3A_22 = arith.constant 128 : i32
    %scan3A_23 = arith.addi %scan3A_21, %scan3A_22 : i32
    %scan3A_24 = arith.constant 4 : i32
    %scan3A_25 = scf.for %scan3A_263 = %scan3A_21 to %scan3A_23 step %scan3A_24 iter_args(%scan3A_264 = %scan3A_20) -> (i32)  : i32 {
      %mul3A_265 = arith.constant 16 : i32
      %mul3A_266 = arith.muli %scan3A_263, %mul3A_265 : i32
      %get3A = arith.index_cast %mul3A_266 : i32 to index
      %get3A_267 = tpu.vector_load %arg11[%get3A] {strides = array<i32>} : memref<2048xi32, #tpu.memory_space<vmem>>, vector<16xi32>,
      %mul3A_268 = arith.constant 2097152 : i32
      %mul3A_269 = vector.broadcast %mul3A_268 : i32 to vector<16xi32>
      %mul3A_270 = arith.muli %get3A_267, %mul3A_269 : vector<16xi32>
      %get3A_271 = arith.index_cast %mul3A_266 : i32 to index
      %get3A_272 = tpu.vector_load %arg12[%get3A_271] {strides = array<i32>} : memref<2048xi32, #tpu.memory_space<vmem>>, vector<16xi32>,
      %mul3A_273 = arith.constant 524288 : i32
      %mul3A_274 = vector.broadcast %mul3A_273 : i32 to vector<16xi32>
      %mul3A_275 = arith.muli %get3A_272, %mul3A_274 : vector<16xi32>
      %add3A_276 = arith.addi %mul3A_270, %mul3A_275 : vector<16xi32>
      %get3A_277 = arith.index_cast %mul3A_266 : i32 to index
      %get3A_278 = tpu.vector_load %arg13[%get3A_277] {strides = array<i32>} : memref<2048xi32, #tpu.memory_space<vmem>>, vector<16xi32>,
      %mul3A_279 = arith.constant 512 : i32
      %mul3A_280 = vector.broadcast %mul3A_279 : i32 to vector<16xi32>
      %mul3A_281 = arith.muli %get3A_278, %mul3A_280 : vector<16xi32>
      %add3A_282 = arith.addi %add3A_276, %mul3A_281 : vector<16xi32>
      %get3A_283 = arith.index_cast %mul3A_266 : i32 to index
      %get3A_284 = tpu.vector_load %arg14[%get3A_283] {strides = array<i32>} : memref<2048xi32, #tpu.memory_space<vmem>>, vector<16xi32>,
      %add3A_285 = arith.addi %add3A_282, %get3A_284 : vector<16xi32>
      %swap3A_286 = arith.index_cast %mul3A_266 : i32 to index
      %swap3A_287 = tpu.vector_load %arg18[%swap3A_286] {strides = array<i32>} : memref<2048xi32, #tpu.memory_space<vmem>>, vector<16xi32>,
      tpu.vector_store %arg18[%swap3A_286], %add3A_285 {strides = array<i32>} : memref<2048xi32, #tpu.memory_space<vmem>>, vector<16xi32>,
      %add3A_288 = arith.constant 262144 : i32
      %add3A_289 = vector.broadcast %add3A_288 : i32 to vector<16xi32>
      %add3A_290 = arith.addi %add3A_285, %add3A_289 : vector<16xi32>
      %swap3A_291 = arith.index_cast %mul3A_266 : i32 to index
      %swap3A_292 = tpu.vector_load %arg20[%swap3A_291] {strides = array<i32>} : memref<2048xi32, #tpu.memory_space<vmem>>, vector<16xi32>,
      tpu.vector_store %arg20[%swap3A_291], %add3A_290 {strides = array<i32>} : memref<2048xi32, #tpu.memory_space<vmem>>, vector<16xi32>,
      %scan3A_293 = arith.constant 0 : i32
      %scan3A_294 = arith.constant 1 : i32
      %scan3A_295 = arith.addi %scan3A_263, %scan3A_294 : i32
      %mul3A_296 = arith.constant 16 : i32
      %mul3A_297 = arith.muli %scan3A_295, %mul3A_296 : i32
      %get3A_298 = arith.index_cast %mul3A_297 : i32 to index
      %get3A_299 = tpu.vector_load %arg11[%get3A_298] {strides = array<i32>} : memref<2048xi32, #tpu.memory_space<vmem>>, vector<16xi32>,
      %mul3A_300 = arith.constant 2097152 : i32
      %mul3A_301 = vector.broadcast %mul3A_300 : i32 to vector<16xi32>
      %mul3A_302 = arith.muli %get3A_299, %mul3A_301 : vector<16xi32>
      %get3A_303 = arith.index_cast %mul3A_297 : i32 to index
      %get3A_304 = tpu.vector_load %arg12[%get3A_303] {strides = array<i32>} : memref<2048xi32, #tpu.memory_space<vmem>>, vector<16xi32>,
      %mul3A_305 = arith.constant 524288 : i32
      %mul3A_306 = vector.broadcast %mul3A_305 : i32 to vector<16xi32>
      %mul3A_307 = arith.muli %get3A_304, %mul3A_306 : vector<16xi32>
      %add3A_308 = arith.addi %mul3A_302, %mul3A_307 : vector<16xi32>
      %get3A_309 = arith.index_cast %mul3A_297 : i32 to index
      %get3A_310 = tpu.vector_load %arg13[%get3A_309] {strides = array<i32>} : memref<2048xi32, #tpu.memory_space<vmem>>, vector<16xi32>,
      %mul3A_311 = arith.constant 512 : i32
      %mul3A_312 = vector.broadcast %mul3A_311 : i32 to vector<16xi32>
      %mul3A_313 = arith.muli %get3A_310, %mul3A_312 : vector<16xi32>
      %add3A_314 = arith.addi %add3A_308, %mul3A_313 : vector<16xi32>
      %get3A_315 = arith.index_cast %mul3A_297 : i32 to index
      %get3A_316 = tpu.vector_load %arg14[%get3A_315] {strides = array<i32>} : memref<2048xi32, #tpu.memory_space<vmem>>, vector<16xi32>,
      %add3A_317 = arith.addi %add3A_314, %get3A_316 : vector<16xi32>
      %swap3A_318 = arith.index_cast %mul3A_297 : i32 to index
      %swap3A_319 = tpu.vector_load %arg18[%swap3A_318] {strides = array<i32>} : memref<2048xi32, #tpu.memory_space<vmem>>, vector<16xi32>,
      tpu.vector_store %arg18[%swap3A_318], %add3A_317 {strides = array<i32>} : memref<2048xi32, #tpu.memory_space<vmem>>, vector<16xi32>,
      %add3A_320 = arith.constant 262144 : i32
      %add3A_321 = vector.broadcast %add3A_320 : i32 to vector<16xi32>
      %add3A_322 = arith.addi %add3A_317, %add3A_321 : vector<16xi32>
      %swap3A_323 = arith.index_cast %mul3A_297 : i32 to index
      %swap3A_324 = tpu.vector_load %arg20[%swap3A_323] {strides = array<i32>} : memref<2048xi32, #tpu.memory_space<vmem>>, vector<16xi32>,
      tpu.vector_store %arg20[%swap3A_323], %add3A_322 {strides = array<i32>} : memref<2048xi32, #tpu.memory_space<vmem>>, vector<16xi32>,
      %scan3A_325 = arith.constant 0 : i32
      %scan3A_326 = arith.constant 2 : i32
      %scan3A_327 = arith.addi %scan3A_263, %scan3A_326 : i32
      %mul3A_328 = arith.constant 16 : i32
      %mul3A_329 = arith.muli %scan3A_327, %mul3A_328 : i32
      %get3A_330 = arith.index_cast %mul3A_329 : i32 to index
      %get3A_331 = tpu.vector_load %arg11[%get3A_330] {strides = array<i32>} : memref<2048xi32, #tpu.memory_space<vmem>>, vector<16xi32>,
      %mul3A_332 = arith.constant 2097152 : i32
      %mul3A_333 = vector.broadcast %mul3A_332 : i32 to vector<16xi32>
      %mul3A_334 = arith.muli %get3A_331, %mul3A_333 : vector<16xi32>
      %get3A_335 = arith.index_cast %mul3A_329 : i32 to index
      %get3A_336 = tpu.vector_load %arg12[%get3A_335] {strides = array<i32>} : memref<2048xi32, #tpu.memory_space<vmem>>, vector<16xi32>,
      %mul3A_337 = arith.constant 524288 : i32
      %mul3A_338 = vector.broadcast %mul3A_337 : i32 to vector<16xi32>
      %mul3A_339 = arith.muli %get3A_336, %mul3A_338 : vector<16xi32>
      %add3A_340 = arith.addi %mul3A_334, %mul3A_339 : vector<16xi32>
      %get3A_341 = arith.index_cast %mul3A_329 : i32 to index
      %get3A_342 = tpu.vector_load %arg13[%get3A_341] {strides = array<i32>} : memref<2048xi32, #tpu.memory_space<vmem>>, vector<16xi32>,
      %mul3A_343 = arith.constant 512 : i32
      %mul3A_344 = vector.broadcast %mul3A_343 : i32 to vector<16xi32>
      %mul3A_345 = arith.muli %get3A_342, %mul3A_344 : vector<16xi32>
      %add3A_346 = arith.addi %add3A_340, %mul3A_345 : vector<16xi32>
      %get3A_347 = arith.index_cast %mul3A_329 : i32 to index
      %get3A_348 = tpu.vector_load %arg14[%get3A_347] {strides = array<i32>} : memref<2048xi32, #tpu.memory_space<vmem>>, vector<16xi32>,
      %add3A_349 = arith.addi %add3A_346, %get3A_348 : vector<16xi32>
      %swap3A_350 = arith.index_cast %mul3A_329 : i32 to index
      %swap3A_351 = tpu.vector_load %arg18[%swap3A_350] {strides = array<i32>} : memref<2048xi32, #tpu.memory_space<vmem>>, vector<16xi32>,
      tpu.vector_store %arg18[%swap3A_350], %add3A_349 {strides = array<i32>} : memref<2048xi32, #tpu.memory_space<vmem>>, vector<16xi32>,
      %add3A_352 = arith.constant 262144 : i32
      %add3A_353 = vector.broadcast %add3A_352 : i32 to vector<16xi32>
      %add3A_354 = arith.addi %add3A_349, %add3A_353 : vector<16xi32>
      %swap3A_355 = arith.index_cast %mul3A_329 : i32 to index
      %swap3A_356 = tpu.vector_load %arg20[%swap3A_355] {strides = array<i32>} : memref<2048xi32, #tpu.memory_space<vmem>>, vector<16xi32>,
      tpu.vector_store %arg20[%swap3A_355], %add3A_354 {strides = array<i32>} : memref<2048xi32, #tpu.memory_space<vmem>>, vector<16xi32>,
      %scan3A_357 = arith.constant 0 : i32
      %scan3A_358 = arith.constant 3 : i32
      %scan3A_359 = arith.addi %scan3A_263, %scan3A_358 : i32
      %mul3A_360 = arith.constant 16 : i32
      %mul3A_361 = arith.muli %scan3A_359, %mul3A_360 : i32
      %get3A_362 = arith.index_cast %mul3A_361 : i32 to index
      %get3A_363 = tpu.vector_load %arg11[%get3A_362] {strides = array<i32>} : memref<2048xi32, #tpu.memory_space<vmem>>, vector<16xi32>,
      %mul3A_364 = arith.constant 2097152 : i32
      %mul3A_365 = vector.broadcast %mul3A_364 : i32 to vector<16xi32>
      %mul3A_366 = arith.muli %get3A_363, %mul3A_365 : vector<16xi32>
      %get3A_367 = arith.index_cast %mul3A_361 : i32 to index
      %get3A_368 = tpu.vector_load %arg12[%get3A_367] {strides = array<i32>} : memref<2048xi32, #tpu.memory_space<vmem>>, vector<16xi32>,
      %mul3A_369 = arith.constant 524288 : i32
      %mul3A_370 = vector.broadcast %mul3A_369 : i32 to vector<16xi32>
      %mul3A_371 = arith.muli %get3A_368, %mul3A_370 : vector<16xi32>
      %add3A_372 = arith.addi %mul3A_366, %mul3A_371 : vector<16xi32>
      %get3A_373 = arith.index_cast %mul3A_361 : i32 to index
      %get3A_374 = tpu.vector_load %arg13[%get3A_373] {strides = array<i32>} : memref<2048xi32, #tpu.memory_space<vmem>>, vector<16xi32>,
      %mul3A_375 = arith.constant 512 : i32
      %mul3A_376 = vector.broadcast %mul3A_375 : i32 to vector<16xi32>
      %mul3A_377 = arith.muli %get3A_374, %mul3A_376 : vector<16xi32>
      %add3A_378 = arith.addi %add3A_372, %mul3A_377 : vector<16xi32>
      %get3A_379 = arith.index_cast %mul3A_361 : i32 to index
      %get3A_380 = tpu.vector_load %arg14[%get3A_379] {strides = array<i32>} : memref<2048xi32, #tpu.memory_space<vmem>>, vector<16xi32>,
      %add3A_381 = arith.addi %add3A_378, %get3A_380 : vector<16xi32>
      %swap3A_382 = arith.index_cast %mul3A_361 : i32 to index
      %swap3A_383 = tpu.vector_load %arg18[%swap3A_382] {strides = array<i32>} : memref<2048xi32, #tpu.memory_space<vmem>>, vector<16xi32>,
      tpu.vector_store %arg18[%swap3A_382], %add3A_381 {strides = array<i32>} : memref<2048xi32, #tpu.memory_space<vmem>>, vector<16xi32>,
      %add3A_384 = arith.constant 262144 : i32
      %add3A_385 = vector.broadcast %add3A_384 : i32 to vector<16xi32>
      %add3A_386 = arith.addi %add3A_381, %add3A_385 : vector<16xi32>
      %swap3A_387 = arith.index_cast %mul3A_361 : i32 to index
      %swap3A_388 = tpu.vector_load %arg20[%swap3A_387] {strides = array<i32>} : memref<2048xi32, #tpu.memory_space<vmem>>, vector<16xi32>,
      tpu.vector_store %arg20[%swap3A_387], %add3A_386 {strides = array<i32>} : memref<2048xi32, #tpu.memory_space<vmem>>, vector<16xi32>,
      %scan3A_389 = arith.constant 0 : i32
      scf.yield %scan3A_389 : i32
    }
    %scan3A_26 = arith.constant 128 : i32
    %dma_start3A_27 = arith.constant 0 : i32
    %dma_start3A_28 = tpu.memref_slice %arg2[%dma_start3A_27] : memref<33554432xf32, #tpu.memory_space<hbm>> -> memref<33554432xf32, #tpu.memory_space<hbm>>
    tpu.enqueue_indirect_dma source(%dma_start3A_28 : memref<33554432xf32, #tpu.memory_space<hbm>>) target(%arg22 : memref<2048xf32, #tpu.memory_space<vmem>>) offsets(%arg18 : memref<2048xi32, #tpu.memory_space<vmem>>) semaphore(%arg27 : memref<!tpu.dma_semaphore, #tpu.memory_space<semaphore_mem>>)
    %dma_start3A_29 = arith.constant 0 : i32
    %dma_start3A_30 = tpu.memref_slice %arg2[%dma_start3A_29] : memref<33554432xf32, #tpu.memory_space<hbm>> -> memref<33554432xf32, #tpu.memory_space<hbm>>
    tpu.enqueue_indirect_dma source(%dma_start3A_30 : memref<33554432xf32, #tpu.memory_space<hbm>>) target(%arg24 : memref<2048xf32, #tpu.memory_space<vmem>>) offsets(%arg20 : memref<2048xi32, #tpu.memory_space<vmem>>) semaphore(%arg27 : memref<!tpu.dma_semaphore, #tpu.memory_space<semaphore_mem>>)
    %add3A_31 = arith.constant 0 : i32
    %add3A_32 = arith.addi %mul3A_2, %add3A_31 : i32
    %min3A_33 = arith.constant 497952 : i32
    %min3A_34 = arith.minsi %add3A_32, %min3A_33 : i32
    %dma_wait3A = arith.constant 0 : i32
    %dma_wait3A_35 = tpu.memref_slice %arg2[%dma_wait3A] : memref<33554432xf32, #tpu.memory_space<hbm>> -> memref<33554432xf32, #tpu.memory_space<hbm>>
    tpu.wait_indirect_dma semaphore(%arg26 : memref<!tpu.dma_semaphore, #tpu.memory_space<semaphore_mem>>) src(%dma_wait3A_35 : memref<33554432xf32, #tpu.memory_space<hbm>>) dst(%arg21 : memref<2048xf32, #tpu.memory_space<vmem>>)
    %dma_wait3A_36 = arith.constant 0 : i32
    %dma_wait3A_37 = tpu.memref_slice %arg2[%dma_wait3A_36] : memref<33554432xf32, #tpu.memory_space<hbm>> -> memref<33554432xf32, #tpu.memory_space<hbm>>
    tpu.wait_indirect_dma semaphore(%arg26 : memref<!tpu.dma_semaphore, #tpu.memory_space<semaphore_mem>>) src(%dma_wait3A_37 : memref<33554432xf32, #tpu.memory_space<hbm>>) dst(%arg23 : memref<2048xf32, #tpu.memory_space<vmem>>)
    %iota3A = tpu.iota {dimensions = array<i32: 0>} : vector<16xi32>
    %sub3A = arith.subi %min3A_34, %add3A_32 : i32
    %add3A_38 = vector.broadcast %sub3A : i32 to vector<16xi32>
    %add3A_39 = arith.addi %iota3A, %add3A_38 : vector<16xi32>
    %scan3A_40 = arith.constant 0 : i32
    %scan3A_41 = arith.constant 128 : i32
    %scan3A_42 = arith.addi %scan3A_40, %scan3A_41 : i32
    %scan3A_43 = arith.constant 4 : i32
    %scan3A_44 = scf.for %scan3A_263 = %scan3A_40 to %scan3A_42 step %scan3A_43 iter_args(%scan3A_264 = %broadcast_in_dim3A_3) -> (vector<16xf32>)  : i32 {
      %mul3A_265 = arith.constant 16 : i32
      %mul3A_266 = arith.muli %scan3A_263, %mul3A_265 : i32
      %get3A = arith.index_cast %mul3A_266 : i32 to index
      %get3A_267 = tpu.vector_load %arg15[%get3A] {strides = array<i32>} : memref<2048xi32, #tpu.memory_space<vmem>>, vector<16xi32>,
      %mul3A_268 = arith.constant 2 : i32
      %mul3A_269 = vector.broadcast %mul3A_268 : i32 to vector<16xi32>
      %mul3A_270 = arith.muli %get3A_267, %mul3A_269 : vector<16xi32>
      %gather3A = tpu.vector_load_idx %arg10[%mul3A_270] : memref<100000xf32, #tpu.memory_space<vmem>>[vector<16xi32>], vector<16xf32>,
      %add3A_271 = arith.constant 1 : i32
      %add3A_272 = vector.broadcast %add3A_271 : i32 to vector<16xi32>
      %add3A_273 = arith.addi %mul3A_270, %add3A_272 : vector<16xi32>
      %gather3A_274 = tpu.vector_load_idx %arg10[%add3A_273] : memref<100000xf32, #tpu.memory_space<vmem>>[vector<16xi32>], vector<16xf32>,
      %get3A_275 = arith.index_cast %mul3A_266 : i32 to index
      %get3A_276 = tpu.vector_load %arg21[%get3A_275] {strides = array<i32>} : memref<2048xf32, #tpu.memory_space<vmem>>, vector<16xf32>,
      %sub3A_277 = arith.subf %get3A_276, %gather3A : vector<16xf32>
      %get3A_278 = arith.index_cast %mul3A_266 : i32 to index
      %get3A_279 = tpu.vector_load %arg23[%get3A_278] {strides = array<i32>} : memref<2048xf32, #tpu.memory_space<vmem>>, vector<16xf32>,
      %sub3A_280 = arith.subf %get3A_279, %gather3A_274 : vector<16xf32>
      %mul3A_281 = arith.mulf %sub3A_277, %sub3A_277 : vector<16xf32>
      %mul3A_282 = arith.mulf %sub3A_280, %sub3A_280 : vector<16xf32>
      %add3A_283 = arith.addf %mul3A_281, %mul3A_282 : vector<16xf32>
      %mul3A_284 = arith.constant 16 : i32
      %mul3A_285 = arith.muli %scan3A_263, %mul3A_284 : i32
      %add3A_286 = vector.broadcast %mul3A_285 : i32 to vector<16xi32>
      %add3A_287 = arith.addi %add3A_39, %add3A_286 : vector<16xi32>
      %ge3A = arith.constant 0 : i32
      %ge3A_288 = vector.broadcast %ge3A : i32 to vector<16xi32>
      %ge3A_289 = arith.cmpi sge, %add3A_287, %ge3A_288 : vector<16xi32>
      %jit3A = arith.constant 0.000000e+00 : f32
      %broadcast_in_dim3A_290 = vector.broadcast %jit3A : f32 to vector<16xf32>
      %select_n3A = arith.select %ge3A_289, %add3A_283, %broadcast_in_dim3A_290 : vector<16xi1>, vector<16xf32>
      %add3A_291 = arith.addf %scan3A_264, %select_n3A : vector<16xf32>
      %scan3A_292 = arith.constant 1 : i32
      %scan3A_293 = arith.addi %scan3A_263, %scan3A_292 : i32
      %mul3A_294 = arith.constant 16 : i32
      %mul3A_295 = arith.muli %scan3A_293, %mul3A_294 : i32
      %get3A_296 = arith.index_cast %mul3A_295 : i32 to index
      %get3A_297 = tpu.vector_load %arg15[%get3A_296] {strides = array<i32>} : memref<2048xi32, #tpu.memory_space<vmem>>, vector<16xi32>,
      %mul3A_298 = arith.constant 2 : i32
      %mul3A_299 = vector.broadcast %mul3A_298 : i32 to vector<16xi32>
      %mul3A_300 = arith.muli %get3A_297, %mul3A_299 : vector<16xi32>
      %gather3A_301 = tpu.vector_load_idx %arg10[%mul3A_300] : memref<100000xf32, #tpu.memory_space<vmem>>[vector<16xi32>], vector<16xf32>,
      %add3A_302 = arith.constant 1 : i32
      %add3A_303 = vector.broadcast %add3A_302 : i32 to vector<16xi32>
      %add3A_304 = arith.addi %mul3A_300, %add3A_303 : vector<16xi32>
      %gather3A_305 = tpu.vector_load_idx %arg10[%add3A_304] : memref<100000xf32, #tpu.memory_space<vmem>>[vector<16xi32>], vector<16xf32>,
      %get3A_306 = arith.index_cast %mul3A_295 : i32 to index
      %get3A_307 = tpu.vector_load %arg21[%get3A_306] {strides = array<i32>} : memref<2048xf32, #tpu.memory_space<vmem>>, vector<16xf32>,
      %sub3A_308 = arith.subf %get3A_307, %gather3A_301 : vector<16xf32>
      %get3A_309 = arith.index_cast %mul3A_295 : i32 to index
      %get3A_310 = tpu.vector_load %arg23[%get3A_309] {strides = array<i32>} : memref<2048xf32, #tpu.memory_space<vmem>>, vector<16xf32>,
      %sub3A_311 = arith.subf %get3A_310, %gather3A_305 : vector<16xf32>
      %mul3A_312 = arith.mulf %sub3A_308, %sub3A_308 : vector<16xf32>
      %mul3A_313 = arith.mulf %sub3A_311, %sub3A_311 : vector<16xf32>
      %add3A_314 = arith.addf %mul3A_312, %mul3A_313 : vector<16xf32>
      %mul3A_315 = arith.constant 16 : i32
      %mul3A_316 = arith.muli %scan3A_293, %mul3A_315 : i32
      %add3A_317 = vector.broadcast %mul3A_316 : i32 to vector<16xi32>
      %add3A_318 = arith.addi %add3A_39, %add3A_317 : vector<16xi32>
      %ge3A_319 = arith.constant 0 : i32
      %ge3A_320 = vector.broadcast %ge3A_319 : i32 to vector<16xi32>
      %ge3A_321 = arith.cmpi sge, %add3A_318, %ge3A_320 : vector<16xi32>
      %jit3A_322 = arith.constant 0.000000e+00 : f32
      %broadcast_in_dim3A_323 = vector.broadcast %jit3A_322 : f32 to vector<16xf32>
      %select_n3A_324 = arith.select %ge3A_321, %add3A_314, %broadcast_in_dim3A_323 : vector<16xi1>, vector<16xf32>
      %add3A_325 = arith.addf %add3A_291, %select_n3A_324 : vector<16xf32>
      %scan3A_326 = arith.constant 2 : i32
      %scan3A_327 = arith.addi %scan3A_263, %scan3A_326 : i32
      %mul3A_328 = arith.constant 16 : i32
      %mul3A_329 = arith.muli %scan3A_327, %mul3A_328 : i32
      %get3A_330 = arith.index_cast %mul3A_329 : i32 to index
      %get3A_331 = tpu.vector_load %arg15[%get3A_330] {strides = array<i32>} : memref<2048xi32, #tpu.memory_space<vmem>>, vector<16xi32>,
      %mul3A_332 = arith.constant 2 : i32
      %mul3A_333 = vector.broadcast %mul3A_332 : i32 to vector<16xi32>
      %mul3A_334 = arith.muli %get3A_331, %mul3A_333 : vector<16xi32>
      %gather3A_335 = tpu.vector_load_idx %arg10[%mul3A_334] : memref<100000xf32, #tpu.memory_space<vmem>>[vector<16xi32>], vector<16xf32>,
      %add3A_336 = arith.constant 1 : i32
      %add3A_337 = vector.broadcast %add3A_336 : i32 to vector<16xi32>
      %add3A_338 = arith.addi %mul3A_334, %add3A_337 : vector<16xi32>
      %gather3A_339 = tpu.vector_load_idx %arg10[%add3A_338] : memref<100000xf32, #tpu.memory_space<vmem>>[vector<16xi32>], vector<16xf32>,
      %get3A_340 = arith.index_cast %mul3A_329 : i32 to index
      %get3A_341 = tpu.vector_load %arg21[%get3A_340] {strides = array<i32>} : memref<2048xf32, #tpu.memory_space<vmem>>, vector<16xf32>,
      %sub3A_342 = arith.subf %get3A_341, %gather3A_335 : vector<16xf32>
      %get3A_343 = arith.index_cast %mul3A_329 : i32 to index
      %get3A_344 = tpu.vector_load %arg23[%get3A_343] {strides = array<i32>} : memref<2048xf32, #tpu.memory_space<vmem>>, vector<16xf32>,
      %sub3A_345 = arith.subf %get3A_344, %gather3A_339 : vector<16xf32>
      %mul3A_346 = arith.mulf %sub3A_342, %sub3A_342 : vector<16xf32>
      %mul3A_347 = arith.mulf %sub3A_345, %sub3A_345 : vector<16xf32>
      %add3A_348 = arith.addf %mul3A_346, %mul3A_347 : vector<16xf32>
      %mul3A_349 = arith.constant 16 : i32
      %mul3A_350 = arith.muli %scan3A_327, %mul3A_349 : i32
      %add3A_351 = vector.broadcast %mul3A_350 : i32 to vector<16xi32>
      %add3A_352 = arith.addi %add3A_39, %add3A_351 : vector<16xi32>
      %ge3A_353 = arith.constant 0 : i32
      %ge3A_354 = vector.broadcast %ge3A_353 : i32 to vector<16xi32>
      %ge3A_355 = arith.cmpi sge, %add3A_352, %ge3A_354 : vector<16xi32>
      %jit3A_356 = arith.constant 0.000000e+00 : f32
      %broadcast_in_dim3A_357 = vector.broadcast %jit3A_356 : f32 to vector<16xf32>
      %select_n3A_358 = arith.select %ge3A_355, %add3A_348, %broadcast_in_dim3A_357 : vector<16xi1>, vector<16xf32>
      %add3A_359 = arith.addf %add3A_325, %select_n3A_358 : vector<16xf32>
      %scan3A_360 = arith.constant 3 : i32
      %scan3A_361 = arith.addi %scan3A_263, %scan3A_360 : i32
      %mul3A_362 = arith.constant 16 : i32
      %mul3A_363 = arith.muli %scan3A_361, %mul3A_362 : i32
      %get3A_364 = arith.index_cast %mul3A_363 : i32 to index
      %get3A_365 = tpu.vector_load %arg15[%get3A_364] {strides = array<i32>} : memref<2048xi32, #tpu.memory_space<vmem>>, vector<16xi32>,
      %mul3A_366 = arith.constant 2 : i32
      %mul3A_367 = vector.broadcast %mul3A_366 : i32 to vector<16xi32>
      %mul3A_368 = arith.muli %get3A_365, %mul3A_367 : vector<16xi32>
      %gather3A_369 = tpu.vector_load_idx %arg10[%mul3A_368] : memref<100000xf32, #tpu.memory_space<vmem>>[vector<16xi32>], vector<16xf32>,
      %add3A_370 = arith.constant 1 : i32
      %add3A_371 = vector.broadcast %add3A_370 : i32 to vector<16xi32>
      %add3A_372 = arith.addi %mul3A_368, %add3A_371 : vector<16xi32>
      %gather3A_373 = tpu.vector_load_idx %arg10[%add3A_372] : memref<100000xf32, #tpu.memory_space<vmem>>[vector<16xi32>], vector<16xf32>,
      %get3A_374 = arith.index_cast %mul3A_363 : i32 to index
      %get3A_375 = tpu.vector_load %arg21[%get3A_374] {strides = array<i32>} : memref<2048xf32, #tpu.memory_space<vmem>>, vector<16xf32>,
      %sub3A_376 = arith.subf %get3A_375, %gather3A_369 : vector<16xf32>
      %get3A_377 = arith.index_cast %mul3A_363 : i32 to index
      %get3A_378 = tpu.vector_load %arg23[%get3A_377] {strides = array<i32>} : memref<2048xf32, #tpu.memory_space<vmem>>, vector<16xf32>,
      %sub3A_379 = arith.subf %get3A_378, %gather3A_373 : vector<16xf32>
      %mul3A_380 = arith.mulf %sub3A_376, %sub3A_376 : vector<16xf32>
      %mul3A_381 = arith.mulf %sub3A_379, %sub3A_379 : vector<16xf32>
      %add3A_382 = arith.addf %mul3A_380, %mul3A_381 : vector<16xf32>
      %mul3A_383 = arith.constant 16 : i32
      %mul3A_384 = arith.muli %scan3A_361, %mul3A_383 : i32
      %add3A_385 = vector.broadcast %mul3A_384 : i32 to vector<16xi32>
      %add3A_386 = arith.addi %add3A_39, %add3A_385 : vector<16xi32>
      %ge3A_387 = arith.constant 0 : i32
      %ge3A_388 = vector.broadcast %ge3A_387 : i32 to vector<16xi32>
      %ge3A_389 = arith.cmpi sge, %add3A_386, %ge3A_388 : vector<16xi32>
      %jit3A_390 = arith.constant 0.000000e+00 : f32
      %broadcast_in_dim3A_391 = vector.broadcast %jit3A_390 : f32 to vector<16xf32>
      %select_n3A_392 = arith.select %ge3A_389, %add3A_382, %broadcast_in_dim3A_391 : vector<16xi1>, vector<16xf32>
      %add3A_393 = arith.addf %add3A_359, %select_n3A_392 : vector<16xf32>
      scf.yield %add3A_393 : vector<16xf32>
    }
    %scan3A_45 = arith.constant 128 : i32
    %add3A_46 = arith.constant 4096 : i32
    %add3A_47 = arith.addi %mul3A_2, %add3A_46 : i32
    %min3A_48 = arith.constant 497952 : i32
    %min3A_49 = arith.minsi %add3A_47, %min3A_48 : i32
    "tpu.region"() ({
      %run_scoped3A = tpu.sem_alloc : memref<!tpu.dma_semaphore, #tpu.memory_space<semaphore_mem>>
      %dma_start3A_263 = tpu.memref_slice %arg4[%min3A_49] : memref<500000xi32, #tpu.memory_space<hbm>> -> memref<2048xi32, #tpu.memory_space<hbm>>
      %dma_start3A_264 = tpu.memref_slice %arg4[%min3A_49] : memref<500000xi32, #tpu.memory_space<hbm>> -> memref<2048xi32, #tpu.memory_space<hbm>>
      tpu.enqueue_dma source(%dma_start3A_264 : memref<2048xi32, #tpu.memory_space<hbm>>) target(%arg11 : memref<2048xi32, #tpu.memory_space<vmem>>) target_semaphore(%run_scoped3A : memref<!tpu.dma_semaphore, #tpu.memory_space<semaphore_mem>>)
      %dma_wait3A_265 = tpu.memref_slice %arg4[%min3A_49] : memref<500000xi32, #tpu.memory_space<hbm>> -> memref<2048xi32, #tpu.memory_space<hbm>>
      %dma_wait3A_266 = tpu.memref_slice %arg4[%min3A_49] : memref<500000xi32, #tpu.memory_space<hbm>> -> memref<2048xi32, #tpu.memory_space<hbm>>
      tpu.wait_dma2 semaphore(%run_scoped3A : memref<!tpu.dma_semaphore, #tpu.memory_space<semaphore_mem>>) src(%dma_wait3A_266 : memref<2048xi32, #tpu.memory_space<hbm>>) dst(%arg11 : memref<2048xi32, #tpu.memory_space<vmem>>)
      tpu.yield
    }) : () -> ()
    "tpu.region"() ({
      %run_scoped3A = tpu.sem_alloc : memref<!tpu.dma_semaphore, #tpu.memory_space<semaphore_mem>>
      %dma_start3A_263 = tpu.memref_slice %arg5[%min3A_49] : memref<500000xi32, #tpu.memory_space<hbm>> -> memref<2048xi32, #tpu.memory_space<hbm>>
      %dma_start3A_264 = tpu.memref_slice %arg5[%min3A_49] : memref<500000xi32, #tpu.memory_space<hbm>> -> memref<2048xi32, #tpu.memory_space<hbm>>
      tpu.enqueue_dma source(%dma_start3A_264 : memref<2048xi32, #tpu.memory_space<hbm>>) target(%arg12 : memref<2048xi32, #tpu.memory_space<vmem>>) target_semaphore(%run_scoped3A : memref<!tpu.dma_semaphore, #tpu.memory_space<semaphore_mem>>)
      %dma_wait3A_265 = tpu.memref_slice %arg5[%min3A_49] : memref<500000xi32, #tpu.memory_space<hbm>> -> memref<2048xi32, #tpu.memory_space<hbm>>
      %dma_wait3A_266 = tpu.memref_slice %arg5[%min3A_49] : memref<500000xi32, #tpu.memory_space<hbm>> -> memref<2048xi32, #tpu.memory_space<hbm>>
      tpu.wait_dma2 semaphore(%run_scoped3A : memref<!tpu.dma_semaphore, #tpu.memory_space<semaphore_mem>>) src(%dma_wait3A_266 : memref<2048xi32, #tpu.memory_space<hbm>>) dst(%arg12 : memref<2048xi32, #tpu.memory_space<vmem>>)
      tpu.yield
    }) : () -> ()
    "tpu.region"() ({
      %run_scoped3A = tpu.sem_alloc : memref<!tpu.dma_semaphore, #tpu.memory_space<semaphore_mem>>
      %dma_start3A_263 = tpu.memref_slice %arg6[%min3A_49] : memref<500000xi32, #tpu.memory_space<hbm>> -> memref<2048xi32, #tpu.memory_space<hbm>>
      %dma_start3A_264 = tpu.memref_slice %arg6[%min3A_49] : memref<500000xi32, #tpu.memory_space<hbm>> -> memref<2048xi32, #tpu.memory_space<hbm>>
      tpu.enqueue_dma source(%dma_start3A_264 : memref<2048xi32, #tpu.memory_space<hbm>>) target(%arg13 : memref<2048xi32, #tpu.memory_space<vmem>>) target_semaphore(%run_scoped3A : memref<!tpu.dma_semaphore, #tpu.memory_space<semaphore_mem>>)
      %dma_wait3A_265 = tpu.memref_slice %arg6[%min3A_49] : memref<500000xi32, #tpu.memory_space<hbm>> -> memref<2048xi32, #tpu.memory_space<hbm>>
      %dma_wait3A_266 = tpu.memref_slice %arg6[%min3A_49] : memref<500000xi32, #tpu.memory_space<hbm>> -> memref<2048xi32, #tpu.memory_space<hbm>>
      tpu.wait_dma2 semaphore(%run_scoped3A : memref<!tpu.dma_semaphore, #tpu.memory_space<semaphore_mem>>) src(%dma_wait3A_266 : memref<2048xi32, #tpu.memory_space<hbm>>) dst(%arg13 : memref<2048xi32, #tpu.memory_space<vmem>>)
      tpu.yield
    }) : () -> ()
    "tpu.region"() ({
      %run_scoped3A = tpu.sem_alloc : memref<!tpu.dma_semaphore, #tpu.memory_space<semaphore_mem>>
      %dma_start3A_263 = tpu.memref_slice %arg7[%min3A_49] : memref<500000xi32, #tpu.memory_space<hbm>> -> memref<2048xi32, #tpu.memory_space<hbm>>
      %dma_start3A_264 = tpu.memref_slice %arg7[%min3A_49] : memref<500000xi32, #tpu.memory_space<hbm>> -> memref<2048xi32, #tpu.memory_space<hbm>>
      tpu.enqueue_dma source(%dma_start3A_264 : memref<2048xi32, #tpu.memory_space<hbm>>) target(%arg14 : memref<2048xi32, #tpu.memory_space<vmem>>) target_semaphore(%run_scoped3A : memref<!tpu.dma_semaphore, #tpu.memory_space<semaphore_mem>>)
      %dma_wait3A_265 = tpu.memref_slice %arg7[%min3A_49] : memref<500000xi32, #tpu.memory_space<hbm>> -> memref<2048xi32, #tpu.memory_space<hbm>>
      %dma_wait3A_266 = tpu.memref_slice %arg7[%min3A_49] : memref<500000xi32, #tpu.memory_space<hbm>> -> memref<2048xi32, #tpu.memory_space<hbm>>
      tpu.wait_dma2 semaphore(%run_scoped3A : memref<!tpu.dma_semaphore, #tpu.memory_space<semaphore_mem>>) src(%dma_wait3A_266 : memref<2048xi32, #tpu.memory_space<hbm>>) dst(%arg14 : memref<2048xi32, #tpu.memory_space<vmem>>)
      tpu.yield
    }) : () -> ()
    "tpu.region"() ({
      %run_scoped3A = tpu.sem_alloc : memref<!tpu.dma_semaphore, #tpu.memory_space<semaphore_mem>>
      %dma_start3A_263 = tpu.memref_slice %arg8[%min3A_49] : memref<500000xi32, #tpu.memory_space<hbm>> -> memref<2048xi32, #tpu.memory_space<hbm>>
      %dma_start3A_264 = tpu.memref_slice %arg8[%min3A_49] : memref<500000xi32, #tpu.memory_space<hbm>> -> memref<2048xi32, #tpu.memory_space<hbm>>
      tpu.enqueue_dma source(%dma_start3A_264 : memref<2048xi32, #tpu.memory_space<hbm>>) target(%arg15 : memref<2048xi32, #tpu.memory_space<vmem>>) target_semaphore(%run_scoped3A : memref<!tpu.dma_semaphore, #tpu.memory_space<semaphore_mem>>)
      %dma_wait3A_265 = tpu.memref_slice %arg8[%min3A_49] : memref<500000xi32, #tpu.memory_space<hbm>> -> memref<2048xi32, #tpu.memory_space<hbm>>
      %dma_wait3A_266 = tpu.memref_slice %arg8[%min3A_49] : memref<500000xi32, #tpu.memory_space<hbm>> -> memref<2048xi32, #tpu.memory_space<hbm>>
      tpu.wait_dma2 semaphore(%run_scoped3A : memref<!tpu.dma_semaphore, #tpu.memory_space<semaphore_mem>>) src(%dma_wait3A_266 : memref<2048xi32, #tpu.memory_space<hbm>>) dst(%arg15 : memref<2048xi32, #tpu.memory_space<vmem>>)
      tpu.yield
    }) : () -> ()
    %scan3A_50 = arith.constant 0 : i32
    %scan3A_51 = arith.constant 0 : i32
    %scan3A_52 = arith.constant 128 : i32
    %scan3A_53 = arith.addi %scan3A_51, %scan3A_52 : i32
    %scan3A_54 = arith.constant 4 : i32
    %scan3A_55 = scf.for %scan3A_263 = %scan3A_51 to %scan3A_53 step %scan3A_54 iter_args(%scan3A_264 = %scan3A_50) -> (i32)  : i32 {
      %mul3A_265 = arith.constant 16 : i32
      %mul3A_266 = arith.muli %scan3A_263, %mul3A_265 : i32
      %get3A = arith.index_cast %mul3A_266 : i32 to index
      %get3A_267 = tpu.vector_load %arg11[%get3A] {strides = array<i32>} : memref<2048xi32, #tpu.memory_space<vmem>>, vector<16xi32>,
      %mul3A_268 = arith.constant 2097152 : i32
      %mul3A_269 = vector.broadcast %mul3A_268 : i32 to vector<16xi32>
      %mul3A_270 = arith.muli %get3A_267, %mul3A_269 : vector<16xi32>
      %get3A_271 = arith.index_cast %mul3A_266 : i32 to index
      %get3A_272 = tpu.vector_load %arg12[%get3A_271] {strides = array<i32>} : memref<2048xi32, #tpu.memory_space<vmem>>, vector<16xi32>,
      %mul3A_273 = arith.constant 524288 : i32
      %mul3A_274 = vector.broadcast %mul3A_273 : i32 to vector<16xi32>
      %mul3A_275 = arith.muli %get3A_272, %mul3A_274 : vector<16xi32>
      %add3A_276 = arith.addi %mul3A_270, %mul3A_275 : vector<16xi32>
      %get3A_277 = arith.index_cast %mul3A_266 : i32 to index
      %get3A_278 = tpu.vector_load %arg13[%get3A_277] {strides = array<i32>} : memref<2048xi32, #tpu.memory_space<vmem>>, vector<16xi32>,
      %mul3A_279 = arith.constant 512 : i32
      %mul3A_280 = vector.broadcast %mul3A_279 : i32 to vector<16xi32>
      %mul3A_281 = arith.muli %get3A_278, %mul3A_280 : vector<16xi32>
      %add3A_282 = arith.addi %add3A_276, %mul3A_281 : vector<16xi32>
      %get3A_283 = arith.index_cast %mul3A_266 : i32 to index
      %get3A_284 = tpu.vector_load %arg14[%get3A_283] {strides = array<i32>} : memref<2048xi32, #tpu.memory_space<vmem>>, vector<16xi32>,
      %add3A_285 = arith.addi %add3A_282, %get3A_284 : vector<16xi32>
      %swap3A_286 = arith.index_cast %mul3A_266 : i32 to index
      %swap3A_287 = tpu.vector_load %arg17[%swap3A_286] {strides = array<i32>} : memref<2048xi32, #tpu.memory_space<vmem>>, vector<16xi32>,
      tpu.vector_store %arg17[%swap3A_286], %add3A_285 {strides = array<i32>} : memref<2048xi32, #tpu.memory_space<vmem>>, vector<16xi32>,
      %add3A_288 = arith.constant 262144 : i32
      %add3A_289 = vector.broadcast %add3A_288 : i32 to vector<16xi32>
      %add3A_290 = arith.addi %add3A_285, %add3A_289 : vector<16xi32>
      %swap3A_291 = arith.index_cast %mul3A_266 : i32 to index
      %swap3A_292 = tpu.vector_load %arg19[%swap3A_291] {strides = array<i32>} : memref<2048xi32, #tpu.memory_space<vmem>>, vector<16xi32>,
      tpu.vector_store %arg19[%swap3A_291], %add3A_290 {strides = array<i32>} : memref<2048xi32, #tpu.memory_space<vmem>>, vector<16xi32>,
      %scan3A_293 = arith.constant 0 : i32
      %scan3A_294 = arith.constant 1 : i32
      %scan3A_295 = arith.addi %scan3A_263, %scan3A_294 : i32
      %mul3A_296 = arith.constant 16 : i32
      %mul3A_297 = arith.muli %scan3A_295, %mul3A_296 : i32
      %get3A_298 = arith.index_cast %mul3A_297 : i32 to index
      %get3A_299 = tpu.vector_load %arg11[%get3A_298] {strides = array<i32>} : memref<2048xi32, #tpu.memory_space<vmem>>, vector<16xi32>,
      %mul3A_300 = arith.constant 2097152 : i32
      %mul3A_301 = vector.broadcast %mul3A_300 : i32 to vector<16xi32>
      %mul3A_302 = arith.muli %get3A_299, %mul3A_301 : vector<16xi32>
      %get3A_303 = arith.index_cast %mul3A_297 : i32 to index
      %get3A_304 = tpu.vector_load %arg12[%get3A_303] {strides = array<i32>} : memref<2048xi32, #tpu.memory_space<vmem>>, vector<16xi32>,
      %mul3A_305 = arith.constant 524288 : i32
      %mul3A_306 = vector.broadcast %mul3A_305 : i32 to vector<16xi32>
      %mul3A_307 = arith.muli %get3A_304, %mul3A_306 : vector<16xi32>
      %add3A_308 = arith.addi %mul3A_302, %mul3A_307 : vector<16xi32>
      %get3A_309 = arith.index_cast %mul3A_297 : i32 to index
      %get3A_310 = tpu.vector_load %arg13[%get3A_309] {strides = array<i32>} : memref<2048xi32, #tpu.memory_space<vmem>>, vector<16xi32>,
      %mul3A_311 = arith.constant 512 : i32
      %mul3A_312 = vector.broadcast %mul3A_311 : i32 to vector<16xi32>
      %mul3A_313 = arith.muli %get3A_310, %mul3A_312 : vector<16xi32>
      %add3A_314 = arith.addi %add3A_308, %mul3A_313 : vector<16xi32>
      %get3A_315 = arith.index_cast %mul3A_297 : i32 to index
      %get3A_316 = tpu.vector_load %arg14[%get3A_315] {strides = array<i32>} : memref<2048xi32, #tpu.memory_space<vmem>>, vector<16xi32>,
      %add3A_317 = arith.addi %add3A_314, %get3A_316 : vector<16xi32>
      %swap3A_318 = arith.index_cast %mul3A_297 : i32 to index
      %swap3A_319 = tpu.vector_load %arg17[%swap3A_318] {strides = array<i32>} : memref<2048xi32, #tpu.memory_space<vmem>>, vector<16xi32>,
      tpu.vector_store %arg17[%swap3A_318], %add3A_317 {strides = array<i32>} : memref<2048xi32, #tpu.memory_space<vmem>>, vector<16xi32>,
      %add3A_320 = arith.constant 262144 : i32
      %add3A_321 = vector.broadcast %add3A_320 : i32 to vector<16xi32>
      %add3A_322 = arith.addi %add3A_317, %add3A_321 : vector<16xi32>
      %swap3A_323 = arith.index_cast %mul3A_297 : i32 to index
      %swap3A_324 = tpu.vector_load %arg19[%swap3A_323] {strides = array<i32>} : memref<2048xi32, #tpu.memory_space<vmem>>, vector<16xi32>,
      tpu.vector_store %arg19[%swap3A_323], %add3A_322 {strides = array<i32>} : memref<2048xi32, #tpu.memory_space<vmem>>, vector<16xi32>,
      %scan3A_325 = arith.constant 0 : i32
      %scan3A_326 = arith.constant 2 : i32
      %scan3A_327 = arith.addi %scan3A_263, %scan3A_326 : i32
      %mul3A_328 = arith.constant 16 : i32
      %mul3A_329 = arith.muli %scan3A_327, %mul3A_328 : i32
      %get3A_330 = arith.index_cast %mul3A_329 : i32 to index
      %get3A_331 = tpu.vector_load %arg11[%get3A_330] {strides = array<i32>} : memref<2048xi32, #tpu.memory_space<vmem>>, vector<16xi32>,
      %mul3A_332 = arith.constant 2097152 : i32
      %mul3A_333 = vector.broadcast %mul3A_332 : i32 to vector<16xi32>
      %mul3A_334 = arith.muli %get3A_331, %mul3A_333 : vector<16xi32>
      %get3A_335 = arith.index_cast %mul3A_329 : i32 to index
      %get3A_336 = tpu.vector_load %arg12[%get3A_335] {strides = array<i32>} : memref<2048xi32, #tpu.memory_space<vmem>>, vector<16xi32>,
      %mul3A_337 = arith.constant 524288 : i32
      %mul3A_338 = vector.broadcast %mul3A_337 : i32 to vector<16xi32>
      %mul3A_339 = arith.muli %get3A_336, %mul3A_338 : vector<16xi32>
      %add3A_340 = arith.addi %mul3A_334, %mul3A_339 : vector<16xi32>
      %get3A_341 = arith.index_cast %mul3A_329 : i32 to index
      %get3A_342 = tpu.vector_load %arg13[%get3A_341] {strides = array<i32>} : memref<2048xi32, #tpu.memory_space<vmem>>, vector<16xi32>,
      %mul3A_343 = arith.constant 512 : i32
      %mul3A_344 = vector.broadcast %mul3A_343 : i32 to vector<16xi32>
      %mul3A_345 = arith.muli %get3A_342, %mul3A_344 : vector<16xi32>
      %add3A_346 = arith.addi %add3A_340, %mul3A_345 : vector<16xi32>
      %get3A_347 = arith.index_cast %mul3A_329 : i32 to index
      %get3A_348 = tpu.vector_load %arg14[%get3A_347] {strides = array<i32>} : memref<2048xi32, #tpu.memory_space<vmem>>, vector<16xi32>,
      %add3A_349 = arith.addi %add3A_346, %get3A_348 : vector<16xi32>
      %swap3A_350 = arith.index_cast %mul3A_329 : i32 to index
      %swap3A_351 = tpu.vector_load %arg17[%swap3A_350] {strides = array<i32>} : memref<2048xi32, #tpu.memory_space<vmem>>, vector<16xi32>,
      tpu.vector_store %arg17[%swap3A_350], %add3A_349 {strides = array<i32>} : memref<2048xi32, #tpu.memory_space<vmem>>, vector<16xi32>,
      %add3A_352 = arith.constant 262144 : i32
      %add3A_353 = vector.broadcast %add3A_352 : i32 to vector<16xi32>
      %add3A_354 = arith.addi %add3A_349, %add3A_353 : vector<16xi32>
      %swap3A_355 = arith.index_cast %mul3A_329 : i32 to index
      %swap3A_356 = tpu.vector_load %arg19[%swap3A_355] {strides = array<i32>} : memref<2048xi32, #tpu.memory_space<vmem>>, vector<16xi32>,
      tpu.vector_store %arg19[%swap3A_355], %add3A_354 {strides = array<i32>} : memref<2048xi32, #tpu.memory_space<vmem>>, vector<16xi32>,
      %scan3A_357 = arith.constant 0 : i32
      %scan3A_358 = arith.constant 3 : i32
      %scan3A_359 = arith.addi %scan3A_263, %scan3A_358 : i32
      %mul3A_360 = arith.constant 16 : i32
      %mul3A_361 = arith.muli %scan3A_359, %mul3A_360 : i32
      %get3A_362 = arith.index_cast %mul3A_361 : i32 to index
      %get3A_363 = tpu.vector_load %arg11[%get3A_362] {strides = array<i32>} : memref<2048xi32, #tpu.memory_space<vmem>>, vector<16xi32>,
      %mul3A_364 = arith.constant 2097152 : i32
      %mul3A_365 = vector.broadcast %mul3A_364 : i32 to vector<16xi32>
      %mul3A_366 = arith.muli %get3A_363, %mul3A_365 : vector<16xi32>
      %get3A_367 = arith.index_cast %mul3A_361 : i32 to index
      %get3A_368 = tpu.vector_load %arg12[%get3A_367] {strides = array<i32>} : memref<2048xi32, #tpu.memory_space<vmem>>, vector<16xi32>,
      %mul3A_369 = arith.constant 524288 : i32
      %mul3A_370 = vector.broadcast %mul3A_369 : i32 to vector<16xi32>
      %mul3A_371 = arith.muli %get3A_368, %mul3A_370 : vector<16xi32>
      %add3A_372 = arith.addi %mul3A_366, %mul3A_371 : vector<16xi32>
      %get3A_373 = arith.index_cast %mul3A_361 : i32 to index
      %get3A_374 = tpu.vector_load %arg13[%get3A_373] {strides = array<i32>} : memref<2048xi32, #tpu.memory_space<vmem>>, vector<16xi32>,
      %mul3A_375 = arith.constant 512 : i32
      %mul3A_376 = vector.broadcast %mul3A_375 : i32 to vector<16xi32>
      %mul3A_377 = arith.muli %get3A_374, %mul3A_376 : vector<16xi32>
      %add3A_378 = arith.addi %add3A_372, %mul3A_377 : vector<16xi32>
      %get3A_379 = arith.index_cast %mul3A_361 : i32 to index
      %get3A_380 = tpu.vector_load %arg14[%get3A_379] {strides = array<i32>} : memref<2048xi32, #tpu.memory_space<vmem>>, vector<16xi32>,
      %add3A_381 = arith.addi %add3A_378, %get3A_380 : vector<16xi32>
      %swap3A_382 = arith.index_cast %mul3A_361 : i32 to index
      %swap3A_383 = tpu.vector_load %arg17[%swap3A_382] {strides = array<i32>} : memref<2048xi32, #tpu.memory_space<vmem>>, vector<16xi32>,
      tpu.vector_store %arg17[%swap3A_382], %add3A_381 {strides = array<i32>} : memref<2048xi32, #tpu.memory_space<vmem>>, vector<16xi32>,
      %add3A_384 = arith.constant 262144 : i32
      %add3A_385 = vector.broadcast %add3A_384 : i32 to vector<16xi32>
      %add3A_386 = arith.addi %add3A_381, %add3A_385 : vector<16xi32>
      %swap3A_387 = arith.index_cast %mul3A_361 : i32 to index
      %swap3A_388 = tpu.vector_load %arg19[%swap3A_387] {strides = array<i32>} : memref<2048xi32, #tpu.memory_space<vmem>>, vector<16xi32>,
      tpu.vector_store %arg19[%swap3A_387], %add3A_386 {strides = array<i32>} : memref<2048xi32, #tpu.memory_space<vmem>>, vector<16xi32>,
      %scan3A_389 = arith.constant 0 : i32
      scf.yield %scan3A_389 : i32
    }
    %scan3A_56 = arith.constant 128 : i32
    %dma_start3A_57 = arith.constant 0 : i32
    %dma_start3A_58 = tpu.memref_slice %arg2[%dma_start3A_57] : memref<33554432xf32, #tpu.memory_space<hbm>> -> memref<33554432xf32, #tpu.memory_space<hbm>>
    tpu.enqueue_indirect_dma source(%dma_start3A_58 : memref<33554432xf32, #tpu.memory_space<hbm>>) target(%arg21 : memref<2048xf32, #tpu.memory_space<vmem>>) offsets(%arg17 : memref<2048xi32, #tpu.memory_space<vmem>>) semaphore(%arg26 : memref<!tpu.dma_semaphore, #tpu.memory_space<semaphore_mem>>)
    %dma_start3A_59 = arith.constant 0 : i32
    %dma_start3A_60 = tpu.memref_slice %arg2[%dma_start3A_59] : memref<33554432xf32, #tpu.memory_space<hbm>> -> memref<33554432xf32, #tpu.memory_space<hbm>>
    tpu.enqueue_indirect_dma source(%dma_start3A_60 : memref<33554432xf32, #tpu.memory_space<hbm>>) target(%arg23 : memref<2048xf32, #tpu.memory_space<vmem>>) offsets(%arg19 : memref<2048xi32, #tpu.memory_space<vmem>>) semaphore(%arg26 : memref<!tpu.dma_semaphore, #tpu.memory_space<semaphore_mem>>)
    %add3A_61 = arith.constant 2048 : i32
    %add3A_62 = arith.addi %mul3A_2, %add3A_61 : i32
    %min3A_63 = arith.constant 497952 : i32
    %min3A_64 = arith.minsi %add3A_62, %min3A_63 : i32
    %dma_wait3A_65 = arith.constant 0 : i32
    %dma_wait3A_66 = tpu.memref_slice %arg2[%dma_wait3A_65] : memref<33554432xf32, #tpu.memory_space<hbm>> -> memref<33554432xf32, #tpu.memory_space<hbm>>
    tpu.wait_indirect_dma semaphore(%arg27 : memref<!tpu.dma_semaphore, #tpu.memory_space<semaphore_mem>>) src(%dma_wait3A_66 : memref<33554432xf32, #tpu.memory_space<hbm>>) dst(%arg22 : memref<2048xf32, #tpu.memory_space<vmem>>)
    %dma_wait3A_67 = arith.constant 0 : i32
    %dma_wait3A_68 = tpu.memref_slice %arg2[%dma_wait3A_67] : memref<33554432xf32, #tpu.memory_space<hbm>> -> memref<33554432xf32, #tpu.memory_space<hbm>>
    tpu.wait_indirect_dma semaphore(%arg27 : memref<!tpu.dma_semaphore, #tpu.memory_space<semaphore_mem>>) src(%dma_wait3A_68 : memref<33554432xf32, #tpu.memory_space<hbm>>) dst(%arg24 : memref<2048xf32, #tpu.memory_space<vmem>>)
    %iota3A_69 = tpu.iota {dimensions = array<i32: 0>} : vector<16xi32>
    %sub3A_70 = arith.subi %min3A_64, %add3A_62 : i32
    %add3A_71 = vector.broadcast %sub3A_70 : i32 to vector<16xi32>
    %add3A_72 = arith.addi %iota3A_69, %add3A_71 : vector<16xi32>
    %scan3A_73 = arith.constant 0 : i32
    %scan3A_74 = arith.constant 128 : i32
    %scan3A_75 = arith.addi %scan3A_73, %scan3A_74 : i32
    %scan3A_76 = arith.constant 4 : i32
    %scan3A_77 = scf.for %scan3A_263 = %scan3A_73 to %scan3A_75 step %scan3A_76 iter_args(%scan3A_264 = %scan3A_44) -> (vector<16xf32>)  : i32 {
      %mul3A_265 = arith.constant 16 : i32
      %mul3A_266 = arith.muli %scan3A_263, %mul3A_265 : i32
      %get3A = arith.index_cast %mul3A_266 : i32 to index
      %get3A_267 = tpu.vector_load %arg16[%get3A] {strides = array<i32>} : memref<2048xi32, #tpu.memory_space<vmem>>, vector<16xi32>,
      %mul3A_268 = arith.constant 2 : i32
      %mul3A_269 = vector.broadcast %mul3A_268 : i32 to vector<16xi32>
      %mul3A_270 = arith.muli %get3A_267, %mul3A_269 : vector<16xi32>
      %gather3A = tpu.vector_load_idx %arg10[%mul3A_270] : memref<100000xf32, #tpu.memory_space<vmem>>[vector<16xi32>], vector<16xf32>,
      %add3A_271 = arith.constant 1 : i32
      %add3A_272 = vector.broadcast %add3A_271 : i32 to vector<16xi32>
      %add3A_273 = arith.addi %mul3A_270, %add3A_272 : vector<16xi32>
      %gather3A_274 = tpu.vector_load_idx %arg10[%add3A_273] : memref<100000xf32, #tpu.memory_space<vmem>>[vector<16xi32>], vector<16xf32>,
      %get3A_275 = arith.index_cast %mul3A_266 : i32 to index
      %get3A_276 = tpu.vector_load %arg22[%get3A_275] {strides = array<i32>} : memref<2048xf32, #tpu.memory_space<vmem>>, vector<16xf32>,
      %sub3A_277 = arith.subf %get3A_276, %gather3A : vector<16xf32>
      %get3A_278 = arith.index_cast %mul3A_266 : i32 to index
      %get3A_279 = tpu.vector_load %arg24[%get3A_278] {strides = array<i32>} : memref<2048xf32, #tpu.memory_space<vmem>>, vector<16xf32>,
      %sub3A_280 = arith.subf %get3A_279, %gather3A_274 : vector<16xf32>
      %mul3A_281 = arith.mulf %sub3A_277, %sub3A_277 : vector<16xf32>
      %mul3A_282 = arith.mulf %sub3A_280, %sub3A_280 : vector<16xf32>
      %add3A_283 = arith.addf %mul3A_281, %mul3A_282 : vector<16xf32>
      %mul3A_284 = arith.constant 16 : i32
      %mul3A_285 = arith.muli %scan3A_263, %mul3A_284 : i32
      %add3A_286 = vector.broadcast %mul3A_285 : i32 to vector<16xi32>
      %add3A_287 = arith.addi %add3A_72, %add3A_286 : vector<16xi32>
      %ge3A = arith.constant 0 : i32
      %ge3A_288 = vector.broadcast %ge3A : i32 to vector<16xi32>
      %ge3A_289 = arith.cmpi sge, %add3A_287, %ge3A_288 : vector<16xi32>
      %jit3A = arith.constant 0.000000e+00 : f32
      %broadcast_in_dim3A_290 = vector.broadcast %jit3A : f32 to vector<16xf32>
      %select_n3A = arith.select %ge3A_289, %add3A_283, %broadcast_in_dim3A_290 : vector<16xi1>, vector<16xf32>
      %add3A_291 = arith.addf %scan3A_264, %select_n3A : vector<16xf32>
      %scan3A_292 = arith.constant 1 : i32
      %scan3A_293 = arith.addi %scan3A_263, %scan3A_292 : i32
      %mul3A_294 = arith.constant 16 : i32
      %mul3A_295 = arith.muli %scan3A_293, %mul3A_294 : i32
      %get3A_296 = arith.index_cast %mul3A_295 : i32 to index
      %get3A_297 = tpu.vector_load %arg16[%get3A_296] {strides = array<i32>} : memref<2048xi32, #tpu.memory_space<vmem>>, vector<16xi32>,
      %mul3A_298 = arith.constant 2 : i32
      %mul3A_299 = vector.broadcast %mul3A_298 : i32 to vector<16xi32>
      %mul3A_300 = arith.muli %get3A_297, %mul3A_299 : vector<16xi32>
      %gather3A_301 = tpu.vector_load_idx %arg10[%mul3A_300] : memref<100000xf32, #tpu.memory_space<vmem>>[vector<16xi32>], vector<16xf32>,
      %add3A_302 = arith.constant 1 : i32
      %add3A_303 = vector.broadcast %add3A_302 : i32 to vector<16xi32>
      %add3A_304 = arith.addi %mul3A_300, %add3A_303 : vector<16xi32>
      %gather3A_305 = tpu.vector_load_idx %arg10[%add3A_304] : memref<100000xf32, #tpu.memory_space<vmem>>[vector<16xi32>], vector<16xf32>,
      %get3A_306 = arith.index_cast %mul3A_295 : i32 to index
      %get3A_307 = tpu.vector_load %arg22[%get3A_306] {strides = array<i32>} : memref<2048xf32, #tpu.memory_space<vmem>>, vector<16xf32>,
      %sub3A_308 = arith.subf %get3A_307, %gather3A_301 : vector<16xf32>
      %get3A_309 = arith.index_cast %mul3A_295 : i32 to index
      %get3A_310 = tpu.vector_load %arg24[%get3A_309] {strides = array<i32>} : memref<2048xf32, #tpu.memory_space<vmem>>, vector<16xf32>,
      %sub3A_311 = arith.subf %get3A_310, %gather3A_305 : vector<16xf32>
      %mul3A_312 = arith.mulf %sub3A_308, %sub3A_308 : vector<16xf32>
      %mul3A_313 = arith.mulf %sub3A_311, %sub3A_311 : vector<16xf32>
      %add3A_314 = arith.addf %mul3A_312, %mul3A_313 : vector<16xf32>
      %mul3A_315 = arith.constant 16 : i32
      %mul3A_316 = arith.muli %scan3A_293, %mul3A_315 : i32
      %add3A_317 = vector.broadcast %mul3A_316 : i32 to vector<16xi32>
      %add3A_318 = arith.addi %add3A_72, %add3A_317 : vector<16xi32>
      %ge3A_319 = arith.constant 0 : i32
      %ge3A_320 = vector.broadcast %ge3A_319 : i32 to vector<16xi32>
      %ge3A_321 = arith.cmpi sge, %add3A_318, %ge3A_320 : vector<16xi32>
      %jit3A_322 = arith.constant 0.000000e+00 : f32
      %broadcast_in_dim3A_323 = vector.broadcast %jit3A_322 : f32 to vector<16xf32>
      %select_n3A_324 = arith.select %ge3A_321, %add3A_314, %broadcast_in_dim3A_323 : vector<16xi1>, vector<16xf32>
      %add3A_325 = arith.addf %add3A_291, %select_n3A_324 : vector<16xf32>
      %scan3A_326 = arith.constant 2 : i32
      %scan3A_327 = arith.addi %scan3A_263, %scan3A_326 : i32
      %mul3A_328 = arith.constant 16 : i32
      %mul3A_329 = arith.muli %scan3A_327, %mul3A_328 : i32
      %get3A_330 = arith.index_cast %mul3A_329 : i32 to index
      %get3A_331 = tpu.vector_load %arg16[%get3A_330] {strides = array<i32>} : memref<2048xi32, #tpu.memory_space<vmem>>, vector<16xi32>,
      %mul3A_332 = arith.constant 2 : i32
      %mul3A_333 = vector.broadcast %mul3A_332 : i32 to vector<16xi32>
      %mul3A_334 = arith.muli %get3A_331, %mul3A_333 : vector<16xi32>
      %gather3A_335 = tpu.vector_load_idx %arg10[%mul3A_334] : memref<100000xf32, #tpu.memory_space<vmem>>[vector<16xi32>], vector<16xf32>,
      %add3A_336 = arith.constant 1 : i32
      %add3A_337 = vector.broadcast %add3A_336 : i32 to vector<16xi32>
      %add3A_338 = arith.addi %mul3A_334, %add3A_337 : vector<16xi32>
      %gather3A_339 = tpu.vector_load_idx %arg10[%add3A_338] : memref<100000xf32, #tpu.memory_space<vmem>>[vector<16xi32>], vector<16xf32>,
      %get3A_340 = arith.index_cast %mul3A_329 : i32 to index
      %get3A_341 = tpu.vector_load %arg22[%get3A_340] {strides = array<i32>} : memref<2048xf32, #tpu.memory_space<vmem>>, vector<16xf32>,
      %sub3A_342 = arith.subf %get3A_341, %gather3A_335 : vector<16xf32>
      %get3A_343 = arith.index_cast %mul3A_329 : i32 to index
      %get3A_344 = tpu.vector_load %arg24[%get3A_343] {strides = array<i32>} : memref<2048xf32, #tpu.memory_space<vmem>>, vector<16xf32>,
      %sub3A_345 = arith.subf %get3A_344, %gather3A_339 : vector<16xf32>
      %mul3A_346 = arith.mulf %sub3A_342, %sub3A_342 : vector<16xf32>
      %mul3A_347 = arith.mulf %sub3A_345, %sub3A_345 : vector<16xf32>
      %add3A_348 = arith.addf %mul3A_346, %mul3A_347 : vector<16xf32>
      %mul3A_349 = arith.constant 16 : i32
      %mul3A_350 = arith.muli %scan3A_327, %mul3A_349 : i32
      %add3A_351 = vector.broadcast %mul3A_350 : i32 to vector<16xi32>
      %add3A_352 = arith.addi %add3A_72, %add3A_351 : vector<16xi32>
      %ge3A_353 = arith.constant 0 : i32
      %ge3A_354 = vector.broadcast %ge3A_353 : i32 to vector<16xi32>
      %ge3A_355 = arith.cmpi sge, %add3A_352, %ge3A_354 : vector<16xi32>
      %jit3A_356 = arith.constant 0.000000e+00 : f32
      %broadcast_in_dim3A_357 = vector.broadcast %jit3A_356 : f32 to vector<16xf32>
      %select_n3A_358 = arith.select %ge3A_355, %add3A_348, %broadcast_in_dim3A_357 : vector<16xi1>, vector<16xf32>
      %add3A_359 = arith.addf %add3A_325, %select_n3A_358 : vector<16xf32>
      %scan3A_360 = arith.constant 3 : i32
      %scan3A_361 = arith.addi %scan3A_263, %scan3A_360 : i32
      %mul3A_362 = arith.constant 16 : i32
      %mul3A_363 = arith.muli %scan3A_361, %mul3A_362 : i32
      %get3A_364 = arith.index_cast %mul3A_363 : i32 to index
      %get3A_365 = tpu.vector_load %arg16[%get3A_364] {strides = array<i32>} : memref<2048xi32, #tpu.memory_space<vmem>>, vector<16xi32>,
      %mul3A_366 = arith.constant 2 : i32
      %mul3A_367 = vector.broadcast %mul3A_366 : i32 to vector<16xi32>
      %mul3A_368 = arith.muli %get3A_365, %mul3A_367 : vector<16xi32>
      %gather3A_369 = tpu.vector_load_idx %arg10[%mul3A_368] : memref<100000xf32, #tpu.memory_space<vmem>>[vector<16xi32>], vector<16xf32>,
      %add3A_370 = arith.constant 1 : i32
      %add3A_371 = vector.broadcast %add3A_370 : i32 to vector<16xi32>
      %add3A_372 = arith.addi %mul3A_368, %add3A_371 : vector<16xi32>
      %gather3A_373 = tpu.vector_load_idx %arg10[%add3A_372] : memref<100000xf32, #tpu.memory_space<vmem>>[vector<16xi32>], vector<16xf32>,
      %get3A_374 = arith.index_cast %mul3A_363 : i32 to index
      %get3A_375 = tpu.vector_load %arg22[%get3A_374] {strides = array<i32>} : memref<2048xf32, #tpu.memory_space<vmem>>, vector<16xf32>,
      %sub3A_376 = arith.subf %get3A_375, %gather3A_369 : vector<16xf32>
      %get3A_377 = arith.index_cast %mul3A_363 : i32 to index
      %get3A_378 = tpu.vector_load %arg24[%get3A_377] {strides = array<i32>} : memref<2048xf32, #tpu.memory_space<vmem>>, vector<16xf32>,
      %sub3A_379 = arith.subf %get3A_378, %gather3A_373 : vector<16xf32>
      %mul3A_380 = arith.mulf %sub3A_376, %sub3A_376 : vector<16xf32>
      %mul3A_381 = arith.mulf %sub3A_379, %sub3A_379 : vector<16xf32>
      %add3A_382 = arith.addf %mul3A_380, %mul3A_381 : vector<16xf32>
      %mul3A_383 = arith.constant 16 : i32
      %mul3A_384 = arith.muli %scan3A_361, %mul3A_383 : i32
      %add3A_385 = vector.broadcast %mul3A_384 : i32 to vector<16xi32>
      %add3A_386 = arith.addi %add3A_72, %add3A_385 : vector<16xi32>
      %ge3A_387 = arith.constant 0 : i32
      %ge3A_388 = vector.broadcast %ge3A_387 : i32 to vector<16xi32>
      %ge3A_389 = arith.cmpi sge, %add3A_386, %ge3A_388 : vector<16xi32>
      %jit3A_390 = arith.constant 0.000000e+00 : f32
      %broadcast_in_dim3A_391 = vector.broadcast %jit3A_390 : f32 to vector<16xf32>
      %select_n3A_392 = arith.select %ge3A_389, %add3A_382, %broadcast_in_dim3A_391 : vector<16xi1>, vector<16xf32>
      %add3A_393 = arith.addf %add3A_359, %select_n3A_392 : vector<16xf32>
      scf.yield %add3A_393 : vector<16xf32>
    }
    %scan3A_78 = arith.constant 128 : i32
    %add3A_79 = arith.constant 6144 : i32
    %add3A_80 = arith.addi %mul3A_2, %add3A_79 : i32
    %min3A_81 = arith.constant 497952 : i32
    %min3A_82 = arith.minsi %add3A_80, %min3A_81 : i32
    "tpu.region"() ({
      %run_scoped3A = tpu.sem_alloc : memref<!tpu.dma_semaphore, #tpu.memory_space<semaphore_mem>>
      %dma_start3A_263 = tpu.memref_slice %arg4[%min3A_82] : memref<500000xi32, #tpu.memory_space<hbm>> -> memref<2048xi32, #tpu.memory_space<hbm>>
      %dma_start3A_264 = tpu.memref_slice %arg4[%min3A_82] : memref<500000xi32, #tpu.memory_space<hbm>> -> memref<2048xi32, #tpu.memory_space<hbm>>
      tpu.enqueue_dma source(%dma_start3A_264 : memref<2048xi32, #tpu.memory_space<hbm>>) target(%arg11 : memref<2048xi32, #tpu.memory_space<vmem>>) target_semaphore(%run_scoped3A : memref<!tpu.dma_semaphore, #tpu.memory_space<semaphore_mem>>)
      %dma_wait3A_265 = tpu.memref_slice %arg4[%min3A_82] : memref<500000xi32, #tpu.memory_space<hbm>> -> memref<2048xi32, #tpu.memory_space<hbm>>
      %dma_wait3A_266 = tpu.memref_slice %arg4[%min3A_82] : memref<500000xi32, #tpu.memory_space<hbm>> -> memref<2048xi32, #tpu.memory_space<hbm>>
      tpu.wait_dma2 semaphore(%run_scoped3A : memref<!tpu.dma_semaphore, #tpu.memory_space<semaphore_mem>>) src(%dma_wait3A_266 : memref<2048xi32, #tpu.memory_space<hbm>>) dst(%arg11 : memref<2048xi32, #tpu.memory_space<vmem>>)
      tpu.yield
    }) : () -> ()
    "tpu.region"() ({
      %run_scoped3A = tpu.sem_alloc : memref<!tpu.dma_semaphore, #tpu.memory_space<semaphore_mem>>
      %dma_start3A_263 = tpu.memref_slice %arg5[%min3A_82] : memref<500000xi32, #tpu.memory_space<hbm>> -> memref<2048xi32, #tpu.memory_space<hbm>>
      %dma_start3A_264 = tpu.memref_slice %arg5[%min3A_82] : memref<500000xi32, #tpu.memory_space<hbm>> -> memref<2048xi32, #tpu.memory_space<hbm>>
      tpu.enqueue_dma source(%dma_start3A_264 : memref<2048xi32, #tpu.memory_space<hbm>>) target(%arg12 : memref<2048xi32, #tpu.memory_space<vmem>>) target_semaphore(%run_scoped3A : memref<!tpu.dma_semaphore, #tpu.memory_space<semaphore_mem>>)
      %dma_wait3A_265 = tpu.memref_slice %arg5[%min3A_82] : memref<500000xi32, #tpu.memory_space<hbm>> -> memref<2048xi32, #tpu.memory_space<hbm>>
      %dma_wait3A_266 = tpu.memref_slice %arg5[%min3A_82] : memref<500000xi32, #tpu.memory_space<hbm>> -> memref<2048xi32, #tpu.memory_space<hbm>>
      tpu.wait_dma2 semaphore(%run_scoped3A : memref<!tpu.dma_semaphore, #tpu.memory_space<semaphore_mem>>) src(%dma_wait3A_266 : memref<2048xi32, #tpu.memory_space<hbm>>) dst(%arg12 : memref<2048xi32, #tpu.memory_space<vmem>>)
      tpu.yield
    }) : () -> ()
    "tpu.region"() ({
      %run_scoped3A = tpu.sem_alloc : memref<!tpu.dma_semaphore, #tpu.memory_space<semaphore_mem>>
      %dma_start3A_263 = tpu.memref_slice %arg6[%min3A_82] : memref<500000xi32, #tpu.memory_space<hbm>> -> memref<2048xi32, #tpu.memory_space<hbm>>
      %dma_start3A_264 = tpu.memref_slice %arg6[%min3A_82] : memref<500000xi32, #tpu.memory_space<hbm>> -> memref<2048xi32, #tpu.memory_space<hbm>>
      tpu.enqueue_dma source(%dma_start3A_264 : memref<2048xi32, #tpu.memory_space<hbm>>) target(%arg13 : memref<2048xi32, #tpu.memory_space<vmem>>) target_semaphore(%run_scoped3A : memref<!tpu.dma_semaphore, #tpu.memory_space<semaphore_mem>>)
      %dma_wait3A_265 = tpu.memref_slice %arg6[%min3A_82] : memref<500000xi32, #tpu.memory_space<hbm>> -> memref<2048xi32, #tpu.memory_space<hbm>>
      %dma_wait3A_266 = tpu.memref_slice %arg6[%min3A_82] : memref<500000xi32, #tpu.memory_space<hbm>> -> memref<2048xi32, #tpu.memory_space<hbm>>
      tpu.wait_dma2 semaphore(%run_scoped3A : memref<!tpu.dma_semaphore, #tpu.memory_space<semaphore_mem>>) src(%dma_wait3A_266 : memref<2048xi32, #tpu.memory_space<hbm>>) dst(%arg13 : memref<2048xi32, #tpu.memory_space<vmem>>)
      tpu.yield
    }) : () -> ()
    "tpu.region"() ({
      %run_scoped3A = tpu.sem_alloc : memref<!tpu.dma_semaphore, #tpu.memory_space<semaphore_mem>>
      %dma_start3A_263 = tpu.memref_slice %arg7[%min3A_82] : memref<500000xi32, #tpu.memory_space<hbm>> -> memref<2048xi32, #tpu.memory_space<hbm>>
      %dma_start3A_264 = tpu.memref_slice %arg7[%min3A_82] : memref<500000xi32, #tpu.memory_space<hbm>> -> memref<2048xi32, #tpu.memory_space<hbm>>
      tpu.enqueue_dma source(%dma_start3A_264 : memref<2048xi32, #tpu.memory_space<hbm>>) target(%arg14 : memref<2048xi32, #tpu.memory_space<vmem>>) target_semaphore(%run_scoped3A : memref<!tpu.dma_semaphore, #tpu.memory_space<semaphore_mem>>)
      %dma_wait3A_265 = tpu.memref_slice %arg7[%min3A_82] : memref<500000xi32, #tpu.memory_space<hbm>> -> memref<2048xi32, #tpu.memory_space<hbm>>
      %dma_wait3A_266 = tpu.memref_slice %arg7[%min3A_82] : memref<500000xi32, #tpu.memory_space<hbm>> -> memref<2048xi32, #tpu.memory_space<hbm>>
      tpu.wait_dma2 semaphore(%run_scoped3A : memref<!tpu.dma_semaphore, #tpu.memory_space<semaphore_mem>>) src(%dma_wait3A_266 : memref<2048xi32, #tpu.memory_space<hbm>>) dst(%arg14 : memref<2048xi32, #tpu.memory_space<vmem>>)
      tpu.yield
    }) : () -> ()
    "tpu.region"() ({
      %run_scoped3A = tpu.sem_alloc : memref<!tpu.dma_semaphore, #tpu.memory_space<semaphore_mem>>
      %dma_start3A_263 = tpu.memref_slice %arg8[%min3A_82] : memref<500000xi32, #tpu.memory_space<hbm>> -> memref<2048xi32, #tpu.memory_space<hbm>>
      %dma_start3A_264 = tpu.memref_slice %arg8[%min3A_82] : memref<500000xi32, #tpu.memory_space<hbm>> -> memref<2048xi32, #tpu.memory_space<hbm>>
      tpu.enqueue_dma source(%dma_start3A_264 : memref<2048xi32, #tpu.memory_space<hbm>>) target(%arg16 : memref<2048xi32, #tpu.memory_space<vmem>>) target_semaphore(%run_scoped3A : memref<!tpu.dma_semaphore, #tpu.memory_space<semaphore_mem>>)
      %dma_wait3A_265 = tpu.memref_slice %arg8[%min3A_82] : memref<500000xi32, #tpu.memory_space<hbm>> -> memref<2048xi32, #tpu.memory_space<hbm>>
      %dma_wait3A_266 = tpu.memref_slice %arg8[%min3A_82] : memref<500000xi32, #tpu.memory_space<hbm>> -> memref<2048xi32, #tpu.memory_space<hbm>>
      tpu.wait_dma2 semaphore(%run_scoped3A : memref<!tpu.dma_semaphore, #tpu.memory_space<semaphore_mem>>) src(%dma_wait3A_266 : memref<2048xi32, #tpu.memory_space<hbm>>) dst(%arg16 : memref<2048xi32, #tpu.memory_space<vmem>>)
      tpu.yield
    }) : () -> ()
    %scan3A_83 = arith.constant 0 : i32
    %scan3A_84 = arith.constant 0 : i32
    %scan3A_85 = arith.constant 128 : i32
    %scan3A_86 = arith.addi %scan3A_84, %scan3A_85 : i32
    %scan3A_87 = arith.constant 4 : i32
    %scan3A_88 = scf.for %scan3A_263 = %scan3A_84 to %scan3A_86 step %scan3A_87 iter_args(%scan3A_264 = %scan3A_83) -> (i32)  : i32 {
      %mul3A_265 = arith.constant 16 : i32
      %mul3A_266 = arith.muli %scan3A_263, %mul3A_265 : i32
      %get3A = arith.index_cast %mul3A_266 : i32 to index
      %get3A_267 = tpu.vector_load %arg11[%get3A] {strides = array<i32>} : memref<2048xi32, #tpu.memory_space<vmem>>, vector<16xi32>,
      %mul3A_268 = arith.constant 2097152 : i32
      %mul3A_269 = vector.broadcast %mul3A_268 : i32 to vector<16xi32>
      %mul3A_270 = arith.muli %get3A_267, %mul3A_269 : vector<16xi32>
      %get3A_271 = arith.index_cast %mul3A_266 : i32 to index
      %get3A_272 = tpu.vector_load %arg12[%get3A_271] {strides = array<i32>} : memref<2048xi32, #tpu.memory_space<vmem>>, vector<16xi32>,
      %mul3A_273 = arith.constant 524288 : i32
      %mul3A_274 = vector.broadcast %mul3A_273 : i32 to vector<16xi32>
      %mul3A_275 = arith.muli %get3A_272, %mul3A_274 : vector<16xi32>
      %add3A_276 = arith.addi %mul3A_270, %mul3A_275 : vector<16xi32>
      %get3A_277 = arith.index_cast %mul3A_266 : i32 to index
      %get3A_278 = tpu.vector_load %arg13[%get3A_277] {strides = array<i32>} : memref<2048xi32, #tpu.memory_space<vmem>>, vector<16xi32>,
      %mul3A_279 = arith.constant 512 : i32
      %mul3A_280 = vector.broadcast %mul3A_279 : i32 to vector<16xi32>
      %mul3A_281 = arith.muli %get3A_278, %mul3A_280 : vector<16xi32>
      %add3A_282 = arith.addi %add3A_276, %mul3A_281 : vector<16xi32>
      %get3A_283 = arith.index_cast %mul3A_266 : i32 to index
      %get3A_284 = tpu.vector_load %arg14[%get3A_283] {strides = array<i32>} : memref<2048xi32, #tpu.memory_space<vmem>>, vector<16xi32>,
      %add3A_285 = arith.addi %add3A_282, %get3A_284 : vector<16xi32>
      %swap3A_286 = arith.index_cast %mul3A_266 : i32 to index
      %swap3A_287 = tpu.vector_load %arg18[%swap3A_286] {strides = array<i32>} : memref<2048xi32, #tpu.memory_space<vmem>>, vector<16xi32>,
      tpu.vector_store %arg18[%swap3A_286], %add3A_285 {strides = array<i32>} : memref<2048xi32, #tpu.memory_space<vmem>>, vector<16xi32>,
      %add3A_288 = arith.constant 262144 : i32
      %add3A_289 = vector.broadcast %add3A_288 : i32 to vector<16xi32>
      %add3A_290 = arith.addi %add3A_285, %add3A_289 : vector<16xi32>
      %swap3A_291 = arith.index_cast %mul3A_266 : i32 to index
      %swap3A_292 = tpu.vector_load %arg20[%swap3A_291] {strides = array<i32>} : memref<2048xi32, #tpu.memory_space<vmem>>, vector<16xi32>,
      tpu.vector_store %arg20[%swap3A_291], %add3A_290 {strides = array<i32>} : memref<2048xi32, #tpu.memory_space<vmem>>, vector<16xi32>,
      %scan3A_293 = arith.constant 0 : i32
      %scan3A_294 = arith.constant 1 : i32
      %scan3A_295 = arith.addi %scan3A_263, %scan3A_294 : i32
      %mul3A_296 = arith.constant 16 : i32
      %mul3A_297 = arith.muli %scan3A_295, %mul3A_296 : i32
      %get3A_298 = arith.index_cast %mul3A_297 : i32 to index
      %get3A_299 = tpu.vector_load %arg11[%get3A_298] {strides = array<i32>} : memref<2048xi32, #tpu.memory_space<vmem>>, vector<16xi32>,
      %mul3A_300 = arith.constant 2097152 : i32
      %mul3A_301 = vector.broadcast %mul3A_300 : i32 to vector<16xi32>
      %mul3A_302 = arith.muli %get3A_299, %mul3A_301 : vector<16xi32>
      %get3A_303 = arith.index_cast %mul3A_297 : i32 to index
      %get3A_304 = tpu.vector_load %arg12[%get3A_303] {strides = array<i32>} : memref<2048xi32, #tpu.memory_space<vmem>>, vector<16xi32>,
      %mul3A_305 = arith.constant 524288 : i32
      %mul3A_306 = vector.broadcast %mul3A_305 : i32 to vector<16xi32>
      %mul3A_307 = arith.muli %get3A_304, %mul3A_306 : vector<16xi32>
      %add3A_308 = arith.addi %mul3A_302, %mul3A_307 : vector<16xi32>
      %get3A_309 = arith.index_cast %mul3A_297 : i32 to index
      %get3A_310 = tpu.vector_load %arg13[%get3A_309] {strides = array<i32>} : memref<2048xi32, #tpu.memory_space<vmem>>, vector<16xi32>,
      %mul3A_311 = arith.constant 512 : i32
      %mul3A_312 = vector.broadcast %mul3A_311 : i32 to vector<16xi32>
      %mul3A_313 = arith.muli %get3A_310, %mul3A_312 : vector<16xi32>
      %add3A_314 = arith.addi %add3A_308, %mul3A_313 : vector<16xi32>
      %get3A_315 = arith.index_cast %mul3A_297 : i32 to index
      %get3A_316 = tpu.vector_load %arg14[%get3A_315] {strides = array<i32>} : memref<2048xi32, #tpu.memory_space<vmem>>, vector<16xi32>,
      %add3A_317 = arith.addi %add3A_314, %get3A_316 : vector<16xi32>
      %swap3A_318 = arith.index_cast %mul3A_297 : i32 to index
      %swap3A_319 = tpu.vector_load %arg18[%swap3A_318] {strides = array<i32>} : memref<2048xi32, #tpu.memory_space<vmem>>, vector<16xi32>,
      tpu.vector_store %arg18[%swap3A_318], %add3A_317 {strides = array<i32>} : memref<2048xi32, #tpu.memory_space<vmem>>, vector<16xi32>,
      %add3A_320 = arith.constant 262144 : i32
      %add3A_321 = vector.broadcast %add3A_320 : i32 to vector<16xi32>
      %add3A_322 = arith.addi %add3A_317, %add3A_321 : vector<16xi32>
      %swap3A_323 = arith.index_cast %mul3A_297 : i32 to index
      %swap3A_324 = tpu.vector_load %arg20[%swap3A_323] {strides = array<i32>} : memref<2048xi32, #tpu.memory_space<vmem>>, vector<16xi32>,
      tpu.vector_store %arg20[%swap3A_323], %add3A_322 {strides = array<i32>} : memref<2048xi32, #tpu.memory_space<vmem>>, vector<16xi32>,
      %scan3A_325 = arith.constant 0 : i32
      %scan3A_326 = arith.constant 2 : i32
      %scan3A_327 = arith.addi %scan3A_263, %scan3A_326 : i32
      %mul3A_328 = arith.constant 16 : i32
      %mul3A_329 = arith.muli %scan3A_327, %mul3A_328 : i32
      %get3A_330 = arith.index_cast %mul3A_329 : i32 to index
      %get3A_331 = tpu.vector_load %arg11[%get3A_330] {strides = array<i32>} : memref<2048xi32, #tpu.memory_space<vmem>>, vector<16xi32>,
      %mul3A_332 = arith.constant 2097152 : i32
      %mul3A_333 = vector.broadcast %mul3A_332 : i32 to vector<16xi32>
      %mul3A_334 = arith.muli %get3A_331, %mul3A_333 : vector<16xi32>
      %get3A_335 = arith.index_cast %mul3A_329 : i32 to index
      %get3A_336 = tpu.vector_load %arg12[%get3A_335] {strides = array<i32>} : memref<2048xi32, #tpu.memory_space<vmem>>, vector<16xi32>,
      %mul3A_337 = arith.constant 524288 : i32
      %mul3A_338 = vector.broadcast %mul3A_337 : i32 to vector<16xi32>
      %mul3A_339 = arith.muli %get3A_336, %mul3A_338 : vector<16xi32>
      %add3A_340 = arith.addi %mul3A_334, %mul3A_339 : vector<16xi32>
      %get3A_341 = arith.index_cast %mul3A_329 : i32 to index
      %get3A_342 = tpu.vector_load %arg13[%get3A_341] {strides = array<i32>} : memref<2048xi32, #tpu.memory_space<vmem>>, vector<16xi32>,
      %mul3A_343 = arith.constant 512 : i32
      %mul3A_344 = vector.broadcast %mul3A_343 : i32 to vector<16xi32>
      %mul3A_345 = arith.muli %get3A_342, %mul3A_344 : vector<16xi32>
      %add3A_346 = arith.addi %add3A_340, %mul3A_345 : vector<16xi32>
      %get3A_347 = arith.index_cast %mul3A_329 : i32 to index
      %get3A_348 = tpu.vector_load %arg14[%get3A_347] {strides = array<i32>} : memref<2048xi32, #tpu.memory_space<vmem>>, vector<16xi32>,
      %add3A_349 = arith.addi %add3A_346, %get3A_348 : vector<16xi32>
      %swap3A_350 = arith.index_cast %mul3A_329 : i32 to index
      %swap3A_351 = tpu.vector_load %arg18[%swap3A_350] {strides = array<i32>} : memref<2048xi32, #tpu.memory_space<vmem>>, vector<16xi32>,
      tpu.vector_store %arg18[%swap3A_350], %add3A_349 {strides = array<i32>} : memref<2048xi32, #tpu.memory_space<vmem>>, vector<16xi32>,
      %add3A_352 = arith.constant 262144 : i32
      %add3A_353 = vector.broadcast %add3A_352 : i32 to vector<16xi32>
      %add3A_354 = arith.addi %add3A_349, %add3A_353 : vector<16xi32>
      %swap3A_355 = arith.index_cast %mul3A_329 : i32 to index
      %swap3A_356 = tpu.vector_load %arg20[%swap3A_355] {strides = array<i32>} : memref<2048xi32, #tpu.memory_space<vmem>>, vector<16xi32>,
      tpu.vector_store %arg20[%swap3A_355], %add3A_354 {strides = array<i32>} : memref<2048xi32, #tpu.memory_space<vmem>>, vector<16xi32>,
      %scan3A_357 = arith.constant 0 : i32
      %scan3A_358 = arith.constant 3 : i32
      %scan3A_359 = arith.addi %scan3A_263, %scan3A_358 : i32
      %mul3A_360 = arith.constant 16 : i32
      %mul3A_361 = arith.muli %scan3A_359, %mul3A_360 : i32
      %get3A_362 = arith.index_cast %mul3A_361 : i32 to index
      %get3A_363 = tpu.vector_load %arg11[%get3A_362] {strides = array<i32>} : memref<2048xi32, #tpu.memory_space<vmem>>, vector<16xi32>,
      %mul3A_364 = arith.constant 2097152 : i32
      %mul3A_365 = vector.broadcast %mul3A_364 : i32 to vector<16xi32>
      %mul3A_366 = arith.muli %get3A_363, %mul3A_365 : vector<16xi32>
      %get3A_367 = arith.index_cast %mul3A_361 : i32 to index
      %get3A_368 = tpu.vector_load %arg12[%get3A_367] {strides = array<i32>} : memref<2048xi32, #tpu.memory_space<vmem>>, vector<16xi32>,
      %mul3A_369 = arith.constant 524288 : i32
      %mul3A_370 = vector.broadcast %mul3A_369 : i32 to vector<16xi32>
      %mul3A_371 = arith.muli %get3A_368, %mul3A_370 : vector<16xi32>
      %add3A_372 = arith.addi %mul3A_366, %mul3A_371 : vector<16xi32>
      %get3A_373 = arith.index_cast %mul3A_361 : i32 to index
      %get3A_374 = tpu.vector_load %arg13[%get3A_373] {strides = array<i32>} : memref<2048xi32, #tpu.memory_space<vmem>>, vector<16xi32>,
      %mul3A_375 = arith.constant 512 : i32
      %mul3A_376 = vector.broadcast %mul3A_375 : i32 to vector<16xi32>
      %mul3A_377 = arith.muli %get3A_374, %mul3A_376 : vector<16xi32>
      %add3A_378 = arith.addi %add3A_372, %mul3A_377 : vector<16xi32>
      %get3A_379 = arith.index_cast %mul3A_361 : i32 to index
      %get3A_380 = tpu.vector_load %arg14[%get3A_379] {strides = array<i32>} : memref<2048xi32, #tpu.memory_space<vmem>>, vector<16xi32>,
      %add3A_381 = arith.addi %add3A_378, %get3A_380 : vector<16xi32>
      %swap3A_382 = arith.index_cast %mul3A_361 : i32 to index
      %swap3A_383 = tpu.vector_load %arg18[%swap3A_382] {strides = array<i32>} : memref<2048xi32, #tpu.memory_space<vmem>>, vector<16xi32>,
      tpu.vector_store %arg18[%swap3A_382], %add3A_381 {strides = array<i32>} : memref<2048xi32, #tpu.memory_space<vmem>>, vector<16xi32>,
      %add3A_384 = arith.constant 262144 : i32
      %add3A_385 = vector.broadcast %add3A_384 : i32 to vector<16xi32>
      %add3A_386 = arith.addi %add3A_381, %add3A_385 : vector<16xi32>
      %swap3A_387 = arith.index_cast %mul3A_361 : i32 to index
      %swap3A_388 = tpu.vector_load %arg20[%swap3A_387] {strides = array<i32>} : memref<2048xi32, #tpu.memory_space<vmem>>, vector<16xi32>,
      tpu.vector_store %arg20[%swap3A_387], %add3A_386 {strides = array<i32>} : memref<2048xi32, #tpu.memory_space<vmem>>, vector<16xi32>,
      %scan3A_389 = arith.constant 0 : i32
      scf.yield %scan3A_389 : i32
    }
    %scan3A_89 = arith.constant 128 : i32
    %dma_start3A_90 = arith.constant 0 : i32
    %dma_start3A_91 = tpu.memref_slice %arg2[%dma_start3A_90] : memref<33554432xf32, #tpu.memory_space<hbm>> -> memref<33554432xf32, #tpu.memory_space<hbm>>
    tpu.enqueue_indirect_dma source(%dma_start3A_91 : memref<33554432xf32, #tpu.memory_space<hbm>>) target(%arg22 : memref<2048xf32, #tpu.memory_space<vmem>>) offsets(%arg18 : memref<2048xi32, #tpu.memory_space<vmem>>) semaphore(%arg27 : memref<!tpu.dma_semaphore, #tpu.memory_space<semaphore_mem>>)
    %dma_start3A_92 = arith.constant 0 : i32
    %dma_start3A_93 = tpu.memref_slice %arg2[%dma_start3A_92] : memref<33554432xf32, #tpu.memory_space<hbm>> -> memref<33554432xf32, #tpu.memory_space<hbm>>
    tpu.enqueue_indirect_dma source(%dma_start3A_93 : memref<33554432xf32, #tpu.memory_space<hbm>>) target(%arg24 : memref<2048xf32, #tpu.memory_space<vmem>>) offsets(%arg20 : memref<2048xi32, #tpu.memory_space<vmem>>) semaphore(%arg27 : memref<!tpu.dma_semaphore, #tpu.memory_space<semaphore_mem>>)
    %add3A_94 = arith.constant 4096 : i32
    %add3A_95 = arith.addi %mul3A_2, %add3A_94 : i32
    %min3A_96 = arith.constant 497952 : i32
    %min3A_97 = arith.minsi %add3A_95, %min3A_96 : i32
    %dma_wait3A_98 = arith.constant 0 : i32
    %dma_wait3A_99 = tpu.memref_slice %arg2[%dma_wait3A_98] : memref<33554432xf32, #tpu.memory_space<hbm>> -> memref<33554432xf32, #tpu.memory_space<hbm>>
    tpu.wait_indirect_dma semaphore(%arg26 : memref<!tpu.dma_semaphore, #tpu.memory_space<semaphore_mem>>) src(%dma_wait3A_99 : memref<33554432xf32, #tpu.memory_space<hbm>>) dst(%arg21 : memref<2048xf32, #tpu.memory_space<vmem>>)
    %dma_wait3A_100 = arith.constant 0 : i32
    %dma_wait3A_101 = tpu.memref_slice %arg2[%dma_wait3A_100] : memref<33554432xf32, #tpu.memory_space<hbm>> -> memref<33554432xf32, #tpu.memory_space<hbm>>
    tpu.wait_indirect_dma semaphore(%arg26 : memref<!tpu.dma_semaphore, #tpu.memory_space<semaphore_mem>>) src(%dma_wait3A_101 : memref<33554432xf32, #tpu.memory_space<hbm>>) dst(%arg23 : memref<2048xf32, #tpu.memory_space<vmem>>)
    %iota3A_102 = tpu.iota {dimensions = array<i32: 0>} : vector<16xi32>
    %sub3A_103 = arith.subi %min3A_97, %add3A_95 : i32
    %add3A_104 = vector.broadcast %sub3A_103 : i32 to vector<16xi32>
    %add3A_105 = arith.addi %iota3A_102, %add3A_104 : vector<16xi32>
    %scan3A_106 = arith.constant 0 : i32
    %scan3A_107 = arith.constant 128 : i32
    %scan3A_108 = arith.addi %scan3A_106, %scan3A_107 : i32
    %scan3A_109 = arith.constant 4 : i32
    %scan3A_110 = scf.for %scan3A_263 = %scan3A_106 to %scan3A_108 step %scan3A_109 iter_args(%scan3A_264 = %scan3A_77) -> (vector<16xf32>)  : i32 {
      %mul3A_265 = arith.constant 16 : i32
      %mul3A_266 = arith.muli %scan3A_263, %mul3A_265 : i32
      %get3A = arith.index_cast %mul3A_266 : i32 to index
      %get3A_267 = tpu.vector_load %arg15[%get3A] {strides = array<i32>} : memref<2048xi32, #tpu.memory_space<vmem>>, vector<16xi32>,
      %mul3A_268 = arith.constant 2 : i32
      %mul3A_269 = vector.broadcast %mul3A_268 : i32 to vector<16xi32>
      %mul3A_270 = arith.muli %get3A_267, %mul3A_269 : vector<16xi32>
      %gather3A = tpu.vector_load_idx %arg10[%mul3A_270] : memref<100000xf32, #tpu.memory_space<vmem>>[vector<16xi32>], vector<16xf32>,
      %add3A_271 = arith.constant 1 : i32
      %add3A_272 = vector.broadcast %add3A_271 : i32 to vector<16xi32>
      %add3A_273 = arith.addi %mul3A_270, %add3A_272 : vector<16xi32>
      %gather3A_274 = tpu.vector_load_idx %arg10[%add3A_273] : memref<100000xf32, #tpu.memory_space<vmem>>[vector<16xi32>], vector<16xf32>,
      %get3A_275 = arith.index_cast %mul3A_266 : i32 to index
      %get3A_276 = tpu.vector_load %arg21[%get3A_275] {strides = array<i32>} : memref<2048xf32, #tpu.memory_space<vmem>>, vector<16xf32>,
      %sub3A_277 = arith.subf %get3A_276, %gather3A : vector<16xf32>
      %get3A_278 = arith.index_cast %mul3A_266 : i32 to index
      %get3A_279 = tpu.vector_load %arg23[%get3A_278] {strides = array<i32>} : memref<2048xf32, #tpu.memory_space<vmem>>, vector<16xf32>,
      %sub3A_280 = arith.subf %get3A_279, %gather3A_274 : vector<16xf32>
      %mul3A_281 = arith.mulf %sub3A_277, %sub3A_277 : vector<16xf32>
      %mul3A_282 = arith.mulf %sub3A_280, %sub3A_280 : vector<16xf32>
      %add3A_283 = arith.addf %mul3A_281, %mul3A_282 : vector<16xf32>
      %mul3A_284 = arith.constant 16 : i32
      %mul3A_285 = arith.muli %scan3A_263, %mul3A_284 : i32
      %add3A_286 = vector.broadcast %mul3A_285 : i32 to vector<16xi32>
      %add3A_287 = arith.addi %add3A_105, %add3A_286 : vector<16xi32>
      %ge3A = arith.constant 0 : i32
      %ge3A_288 = vector.broadcast %ge3A : i32 to vector<16xi32>
      %ge3A_289 = arith.cmpi sge, %add3A_287, %ge3A_288 : vector<16xi32>
      %jit3A = arith.constant 0.000000e+00 : f32
      %broadcast_in_dim3A_290 = vector.broadcast %jit3A : f32 to vector<16xf32>
      %select_n3A = arith.select %ge3A_289, %add3A_283, %broadcast_in_dim3A_290 : vector<16xi1>, vector<16xf32>
      %add3A_291 = arith.addf %scan3A_264, %select_n3A : vector<16xf32>
      %scan3A_292 = arith.constant 1 : i32
      %scan3A_293 = arith.addi %scan3A_263, %scan3A_292 : i32
      %mul3A_294 = arith.constant 16 : i32
      %mul3A_295 = arith.muli %scan3A_293, %mul3A_294 : i32
      %get3A_296 = arith.index_cast %mul3A_295 : i32 to index
      %get3A_297 = tpu.vector_load %arg15[%get3A_296] {strides = array<i32>} : memref<2048xi32, #tpu.memory_space<vmem>>, vector<16xi32>,
      %mul3A_298 = arith.constant 2 : i32
      %mul3A_299 = vector.broadcast %mul3A_298 : i32 to vector<16xi32>
      %mul3A_300 = arith.muli %get3A_297, %mul3A_299 : vector<16xi32>
      %gather3A_301 = tpu.vector_load_idx %arg10[%mul3A_300] : memref<100000xf32, #tpu.memory_space<vmem>>[vector<16xi32>], vector<16xf32>,
      %add3A_302 = arith.constant 1 : i32
      %add3A_303 = vector.broadcast %add3A_302 : i32 to vector<16xi32>
      %add3A_304 = arith.addi %mul3A_300, %add3A_303 : vector<16xi32>
      %gather3A_305 = tpu.vector_load_idx %arg10[%add3A_304] : memref<100000xf32, #tpu.memory_space<vmem>>[vector<16xi32>], vector<16xf32>,
      %get3A_306 = arith.index_cast %mul3A_295 : i32 to index
      %get3A_307 = tpu.vector_load %arg21[%get3A_306] {strides = array<i32>} : memref<2048xf32, #tpu.memory_space<vmem>>, vector<16xf32>,
      %sub3A_308 = arith.subf %get3A_307, %gather3A_301 : vector<16xf32>
      %get3A_309 = arith.index_cast %mul3A_295 : i32 to index
      %get3A_310 = tpu.vector_load %arg23[%get3A_309] {strides = array<i32>} : memref<2048xf32, #tpu.memory_space<vmem>>, vector<16xf32>,
      %sub3A_311 = arith.subf %get3A_310, %gather3A_305 : vector<16xf32>
      %mul3A_312 = arith.mulf %sub3A_308, %sub3A_308 : vector<16xf32>
      %mul3A_313 = arith.mulf %sub3A_311, %sub3A_311 : vector<16xf32>
      %add3A_314 = arith.addf %mul3A_312, %mul3A_313 : vector<16xf32>
      %mul3A_315 = arith.constant 16 : i32
      %mul3A_316 = arith.muli %scan3A_293, %mul3A_315 : i32
      %add3A_317 = vector.broadcast %mul3A_316 : i32 to vector<16xi32>
      %add3A_318 = arith.addi %add3A_105, %add3A_317 : vector<16xi32>
      %ge3A_319 = arith.constant 0 : i32
      %ge3A_320 = vector.broadcast %ge3A_319 : i32 to vector<16xi32>
      %ge3A_321 = arith.cmpi sge, %add3A_318, %ge3A_320 : vector<16xi32>
      %jit3A_322 = arith.constant 0.000000e+00 : f32
      %broadcast_in_dim3A_323 = vector.broadcast %jit3A_322 : f32 to vector<16xf32>
      %select_n3A_324 = arith.select %ge3A_321, %add3A_314, %broadcast_in_dim3A_323 : vector<16xi1>, vector<16xf32>
      %add3A_325 = arith.addf %add3A_291, %select_n3A_324 : vector<16xf32>
      %scan3A_326 = arith.constant 2 : i32
      %scan3A_327 = arith.addi %scan3A_263, %scan3A_326 : i32
      %mul3A_328 = arith.constant 16 : i32
      %mul3A_329 = arith.muli %scan3A_327, %mul3A_328 : i32
      %get3A_330 = arith.index_cast %mul3A_329 : i32 to index
      %get3A_331 = tpu.vector_load %arg15[%get3A_330] {strides = array<i32>} : memref<2048xi32, #tpu.memory_space<vmem>>, vector<16xi32>,
      %mul3A_332 = arith.constant 2 : i32
      %mul3A_333 = vector.broadcast %mul3A_332 : i32 to vector<16xi32>
      %mul3A_334 = arith.muli %get3A_331, %mul3A_333 : vector<16xi32>
      %gather3A_335 = tpu.vector_load_idx %arg10[%mul3A_334] : memref<100000xf32, #tpu.memory_space<vmem>>[vector<16xi32>], vector<16xf32>,
      %add3A_336 = arith.constant 1 : i32
      %add3A_337 = vector.broadcast %add3A_336 : i32 to vector<16xi32>
      %add3A_338 = arith.addi %mul3A_334, %add3A_337 : vector<16xi32>
      %gather3A_339 = tpu.vector_load_idx %arg10[%add3A_338] : memref<100000xf32, #tpu.memory_space<vmem>>[vector<16xi32>], vector<16xf32>,
      %get3A_340 = arith.index_cast %mul3A_329 : i32 to index
      %get3A_341 = tpu.vector_load %arg21[%get3A_340] {strides = array<i32>} : memref<2048xf32, #tpu.memory_space<vmem>>, vector<16xf32>,
      %sub3A_342 = arith.subf %get3A_341, %gather3A_335 : vector<16xf32>
      %get3A_343 = arith.index_cast %mul3A_329 : i32 to index
      %get3A_344 = tpu.vector_load %arg23[%get3A_343] {strides = array<i32>} : memref<2048xf32, #tpu.memory_space<vmem>>, vector<16xf32>,
      %sub3A_345 = arith.subf %get3A_344, %gather3A_339 : vector<16xf32>
      %mul3A_346 = arith.mulf %sub3A_342, %sub3A_342 : vector<16xf32>
      %mul3A_347 = arith.mulf %sub3A_345, %sub3A_345 : vector<16xf32>
      %add3A_348 = arith.addf %mul3A_346, %mul3A_347 : vector<16xf32>
      %mul3A_349 = arith.constant 16 : i32
      %mul3A_350 = arith.muli %scan3A_327, %mul3A_349 : i32
      %add3A_351 = vector.broadcast %mul3A_350 : i32 to vector<16xi32>
      %add3A_352 = arith.addi %add3A_105, %add3A_351 : vector<16xi32>
      %ge3A_353 = arith.constant 0 : i32
      %ge3A_354 = vector.broadcast %ge3A_353 : i32 to vector<16xi32>
      %ge3A_355 = arith.cmpi sge, %add3A_352, %ge3A_354 : vector<16xi32>
      %jit3A_356 = arith.constant 0.000000e+00 : f32
      %broadcast_in_dim3A_357 = vector.broadcast %jit3A_356 : f32 to vector<16xf32>
      %select_n3A_358 = arith.select %ge3A_355, %add3A_348, %broadcast_in_dim3A_357 : vector<16xi1>, vector<16xf32>
      %add3A_359 = arith.addf %add3A_325, %select_n3A_358 : vector<16xf32>
      %scan3A_360 = arith.constant 3 : i32
      %scan3A_361 = arith.addi %scan3A_263, %scan3A_360 : i32
      %mul3A_362 = arith.constant 16 : i32
      %mul3A_363 = arith.muli %scan3A_361, %mul3A_362 : i32
      %get3A_364 = arith.index_cast %mul3A_363 : i32 to index
      %get3A_365 = tpu.vector_load %arg15[%get3A_364] {strides = array<i32>} : memref<2048xi32, #tpu.memory_space<vmem>>, vector<16xi32>,
      %mul3A_366 = arith.constant 2 : i32
      %mul3A_367 = vector.broadcast %mul3A_366 : i32 to vector<16xi32>
      %mul3A_368 = arith.muli %get3A_365, %mul3A_367 : vector<16xi32>
      %gather3A_369 = tpu.vector_load_idx %arg10[%mul3A_368] : memref<100000xf32, #tpu.memory_space<vmem>>[vector<16xi32>], vector<16xf32>,
      %add3A_370 = arith.constant 1 : i32
      %add3A_371 = vector.broadcast %add3A_370 : i32 to vector<16xi32>
      %add3A_372 = arith.addi %mul3A_368, %add3A_371 : vector<16xi32>
      %gather3A_373 = tpu.vector_load_idx %arg10[%add3A_372] : memref<100000xf32, #tpu.memory_space<vmem>>[vector<16xi32>], vector<16xf32>,
      %get3A_374 = arith.index_cast %mul3A_363 : i32 to index
      %get3A_375 = tpu.vector_load %arg21[%get3A_374] {strides = array<i32>} : memref<2048xf32, #tpu.memory_space<vmem>>, vector<16xf32>,
      %sub3A_376 = arith.subf %get3A_375, %gather3A_369 : vector<16xf32>
      %get3A_377 = arith.index_cast %mul3A_363 : i32 to index
      %get3A_378 = tpu.vector_load %arg23[%get3A_377] {strides = array<i32>} : memref<2048xf32, #tpu.memory_space<vmem>>, vector<16xf32>,
      %sub3A_379 = arith.subf %get3A_378, %gather3A_373 : vector<16xf32>
      %mul3A_380 = arith.mulf %sub3A_376, %sub3A_376 : vector<16xf32>
      %mul3A_381 = arith.mulf %sub3A_379, %sub3A_379 : vector<16xf32>
      %add3A_382 = arith.addf %mul3A_380, %mul3A_381 : vector<16xf32>
      %mul3A_383 = arith.constant 16 : i32
      %mul3A_384 = arith.muli %scan3A_361, %mul3A_383 : i32
      %add3A_385 = vector.broadcast %mul3A_384 : i32 to vector<16xi32>
      %add3A_386 = arith.addi %add3A_105, %add3A_385 : vector<16xi32>
      %ge3A_387 = arith.constant 0 : i32
      %ge3A_388 = vector.broadcast %ge3A_387 : i32 to vector<16xi32>
      %ge3A_389 = arith.cmpi sge, %add3A_386, %ge3A_388 : vector<16xi32>
      %jit3A_390 = arith.constant 0.000000e+00 : f32
      %broadcast_in_dim3A_391 = vector.broadcast %jit3A_390 : f32 to vector<16xf32>
      %select_n3A_392 = arith.select %ge3A_389, %add3A_382, %broadcast_in_dim3A_391 : vector<16xi1>, vector<16xf32>
      %add3A_393 = arith.addf %add3A_359, %select_n3A_392 : vector<16xf32>
      scf.yield %add3A_393 : vector<16xf32>
    }
    %scan3A_111 = arith.constant 128 : i32
    %add3A_112 = arith.constant 8192 : i32
    %add3A_113 = arith.addi %mul3A_2, %add3A_112 : i32
    %min3A_114 = arith.constant 497952 : i32
    %min3A_115 = arith.minsi %add3A_113, %min3A_114 : i32
    "tpu.region"() ({
      %run_scoped3A = tpu.sem_alloc : memref<!tpu.dma_semaphore, #tpu.memory_space<semaphore_mem>>
      %dma_start3A_263 = tpu.memref_slice %arg4[%min3A_115] : memref<500000xi32, #tpu.memory_space<hbm>> -> memref<2048xi32, #tpu.memory_space<hbm>>
      %dma_start3A_264 = tpu.memref_slice %arg4[%min3A_115] : memref<500000xi32, #tpu.memory_space<hbm>> -> memref<2048xi32, #tpu.memory_space<hbm>>
      tpu.enqueue_dma source(%dma_start3A_264 : memref<2048xi32, #tpu.memory_space<hbm>>) target(%arg11 : memref<2048xi32, #tpu.memory_space<vmem>>) target_semaphore(%run_scoped3A : memref<!tpu.dma_semaphore, #tpu.memory_space<semaphore_mem>>)
      %dma_wait3A_265 = tpu.memref_slice %arg4[%min3A_115] : memref<500000xi32, #tpu.memory_space<hbm>> -> memref<2048xi32, #tpu.memory_space<hbm>>
      %dma_wait3A_266 = tpu.memref_slice %arg4[%min3A_115] : memref<500000xi32, #tpu.memory_space<hbm>> -> memref<2048xi32, #tpu.memory_space<hbm>>
      tpu.wait_dma2 semaphore(%run_scoped3A : memref<!tpu.dma_semaphore, #tpu.memory_space<semaphore_mem>>) src(%dma_wait3A_266 : memref<2048xi32, #tpu.memory_space<hbm>>) dst(%arg11 : memref<2048xi32, #tpu.memory_space<vmem>>)
      tpu.yield
    }) : () -> ()
    "tpu.region"() ({
      %run_scoped3A = tpu.sem_alloc : memref<!tpu.dma_semaphore, #tpu.memory_space<semaphore_mem>>
      %dma_start3A_263 = tpu.memref_slice %arg5[%min3A_115] : memref<500000xi32, #tpu.memory_space<hbm>> -> memref<2048xi32, #tpu.memory_space<hbm>>
      %dma_start3A_264 = tpu.memref_slice %arg5[%min3A_115] : memref<500000xi32, #tpu.memory_space<hbm>> -> memref<2048xi32, #tpu.memory_space<hbm>>
      tpu.enqueue_dma source(%dma_start3A_264 : memref<2048xi32, #tpu.memory_space<hbm>>) target(%arg12 : memref<2048xi32, #tpu.memory_space<vmem>>) target_semaphore(%run_scoped3A : memref<!tpu.dma_semaphore, #tpu.memory_space<semaphore_mem>>)
      %dma_wait3A_265 = tpu.memref_slice %arg5[%min3A_115] : memref<500000xi32, #tpu.memory_space<hbm>> -> memref<2048xi32, #tpu.memory_space<hbm>>
      %dma_wait3A_266 = tpu.memref_slice %arg5[%min3A_115] : memref<500000xi32, #tpu.memory_space<hbm>> -> memref<2048xi32, #tpu.memory_space<hbm>>
      tpu.wait_dma2 semaphore(%run_scoped3A : memref<!tpu.dma_semaphore, #tpu.memory_space<semaphore_mem>>) src(%dma_wait3A_266 : memref<2048xi32, #tpu.memory_space<hbm>>) dst(%arg12 : memref<2048xi32, #tpu.memory_space<vmem>>)
      tpu.yield
    }) : () -> ()
    "tpu.region"() ({
      %run_scoped3A = tpu.sem_alloc : memref<!tpu.dma_semaphore, #tpu.memory_space<semaphore_mem>>
      %dma_start3A_263 = tpu.memref_slice %arg6[%min3A_115] : memref<500000xi32, #tpu.memory_space<hbm>> -> memref<2048xi32, #tpu.memory_space<hbm>>
      %dma_start3A_264 = tpu.memref_slice %arg6[%min3A_115] : memref<500000xi32, #tpu.memory_space<hbm>> -> memref<2048xi32, #tpu.memory_space<hbm>>
      tpu.enqueue_dma source(%dma_start3A_264 : memref<2048xi32, #tpu.memory_space<hbm>>) target(%arg13 : memref<2048xi32, #tpu.memory_space<vmem>>) target_semaphore(%run_scoped3A : memref<!tpu.dma_semaphore, #tpu.memory_space<semaphore_mem>>)
      %dma_wait3A_265 = tpu.memref_slice %arg6[%min3A_115] : memref<500000xi32, #tpu.memory_space<hbm>> -> memref<2048xi32, #tpu.memory_space<hbm>>
      %dma_wait3A_266 = tpu.memref_slice %arg6[%min3A_115] : memref<500000xi32, #tpu.memory_space<hbm>> -> memref<2048xi32, #tpu.memory_space<hbm>>
      tpu.wait_dma2 semaphore(%run_scoped3A : memref<!tpu.dma_semaphore, #tpu.memory_space<semaphore_mem>>) src(%dma_wait3A_266 : memref<2048xi32, #tpu.memory_space<hbm>>) dst(%arg13 : memref<2048xi32, #tpu.memory_space<vmem>>)
      tpu.yield
    }) : () -> ()
    "tpu.region"() ({
      %run_scoped3A = tpu.sem_alloc : memref<!tpu.dma_semaphore, #tpu.memory_space<semaphore_mem>>
      %dma_start3A_263 = tpu.memref_slice %arg7[%min3A_115] : memref<500000xi32, #tpu.memory_space<hbm>> -> memref<2048xi32, #tpu.memory_space<hbm>>
      %dma_start3A_264 = tpu.memref_slice %arg7[%min3A_115] : memref<500000xi32, #tpu.memory_space<hbm>> -> memref<2048xi32, #tpu.memory_space<hbm>>
      tpu.enqueue_dma source(%dma_start3A_264 : memref<2048xi32, #tpu.memory_space<hbm>>) target(%arg14 : memref<2048xi32, #tpu.memory_space<vmem>>) target_semaphore(%run_scoped3A : memref<!tpu.dma_semaphore, #tpu.memory_space<semaphore_mem>>)
      %dma_wait3A_265 = tpu.memref_slice %arg7[%min3A_115] : memref<500000xi32, #tpu.memory_space<hbm>> -> memref<2048xi32, #tpu.memory_space<hbm>>
      %dma_wait3A_266 = tpu.memref_slice %arg7[%min3A_115] : memref<500000xi32, #tpu.memory_space<hbm>> -> memref<2048xi32, #tpu.memory_space<hbm>>
      tpu.wait_dma2 semaphore(%run_scoped3A : memref<!tpu.dma_semaphore, #tpu.memory_space<semaphore_mem>>) src(%dma_wait3A_266 : memref<2048xi32, #tpu.memory_space<hbm>>) dst(%arg14 : memref<2048xi32, #tpu.memory_space<vmem>>)
      tpu.yield
    }) : () -> ()
    "tpu.region"() ({
      %run_scoped3A = tpu.sem_alloc : memref<!tpu.dma_semaphore, #tpu.memory_space<semaphore_mem>>
      %dma_start3A_263 = tpu.memref_slice %arg8[%min3A_115] : memref<500000xi32, #tpu.memory_space<hbm>> -> memref<2048xi32, #tpu.memory_space<hbm>>
      %dma_start3A_264 = tpu.memref_slice %arg8[%min3A_115] : memref<500000xi32, #tpu.memory_space<hbm>> -> memref<2048xi32, #tpu.memory_space<hbm>>
      tpu.enqueue_dma source(%dma_start3A_264 : memref<2048xi32, #tpu.memory_space<hbm>>) target(%arg15 : memref<2048xi32, #tpu.memory_space<vmem>>) target_semaphore(%run_scoped3A : memref<!tpu.dma_semaphore, #tpu.memory_space<semaphore_mem>>)
      %dma_wait3A_265 = tpu.memref_slice %arg8[%min3A_115] : memref<500000xi32, #tpu.memory_space<hbm>> -> memref<2048xi32, #tpu.memory_space<hbm>>
      %dma_wait3A_266 = tpu.memref_slice %arg8[%min3A_115] : memref<500000xi32, #tpu.memory_space<hbm>> -> memref<2048xi32, #tpu.memory_space<hbm>>
      tpu.wait_dma2 semaphore(%run_scoped3A : memref<!tpu.dma_semaphore, #tpu.memory_space<semaphore_mem>>) src(%dma_wait3A_266 : memref<2048xi32, #tpu.memory_space<hbm>>) dst(%arg15 : memref<2048xi32, #tpu.memory_space<vmem>>)
      tpu.yield
    }) : () -> ()
    %scan3A_116 = arith.constant 0 : i32
    %scan3A_117 = arith.constant 0 : i32
    %scan3A_118 = arith.constant 128 : i32
    %scan3A_119 = arith.addi %scan3A_117, %scan3A_118 : i32
    %scan3A_120 = arith.constant 4 : i32
    %scan3A_121 = scf.for %scan3A_263 = %scan3A_117 to %scan3A_119 step %scan3A_120 iter_args(%scan3A_264 = %scan3A_116) -> (i32)  : i32 {
      %mul3A_265 = arith.constant 16 : i32
      %mul3A_266 = arith.muli %scan3A_263, %mul3A_265 : i32
      %get3A = arith.index_cast %mul3A_266 : i32 to index
      %get3A_267 = tpu.vector_load %arg11[%get3A] {strides = array<i32>} : memref<2048xi32, #tpu.memory_space<vmem>>, vector<16xi32>,
      %mul3A_268 = arith.constant 2097152 : i32
      %mul3A_269 = vector.broadcast %mul3A_268 : i32 to vector<16xi32>
      %mul3A_270 = arith.muli %get3A_267, %mul3A_269 : vector<16xi32>
      %get3A_271 = arith.index_cast %mul3A_266 : i32 to index
      %get3A_272 = tpu.vector_load %arg12[%get3A_271] {strides = array<i32>} : memref<2048xi32, #tpu.memory_space<vmem>>, vector<16xi32>,
      %mul3A_273 = arith.constant 524288 : i32
      %mul3A_274 = vector.broadcast %mul3A_273 : i32 to vector<16xi32>
      %mul3A_275 = arith.muli %get3A_272, %mul3A_274 : vector<16xi32>
      %add3A_276 = arith.addi %mul3A_270, %mul3A_275 : vector<16xi32>
      %get3A_277 = arith.index_cast %mul3A_266 : i32 to index
      %get3A_278 = tpu.vector_load %arg13[%get3A_277] {strides = array<i32>} : memref<2048xi32, #tpu.memory_space<vmem>>, vector<16xi32>,
      %mul3A_279 = arith.constant 512 : i32
      %mul3A_280 = vector.broadcast %mul3A_279 : i32 to vector<16xi32>
      %mul3A_281 = arith.muli %get3A_278, %mul3A_280 : vector<16xi32>
      %add3A_282 = arith.addi %add3A_276, %mul3A_281 : vector<16xi32>
      %get3A_283 = arith.index_cast %mul3A_266 : i32 to index
      %get3A_284 = tpu.vector_load %arg14[%get3A_283] {strides = array<i32>} : memref<2048xi32, #tpu.memory_space<vmem>>, vector<16xi32>,
      %add3A_285 = arith.addi %add3A_282, %get3A_284 : vector<16xi32>
      %swap3A_286 = arith.index_cast %mul3A_266 : i32 to index
      %swap3A_287 = tpu.vector_load %arg17[%swap3A_286] {strides = array<i32>} : memref<2048xi32, #tpu.memory_space<vmem>>, vector<16xi32>,
      tpu.vector_store %arg17[%swap3A_286], %add3A_285 {strides = array<i32>} : memref<2048xi32, #tpu.memory_space<vmem>>, vector<16xi32>,
      %add3A_288 = arith.constant 262144 : i32
      %add3A_289 = vector.broadcast %add3A_288 : i32 to vector<16xi32>
      %add3A_290 = arith.addi %add3A_285, %add3A_289 : vector<16xi32>
      %swap3A_291 = arith.index_cast %mul3A_266 : i32 to index
      %swap3A_292 = tpu.vector_load %arg19[%swap3A_291] {strides = array<i32>} : memref<2048xi32, #tpu.memory_space<vmem>>, vector<16xi32>,
      tpu.vector_store %arg19[%swap3A_291], %add3A_290 {strides = array<i32>} : memref<2048xi32, #tpu.memory_space<vmem>>, vector<16xi32>,
      %scan3A_293 = arith.constant 0 : i32
      %scan3A_294 = arith.constant 1 : i32
      %scan3A_295 = arith.addi %scan3A_263, %scan3A_294 : i32
      %mul3A_296 = arith.constant 16 : i32
      %mul3A_297 = arith.muli %scan3A_295, %mul3A_296 : i32
      %get3A_298 = arith.index_cast %mul3A_297 : i32 to index
      %get3A_299 = tpu.vector_load %arg11[%get3A_298] {strides = array<i32>} : memref<2048xi32, #tpu.memory_space<vmem>>, vector<16xi32>,
      %mul3A_300 = arith.constant 2097152 : i32
      %mul3A_301 = vector.broadcast %mul3A_300 : i32 to vector<16xi32>
      %mul3A_302 = arith.muli %get3A_299, %mul3A_301 : vector<16xi32>
      %get3A_303 = arith.index_cast %mul3A_297 : i32 to index
      %get3A_304 = tpu.vector_load %arg12[%get3A_303] {strides = array<i32>} : memref<2048xi32, #tpu.memory_space<vmem>>, vector<16xi32>,
      %mul3A_305 = arith.constant 524288 : i32
      %mul3A_306 = vector.broadcast %mul3A_305 : i32 to vector<16xi32>
      %mul3A_307 = arith.muli %get3A_304, %mul3A_306 : vector<16xi32>
      %add3A_308 = arith.addi %mul3A_302, %mul3A_307 : vector<16xi32>
      %get3A_309 = arith.index_cast %mul3A_297 : i32 to index
      %get3A_310 = tpu.vector_load %arg13[%get3A_309] {strides = array<i32>} : memref<2048xi32, #tpu.memory_space<vmem>>, vector<16xi32>,
      %mul3A_311 = arith.constant 512 : i32
      %mul3A_312 = vector.broadcast %mul3A_311 : i32 to vector<16xi32>
      %mul3A_313 = arith.muli %get3A_310, %mul3A_312 : vector<16xi32>
      %add3A_314 = arith.addi %add3A_308, %mul3A_313 : vector<16xi32>
      %get3A_315 = arith.index_cast %mul3A_297 : i32 to index
      %get3A_316 = tpu.vector_load %arg14[%get3A_315] {strides = array<i32>} : memref<2048xi32, #tpu.memory_space<vmem>>, vector<16xi32>,
      %add3A_317 = arith.addi %add3A_314, %get3A_316 : vector<16xi32>
      %swap3A_318 = arith.index_cast %mul3A_297 : i32 to index
      %swap3A_319 = tpu.vector_load %arg17[%swap3A_318] {strides = array<i32>} : memref<2048xi32, #tpu.memory_space<vmem>>, vector<16xi32>,
      tpu.vector_store %arg17[%swap3A_318], %add3A_317 {strides = array<i32>} : memref<2048xi32, #tpu.memory_space<vmem>>, vector<16xi32>,
      %add3A_320 = arith.constant 262144 : i32
      %add3A_321 = vector.broadcast %add3A_320 : i32 to vector<16xi32>
      %add3A_322 = arith.addi %add3A_317, %add3A_321 : vector<16xi32>
      %swap3A_323 = arith.index_cast %mul3A_297 : i32 to index
      %swap3A_324 = tpu.vector_load %arg19[%swap3A_323] {strides = array<i32>} : memref<2048xi32, #tpu.memory_space<vmem>>, vector<16xi32>,
      tpu.vector_store %arg19[%swap3A_323], %add3A_322 {strides = array<i32>} : memref<2048xi32, #tpu.memory_space<vmem>>, vector<16xi32>,
      %scan3A_325 = arith.constant 0 : i32
      %scan3A_326 = arith.constant 2 : i32
      %scan3A_327 = arith.addi %scan3A_263, %scan3A_326 : i32
      %mul3A_328 = arith.constant 16 : i32
      %mul3A_329 = arith.muli %scan3A_327, %mul3A_328 : i32
      %get3A_330 = arith.index_cast %mul3A_329 : i32 to index
      %get3A_331 = tpu.vector_load %arg11[%get3A_330] {strides = array<i32>} : memref<2048xi32, #tpu.memory_space<vmem>>, vector<16xi32>,
      %mul3A_332 = arith.constant 2097152 : i32
      %mul3A_333 = vector.broadcast %mul3A_332 : i32 to vector<16xi32>
      %mul3A_334 = arith.muli %get3A_331, %mul3A_333 : vector<16xi32>
      %get3A_335 = arith.index_cast %mul3A_329 : i32 to index
      %get3A_336 = tpu.vector_load %arg12[%get3A_335] {strides = array<i32>} : memref<2048xi32, #tpu.memory_space<vmem>>, vector<16xi32>,
      %mul3A_337 = arith.constant 524288 : i32
      %mul3A_338 = vector.broadcast %mul3A_337 : i32 to vector<16xi32>
      %mul3A_339 = arith.muli %get3A_336, %mul3A_338 : vector<16xi32>
      %add3A_340 = arith.addi %mul3A_334, %mul3A_339 : vector<16xi32>
      %get3A_341 = arith.index_cast %mul3A_329 : i32 to index
      %get3A_342 = tpu.vector_load %arg13[%get3A_341] {strides = array<i32>} : memref<2048xi32, #tpu.memory_space<vmem>>, vector<16xi32>,
      %mul3A_343 = arith.constant 512 : i32
      %mul3A_344 = vector.broadcast %mul3A_343 : i32 to vector<16xi32>
      %mul3A_345 = arith.muli %get3A_342, %mul3A_344 : vector<16xi32>
      %add3A_346 = arith.addi %add3A_340, %mul3A_345 : vector<16xi32>
      %get3A_347 = arith.index_cast %mul3A_329 : i32 to index
      %get3A_348 = tpu.vector_load %arg14[%get3A_347] {strides = array<i32>} : memref<2048xi32, #tpu.memory_space<vmem>>, vector<16xi32>,
      %add3A_349 = arith.addi %add3A_346, %get3A_348 : vector<16xi32>
      %swap3A_350 = arith.index_cast %mul3A_329 : i32 to index
      %swap3A_351 = tpu.vector_load %arg17[%swap3A_350] {strides = array<i32>} : memref<2048xi32, #tpu.memory_space<vmem>>, vector<16xi32>,
      tpu.vector_store %arg17[%swap3A_350], %add3A_349 {strides = array<i32>} : memref<2048xi32, #tpu.memory_space<vmem>>, vector<16xi32>,
      %add3A_352 = arith.constant 262144 : i32
      %add3A_353 = vector.broadcast %add3A_352 : i32 to vector<16xi32>
      %add3A_354 = arith.addi %add3A_349, %add3A_353 : vector<16xi32>
      %swap3A_355 = arith.index_cast %mul3A_329 : i32 to index
      %swap3A_356 = tpu.vector_load %arg19[%swap3A_355] {strides = array<i32>} : memref<2048xi32, #tpu.memory_space<vmem>>, vector<16xi32>,
      tpu.vector_store %arg19[%swap3A_355], %add3A_354 {strides = array<i32>} : memref<2048xi32, #tpu.memory_space<vmem>>, vector<16xi32>,
      %scan3A_357 = arith.constant 0 : i32
      %scan3A_358 = arith.constant 3 : i32
      %scan3A_359 = arith.addi %scan3A_263, %scan3A_358 : i32
      %mul3A_360 = arith.constant 16 : i32
      %mul3A_361 = arith.muli %scan3A_359, %mul3A_360 : i32
      %get3A_362 = arith.index_cast %mul3A_361 : i32 to index
      %get3A_363 = tpu.vector_load %arg11[%get3A_362] {strides = array<i32>} : memref<2048xi32, #tpu.memory_space<vmem>>, vector<16xi32>,
      %mul3A_364 = arith.constant 2097152 : i32
      %mul3A_365 = vector.broadcast %mul3A_364 : i32 to vector<16xi32>
      %mul3A_366 = arith.muli %get3A_363, %mul3A_365 : vector<16xi32>
      %get3A_367 = arith.index_cast %mul3A_361 : i32 to index
      %get3A_368 = tpu.vector_load %arg12[%get3A_367] {strides = array<i32>} : memref<2048xi32, #tpu.memory_space<vmem>>, vector<16xi32>,
      %mul3A_369 = arith.constant 524288 : i32
      %mul3A_370 = vector.broadcast %mul3A_369 : i32 to vector<16xi32>
      %mul3A_371 = arith.muli %get3A_368, %mul3A_370 : vector<16xi32>
      %add3A_372 = arith.addi %mul3A_366, %mul3A_371 : vector<16xi32>
      %get3A_373 = arith.index_cast %mul3A_361 : i32 to index
      %get3A_374 = tpu.vector_load %arg13[%get3A_373] {strides = array<i32>} : memref<2048xi32, #tpu.memory_space<vmem>>, vector<16xi32>,
      %mul3A_375 = arith.constant 512 : i32
      %mul3A_376 = vector.broadcast %mul3A_375 : i32 to vector<16xi32>
      %mul3A_377 = arith.muli %get3A_374, %mul3A_376 : vector<16xi32>
      %add3A_378 = arith.addi %add3A_372, %mul3A_377 : vector<16xi32>
      %get3A_379 = arith.index_cast %mul3A_361 : i32 to index
      %get3A_380 = tpu.vector_load %arg14[%get3A_379] {strides = array<i32>} : memref<2048xi32, #tpu.memory_space<vmem>>, vector<16xi32>,
      %add3A_381 = arith.addi %add3A_378, %get3A_380 : vector<16xi32>
      %swap3A_382 = arith.index_cast %mul3A_361 : i32 to index
      %swap3A_383 = tpu.vector_load %arg17[%swap3A_382] {strides = array<i32>} : memref<2048xi32, #tpu.memory_space<vmem>>, vector<16xi32>,
      tpu.vector_store %arg17[%swap3A_382], %add3A_381 {strides = array<i32>} : memref<2048xi32, #tpu.memory_space<vmem>>, vector<16xi32>,
      %add3A_384 = arith.constant 262144 : i32
      %add3A_385 = vector.broadcast %add3A_384 : i32 to vector<16xi32>
      %add3A_386 = arith.addi %add3A_381, %add3A_385 : vector<16xi32>
      %swap3A_387 = arith.index_cast %mul3A_361 : i32 to index
      %swap3A_388 = tpu.vector_load %arg19[%swap3A_387] {strides = array<i32>} : memref<2048xi32, #tpu.memory_space<vmem>>, vector<16xi32>,
      tpu.vector_store %arg19[%swap3A_387], %add3A_386 {strides = array<i32>} : memref<2048xi32, #tpu.memory_space<vmem>>, vector<16xi32>,
      %scan3A_389 = arith.constant 0 : i32
      scf.yield %scan3A_389 : i32
    }
    %scan3A_122 = arith.constant 128 : i32
    %dma_start3A_123 = arith.constant 0 : i32
    %dma_start3A_124 = tpu.memref_slice %arg2[%dma_start3A_123] : memref<33554432xf32, #tpu.memory_space<hbm>> -> memref<33554432xf32, #tpu.memory_space<hbm>>
    tpu.enqueue_indirect_dma source(%dma_start3A_124 : memref<33554432xf32, #tpu.memory_space<hbm>>) target(%arg21 : memref<2048xf32, #tpu.memory_space<vmem>>) offsets(%arg17 : memref<2048xi32, #tpu.memory_space<vmem>>) semaphore(%arg26 : memref<!tpu.dma_semaphore, #tpu.memory_space<semaphore_mem>>)
    %dma_start3A_125 = arith.constant 0 : i32
    %dma_start3A_126 = tpu.memref_slice %arg2[%dma_start3A_125] : memref<33554432xf32, #tpu.memory_space<hbm>> -> memref<33554432xf32, #tpu.memory_space<hbm>>
    tpu.enqueue_indirect_dma source(%dma_start3A_126 : memref<33554432xf32, #tpu.memory_space<hbm>>) target(%arg23 : memref<2048xf32, #tpu.memory_space<vmem>>) offsets(%arg19 : memref<2048xi32, #tpu.memory_space<vmem>>) semaphore(%arg26 : memref<!tpu.dma_semaphore, #tpu.memory_space<semaphore_mem>>)
    %add3A_127 = arith.constant 6144 : i32
    %add3A_128 = arith.addi %mul3A_2, %add3A_127 : i32
    %min3A_129 = arith.constant 497952 : i32
    %min3A_130 = arith.minsi %add3A_128, %min3A_129 : i32
    %dma_wait3A_131 = arith.constant 0 : i32
    %dma_wait3A_132 = tpu.memref_slice %arg2[%dma_wait3A_131] : memref<33554432xf32, #tpu.memory_space<hbm>> -> memref<33554432xf32, #tpu.memory_space<hbm>>
    tpu.wait_indirect_dma semaphore(%arg27 : memref<!tpu.dma_semaphore, #tpu.memory_space<semaphore_mem>>) src(%dma_wait3A_132 : memref<33554432xf32, #tpu.memory_space<hbm>>) dst(%arg22 : memref<2048xf32, #tpu.memory_space<vmem>>)
    %dma_wait3A_133 = arith.constant 0 : i32
    %dma_wait3A_134 = tpu.memref_slice %arg2[%dma_wait3A_133] : memref<33554432xf32, #tpu.memory_space<hbm>> -> memref<33554432xf32, #tpu.memory_space<hbm>>
    tpu.wait_indirect_dma semaphore(%arg27 : memref<!tpu.dma_semaphore, #tpu.memory_space<semaphore_mem>>) src(%dma_wait3A_134 : memref<33554432xf32, #tpu.memory_space<hbm>>) dst(%arg24 : memref<2048xf32, #tpu.memory_space<vmem>>)
    %iota3A_135 = tpu.iota {dimensions = array<i32: 0>} : vector<16xi32>
    %sub3A_136 = arith.subi %min3A_130, %add3A_128 : i32
    %add3A_137 = vector.broadcast %sub3A_136 : i32 to vector<16xi32>
    %add3A_138 = arith.addi %iota3A_135, %add3A_137 : vector<16xi32>
    %scan3A_139 = arith.constant 0 : i32
    %scan3A_140 = arith.constant 128 : i32
    %scan3A_141 = arith.addi %scan3A_139, %scan3A_140 : i32
    %scan3A_142 = arith.constant 4 : i32
    %scan3A_143 = scf.for %scan3A_263 = %scan3A_139 to %scan3A_141 step %scan3A_142 iter_args(%scan3A_264 = %scan3A_110) -> (vector<16xf32>)  : i32 {
      %mul3A_265 = arith.constant 16 : i32
      %mul3A_266 = arith.muli %scan3A_263, %mul3A_265 : i32
      %get3A = arith.index_cast %mul3A_266 : i32 to index
      %get3A_267 = tpu.vector_load %arg16[%get3A] {strides = array<i32>} : memref<2048xi32, #tpu.memory_space<vmem>>, vector<16xi32>,
      %mul3A_268 = arith.constant 2 : i32
      %mul3A_269 = vector.broadcast %mul3A_268 : i32 to vector<16xi32>
      %mul3A_270 = arith.muli %get3A_267, %mul3A_269 : vector<16xi32>
      %gather3A = tpu.vector_load_idx %arg10[%mul3A_270] : memref<100000xf32, #tpu.memory_space<vmem>>[vector<16xi32>], vector<16xf32>,
      %add3A_271 = arith.constant 1 : i32
      %add3A_272 = vector.broadcast %add3A_271 : i32 to vector<16xi32>
      %add3A_273 = arith.addi %mul3A_270, %add3A_272 : vector<16xi32>
      %gather3A_274 = tpu.vector_load_idx %arg10[%add3A_273] : memref<100000xf32, #tpu.memory_space<vmem>>[vector<16xi32>], vector<16xf32>,
      %get3A_275 = arith.index_cast %mul3A_266 : i32 to index
      %get3A_276 = tpu.vector_load %arg22[%get3A_275] {strides = array<i32>} : memref<2048xf32, #tpu.memory_space<vmem>>, vector<16xf32>,
      %sub3A_277 = arith.subf %get3A_276, %gather3A : vector<16xf32>
      %get3A_278 = arith.index_cast %mul3A_266 : i32 to index
      %get3A_279 = tpu.vector_load %arg24[%get3A_278] {strides = array<i32>} : memref<2048xf32, #tpu.memory_space<vmem>>, vector<16xf32>,
      %sub3A_280 = arith.subf %get3A_279, %gather3A_274 : vector<16xf32>
      %mul3A_281 = arith.mulf %sub3A_277, %sub3A_277 : vector<16xf32>
      %mul3A_282 = arith.mulf %sub3A_280, %sub3A_280 : vector<16xf32>
      %add3A_283 = arith.addf %mul3A_281, %mul3A_282 : vector<16xf32>
      %mul3A_284 = arith.constant 16 : i32
      %mul3A_285 = arith.muli %scan3A_263, %mul3A_284 : i32
      %add3A_286 = vector.broadcast %mul3A_285 : i32 to vector<16xi32>
      %add3A_287 = arith.addi %add3A_138, %add3A_286 : vector<16xi32>
      %ge3A = arith.constant 0 : i32
      %ge3A_288 = vector.broadcast %ge3A : i32 to vector<16xi32>
      %ge3A_289 = arith.cmpi sge, %add3A_287, %ge3A_288 : vector<16xi32>
      %jit3A = arith.constant 0.000000e+00 : f32
      %broadcast_in_dim3A_290 = vector.broadcast %jit3A : f32 to vector<16xf32>
      %select_n3A = arith.select %ge3A_289, %add3A_283, %broadcast_in_dim3A_290 : vector<16xi1>, vector<16xf32>
      %add3A_291 = arith.addf %scan3A_264, %select_n3A : vector<16xf32>
      %scan3A_292 = arith.constant 1 : i32
      %scan3A_293 = arith.addi %scan3A_263, %scan3A_292 : i32
      %mul3A_294 = arith.constant 16 : i32
      %mul3A_295 = arith.muli %scan3A_293, %mul3A_294 : i32
      %get3A_296 = arith.index_cast %mul3A_295 : i32 to index
      %get3A_297 = tpu.vector_load %arg16[%get3A_296] {strides = array<i32>} : memref<2048xi32, #tpu.memory_space<vmem>>, vector<16xi32>,
      %mul3A_298 = arith.constant 2 : i32
      %mul3A_299 = vector.broadcast %mul3A_298 : i32 to vector<16xi32>
      %mul3A_300 = arith.muli %get3A_297, %mul3A_299 : vector<16xi32>
      %gather3A_301 = tpu.vector_load_idx %arg10[%mul3A_300] : memref<100000xf32, #tpu.memory_space<vmem>>[vector<16xi32>], vector<16xf32>,
      %add3A_302 = arith.constant 1 : i32
      %add3A_303 = vector.broadcast %add3A_302 : i32 to vector<16xi32>
      %add3A_304 = arith.addi %mul3A_300, %add3A_303 : vector<16xi32>
      %gather3A_305 = tpu.vector_load_idx %arg10[%add3A_304] : memref<100000xf32, #tpu.memory_space<vmem>>[vector<16xi32>], vector<16xf32>,
      %get3A_306 = arith.index_cast %mul3A_295 : i32 to index
      %get3A_307 = tpu.vector_load %arg22[%get3A_306] {strides = array<i32>} : memref<2048xf32, #tpu.memory_space<vmem>>, vector<16xf32>,
      %sub3A_308 = arith.subf %get3A_307, %gather3A_301 : vector<16xf32>
      %get3A_309 = arith.index_cast %mul3A_295 : i32 to index
      %get3A_310 = tpu.vector_load %arg24[%get3A_309] {strides = array<i32>} : memref<2048xf32, #tpu.memory_space<vmem>>, vector<16xf32>,
      %sub3A_311 = arith.subf %get3A_310, %gather3A_305 : vector<16xf32>
      %mul3A_312 = arith.mulf %sub3A_308, %sub3A_308 : vector<16xf32>
      %mul3A_313 = arith.mulf %sub3A_311, %sub3A_311 : vector<16xf32>
      %add3A_314 = arith.addf %mul3A_312, %mul3A_313 : vector<16xf32>
      %mul3A_315 = arith.constant 16 : i32
      %mul3A_316 = arith.muli %scan3A_293, %mul3A_315 : i32
      %add3A_317 = vector.broadcast %mul3A_316 : i32 to vector<16xi32>
      %add3A_318 = arith.addi %add3A_138, %add3A_317 : vector<16xi32>
      %ge3A_319 = arith.constant 0 : i32
      %ge3A_320 = vector.broadcast %ge3A_319 : i32 to vector<16xi32>
      %ge3A_321 = arith.cmpi sge, %add3A_318, %ge3A_320 : vector<16xi32>
      %jit3A_322 = arith.constant 0.000000e+00 : f32
      %broadcast_in_dim3A_323 = vector.broadcast %jit3A_322 : f32 to vector<16xf32>
      %select_n3A_324 = arith.select %ge3A_321, %add3A_314, %broadcast_in_dim3A_323 : vector<16xi1>, vector<16xf32>
      %add3A_325 = arith.addf %add3A_291, %select_n3A_324 : vector<16xf32>
      %scan3A_326 = arith.constant 2 : i32
      %scan3A_327 = arith.addi %scan3A_263, %scan3A_326 : i32
      %mul3A_328 = arith.constant 16 : i32
      %mul3A_329 = arith.muli %scan3A_327, %mul3A_328 : i32
      %get3A_330 = arith.index_cast %mul3A_329 : i32 to index
      %get3A_331 = tpu.vector_load %arg16[%get3A_330] {strides = array<i32>} : memref<2048xi32, #tpu.memory_space<vmem>>, vector<16xi32>,
      %mul3A_332 = arith.constant 2 : i32
      %mul3A_333 = vector.broadcast %mul3A_332 : i32 to vector<16xi32>
      %mul3A_334 = arith.muli %get3A_331, %mul3A_333 : vector<16xi32>
      %gather3A_335 = tpu.vector_load_idx %arg10[%mul3A_334] : memref<100000xf32, #tpu.memory_space<vmem>>[vector<16xi32>], vector<16xf32>,
      %add3A_336 = arith.constant 1 : i32
      %add3A_337 = vector.broadcast %add3A_336 : i32 to vector<16xi32>
      %add3A_338 = arith.addi %mul3A_334, %add3A_337 : vector<16xi32>
      %gather3A_339 = tpu.vector_load_idx %arg10[%add3A_338] : memref<100000xf32, #tpu.memory_space<vmem>>[vector<16xi32>], vector<16xf32>,
      %get3A_340 = arith.index_cast %mul3A_329 : i32 to index
      %get3A_341 = tpu.vector_load %arg22[%get3A_340] {strides = array<i32>} : memref<2048xf32, #tpu.memory_space<vmem>>, vector<16xf32>,
      %sub3A_342 = arith.subf %get3A_341, %gather3A_335 : vector<16xf32>
      %get3A_343 = arith.index_cast %mul3A_329 : i32 to index
      %get3A_344 = tpu.vector_load %arg24[%get3A_343] {strides = array<i32>} : memref<2048xf32, #tpu.memory_space<vmem>>, vector<16xf32>,
      %sub3A_345 = arith.subf %get3A_344, %gather3A_339 : vector<16xf32>
      %mul3A_346 = arith.mulf %sub3A_342, %sub3A_342 : vector<16xf32>
      %mul3A_347 = arith.mulf %sub3A_345, %sub3A_345 : vector<16xf32>
      %add3A_348 = arith.addf %mul3A_346, %mul3A_347 : vector<16xf32>
      %mul3A_349 = arith.constant 16 : i32
      %mul3A_350 = arith.muli %scan3A_327, %mul3A_349 : i32
      %add3A_351 = vector.broadcast %mul3A_350 : i32 to vector<16xi32>
      %add3A_352 = arith.addi %add3A_138, %add3A_351 : vector<16xi32>
      %ge3A_353 = arith.constant 0 : i32
      %ge3A_354 = vector.broadcast %ge3A_353 : i32 to vector<16xi32>
      %ge3A_355 = arith.cmpi sge, %add3A_352, %ge3A_354 : vector<16xi32>
      %jit3A_356 = arith.constant 0.000000e+00 : f32
      %broadcast_in_dim3A_357 = vector.broadcast %jit3A_356 : f32 to vector<16xf32>
      %select_n3A_358 = arith.select %ge3A_355, %add3A_348, %broadcast_in_dim3A_357 : vector<16xi1>, vector<16xf32>
      %add3A_359 = arith.addf %add3A_325, %select_n3A_358 : vector<16xf32>
      %scan3A_360 = arith.constant 3 : i32
      %scan3A_361 = arith.addi %scan3A_263, %scan3A_360 : i32
      %mul3A_362 = arith.constant 16 : i32
      %mul3A_363 = arith.muli %scan3A_361, %mul3A_362 : i32
      %get3A_364 = arith.index_cast %mul3A_363 : i32 to index
      %get3A_365 = tpu.vector_load %arg16[%get3A_364] {strides = array<i32>} : memref<2048xi32, #tpu.memory_space<vmem>>, vector<16xi32>,
      %mul3A_366 = arith.constant 2 : i32
      %mul3A_367 = vector.broadcast %mul3A_366 : i32 to vector<16xi32>
      %mul3A_368 = arith.muli %get3A_365, %mul3A_367 : vector<16xi32>
      %gather3A_369 = tpu.vector_load_idx %arg10[%mul3A_368] : memref<100000xf32, #tpu.memory_space<vmem>>[vector<16xi32>], vector<16xf32>,
      %add3A_370 = arith.constant 1 : i32
      %add3A_371 = vector.broadcast %add3A_370 : i32 to vector<16xi32>
      %add3A_372 = arith.addi %mul3A_368, %add3A_371 : vector<16xi32>
      %gather3A_373 = tpu.vector_load_idx %arg10[%add3A_372] : memref<100000xf32, #tpu.memory_space<vmem>>[vector<16xi32>], vector<16xf32>,
      %get3A_374 = arith.index_cast %mul3A_363 : i32 to index
      %get3A_375 = tpu.vector_load %arg22[%get3A_374] {strides = array<i32>} : memref<2048xf32, #tpu.memory_space<vmem>>, vector<16xf32>,
      %sub3A_376 = arith.subf %get3A_375, %gather3A_369 : vector<16xf32>
      %get3A_377 = arith.index_cast %mul3A_363 : i32 to index
      %get3A_378 = tpu.vector_load %arg24[%get3A_377] {strides = array<i32>} : memref<2048xf32, #tpu.memory_space<vmem>>, vector<16xf32>,
      %sub3A_379 = arith.subf %get3A_378, %gather3A_373 : vector<16xf32>
      %mul3A_380 = arith.mulf %sub3A_376, %sub3A_376 : vector<16xf32>
      %mul3A_381 = arith.mulf %sub3A_379, %sub3A_379 : vector<16xf32>
      %add3A_382 = arith.addf %mul3A_380, %mul3A_381 : vector<16xf32>
      %mul3A_383 = arith.constant 16 : i32
      %mul3A_384 = arith.muli %scan3A_361, %mul3A_383 : i32
      %add3A_385 = vector.broadcast %mul3A_384 : i32 to vector<16xi32>
      %add3A_386 = arith.addi %add3A_138, %add3A_385 : vector<16xi32>
      %ge3A_387 = arith.constant 0 : i32
      %ge3A_388 = vector.broadcast %ge3A_387 : i32 to vector<16xi32>
      %ge3A_389 = arith.cmpi sge, %add3A_386, %ge3A_388 : vector<16xi32>
      %jit3A_390 = arith.constant 0.000000e+00 : f32
      %broadcast_in_dim3A_391 = vector.broadcast %jit3A_390 : f32 to vector<16xf32>
      %select_n3A_392 = arith.select %ge3A_389, %add3A_382, %broadcast_in_dim3A_391 : vector<16xi1>, vector<16xf32>
      %add3A_393 = arith.addf %add3A_359, %select_n3A_392 : vector<16xf32>
      scf.yield %add3A_393 : vector<16xf32>
    }
    %scan3A_144 = arith.constant 128 : i32
    %add3A_145 = arith.constant 10240 : i32
    %add3A_146 = arith.addi %mul3A_2, %add3A_145 : i32
    %min3A_147 = arith.constant 497952 : i32
    %min3A_148 = arith.minsi %add3A_146, %min3A_147 : i32
    "tpu.region"() ({
      %run_scoped3A = tpu.sem_alloc : memref<!tpu.dma_semaphore, #tpu.memory_space<semaphore_mem>>
      %dma_start3A_263 = tpu.memref_slice %arg4[%min3A_148] : memref<500000xi32, #tpu.memory_space<hbm>> -> memref<2048xi32, #tpu.memory_space<hbm>>
      %dma_start3A_264 = tpu.memref_slice %arg4[%min3A_148] : memref<500000xi32, #tpu.memory_space<hbm>> -> memref<2048xi32, #tpu.memory_space<hbm>>
      tpu.enqueue_dma source(%dma_start3A_264 : memref<2048xi32, #tpu.memory_space<hbm>>) target(%arg11 : memref<2048xi32, #tpu.memory_space<vmem>>) target_semaphore(%run_scoped3A : memref<!tpu.dma_semaphore, #tpu.memory_space<semaphore_mem>>)
      %dma_wait3A_265 = tpu.memref_slice %arg4[%min3A_148] : memref<500000xi32, #tpu.memory_space<hbm>> -> memref<2048xi32, #tpu.memory_space<hbm>>
      %dma_wait3A_266 = tpu.memref_slice %arg4[%min3A_148] : memref<500000xi32, #tpu.memory_space<hbm>> -> memref<2048xi32, #tpu.memory_space<hbm>>
      tpu.wait_dma2 semaphore(%run_scoped3A : memref<!tpu.dma_semaphore, #tpu.memory_space<semaphore_mem>>) src(%dma_wait3A_266 : memref<2048xi32, #tpu.memory_space<hbm>>) dst(%arg11 : memref<2048xi32, #tpu.memory_space<vmem>>)
      tpu.yield
    }) : () -> ()
    "tpu.region"() ({
      %run_scoped3A = tpu.sem_alloc : memref<!tpu.dma_semaphore, #tpu.memory_space<semaphore_mem>>
      %dma_start3A_263 = tpu.memref_slice %arg5[%min3A_148] : memref<500000xi32, #tpu.memory_space<hbm>> -> memref<2048xi32, #tpu.memory_space<hbm>>
      %dma_start3A_264 = tpu.memref_slice %arg5[%min3A_148] : memref<500000xi32, #tpu.memory_space<hbm>> -> memref<2048xi32, #tpu.memory_space<hbm>>
      tpu.enqueue_dma source(%dma_start3A_264 : memref<2048xi32, #tpu.memory_space<hbm>>) target(%arg12 : memref<2048xi32, #tpu.memory_space<vmem>>) target_semaphore(%run_scoped3A : memref<!tpu.dma_semaphore, #tpu.memory_space<semaphore_mem>>)
      %dma_wait3A_265 = tpu.memref_slice %arg5[%min3A_148] : memref<500000xi32, #tpu.memory_space<hbm>> -> memref<2048xi32, #tpu.memory_space<hbm>>
      %dma_wait3A_266 = tpu.memref_slice %arg5[%min3A_148] : memref<500000xi32, #tpu.memory_space<hbm>> -> memref<2048xi32, #tpu.memory_space<hbm>>
      tpu.wait_dma2 semaphore(%run_scoped3A : memref<!tpu.dma_semaphore, #tpu.memory_space<semaphore_mem>>) src(%dma_wait3A_266 : memref<2048xi32, #tpu.memory_space<hbm>>) dst(%arg12 : memref<2048xi32, #tpu.memory_space<vmem>>)
      tpu.yield
    }) : () -> ()
    "tpu.region"() ({
      %run_scoped3A = tpu.sem_alloc : memref<!tpu.dma_semaphore, #tpu.memory_space<semaphore_mem>>
      %dma_start3A_263 = tpu.memref_slice %arg6[%min3A_148] : memref<500000xi32, #tpu.memory_space<hbm>> -> memref<2048xi32, #tpu.memory_space<hbm>>
      %dma_start3A_264 = tpu.memref_slice %arg6[%min3A_148] : memref<500000xi32, #tpu.memory_space<hbm>> -> memref<2048xi32, #tpu.memory_space<hbm>>
      tpu.enqueue_dma source(%dma_start3A_264 : memref<2048xi32, #tpu.memory_space<hbm>>) target(%arg13 : memref<2048xi32, #tpu.memory_space<vmem>>) target_semaphore(%run_scoped3A : memref<!tpu.dma_semaphore, #tpu.memory_space<semaphore_mem>>)
      %dma_wait3A_265 = tpu.memref_slice %arg6[%min3A_148] : memref<500000xi32, #tpu.memory_space<hbm>> -> memref<2048xi32, #tpu.memory_space<hbm>>
      %dma_wait3A_266 = tpu.memref_slice %arg6[%min3A_148] : memref<500000xi32, #tpu.memory_space<hbm>> -> memref<2048xi32, #tpu.memory_space<hbm>>
      tpu.wait_dma2 semaphore(%run_scoped3A : memref<!tpu.dma_semaphore, #tpu.memory_space<semaphore_mem>>) src(%dma_wait3A_266 : memref<2048xi32, #tpu.memory_space<hbm>>) dst(%arg13 : memref<2048xi32, #tpu.memory_space<vmem>>)
      tpu.yield
    }) : () -> ()
    "tpu.region"() ({
      %run_scoped3A = tpu.sem_alloc : memref<!tpu.dma_semaphore, #tpu.memory_space<semaphore_mem>>
      %dma_start3A_263 = tpu.memref_slice %arg7[%min3A_148] : memref<500000xi32, #tpu.memory_space<hbm>> -> memref<2048xi32, #tpu.memory_space<hbm>>
      %dma_start3A_264 = tpu.memref_slice %arg7[%min3A_148] : memref<500000xi32, #tpu.memory_space<hbm>> -> memref<2048xi32, #tpu.memory_space<hbm>>
      tpu.enqueue_dma source(%dma_start3A_264 : memref<2048xi32, #tpu.memory_space<hbm>>) target(%arg14 : memref<2048xi32, #tpu.memory_space<vmem>>) target_semaphore(%run_scoped3A : memref<!tpu.dma_semaphore, #tpu.memory_space<semaphore_mem>>)
      %dma_wait3A_265 = tpu.memref_slice %arg7[%min3A_148] : memref<500000xi32, #tpu.memory_space<hbm>> -> memref<2048xi32, #tpu.memory_space<hbm>>
      %dma_wait3A_266 = tpu.memref_slice %arg7[%min3A_148] : memref<500000xi32, #tpu.memory_space<hbm>> -> memref<2048xi32, #tpu.memory_space<hbm>>
      tpu.wait_dma2 semaphore(%run_scoped3A : memref<!tpu.dma_semaphore, #tpu.memory_space<semaphore_mem>>) src(%dma_wait3A_266 : memref<2048xi32, #tpu.memory_space<hbm>>) dst(%arg14 : memref<2048xi32, #tpu.memory_space<vmem>>)
      tpu.yield
    }) : () -> ()
    "tpu.region"() ({
      %run_scoped3A = tpu.sem_alloc : memref<!tpu.dma_semaphore, #tpu.memory_space<semaphore_mem>>
      %dma_start3A_263 = tpu.memref_slice %arg8[%min3A_148] : memref<500000xi32, #tpu.memory_space<hbm>> -> memref<2048xi32, #tpu.memory_space<hbm>>
      %dma_start3A_264 = tpu.memref_slice %arg8[%min3A_148] : memref<500000xi32, #tpu.memory_space<hbm>> -> memref<2048xi32, #tpu.memory_space<hbm>>
      tpu.enqueue_dma source(%dma_start3A_264 : memref<2048xi32, #tpu.memory_space<hbm>>) target(%arg16 : memref<2048xi32, #tpu.memory_space<vmem>>) target_semaphore(%run_scoped3A : memref<!tpu.dma_semaphore, #tpu.memory_space<semaphore_mem>>)
      %dma_wait3A_265 = tpu.memref_slice %arg8[%min3A_148] : memref<500000xi32, #tpu.memory_space<hbm>> -> memref<2048xi32, #tpu.memory_space<hbm>>
      %dma_wait3A_266 = tpu.memref_slice %arg8[%min3A_148] : memref<500000xi32, #tpu.memory_space<hbm>> -> memref<2048xi32, #tpu.memory_space<hbm>>
      tpu.wait_dma2 semaphore(%run_scoped3A : memref<!tpu.dma_semaphore, #tpu.memory_space<semaphore_mem>>) src(%dma_wait3A_266 : memref<2048xi32, #tpu.memory_space<hbm>>) dst(%arg16 : memref<2048xi32, #tpu.memory_space<vmem>>)
      tpu.yield
    }) : () -> ()
    %scan3A_149 = arith.constant 0 : i32
    %scan3A_150 = arith.constant 0 : i32
    %scan3A_151 = arith.constant 128 : i32
    %scan3A_152 = arith.addi %scan3A_150, %scan3A_151 : i32
    %scan3A_153 = arith.constant 4 : i32
    %scan3A_154 = scf.for %scan3A_263 = %scan3A_150 to %scan3A_152 step %scan3A_153 iter_args(%scan3A_264 = %scan3A_149) -> (i32)  : i32 {
      %mul3A_265 = arith.constant 16 : i32
      %mul3A_266 = arith.muli %scan3A_263, %mul3A_265 : i32
      %get3A = arith.index_cast %mul3A_266 : i32 to index
      %get3A_267 = tpu.vector_load %arg11[%get3A] {strides = array<i32>} : memref<2048xi32, #tpu.memory_space<vmem>>, vector<16xi32>,
      %mul3A_268 = arith.constant 2097152 : i32
      %mul3A_269 = vector.broadcast %mul3A_268 : i32 to vector<16xi32>
      %mul3A_270 = arith.muli %get3A_267, %mul3A_269 : vector<16xi32>
      %get3A_271 = arith.index_cast %mul3A_266 : i32 to index
      %get3A_272 = tpu.vector_load %arg12[%get3A_271] {strides = array<i32>} : memref<2048xi32, #tpu.memory_space<vmem>>, vector<16xi32>,
      %mul3A_273 = arith.constant 524288 : i32
      %mul3A_274 = vector.broadcast %mul3A_273 : i32 to vector<16xi32>
      %mul3A_275 = arith.muli %get3A_272, %mul3A_274 : vector<16xi32>
      %add3A_276 = arith.addi %mul3A_270, %mul3A_275 : vector<16xi32>
      %get3A_277 = arith.index_cast %mul3A_266 : i32 to index
      %get3A_278 = tpu.vector_load %arg13[%get3A_277] {strides = array<i32>} : memref<2048xi32, #tpu.memory_space<vmem>>, vector<16xi32>,
      %mul3A_279 = arith.constant 512 : i32
      %mul3A_280 = vector.broadcast %mul3A_279 : i32 to vector<16xi32>
      %mul3A_281 = arith.muli %get3A_278, %mul3A_280 : vector<16xi32>
      %add3A_282 = arith.addi %add3A_276, %mul3A_281 : vector<16xi32>
      %get3A_283 = arith.index_cast %mul3A_266 : i32 to index
      %get3A_284 = tpu.vector_load %arg14[%get3A_283] {strides = array<i32>} : memref<2048xi32, #tpu.memory_space<vmem>>, vector<16xi32>,
      %add3A_285 = arith.addi %add3A_282, %get3A_284 : vector<16xi32>
      %swap3A_286 = arith.index_cast %mul3A_266 : i32 to index
      %swap3A_287 = tpu.vector_load %arg18[%swap3A_286] {strides = array<i32>} : memref<2048xi32, #tpu.memory_space<vmem>>, vector<16xi32>,
      tpu.vector_store %arg18[%swap3A_286], %add3A_285 {strides = array<i32>} : memref<2048xi32, #tpu.memory_space<vmem>>, vector<16xi32>,
      %add3A_288 = arith.constant 262144 : i32
      %add3A_289 = vector.broadcast %add3A_288 : i32 to vector<16xi32>
      %add3A_290 = arith.addi %add3A_285, %add3A_289 : vector<16xi32>
      %swap3A_291 = arith.index_cast %mul3A_266 : i32 to index
      %swap3A_292 = tpu.vector_load %arg20[%swap3A_291] {strides = array<i32>} : memref<2048xi32, #tpu.memory_space<vmem>>, vector<16xi32>,
      tpu.vector_store %arg20[%swap3A_291], %add3A_290 {strides = array<i32>} : memref<2048xi32, #tpu.memory_space<vmem>>, vector<16xi32>,
      %scan3A_293 = arith.constant 0 : i32
      %scan3A_294 = arith.constant 1 : i32
      %scan3A_295 = arith.addi %scan3A_263, %scan3A_294 : i32
      %mul3A_296 = arith.constant 16 : i32
      %mul3A_297 = arith.muli %scan3A_295, %mul3A_296 : i32
      %get3A_298 = arith.index_cast %mul3A_297 : i32 to index
      %get3A_299 = tpu.vector_load %arg11[%get3A_298] {strides = array<i32>} : memref<2048xi32, #tpu.memory_space<vmem>>, vector<16xi32>,
      %mul3A_300 = arith.constant 2097152 : i32
      %mul3A_301 = vector.broadcast %mul3A_300 : i32 to vector<16xi32>
      %mul3A_302 = arith.muli %get3A_299, %mul3A_301 : vector<16xi32>
      %get3A_303 = arith.index_cast %mul3A_297 : i32 to index
      %get3A_304 = tpu.vector_load %arg12[%get3A_303] {strides = array<i32>} : memref<2048xi32, #tpu.memory_space<vmem>>, vector<16xi32>,
      %mul3A_305 = arith.constant 524288 : i32
      %mul3A_306 = vector.broadcast %mul3A_305 : i32 to vector<16xi32>
      %mul3A_307 = arith.muli %get3A_304, %mul3A_306 : vector<16xi32>
      %add3A_308 = arith.addi %mul3A_302, %mul3A_307 : vector<16xi32>
      %get3A_309 = arith.index_cast %mul3A_297 : i32 to index
      %get3A_310 = tpu.vector_load %arg13[%get3A_309] {strides = array<i32>} : memref<2048xi32, #tpu.memory_space<vmem>>, vector<16xi32>,
      %mul3A_311 = arith.constant 512 : i32
      %mul3A_312 = vector.broadcast %mul3A_311 : i32 to vector<16xi32>
      %mul3A_313 = arith.muli %get3A_310, %mul3A_312 : vector<16xi32>
      %add3A_314 = arith.addi %add3A_308, %mul3A_313 : vector<16xi32>
      %get3A_315 = arith.index_cast %mul3A_297 : i32 to index
      %get3A_316 = tpu.vector_load %arg14[%get3A_315] {strides = array<i32>} : memref<2048xi32, #tpu.memory_space<vmem>>, vector<16xi32>,
      %add3A_317 = arith.addi %add3A_314, %get3A_316 : vector<16xi32>
      %swap3A_318 = arith.index_cast %mul3A_297 : i32 to index
      %swap3A_319 = tpu.vector_load %arg18[%swap3A_318] {strides = array<i32>} : memref<2048xi32, #tpu.memory_space<vmem>>, vector<16xi32>,
      tpu.vector_store %arg18[%swap3A_318], %add3A_317 {strides = array<i32>} : memref<2048xi32, #tpu.memory_space<vmem>>, vector<16xi32>,
      %add3A_320 = arith.constant 262144 : i32
      %add3A_321 = vector.broadcast %add3A_320 : i32 to vector<16xi32>
      %add3A_322 = arith.addi %add3A_317, %add3A_321 : vector<16xi32>
      %swap3A_323 = arith.index_cast %mul3A_297 : i32 to index
      %swap3A_324 = tpu.vector_load %arg20[%swap3A_323] {strides = array<i32>} : memref<2048xi32, #tpu.memory_space<vmem>>, vector<16xi32>,
      tpu.vector_store %arg20[%swap3A_323], %add3A_322 {strides = array<i32>} : memref<2048xi32, #tpu.memory_space<vmem>>, vector<16xi32>,
      %scan3A_325 = arith.constant 0 : i32
      %scan3A_326 = arith.constant 2 : i32
      %scan3A_327 = arith.addi %scan3A_263, %scan3A_326 : i32
      %mul3A_328 = arith.constant 16 : i32
      %mul3A_329 = arith.muli %scan3A_327, %mul3A_328 : i32
      %get3A_330 = arith.index_cast %mul3A_329 : i32 to index
      %get3A_331 = tpu.vector_load %arg11[%get3A_330] {strides = array<i32>} : memref<2048xi32, #tpu.memory_space<vmem>>, vector<16xi32>,
      %mul3A_332 = arith.constant 2097152 : i32
      %mul3A_333 = vector.broadcast %mul3A_332 : i32 to vector<16xi32>
      %mul3A_334 = arith.muli %get3A_331, %mul3A_333 : vector<16xi32>
      %get3A_335 = arith.index_cast %mul3A_329 : i32 to index
      %get3A_336 = tpu.vector_load %arg12[%get3A_335] {strides = array<i32>} : memref<2048xi32, #tpu.memory_space<vmem>>, vector<16xi32>,
      %mul3A_337 = arith.constant 524288 : i32
      %mul3A_338 = vector.broadcast %mul3A_337 : i32 to vector<16xi32>
      %mul3A_339 = arith.muli %get3A_336, %mul3A_338 : vector<16xi32>
      %add3A_340 = arith.addi %mul3A_334, %mul3A_339 : vector<16xi32>
      %get3A_341 = arith.index_cast %mul3A_329 : i32 to index
      %get3A_342 = tpu.vector_load %arg13[%get3A_341] {strides = array<i32>} : memref<2048xi32, #tpu.memory_space<vmem>>, vector<16xi32>,
      %mul3A_343 = arith.constant 512 : i32
      %mul3A_344 = vector.broadcast %mul3A_343 : i32 to vector<16xi32>
      %mul3A_345 = arith.muli %get3A_342, %mul3A_344 : vector<16xi32>
      %add3A_346 = arith.addi %add3A_340, %mul3A_345 : vector<16xi32>
      %get3A_347 = arith.index_cast %mul3A_329 : i32 to index
      %get3A_348 = tpu.vector_load %arg14[%get3A_347] {strides = array<i32>} : memref<2048xi32, #tpu.memory_space<vmem>>, vector<16xi32>,
      %add3A_349 = arith.addi %add3A_346, %get3A_348 : vector<16xi32>
      %swap3A_350 = arith.index_cast %mul3A_329 : i32 to index
      %swap3A_351 = tpu.vector_load %arg18[%swap3A_350] {strides = array<i32>} : memref<2048xi32, #tpu.memory_space<vmem>>, vector<16xi32>,
      tpu.vector_store %arg18[%swap3A_350], %add3A_349 {strides = array<i32>} : memref<2048xi32, #tpu.memory_space<vmem>>, vector<16xi32>,
      %add3A_352 = arith.constant 262144 : i32
      %add3A_353 = vector.broadcast %add3A_352 : i32 to vector<16xi32>
      %add3A_354 = arith.addi %add3A_349, %add3A_353 : vector<16xi32>
      %swap3A_355 = arith.index_cast %mul3A_329 : i32 to index
      %swap3A_356 = tpu.vector_load %arg20[%swap3A_355] {strides = array<i32>} : memref<2048xi32, #tpu.memory_space<vmem>>, vector<16xi32>,
      tpu.vector_store %arg20[%swap3A_355], %add3A_354 {strides = array<i32>} : memref<2048xi32, #tpu.memory_space<vmem>>, vector<16xi32>,
      %scan3A_357 = arith.constant 0 : i32
      %scan3A_358 = arith.constant 3 : i32
      %scan3A_359 = arith.addi %scan3A_263, %scan3A_358 : i32
      %mul3A_360 = arith.constant 16 : i32
      %mul3A_361 = arith.muli %scan3A_359, %mul3A_360 : i32
      %get3A_362 = arith.index_cast %mul3A_361 : i32 to index
      %get3A_363 = tpu.vector_load %arg11[%get3A_362] {strides = array<i32>} : memref<2048xi32, #tpu.memory_space<vmem>>, vector<16xi32>,
      %mul3A_364 = arith.constant 2097152 : i32
      %mul3A_365 = vector.broadcast %mul3A_364 : i32 to vector<16xi32>
      %mul3A_366 = arith.muli %get3A_363, %mul3A_365 : vector<16xi32>
      %get3A_367 = arith.index_cast %mul3A_361 : i32 to index
      %get3A_368 = tpu.vector_load %arg12[%get3A_367] {strides = array<i32>} : memref<2048xi32, #tpu.memory_space<vmem>>, vector<16xi32>,
      %mul3A_369 = arith.constant 524288 : i32
      %mul3A_370 = vector.broadcast %mul3A_369 : i32 to vector<16xi32>
      %mul3A_371 = arith.muli %get3A_368, %mul3A_370 : vector<16xi32>
      %add3A_372 = arith.addi %mul3A_366, %mul3A_371 : vector<16xi32>
      %get3A_373 = arith.index_cast %mul3A_361 : i32 to index
      %get3A_374 = tpu.vector_load %arg13[%get3A_373] {strides = array<i32>} : memref<2048xi32, #tpu.memory_space<vmem>>, vector<16xi32>,
      %mul3A_375 = arith.constant 512 : i32
      %mul3A_376 = vector.broadcast %mul3A_375 : i32 to vector<16xi32>
      %mul3A_377 = arith.muli %get3A_374, %mul3A_376 : vector<16xi32>
      %add3A_378 = arith.addi %add3A_372, %mul3A_377 : vector<16xi32>
      %get3A_379 = arith.index_cast %mul3A_361 : i32 to index
      %get3A_380 = tpu.vector_load %arg14[%get3A_379] {strides = array<i32>} : memref<2048xi32, #tpu.memory_space<vmem>>, vector<16xi32>,
      %add3A_381 = arith.addi %add3A_378, %get3A_380 : vector<16xi32>
      %swap3A_382 = arith.index_cast %mul3A_361 : i32 to index
      %swap3A_383 = tpu.vector_load %arg18[%swap3A_382] {strides = array<i32>} : memref<2048xi32, #tpu.memory_space<vmem>>, vector<16xi32>,
      tpu.vector_store %arg18[%swap3A_382], %add3A_381 {strides = array<i32>} : memref<2048xi32, #tpu.memory_space<vmem>>, vector<16xi32>,
      %add3A_384 = arith.constant 262144 : i32
      %add3A_385 = vector.broadcast %add3A_384 : i32 to vector<16xi32>
      %add3A_386 = arith.addi %add3A_381, %add3A_385 : vector<16xi32>
      %swap3A_387 = arith.index_cast %mul3A_361 : i32 to index
      %swap3A_388 = tpu.vector_load %arg20[%swap3A_387] {strides = array<i32>} : memref<2048xi32, #tpu.memory_space<vmem>>, vector<16xi32>,
      tpu.vector_store %arg20[%swap3A_387], %add3A_386 {strides = array<i32>} : memref<2048xi32, #tpu.memory_space<vmem>>, vector<16xi32>,
      %scan3A_389 = arith.constant 0 : i32
      scf.yield %scan3A_389 : i32
    }
    %scan3A_155 = arith.constant 128 : i32
    %dma_start3A_156 = arith.constant 0 : i32
    %dma_start3A_157 = tpu.memref_slice %arg2[%dma_start3A_156] : memref<33554432xf32, #tpu.memory_space<hbm>> -> memref<33554432xf32, #tpu.memory_space<hbm>>
    tpu.enqueue_indirect_dma source(%dma_start3A_157 : memref<33554432xf32, #tpu.memory_space<hbm>>) target(%arg22 : memref<2048xf32, #tpu.memory_space<vmem>>) offsets(%arg18 : memref<2048xi32, #tpu.memory_space<vmem>>) semaphore(%arg27 : memref<!tpu.dma_semaphore, #tpu.memory_space<semaphore_mem>>)
    %dma_start3A_158 = arith.constant 0 : i32
    %dma_start3A_159 = tpu.memref_slice %arg2[%dma_start3A_158] : memref<33554432xf32, #tpu.memory_space<hbm>> -> memref<33554432xf32, #tpu.memory_space<hbm>>
    tpu.enqueue_indirect_dma source(%dma_start3A_159 : memref<33554432xf32, #tpu.memory_space<hbm>>) target(%arg24 : memref<2048xf32, #tpu.memory_space<vmem>>) offsets(%arg20 : memref<2048xi32, #tpu.memory_space<vmem>>) semaphore(%arg27 : memref<!tpu.dma_semaphore, #tpu.memory_space<semaphore_mem>>)
    %add3A_160 = arith.constant 8192 : i32
    %add3A_161 = arith.addi %mul3A_2, %add3A_160 : i32
    %min3A_162 = arith.constant 497952 : i32
    %min3A_163 = arith.minsi %add3A_161, %min3A_162 : i32
    %dma_wait3A_164 = arith.constant 0 : i32
    %dma_wait3A_165 = tpu.memref_slice %arg2[%dma_wait3A_164] : memref<33554432xf32, #tpu.memory_space<hbm>> -> memref<33554432xf32, #tpu.memory_space<hbm>>
    tpu.wait_indirect_dma semaphore(%arg26 : memref<!tpu.dma_semaphore, #tpu.memory_space<semaphore_mem>>) src(%dma_wait3A_165 : memref<33554432xf32, #tpu.memory_space<hbm>>) dst(%arg21 : memref<2048xf32, #tpu.memory_space<vmem>>)
    %dma_wait3A_166 = arith.constant 0 : i32
    %dma_wait3A_167 = tpu.memref_slice %arg2[%dma_wait3A_166] : memref<33554432xf32, #tpu.memory_space<hbm>> -> memref<33554432xf32, #tpu.memory_space<hbm>>
    tpu.wait_indirect_dma semaphore(%arg26 : memref<!tpu.dma_semaphore, #tpu.memory_space<semaphore_mem>>) src(%dma_wait3A_167 : memref<33554432xf32, #tpu.memory_space<hbm>>) dst(%arg23 : memref<2048xf32, #tpu.memory_space<vmem>>)
    %iota3A_168 = tpu.iota {dimensions = array<i32: 0>} : vector<16xi32>
    %sub3A_169 = arith.subi %min3A_163, %add3A_161 : i32
    %add3A_170 = vector.broadcast %sub3A_169 : i32 to vector<16xi32>
    %add3A_171 = arith.addi %iota3A_168, %add3A_170 : vector<16xi32>
    %scan3A_172 = arith.constant 0 : i32
    %scan3A_173 = arith.constant 128 : i32
    %scan3A_174 = arith.addi %scan3A_172, %scan3A_173 : i32
    %scan3A_175 = arith.constant 4 : i32
    %scan3A_176 = scf.for %scan3A_263 = %scan3A_172 to %scan3A_174 step %scan3A_175 iter_args(%scan3A_264 = %scan3A_143) -> (vector<16xf32>)  : i32 {
      %mul3A_265 = arith.constant 16 : i32
      %mul3A_266 = arith.muli %scan3A_263, %mul3A_265 : i32
      %get3A = arith.index_cast %mul3A_266 : i32 to index
      %get3A_267 = tpu.vector_load %arg15[%get3A] {strides = array<i32>} : memref<2048xi32, #tpu.memory_space<vmem>>, vector<16xi32>,
      %mul3A_268 = arith.constant 2 : i32
      %mul3A_269 = vector.broadcast %mul3A_268 : i32 to vector<16xi32>
      %mul3A_270 = arith.muli %get3A_267, %mul3A_269 : vector<16xi32>
      %gather3A = tpu.vector_load_idx %arg10[%mul3A_270] : memref<100000xf32, #tpu.memory_space<vmem>>[vector<16xi32>], vector<16xf32>,
      %add3A_271 = arith.constant 1 : i32
      %add3A_272 = vector.broadcast %add3A_271 : i32 to vector<16xi32>
      %add3A_273 = arith.addi %mul3A_270, %add3A_272 : vector<16xi32>
      %gather3A_274 = tpu.vector_load_idx %arg10[%add3A_273] : memref<100000xf32, #tpu.memory_space<vmem>>[vector<16xi32>], vector<16xf32>,
      %get3A_275 = arith.index_cast %mul3A_266 : i32 to index
      %get3A_276 = tpu.vector_load %arg21[%get3A_275] {strides = array<i32>} : memref<2048xf32, #tpu.memory_space<vmem>>, vector<16xf32>,
      %sub3A_277 = arith.subf %get3A_276, %gather3A : vector<16xf32>
      %get3A_278 = arith.index_cast %mul3A_266 : i32 to index
      %get3A_279 = tpu.vector_load %arg23[%get3A_278] {strides = array<i32>} : memref<2048xf32, #tpu.memory_space<vmem>>, vector<16xf32>,
      %sub3A_280 = arith.subf %get3A_279, %gather3A_274 : vector<16xf32>
      %mul3A_281 = arith.mulf %sub3A_277, %sub3A_277 : vector<16xf32>
      %mul3A_282 = arith.mulf %sub3A_280, %sub3A_280 : vector<16xf32>
      %add3A_283 = arith.addf %mul3A_281, %mul3A_282 : vector<16xf32>
      %mul3A_284 = arith.constant 16 : i32
      %mul3A_285 = arith.muli %scan3A_263, %mul3A_284 : i32
      %add3A_286 = vector.broadcast %mul3A_285 : i32 to vector<16xi32>
      %add3A_287 = arith.addi %add3A_171, %add3A_286 : vector<16xi32>
      %ge3A = arith.constant 0 : i32
      %ge3A_288 = vector.broadcast %ge3A : i32 to vector<16xi32>
      %ge3A_289 = arith.cmpi sge, %add3A_287, %ge3A_288 : vector<16xi32>
      %jit3A = arith.constant 0.000000e+00 : f32
      %broadcast_in_dim3A_290 = vector.broadcast %jit3A : f32 to vector<16xf32>
      %select_n3A = arith.select %ge3A_289, %add3A_283, %broadcast_in_dim3A_290 : vector<16xi1>, vector<16xf32>
      %add3A_291 = arith.addf %scan3A_264, %select_n3A : vector<16xf32>
      %scan3A_292 = arith.constant 1 : i32
      %scan3A_293 = arith.addi %scan3A_263, %scan3A_292 : i32
      %mul3A_294 = arith.constant 16 : i32
      %mul3A_295 = arith.muli %scan3A_293, %mul3A_294 : i32
      %get3A_296 = arith.index_cast %mul3A_295 : i32 to index
      %get3A_297 = tpu.vector_load %arg15[%get3A_296] {strides = array<i32>} : memref<2048xi32, #tpu.memory_space<vmem>>, vector<16xi32>,
      %mul3A_298 = arith.constant 2 : i32
      %mul3A_299 = vector.broadcast %mul3A_298 : i32 to vector<16xi32>
      %mul3A_300 = arith.muli %get3A_297, %mul3A_299 : vector<16xi32>
      %gather3A_301 = tpu.vector_load_idx %arg10[%mul3A_300] : memref<100000xf32, #tpu.memory_space<vmem>>[vector<16xi32>], vector<16xf32>,
      %add3A_302 = arith.constant 1 : i32
      %add3A_303 = vector.broadcast %add3A_302 : i32 to vector<16xi32>
      %add3A_304 = arith.addi %mul3A_300, %add3A_303 : vector<16xi32>
      %gather3A_305 = tpu.vector_load_idx %arg10[%add3A_304] : memref<100000xf32, #tpu.memory_space<vmem>>[vector<16xi32>], vector<16xf32>,
      %get3A_306 = arith.index_cast %mul3A_295 : i32 to index
      %get3A_307 = tpu.vector_load %arg21[%get3A_306] {strides = array<i32>} : memref<2048xf32, #tpu.memory_space<vmem>>, vector<16xf32>,
      %sub3A_308 = arith.subf %get3A_307, %gather3A_301 : vector<16xf32>
      %get3A_309 = arith.index_cast %mul3A_295 : i32 to index
      %get3A_310 = tpu.vector_load %arg23[%get3A_309] {strides = array<i32>} : memref<2048xf32, #tpu.memory_space<vmem>>, vector<16xf32>,
      %sub3A_311 = arith.subf %get3A_310, %gather3A_305 : vector<16xf32>
      %mul3A_312 = arith.mulf %sub3A_308, %sub3A_308 : vector<16xf32>
      %mul3A_313 = arith.mulf %sub3A_311, %sub3A_311 : vector<16xf32>
      %add3A_314 = arith.addf %mul3A_312, %mul3A_313 : vector<16xf32>
      %mul3A_315 = arith.constant 16 : i32
      %mul3A_316 = arith.muli %scan3A_293, %mul3A_315 : i32
      %add3A_317 = vector.broadcast %mul3A_316 : i32 to vector<16xi32>
      %add3A_318 = arith.addi %add3A_171, %add3A_317 : vector<16xi32>
      %ge3A_319 = arith.constant 0 : i32
      %ge3A_320 = vector.broadcast %ge3A_319 : i32 to vector<16xi32>
      %ge3A_321 = arith.cmpi sge, %add3A_318, %ge3A_320 : vector<16xi32>
      %jit3A_322 = arith.constant 0.000000e+00 : f32
      %broadcast_in_dim3A_323 = vector.broadcast %jit3A_322 : f32 to vector<16xf32>
      %select_n3A_324 = arith.select %ge3A_321, %add3A_314, %broadcast_in_dim3A_323 : vector<16xi1>, vector<16xf32>
      %add3A_325 = arith.addf %add3A_291, %select_n3A_324 : vector<16xf32>
      %scan3A_326 = arith.constant 2 : i32
      %scan3A_327 = arith.addi %scan3A_263, %scan3A_326 : i32
      %mul3A_328 = arith.constant 16 : i32
      %mul3A_329 = arith.muli %scan3A_327, %mul3A_328 : i32
      %get3A_330 = arith.index_cast %mul3A_329 : i32 to index
      %get3A_331 = tpu.vector_load %arg15[%get3A_330] {strides = array<i32>} : memref<2048xi32, #tpu.memory_space<vmem>>, vector<16xi32>,
      %mul3A_332 = arith.constant 2 : i32
      %mul3A_333 = vector.broadcast %mul3A_332 : i32 to vector<16xi32>
      %mul3A_334 = arith.muli %get3A_331, %mul3A_333 : vector<16xi32>
      %gather3A_335 = tpu.vector_load_idx %arg10[%mul3A_334] : memref<100000xf32, #tpu.memory_space<vmem>>[vector<16xi32>], vector<16xf32>,
      %add3A_336 = arith.constant 1 : i32
      %add3A_337 = vector.broadcast %add3A_336 : i32 to vector<16xi32>
      %add3A_338 = arith.addi %mul3A_334, %add3A_337 : vector<16xi32>
      %gather3A_339 = tpu.vector_load_idx %arg10[%add3A_338] : memref<100000xf32, #tpu.memory_space<vmem>>[vector<16xi32>], vector<16xf32>,
      %get3A_340 = arith.index_cast %mul3A_329 : i32 to index
      %get3A_341 = tpu.vector_load %arg21[%get3A_340] {strides = array<i32>} : memref<2048xf32, #tpu.memory_space<vmem>>, vector<16xf32>,
      %sub3A_342 = arith.subf %get3A_341, %gather3A_335 : vector<16xf32>
      %get3A_343 = arith.index_cast %mul3A_329 : i32 to index
      %get3A_344 = tpu.vector_load %arg23[%get3A_343] {strides = array<i32>} : memref<2048xf32, #tpu.memory_space<vmem>>, vector<16xf32>,
      %sub3A_345 = arith.subf %get3A_344, %gather3A_339 : vector<16xf32>
      %mul3A_346 = arith.mulf %sub3A_342, %sub3A_342 : vector<16xf32>
      %mul3A_347 = arith.mulf %sub3A_345, %sub3A_345 : vector<16xf32>
      %add3A_348 = arith.addf %mul3A_346, %mul3A_347 : vector<16xf32>
      %mul3A_349 = arith.constant 16 : i32
      %mul3A_350 = arith.muli %scan3A_327, %mul3A_349 : i32
      %add3A_351 = vector.broadcast %mul3A_350 : i32 to vector<16xi32>
      %add3A_352 = arith.addi %add3A_171, %add3A_351 : vector<16xi32>
      %ge3A_353 = arith.constant 0 : i32
      %ge3A_354 = vector.broadcast %ge3A_353 : i32 to vector<16xi32>
      %ge3A_355 = arith.cmpi sge, %add3A_352, %ge3A_354 : vector<16xi32>
      %jit3A_356 = arith.constant 0.000000e+00 : f32
      %broadcast_in_dim3A_357 = vector.broadcast %jit3A_356 : f32 to vector<16xf32>
      %select_n3A_358 = arith.select %ge3A_355, %add3A_348, %broadcast_in_dim3A_357 : vector<16xi1>, vector<16xf32>
      %add3A_359 = arith.addf %add3A_325, %select_n3A_358 : vector<16xf32>
      %scan3A_360 = arith.constant 3 : i32
      %scan3A_361 = arith.addi %scan3A_263, %scan3A_360 : i32
      %mul3A_362 = arith.constant 16 : i32
      %mul3A_363 = arith.muli %scan3A_361, %mul3A_362 : i32
      %get3A_364 = arith.index_cast %mul3A_363 : i32 to index
      %get3A_365 = tpu.vector_load %arg15[%get3A_364] {strides = array<i32>} : memref<2048xi32, #tpu.memory_space<vmem>>, vector<16xi32>,
      %mul3A_366 = arith.constant 2 : i32
      %mul3A_367 = vector.broadcast %mul3A_366 : i32 to vector<16xi32>
      %mul3A_368 = arith.muli %get3A_365, %mul3A_367 : vector<16xi32>
      %gather3A_369 = tpu.vector_load_idx %arg10[%mul3A_368] : memref<100000xf32, #tpu.memory_space<vmem>>[vector<16xi32>], vector<16xf32>,
      %add3A_370 = arith.constant 1 : i32
      %add3A_371 = vector.broadcast %add3A_370 : i32 to vector<16xi32>
      %add3A_372 = arith.addi %mul3A_368, %add3A_371 : vector<16xi32>
      %gather3A_373 = tpu.vector_load_idx %arg10[%add3A_372] : memref<100000xf32, #tpu.memory_space<vmem>>[vector<16xi32>], vector<16xf32>,
      %get3A_374 = arith.index_cast %mul3A_363 : i32 to index
      %get3A_375 = tpu.vector_load %arg21[%get3A_374] {strides = array<i32>} : memref<2048xf32, #tpu.memory_space<vmem>>, vector<16xf32>,
      %sub3A_376 = arith.subf %get3A_375, %gather3A_369 : vector<16xf32>
      %get3A_377 = arith.index_cast %mul3A_363 : i32 to index
      %get3A_378 = tpu.vector_load %arg23[%get3A_377] {strides = array<i32>} : memref<2048xf32, #tpu.memory_space<vmem>>, vector<16xf32>,
      %sub3A_379 = arith.subf %get3A_378, %gather3A_373 : vector<16xf32>
      %mul3A_380 = arith.mulf %sub3A_376, %sub3A_376 : vector<16xf32>
      %mul3A_381 = arith.mulf %sub3A_379, %sub3A_379 : vector<16xf32>
      %add3A_382 = arith.addf %mul3A_380, %mul3A_381 : vector<16xf32>
      %mul3A_383 = arith.constant 16 : i32
      %mul3A_384 = arith.muli %scan3A_361, %mul3A_383 : i32
      %add3A_385 = vector.broadcast %mul3A_384 : i32 to vector<16xi32>
      %add3A_386 = arith.addi %add3A_171, %add3A_385 : vector<16xi32>
      %ge3A_387 = arith.constant 0 : i32
      %ge3A_388 = vector.broadcast %ge3A_387 : i32 to vector<16xi32>
      %ge3A_389 = arith.cmpi sge, %add3A_386, %ge3A_388 : vector<16xi32>
      %jit3A_390 = arith.constant 0.000000e+00 : f32
      %broadcast_in_dim3A_391 = vector.broadcast %jit3A_390 : f32 to vector<16xf32>
      %select_n3A_392 = arith.select %ge3A_389, %add3A_382, %broadcast_in_dim3A_391 : vector<16xi1>, vector<16xf32>
      %add3A_393 = arith.addf %add3A_359, %select_n3A_392 : vector<16xf32>
      scf.yield %add3A_393 : vector<16xf32>
    }
    %scan3A_177 = arith.constant 128 : i32
    %add3A_178 = arith.constant 12288 : i32
    %add3A_179 = arith.addi %mul3A_2, %add3A_178 : i32
    %min3A_180 = arith.constant 497952 : i32
    %min3A_181 = arith.minsi %add3A_179, %min3A_180 : i32
    "tpu.region"() ({
      %run_scoped3A = tpu.sem_alloc : memref<!tpu.dma_semaphore, #tpu.memory_space<semaphore_mem>>
      %dma_start3A_263 = tpu.memref_slice %arg4[%min3A_181] : memref<500000xi32, #tpu.memory_space<hbm>> -> memref<2048xi32, #tpu.memory_space<hbm>>
      %dma_start3A_264 = tpu.memref_slice %arg4[%min3A_181] : memref<500000xi32, #tpu.memory_space<hbm>> -> memref<2048xi32, #tpu.memory_space<hbm>>
      tpu.enqueue_dma source(%dma_start3A_264 : memref<2048xi32, #tpu.memory_space<hbm>>) target(%arg11 : memref<2048xi32, #tpu.memory_space<vmem>>) target_semaphore(%run_scoped3A : memref<!tpu.dma_semaphore, #tpu.memory_space<semaphore_mem>>)
      %dma_wait3A_265 = tpu.memref_slice %arg4[%min3A_181] : memref<500000xi32, #tpu.memory_space<hbm>> -> memref<2048xi32, #tpu.memory_space<hbm>>
      %dma_wait3A_266 = tpu.memref_slice %arg4[%min3A_181] : memref<500000xi32, #tpu.memory_space<hbm>> -> memref<2048xi32, #tpu.memory_space<hbm>>
      tpu.wait_dma2 semaphore(%run_scoped3A : memref<!tpu.dma_semaphore, #tpu.memory_space<semaphore_mem>>) src(%dma_wait3A_266 : memref<2048xi32, #tpu.memory_space<hbm>>) dst(%arg11 : memref<2048xi32, #tpu.memory_space<vmem>>)
      tpu.yield
    }) : () -> ()
    "tpu.region"() ({
      %run_scoped3A = tpu.sem_alloc : memref<!tpu.dma_semaphore, #tpu.memory_space<semaphore_mem>>
      %dma_start3A_263 = tpu.memref_slice %arg5[%min3A_181] : memref<500000xi32, #tpu.memory_space<hbm>> -> memref<2048xi32, #tpu.memory_space<hbm>>
      %dma_start3A_264 = tpu.memref_slice %arg5[%min3A_181] : memref<500000xi32, #tpu.memory_space<hbm>> -> memref<2048xi32, #tpu.memory_space<hbm>>
      tpu.enqueue_dma source(%dma_start3A_264 : memref<2048xi32, #tpu.memory_space<hbm>>) target(%arg12 : memref<2048xi32, #tpu.memory_space<vmem>>) target_semaphore(%run_scoped3A : memref<!tpu.dma_semaphore, #tpu.memory_space<semaphore_mem>>)
      %dma_wait3A_265 = tpu.memref_slice %arg5[%min3A_181] : memref<500000xi32, #tpu.memory_space<hbm>> -> memref<2048xi32, #tpu.memory_space<hbm>>
      %dma_wait3A_266 = tpu.memref_slice %arg5[%min3A_181] : memref<500000xi32, #tpu.memory_space<hbm>> -> memref<2048xi32, #tpu.memory_space<hbm>>
      tpu.wait_dma2 semaphore(%run_scoped3A : memref<!tpu.dma_semaphore, #tpu.memory_space<semaphore_mem>>) src(%dma_wait3A_266 : memref<2048xi32, #tpu.memory_space<hbm>>) dst(%arg12 : memref<2048xi32, #tpu.memory_space<vmem>>)
      tpu.yield
    }) : () -> ()
    "tpu.region"() ({
      %run_scoped3A = tpu.sem_alloc : memref<!tpu.dma_semaphore, #tpu.memory_space<semaphore_mem>>
      %dma_start3A_263 = tpu.memref_slice %arg6[%min3A_181] : memref<500000xi32, #tpu.memory_space<hbm>> -> memref<2048xi32, #tpu.memory_space<hbm>>
      %dma_start3A_264 = tpu.memref_slice %arg6[%min3A_181] : memref<500000xi32, #tpu.memory_space<hbm>> -> memref<2048xi32, #tpu.memory_space<hbm>>
      tpu.enqueue_dma source(%dma_start3A_264 : memref<2048xi32, #tpu.memory_space<hbm>>) target(%arg13 : memref<2048xi32, #tpu.memory_space<vmem>>) target_semaphore(%run_scoped3A : memref<!tpu.dma_semaphore, #tpu.memory_space<semaphore_mem>>)
      %dma_wait3A_265 = tpu.memref_slice %arg6[%min3A_181] : memref<500000xi32, #tpu.memory_space<hbm>> -> memref<2048xi32, #tpu.memory_space<hbm>>
      %dma_wait3A_266 = tpu.memref_slice %arg6[%min3A_181] : memref<500000xi32, #tpu.memory_space<hbm>> -> memref<2048xi32, #tpu.memory_space<hbm>>
      tpu.wait_dma2 semaphore(%run_scoped3A : memref<!tpu.dma_semaphore, #tpu.memory_space<semaphore_mem>>) src(%dma_wait3A_266 : memref<2048xi32, #tpu.memory_space<hbm>>) dst(%arg13 : memref<2048xi32, #tpu.memory_space<vmem>>)
      tpu.yield
    }) : () -> ()
    "tpu.region"() ({
      %run_scoped3A = tpu.sem_alloc : memref<!tpu.dma_semaphore, #tpu.memory_space<semaphore_mem>>
      %dma_start3A_263 = tpu.memref_slice %arg7[%min3A_181] : memref<500000xi32, #tpu.memory_space<hbm>> -> memref<2048xi32, #tpu.memory_space<hbm>>
      %dma_start3A_264 = tpu.memref_slice %arg7[%min3A_181] : memref<500000xi32, #tpu.memory_space<hbm>> -> memref<2048xi32, #tpu.memory_space<hbm>>
      tpu.enqueue_dma source(%dma_start3A_264 : memref<2048xi32, #tpu.memory_space<hbm>>) target(%arg14 : memref<2048xi32, #tpu.memory_space<vmem>>) target_semaphore(%run_scoped3A : memref<!tpu.dma_semaphore, #tpu.memory_space<semaphore_mem>>)
      %dma_wait3A_265 = tpu.memref_slice %arg7[%min3A_181] : memref<500000xi32, #tpu.memory_space<hbm>> -> memref<2048xi32, #tpu.memory_space<hbm>>
      %dma_wait3A_266 = tpu.memref_slice %arg7[%min3A_181] : memref<500000xi32, #tpu.memory_space<hbm>> -> memref<2048xi32, #tpu.memory_space<hbm>>
      tpu.wait_dma2 semaphore(%run_scoped3A : memref<!tpu.dma_semaphore, #tpu.memory_space<semaphore_mem>>) src(%dma_wait3A_266 : memref<2048xi32, #tpu.memory_space<hbm>>) dst(%arg14 : memref<2048xi32, #tpu.memory_space<vmem>>)
      tpu.yield
    }) : () -> ()
    "tpu.region"() ({
      %run_scoped3A = tpu.sem_alloc : memref<!tpu.dma_semaphore, #tpu.memory_space<semaphore_mem>>
      %dma_start3A_263 = tpu.memref_slice %arg8[%min3A_181] : memref<500000xi32, #tpu.memory_space<hbm>> -> memref<2048xi32, #tpu.memory_space<hbm>>
      %dma_start3A_264 = tpu.memref_slice %arg8[%min3A_181] : memref<500000xi32, #tpu.memory_space<hbm>> -> memref<2048xi32, #tpu.memory_space<hbm>>
      tpu.enqueue_dma source(%dma_start3A_264 : memref<2048xi32, #tpu.memory_space<hbm>>) target(%arg15 : memref<2048xi32, #tpu.memory_space<vmem>>) target_semaphore(%run_scoped3A : memref<!tpu.dma_semaphore, #tpu.memory_space<semaphore_mem>>)
      %dma_wait3A_265 = tpu.memref_slice %arg8[%min3A_181] : memref<500000xi32, #tpu.memory_space<hbm>> -> memref<2048xi32, #tpu.memory_space<hbm>>
      %dma_wait3A_266 = tpu.memref_slice %arg8[%min3A_181] : memref<500000xi32, #tpu.memory_space<hbm>> -> memref<2048xi32, #tpu.memory_space<hbm>>
      tpu.wait_dma2 semaphore(%run_scoped3A : memref<!tpu.dma_semaphore, #tpu.memory_space<semaphore_mem>>) src(%dma_wait3A_266 : memref<2048xi32, #tpu.memory_space<hbm>>) dst(%arg15 : memref<2048xi32, #tpu.memory_space<vmem>>)
      tpu.yield
    }) : () -> ()
    %scan3A_182 = arith.constant 0 : i32
    %scan3A_183 = arith.constant 0 : i32
    %scan3A_184 = arith.constant 128 : i32
    %scan3A_185 = arith.addi %scan3A_183, %scan3A_184 : i32
    %scan3A_186 = arith.constant 4 : i32
    %scan3A_187 = scf.for %scan3A_263 = %scan3A_183 to %scan3A_185 step %scan3A_186 iter_args(%scan3A_264 = %scan3A_182) -> (i32)  : i32 {
      %mul3A_265 = arith.constant 16 : i32
      %mul3A_266 = arith.muli %scan3A_263, %mul3A_265 : i32
      %get3A = arith.index_cast %mul3A_266 : i32 to index
      %get3A_267 = tpu.vector_load %arg11[%get3A] {strides = array<i32>} : memref<2048xi32, #tpu.memory_space<vmem>>, vector<16xi32>,
      %mul3A_268 = arith.constant 2097152 : i32
      %mul3A_269 = vector.broadcast %mul3A_268 : i32 to vector<16xi32>
      %mul3A_270 = arith.muli %get3A_267, %mul3A_269 : vector<16xi32>
      %get3A_271 = arith.index_cast %mul3A_266 : i32 to index
      %get3A_272 = tpu.vector_load %arg12[%get3A_271] {strides = array<i32>} : memref<2048xi32, #tpu.memory_space<vmem>>, vector<16xi32>,
      %mul3A_273 = arith.constant 524288 : i32
      %mul3A_274 = vector.broadcast %mul3A_273 : i32 to vector<16xi32>
      %mul3A_275 = arith.muli %get3A_272, %mul3A_274 : vector<16xi32>
      %add3A_276 = arith.addi %mul3A_270, %mul3A_275 : vector<16xi32>
      %get3A_277 = arith.index_cast %mul3A_266 : i32 to index
      %get3A_278 = tpu.vector_load %arg13[%get3A_277] {strides = array<i32>} : memref<2048xi32, #tpu.memory_space<vmem>>, vector<16xi32>,
      %mul3A_279 = arith.constant 512 : i32
      %mul3A_280 = vector.broadcast %mul3A_279 : i32 to vector<16xi32>
      %mul3A_281 = arith.muli %get3A_278, %mul3A_280 : vector<16xi32>
      %add3A_282 = arith.addi %add3A_276, %mul3A_281 : vector<16xi32>
      %get3A_283 = arith.index_cast %mul3A_266 : i32 to index
      %get3A_284 = tpu.vector_load %arg14[%get3A_283] {strides = array<i32>} : memref<2048xi32, #tpu.memory_space<vmem>>, vector<16xi32>,
      %add3A_285 = arith.addi %add3A_282, %get3A_284 : vector<16xi32>
      %swap3A_286 = arith.index_cast %mul3A_266 : i32 to index
      %swap3A_287 = tpu.vector_load %arg17[%swap3A_286] {strides = array<i32>} : memref<2048xi32, #tpu.memory_space<vmem>>, vector<16xi32>,
      tpu.vector_store %arg17[%swap3A_286], %add3A_285 {strides = array<i32>} : memref<2048xi32, #tpu.memory_space<vmem>>, vector<16xi32>,
      %add3A_288 = arith.constant 262144 : i32
      %add3A_289 = vector.broadcast %add3A_288 : i32 to vector<16xi32>
      %add3A_290 = arith.addi %add3A_285, %add3A_289 : vector<16xi32>
      %swap3A_291 = arith.index_cast %mul3A_266 : i32 to index
      %swap3A_292 = tpu.vector_load %arg19[%swap3A_291] {strides = array<i32>} : memref<2048xi32, #tpu.memory_space<vmem>>, vector<16xi32>,
      tpu.vector_store %arg19[%swap3A_291], %add3A_290 {strides = array<i32>} : memref<2048xi32, #tpu.memory_space<vmem>>, vector<16xi32>,
      %scan3A_293 = arith.constant 0 : i32
      %scan3A_294 = arith.constant 1 : i32
      %scan3A_295 = arith.addi %scan3A_263, %scan3A_294 : i32
      %mul3A_296 = arith.constant 16 : i32
      %mul3A_297 = arith.muli %scan3A_295, %mul3A_296 : i32
      %get3A_298 = arith.index_cast %mul3A_297 : i32 to index
      %get3A_299 = tpu.vector_load %arg11[%get3A_298] {strides = array<i32>} : memref<2048xi32, #tpu.memory_space<vmem>>, vector<16xi32>,
      %mul3A_300 = arith.constant 2097152 : i32
      %mul3A_301 = vector.broadcast %mul3A_300 : i32 to vector<16xi32>
      %mul3A_302 = arith.muli %get3A_299, %mul3A_301 : vector<16xi32>
      %get3A_303 = arith.index_cast %mul3A_297 : i32 to index
      %get3A_304 = tpu.vector_load %arg12[%get3A_303] {strides = array<i32>} : memref<2048xi32, #tpu.memory_space<vmem>>, vector<16xi32>,
      %mul3A_305 = arith.constant 524288 : i32
      %mul3A_306 = vector.broadcast %mul3A_305 : i32 to vector<16xi32>
      %mul3A_307 = arith.muli %get3A_304, %mul3A_306 : vector<16xi32>
      %add3A_308 = arith.addi %mul3A_302, %mul3A_307 : vector<16xi32>
      %get3A_309 = arith.index_cast %mul3A_297 : i32 to index
      %get3A_310 = tpu.vector_load %arg13[%get3A_309] {strides = array<i32>} : memref<2048xi32, #tpu.memory_space<vmem>>, vector<16xi32>,
      %mul3A_311 = arith.constant 512 : i32
      %mul3A_312 = vector.broadcast %mul3A_311 : i32 to vector<16xi32>
      %mul3A_313 = arith.muli %get3A_310, %mul3A_312 : vector<16xi32>
      %add3A_314 = arith.addi %add3A_308, %mul3A_313 : vector<16xi32>
      %get3A_315 = arith.index_cast %mul3A_297 : i32 to index
      %get3A_316 = tpu.vector_load %arg14[%get3A_315] {strides = array<i32>} : memref<2048xi32, #tpu.memory_space<vmem>>, vector<16xi32>,
      %add3A_317 = arith.addi %add3A_314, %get3A_316 : vector<16xi32>
      %swap3A_318 = arith.index_cast %mul3A_297 : i32 to index
      %swap3A_319 = tpu.vector_load %arg17[%swap3A_318] {strides = array<i32>} : memref<2048xi32, #tpu.memory_space<vmem>>, vector<16xi32>,
      tpu.vector_store %arg17[%swap3A_318], %add3A_317 {strides = array<i32>} : memref<2048xi32, #tpu.memory_space<vmem>>, vector<16xi32>,
      %add3A_320 = arith.constant 262144 : i32
      %add3A_321 = vector.broadcast %add3A_320 : i32 to vector<16xi32>
      %add3A_322 = arith.addi %add3A_317, %add3A_321 : vector<16xi32>
      %swap3A_323 = arith.index_cast %mul3A_297 : i32 to index
      %swap3A_324 = tpu.vector_load %arg19[%swap3A_323] {strides = array<i32>} : memref<2048xi32, #tpu.memory_space<vmem>>, vector<16xi32>,
      tpu.vector_store %arg19[%swap3A_323], %add3A_322 {strides = array<i32>} : memref<2048xi32, #tpu.memory_space<vmem>>, vector<16xi32>,
      %scan3A_325 = arith.constant 0 : i32
      %scan3A_326 = arith.constant 2 : i32
      %scan3A_327 = arith.addi %scan3A_263, %scan3A_326 : i32
      %mul3A_328 = arith.constant 16 : i32
      %mul3A_329 = arith.muli %scan3A_327, %mul3A_328 : i32
      %get3A_330 = arith.index_cast %mul3A_329 : i32 to index
      %get3A_331 = tpu.vector_load %arg11[%get3A_330] {strides = array<i32>} : memref<2048xi32, #tpu.memory_space<vmem>>, vector<16xi32>,
      %mul3A_332 = arith.constant 2097152 : i32
      %mul3A_333 = vector.broadcast %mul3A_332 : i32 to vector<16xi32>
      %mul3A_334 = arith.muli %get3A_331, %mul3A_333 : vector<16xi32>
      %get3A_335 = arith.index_cast %mul3A_329 : i32 to index
      %get3A_336 = tpu.vector_load %arg12[%get3A_335] {strides = array<i32>} : memref<2048xi32, #tpu.memory_space<vmem>>, vector<16xi32>,
      %mul3A_337 = arith.constant 524288 : i32
      %mul3A_338 = vector.broadcast %mul3A_337 : i32 to vector<16xi32>
      %mul3A_339 = arith.muli %get3A_336, %mul3A_338 : vector<16xi32>
      %add3A_340 = arith.addi %mul3A_334, %mul3A_339 : vector<16xi32>
      %get3A_341 = arith.index_cast %mul3A_329 : i32 to index
      %get3A_342 = tpu.vector_load %arg13[%get3A_341] {strides = array<i32>} : memref<2048xi32, #tpu.memory_space<vmem>>, vector<16xi32>,
      %mul3A_343 = arith.constant 512 : i32
      %mul3A_344 = vector.broadcast %mul3A_343 : i32 to vector<16xi32>
      %mul3A_345 = arith.muli %get3A_342, %mul3A_344 : vector<16xi32>
      %add3A_346 = arith.addi %add3A_340, %mul3A_345 : vector<16xi32>
      %get3A_347 = arith.index_cast %mul3A_329 : i32 to index
      %get3A_348 = tpu.vector_load %arg14[%get3A_347] {strides = array<i32>} : memref<2048xi32, #tpu.memory_space<vmem>>, vector<16xi32>,
      %add3A_349 = arith.addi %add3A_346, %get3A_348 : vector<16xi32>
      %swap3A_350 = arith.index_cast %mul3A_329 : i32 to index
      %swap3A_351 = tpu.vector_load %arg17[%swap3A_350] {strides = array<i32>} : memref<2048xi32, #tpu.memory_space<vmem>>, vector<16xi32>,
      tpu.vector_store %arg17[%swap3A_350], %add3A_349 {strides = array<i32>} : memref<2048xi32, #tpu.memory_space<vmem>>, vector<16xi32>,
      %add3A_352 = arith.constant 262144 : i32
      %add3A_353 = vector.broadcast %add3A_352 : i32 to vector<16xi32>
      %add3A_354 = arith.addi %add3A_349, %add3A_353 : vector<16xi32>
      %swap3A_355 = arith.index_cast %mul3A_329 : i32 to index
      %swap3A_356 = tpu.vector_load %arg19[%swap3A_355] {strides = array<i32>} : memref<2048xi32, #tpu.memory_space<vmem>>, vector<16xi32>,
      tpu.vector_store %arg19[%swap3A_355], %add3A_354 {strides = array<i32>} : memref<2048xi32, #tpu.memory_space<vmem>>, vector<16xi32>,
      %scan3A_357 = arith.constant 0 : i32
      %scan3A_358 = arith.constant 3 : i32
      %scan3A_359 = arith.addi %scan3A_263, %scan3A_358 : i32
      %mul3A_360 = arith.constant 16 : i32
      %mul3A_361 = arith.muli %scan3A_359, %mul3A_360 : i32
      %get3A_362 = arith.index_cast %mul3A_361 : i32 to index
      %get3A_363 = tpu.vector_load %arg11[%get3A_362] {strides = array<i32>} : memref<2048xi32, #tpu.memory_space<vmem>>, vector<16xi32>,
      %mul3A_364 = arith.constant 2097152 : i32
      %mul3A_365 = vector.broadcast %mul3A_364 : i32 to vector<16xi32>
      %mul3A_366 = arith.muli %get3A_363, %mul3A_365 : vector<16xi32>
      %get3A_367 = arith.index_cast %mul3A_361 : i32 to index
      %get3A_368 = tpu.vector_load %arg12[%get3A_367] {strides = array<i32>} : memref<2048xi32, #tpu.memory_space<vmem>>, vector<16xi32>,
      %mul3A_369 = arith.constant 524288 : i32
      %mul3A_370 = vector.broadcast %mul3A_369 : i32 to vector<16xi32>
      %mul3A_371 = arith.muli %get3A_368, %mul3A_370 : vector<16xi32>
      %add3A_372 = arith.addi %mul3A_366, %mul3A_371 : vector<16xi32>
      %get3A_373 = arith.index_cast %mul3A_361 : i32 to index
      %get3A_374 = tpu.vector_load %arg13[%get3A_373] {strides = array<i32>} : memref<2048xi32, #tpu.memory_space<vmem>>, vector<16xi32>,
      %mul3A_375 = arith.constant 512 : i32
      %mul3A_376 = vector.broadcast %mul3A_375 : i32 to vector<16xi32>
      %mul3A_377 = arith.muli %get3A_374, %mul3A_376 : vector<16xi32>
      %add3A_378 = arith.addi %add3A_372, %mul3A_377 : vector<16xi32>
      %get3A_379 = arith.index_cast %mul3A_361 : i32 to index
      %get3A_380 = tpu.vector_load %arg14[%get3A_379] {strides = array<i32>} : memref<2048xi32, #tpu.memory_space<vmem>>, vector<16xi32>,
      %add3A_381 = arith.addi %add3A_378, %get3A_380 : vector<16xi32>
      %swap3A_382 = arith.index_cast %mul3A_361 : i32 to index
      %swap3A_383 = tpu.vector_load %arg17[%swap3A_382] {strides = array<i32>} : memref<2048xi32, #tpu.memory_space<vmem>>, vector<16xi32>,
      tpu.vector_store %arg17[%swap3A_382], %add3A_381 {strides = array<i32>} : memref<2048xi32, #tpu.memory_space<vmem>>, vector<16xi32>,
      %add3A_384 = arith.constant 262144 : i32
      %add3A_385 = vector.broadcast %add3A_384 : i32 to vector<16xi32>
      %add3A_386 = arith.addi %add3A_381, %add3A_385 : vector<16xi32>
      %swap3A_387 = arith.index_cast %mul3A_361 : i32 to index
      %swap3A_388 = tpu.vector_load %arg19[%swap3A_387] {strides = array<i32>} : memref<2048xi32, #tpu.memory_space<vmem>>, vector<16xi32>,
      tpu.vector_store %arg19[%swap3A_387], %add3A_386 {strides = array<i32>} : memref<2048xi32, #tpu.memory_space<vmem>>, vector<16xi32>,
      %scan3A_389 = arith.constant 0 : i32
      scf.yield %scan3A_389 : i32
    }
    %scan3A_188 = arith.constant 128 : i32
    %dma_start3A_189 = arith.constant 0 : i32
    %dma_start3A_190 = tpu.memref_slice %arg2[%dma_start3A_189] : memref<33554432xf32, #tpu.memory_space<hbm>> -> memref<33554432xf32, #tpu.memory_space<hbm>>
    tpu.enqueue_indirect_dma source(%dma_start3A_190 : memref<33554432xf32, #tpu.memory_space<hbm>>) target(%arg21 : memref<2048xf32, #tpu.memory_space<vmem>>) offsets(%arg17 : memref<2048xi32, #tpu.memory_space<vmem>>) semaphore(%arg26 : memref<!tpu.dma_semaphore, #tpu.memory_space<semaphore_mem>>)
    %dma_start3A_191 = arith.constant 0 : i32
    %dma_start3A_192 = tpu.memref_slice %arg2[%dma_start3A_191] : memref<33554432xf32, #tpu.memory_space<hbm>> -> memref<33554432xf32, #tpu.memory_space<hbm>>
    tpu.enqueue_indirect_dma source(%dma_start3A_192 : memref<33554432xf32, #tpu.memory_space<hbm>>) target(%arg23 : memref<2048xf32, #tpu.memory_space<vmem>>) offsets(%arg19 : memref<2048xi32, #tpu.memory_space<vmem>>) semaphore(%arg26 : memref<!tpu.dma_semaphore, #tpu.memory_space<semaphore_mem>>)
    %add3A_193 = arith.constant 10240 : i32
    %add3A_194 = arith.addi %mul3A_2, %add3A_193 : i32
    %min3A_195 = arith.constant 497952 : i32
    %min3A_196 = arith.minsi %add3A_194, %min3A_195 : i32
    %dma_wait3A_197 = arith.constant 0 : i32
    %dma_wait3A_198 = tpu.memref_slice %arg2[%dma_wait3A_197] : memref<33554432xf32, #tpu.memory_space<hbm>> -> memref<33554432xf32, #tpu.memory_space<hbm>>
    tpu.wait_indirect_dma semaphore(%arg27 : memref<!tpu.dma_semaphore, #tpu.memory_space<semaphore_mem>>) src(%dma_wait3A_198 : memref<33554432xf32, #tpu.memory_space<hbm>>) dst(%arg22 : memref<2048xf32, #tpu.memory_space<vmem>>)
    %dma_wait3A_199 = arith.constant 0 : i32
    %dma_wait3A_200 = tpu.memref_slice %arg2[%dma_wait3A_199] : memref<33554432xf32, #tpu.memory_space<hbm>> -> memref<33554432xf32, #tpu.memory_space<hbm>>
    tpu.wait_indirect_dma semaphore(%arg27 : memref<!tpu.dma_semaphore, #tpu.memory_space<semaphore_mem>>) src(%dma_wait3A_200 : memref<33554432xf32, #tpu.memory_space<hbm>>) dst(%arg24 : memref<2048xf32, #tpu.memory_space<vmem>>)
    %iota3A_201 = tpu.iota {dimensions = array<i32: 0>} : vector<16xi32>
    %sub3A_202 = arith.subi %min3A_196, %add3A_194 : i32
    %add3A_203 = vector.broadcast %sub3A_202 : i32 to vector<16xi32>
    %add3A_204 = arith.addi %iota3A_201, %add3A_203 : vector<16xi32>
    %scan3A_205 = arith.constant 0 : i32
    %scan3A_206 = arith.constant 128 : i32
    %scan3A_207 = arith.addi %scan3A_205, %scan3A_206 : i32
    %scan3A_208 = arith.constant 4 : i32
    %scan3A_209 = scf.for %scan3A_263 = %scan3A_205 to %scan3A_207 step %scan3A_208 iter_args(%scan3A_264 = %scan3A_176) -> (vector<16xf32>)  : i32 {
      %mul3A_265 = arith.constant 16 : i32
      %mul3A_266 = arith.muli %scan3A_263, %mul3A_265 : i32
      %get3A = arith.index_cast %mul3A_266 : i32 to index
      %get3A_267 = tpu.vector_load %arg16[%get3A] {strides = array<i32>} : memref<2048xi32, #tpu.memory_space<vmem>>, vector<16xi32>,
      %mul3A_268 = arith.constant 2 : i32
      %mul3A_269 = vector.broadcast %mul3A_268 : i32 to vector<16xi32>
      %mul3A_270 = arith.muli %get3A_267, %mul3A_269 : vector<16xi32>
      %gather3A = tpu.vector_load_idx %arg10[%mul3A_270] : memref<100000xf32, #tpu.memory_space<vmem>>[vector<16xi32>], vector<16xf32>,
      %add3A_271 = arith.constant 1 : i32
      %add3A_272 = vector.broadcast %add3A_271 : i32 to vector<16xi32>
      %add3A_273 = arith.addi %mul3A_270, %add3A_272 : vector<16xi32>
      %gather3A_274 = tpu.vector_load_idx %arg10[%add3A_273] : memref<100000xf32, #tpu.memory_space<vmem>>[vector<16xi32>], vector<16xf32>,
      %get3A_275 = arith.index_cast %mul3A_266 : i32 to index
      %get3A_276 = tpu.vector_load %arg22[%get3A_275] {strides = array<i32>} : memref<2048xf32, #tpu.memory_space<vmem>>, vector<16xf32>,
      %sub3A_277 = arith.subf %get3A_276, %gather3A : vector<16xf32>
      %get3A_278 = arith.index_cast %mul3A_266 : i32 to index
      %get3A_279 = tpu.vector_load %arg24[%get3A_278] {strides = array<i32>} : memref<2048xf32, #tpu.memory_space<vmem>>, vector<16xf32>,
      %sub3A_280 = arith.subf %get3A_279, %gather3A_274 : vector<16xf32>
      %mul3A_281 = arith.mulf %sub3A_277, %sub3A_277 : vector<16xf32>
      %mul3A_282 = arith.mulf %sub3A_280, %sub3A_280 : vector<16xf32>
      %add3A_283 = arith.addf %mul3A_281, %mul3A_282 : vector<16xf32>
      %mul3A_284 = arith.constant 16 : i32
      %mul3A_285 = arith.muli %scan3A_263, %mul3A_284 : i32
      %add3A_286 = vector.broadcast %mul3A_285 : i32 to vector<16xi32>
      %add3A_287 = arith.addi %add3A_204, %add3A_286 : vector<16xi32>
      %ge3A = arith.constant 0 : i32
      %ge3A_288 = vector.broadcast %ge3A : i32 to vector<16xi32>
      %ge3A_289 = arith.cmpi sge, %add3A_287, %ge3A_288 : vector<16xi32>
      %jit3A = arith.constant 0.000000e+00 : f32
      %broadcast_in_dim3A_290 = vector.broadcast %jit3A : f32 to vector<16xf32>
      %select_n3A = arith.select %ge3A_289, %add3A_283, %broadcast_in_dim3A_290 : vector<16xi1>, vector<16xf32>
      %add3A_291 = arith.addf %scan3A_264, %select_n3A : vector<16xf32>
      %scan3A_292 = arith.constant 1 : i32
      %scan3A_293 = arith.addi %scan3A_263, %scan3A_292 : i32
      %mul3A_294 = arith.constant 16 : i32
      %mul3A_295 = arith.muli %scan3A_293, %mul3A_294 : i32
      %get3A_296 = arith.index_cast %mul3A_295 : i32 to index
      %get3A_297 = tpu.vector_load %arg16[%get3A_296] {strides = array<i32>} : memref<2048xi32, #tpu.memory_space<vmem>>, vector<16xi32>,
      %mul3A_298 = arith.constant 2 : i32
      %mul3A_299 = vector.broadcast %mul3A_298 : i32 to vector<16xi32>
      %mul3A_300 = arith.muli %get3A_297, %mul3A_299 : vector<16xi32>
      %gather3A_301 = tpu.vector_load_idx %arg10[%mul3A_300] : memref<100000xf32, #tpu.memory_space<vmem>>[vector<16xi32>], vector<16xf32>,
      %add3A_302 = arith.constant 1 : i32
      %add3A_303 = vector.broadcast %add3A_302 : i32 to vector<16xi32>
      %add3A_304 = arith.addi %mul3A_300, %add3A_303 : vector<16xi32>
      %gather3A_305 = tpu.vector_load_idx %arg10[%add3A_304] : memref<100000xf32, #tpu.memory_space<vmem>>[vector<16xi32>], vector<16xf32>,
      %get3A_306 = arith.index_cast %mul3A_295 : i32 to index
      %get3A_307 = tpu.vector_load %arg22[%get3A_306] {strides = array<i32>} : memref<2048xf32, #tpu.memory_space<vmem>>, vector<16xf32>,
      %sub3A_308 = arith.subf %get3A_307, %gather3A_301 : vector<16xf32>
      %get3A_309 = arith.index_cast %mul3A_295 : i32 to index
      %get3A_310 = tpu.vector_load %arg24[%get3A_309] {strides = array<i32>} : memref<2048xf32, #tpu.memory_space<vmem>>, vector<16xf32>,
      %sub3A_311 = arith.subf %get3A_310, %gather3A_305 : vector<16xf32>
      %mul3A_312 = arith.mulf %sub3A_308, %sub3A_308 : vector<16xf32>
      %mul3A_313 = arith.mulf %sub3A_311, %sub3A_311 : vector<16xf32>
      %add3A_314 = arith.addf %mul3A_312, %mul3A_313 : vector<16xf32>
      %mul3A_315 = arith.constant 16 : i32
      %mul3A_316 = arith.muli %scan3A_293, %mul3A_315 : i32
      %add3A_317 = vector.broadcast %mul3A_316 : i32 to vector<16xi32>
      %add3A_318 = arith.addi %add3A_204, %add3A_317 : vector<16xi32>
      %ge3A_319 = arith.constant 0 : i32
      %ge3A_320 = vector.broadcast %ge3A_319 : i32 to vector<16xi32>
      %ge3A_321 = arith.cmpi sge, %add3A_318, %ge3A_320 : vector<16xi32>
      %jit3A_322 = arith.constant 0.000000e+00 : f32
      %broadcast_in_dim3A_323 = vector.broadcast %jit3A_322 : f32 to vector<16xf32>
      %select_n3A_324 = arith.select %ge3A_321, %add3A_314, %broadcast_in_dim3A_323 : vector<16xi1>, vector<16xf32>
      %add3A_325 = arith.addf %add3A_291, %select_n3A_324 : vector<16xf32>
      %scan3A_326 = arith.constant 2 : i32
      %scan3A_327 = arith.addi %scan3A_263, %scan3A_326 : i32
      %mul3A_328 = arith.constant 16 : i32
      %mul3A_329 = arith.muli %scan3A_327, %mul3A_328 : i32
      %get3A_330 = arith.index_cast %mul3A_329 : i32 to index
      %get3A_331 = tpu.vector_load %arg16[%get3A_330] {strides = array<i32>} : memref<2048xi32, #tpu.memory_space<vmem>>, vector<16xi32>,
      %mul3A_332 = arith.constant 2 : i32
      %mul3A_333 = vector.broadcast %mul3A_332 : i32 to vector<16xi32>
      %mul3A_334 = arith.muli %get3A_331, %mul3A_333 : vector<16xi32>
      %gather3A_335 = tpu.vector_load_idx %arg10[%mul3A_334] : memref<100000xf32, #tpu.memory_space<vmem>>[vector<16xi32>], vector<16xf32>,
      %add3A_336 = arith.constant 1 : i32
      %add3A_337 = vector.broadcast %add3A_336 : i32 to vector<16xi32>
      %add3A_338 = arith.addi %mul3A_334, %add3A_337 : vector<16xi32>
      %gather3A_339 = tpu.vector_load_idx %arg10[%add3A_338] : memref<100000xf32, #tpu.memory_space<vmem>>[vector<16xi32>], vector<16xf32>,
      %get3A_340 = arith.index_cast %mul3A_329 : i32 to index
      %get3A_341 = tpu.vector_load %arg22[%get3A_340] {strides = array<i32>} : memref<2048xf32, #tpu.memory_space<vmem>>, vector<16xf32>,
      %sub3A_342 = arith.subf %get3A_341, %gather3A_335 : vector<16xf32>
      %get3A_343 = arith.index_cast %mul3A_329 : i32 to index
      %get3A_344 = tpu.vector_load %arg24[%get3A_343] {strides = array<i32>} : memref<2048xf32, #tpu.memory_space<vmem>>, vector<16xf32>,
      %sub3A_345 = arith.subf %get3A_344, %gather3A_339 : vector<16xf32>
      %mul3A_346 = arith.mulf %sub3A_342, %sub3A_342 : vector<16xf32>
      %mul3A_347 = arith.mulf %sub3A_345, %sub3A_345 : vector<16xf32>
      %add3A_348 = arith.addf %mul3A_346, %mul3A_347 : vector<16xf32>
      %mul3A_349 = arith.constant 16 : i32
      %mul3A_350 = arith.muli %scan3A_327, %mul3A_349 : i32
      %add3A_351 = vector.broadcast %mul3A_350 : i32 to vector<16xi32>
      %add3A_352 = arith.addi %add3A_204, %add3A_351 : vector<16xi32>
      %ge3A_353 = arith.constant 0 : i32
      %ge3A_354 = vector.broadcast %ge3A_353 : i32 to vector<16xi32>
      %ge3A_355 = arith.cmpi sge, %add3A_352, %ge3A_354 : vector<16xi32>
      %jit3A_356 = arith.constant 0.000000e+00 : f32
      %broadcast_in_dim3A_357 = vector.broadcast %jit3A_356 : f32 to vector<16xf32>
      %select_n3A_358 = arith.select %ge3A_355, %add3A_348, %broadcast_in_dim3A_357 : vector<16xi1>, vector<16xf32>
      %add3A_359 = arith.addf %add3A_325, %select_n3A_358 : vector<16xf32>
      %scan3A_360 = arith.constant 3 : i32
      %scan3A_361 = arith.addi %scan3A_263, %scan3A_360 : i32
      %mul3A_362 = arith.constant 16 : i32
      %mul3A_363 = arith.muli %scan3A_361, %mul3A_362 : i32
      %get3A_364 = arith.index_cast %mul3A_363 : i32 to index
      %get3A_365 = tpu.vector_load %arg16[%get3A_364] {strides = array<i32>} : memref<2048xi32, #tpu.memory_space<vmem>>, vector<16xi32>,
      %mul3A_366 = arith.constant 2 : i32
      %mul3A_367 = vector.broadcast %mul3A_366 : i32 to vector<16xi32>
      %mul3A_368 = arith.muli %get3A_365, %mul3A_367 : vector<16xi32>
      %gather3A_369 = tpu.vector_load_idx %arg10[%mul3A_368] : memref<100000xf32, #tpu.memory_space<vmem>>[vector<16xi32>], vector<16xf32>,
      %add3A_370 = arith.constant 1 : i32
      %add3A_371 = vector.broadcast %add3A_370 : i32 to vector<16xi32>
      %add3A_372 = arith.addi %mul3A_368, %add3A_371 : vector<16xi32>
      %gather3A_373 = tpu.vector_load_idx %arg10[%add3A_372] : memref<100000xf32, #tpu.memory_space<vmem>>[vector<16xi32>], vector<16xf32>,
      %get3A_374 = arith.index_cast %mul3A_363 : i32 to index
      %get3A_375 = tpu.vector_load %arg22[%get3A_374] {strides = array<i32>} : memref<2048xf32, #tpu.memory_space<vmem>>, vector<16xf32>,
      %sub3A_376 = arith.subf %get3A_375, %gather3A_369 : vector<16xf32>
      %get3A_377 = arith.index_cast %mul3A_363 : i32 to index
      %get3A_378 = tpu.vector_load %arg24[%get3A_377] {strides = array<i32>} : memref<2048xf32, #tpu.memory_space<vmem>>, vector<16xf32>,
      %sub3A_379 = arith.subf %get3A_378, %gather3A_373 : vector<16xf32>
      %mul3A_380 = arith.mulf %sub3A_376, %sub3A_376 : vector<16xf32>
      %mul3A_381 = arith.mulf %sub3A_379, %sub3A_379 : vector<16xf32>
      %add3A_382 = arith.addf %mul3A_380, %mul3A_381 : vector<16xf32>
      %mul3A_383 = arith.constant 16 : i32
      %mul3A_384 = arith.muli %scan3A_361, %mul3A_383 : i32
      %add3A_385 = vector.broadcast %mul3A_384 : i32 to vector<16xi32>
      %add3A_386 = arith.addi %add3A_204, %add3A_385 : vector<16xi32>
      %ge3A_387 = arith.constant 0 : i32
      %ge3A_388 = vector.broadcast %ge3A_387 : i32 to vector<16xi32>
      %ge3A_389 = arith.cmpi sge, %add3A_386, %ge3A_388 : vector<16xi32>
      %jit3A_390 = arith.constant 0.000000e+00 : f32
      %broadcast_in_dim3A_391 = vector.broadcast %jit3A_390 : f32 to vector<16xf32>
      %select_n3A_392 = arith.select %ge3A_389, %add3A_382, %broadcast_in_dim3A_391 : vector<16xi1>, vector<16xf32>
      %add3A_393 = arith.addf %add3A_359, %select_n3A_392 : vector<16xf32>
      scf.yield %add3A_393 : vector<16xf32>
    }
    %scan3A_210 = arith.constant 128 : i32
    %add3A_211 = arith.constant 14336 : i32
    %add3A_212 = arith.addi %mul3A_2, %add3A_211 : i32
    %min3A_213 = arith.constant 497952 : i32
    %min3A_214 = arith.minsi %add3A_212, %min3A_213 : i32
    "tpu.region"() ({
      %run_scoped3A = tpu.sem_alloc : memref<!tpu.dma_semaphore, #tpu.memory_space<semaphore_mem>>
      %dma_start3A_263 = tpu.memref_slice %arg4[%min3A_214] : memref<500000xi32, #tpu.memory_space<hbm>> -> memref<2048xi32, #tpu.memory_space<hbm>>
      %dma_start3A_264 = tpu.memref_slice %arg4[%min3A_214] : memref<500000xi32, #tpu.memory_space<hbm>> -> memref<2048xi32, #tpu.memory_space<hbm>>
      tpu.enqueue_dma source(%dma_start3A_264 : memref<2048xi32, #tpu.memory_space<hbm>>) target(%arg11 : memref<2048xi32, #tpu.memory_space<vmem>>) target_semaphore(%run_scoped3A : memref<!tpu.dma_semaphore, #tpu.memory_space<semaphore_mem>>)
      %dma_wait3A_265 = tpu.memref_slice %arg4[%min3A_214] : memref<500000xi32, #tpu.memory_space<hbm>> -> memref<2048xi32, #tpu.memory_space<hbm>>
      %dma_wait3A_266 = tpu.memref_slice %arg4[%min3A_214] : memref<500000xi32, #tpu.memory_space<hbm>> -> memref<2048xi32, #tpu.memory_space<hbm>>
      tpu.wait_dma2 semaphore(%run_scoped3A : memref<!tpu.dma_semaphore, #tpu.memory_space<semaphore_mem>>) src(%dma_wait3A_266 : memref<2048xi32, #tpu.memory_space<hbm>>) dst(%arg11 : memref<2048xi32, #tpu.memory_space<vmem>>)
      tpu.yield
    }) : () -> ()
    "tpu.region"() ({
      %run_scoped3A = tpu.sem_alloc : memref<!tpu.dma_semaphore, #tpu.memory_space<semaphore_mem>>
      %dma_start3A_263 = tpu.memref_slice %arg5[%min3A_214] : memref<500000xi32, #tpu.memory_space<hbm>> -> memref<2048xi32, #tpu.memory_space<hbm>>
      %dma_start3A_264 = tpu.memref_slice %arg5[%min3A_214] : memref<500000xi32, #tpu.memory_space<hbm>> -> memref<2048xi32, #tpu.memory_space<hbm>>
      tpu.enqueue_dma source(%dma_start3A_264 : memref<2048xi32, #tpu.memory_space<hbm>>) target(%arg12 : memref<2048xi32, #tpu.memory_space<vmem>>) target_semaphore(%run_scoped3A : memref<!tpu.dma_semaphore, #tpu.memory_space<semaphore_mem>>)
      %dma_wait3A_265 = tpu.memref_slice %arg5[%min3A_214] : memref<500000xi32, #tpu.memory_space<hbm>> -> memref<2048xi32, #tpu.memory_space<hbm>>
      %dma_wait3A_266 = tpu.memref_slice %arg5[%min3A_214] : memref<500000xi32, #tpu.memory_space<hbm>> -> memref<2048xi32, #tpu.memory_space<hbm>>
      tpu.wait_dma2 semaphore(%run_scoped3A : memref<!tpu.dma_semaphore, #tpu.memory_space<semaphore_mem>>) src(%dma_wait3A_266 : memref<2048xi32, #tpu.memory_space<hbm>>) dst(%arg12 : memref<2048xi32, #tpu.memory_space<vmem>>)
      tpu.yield
    }) : () -> ()
    "tpu.region"() ({
      %run_scoped3A = tpu.sem_alloc : memref<!tpu.dma_semaphore, #tpu.memory_space<semaphore_mem>>
      %dma_start3A_263 = tpu.memref_slice %arg6[%min3A_214] : memref<500000xi32, #tpu.memory_space<hbm>> -> memref<2048xi32, #tpu.memory_space<hbm>>
      %dma_start3A_264 = tpu.memref_slice %arg6[%min3A_214] : memref<500000xi32, #tpu.memory_space<hbm>> -> memref<2048xi32, #tpu.memory_space<hbm>>
      tpu.enqueue_dma source(%dma_start3A_264 : memref<2048xi32, #tpu.memory_space<hbm>>) target(%arg13 : memref<2048xi32, #tpu.memory_space<vmem>>) target_semaphore(%run_scoped3A : memref<!tpu.dma_semaphore, #tpu.memory_space<semaphore_mem>>)
      %dma_wait3A_265 = tpu.memref_slice %arg6[%min3A_214] : memref<500000xi32, #tpu.memory_space<hbm>> -> memref<2048xi32, #tpu.memory_space<hbm>>
      %dma_wait3A_266 = tpu.memref_slice %arg6[%min3A_214] : memref<500000xi32, #tpu.memory_space<hbm>> -> memref<2048xi32, #tpu.memory_space<hbm>>
      tpu.wait_dma2 semaphore(%run_scoped3A : memref<!tpu.dma_semaphore, #tpu.memory_space<semaphore_mem>>) src(%dma_wait3A_266 : memref<2048xi32, #tpu.memory_space<hbm>>) dst(%arg13 : memref<2048xi32, #tpu.memory_space<vmem>>)
      tpu.yield
    }) : () -> ()
    "tpu.region"() ({
      %run_scoped3A = tpu.sem_alloc : memref<!tpu.dma_semaphore, #tpu.memory_space<semaphore_mem>>
      %dma_start3A_263 = tpu.memref_slice %arg7[%min3A_214] : memref<500000xi32, #tpu.memory_space<hbm>> -> memref<2048xi32, #tpu.memory_space<hbm>>
      %dma_start3A_264 = tpu.memref_slice %arg7[%min3A_214] : memref<500000xi32, #tpu.memory_space<hbm>> -> memref<2048xi32, #tpu.memory_space<hbm>>
      tpu.enqueue_dma source(%dma_start3A_264 : memref<2048xi32, #tpu.memory_space<hbm>>) target(%arg14 : memref<2048xi32, #tpu.memory_space<vmem>>) target_semaphore(%run_scoped3A : memref<!tpu.dma_semaphore, #tpu.memory_space<semaphore_mem>>)
      %dma_wait3A_265 = tpu.memref_slice %arg7[%min3A_214] : memref<500000xi32, #tpu.memory_space<hbm>> -> memref<2048xi32, #tpu.memory_space<hbm>>
      %dma_wait3A_266 = tpu.memref_slice %arg7[%min3A_214] : memref<500000xi32, #tpu.memory_space<hbm>> -> memref<2048xi32, #tpu.memory_space<hbm>>
      tpu.wait_dma2 semaphore(%run_scoped3A : memref<!tpu.dma_semaphore, #tpu.memory_space<semaphore_mem>>) src(%dma_wait3A_266 : memref<2048xi32, #tpu.memory_space<hbm>>) dst(%arg14 : memref<2048xi32, #tpu.memory_space<vmem>>)
      tpu.yield
    }) : () -> ()
    "tpu.region"() ({
      %run_scoped3A = tpu.sem_alloc : memref<!tpu.dma_semaphore, #tpu.memory_space<semaphore_mem>>
      %dma_start3A_263 = tpu.memref_slice %arg8[%min3A_214] : memref<500000xi32, #tpu.memory_space<hbm>> -> memref<2048xi32, #tpu.memory_space<hbm>>
      %dma_start3A_264 = tpu.memref_slice %arg8[%min3A_214] : memref<500000xi32, #tpu.memory_space<hbm>> -> memref<2048xi32, #tpu.memory_space<hbm>>
      tpu.enqueue_dma source(%dma_start3A_264 : memref<2048xi32, #tpu.memory_space<hbm>>) target(%arg16 : memref<2048xi32, #tpu.memory_space<vmem>>) target_semaphore(%run_scoped3A : memref<!tpu.dma_semaphore, #tpu.memory_space<semaphore_mem>>)
      %dma_wait3A_265 = tpu.memref_slice %arg8[%min3A_214] : memref<500000xi32, #tpu.memory_space<hbm>> -> memref<2048xi32, #tpu.memory_space<hbm>>
      %dma_wait3A_266 = tpu.memref_slice %arg8[%min3A_214] : memref<500000xi32, #tpu.memory_space<hbm>> -> memref<2048xi32, #tpu.memory_space<hbm>>
      tpu.wait_dma2 semaphore(%run_scoped3A : memref<!tpu.dma_semaphore, #tpu.memory_space<semaphore_mem>>) src(%dma_wait3A_266 : memref<2048xi32, #tpu.memory_space<hbm>>) dst(%arg16 : memref<2048xi32, #tpu.memory_space<vmem>>)
      tpu.yield
    }) : () -> ()
    %scan3A_215 = arith.constant 0 : i32
    %scan3A_216 = arith.constant 0 : i32
    %scan3A_217 = arith.constant 128 : i32
    %scan3A_218 = arith.addi %scan3A_216, %scan3A_217 : i32
    %scan3A_219 = arith.constant 4 : i32
    %scan3A_220 = scf.for %scan3A_263 = %scan3A_216 to %scan3A_218 step %scan3A_219 iter_args(%scan3A_264 = %scan3A_215) -> (i32)  : i32 {
      %mul3A_265 = arith.constant 16 : i32
      %mul3A_266 = arith.muli %scan3A_263, %mul3A_265 : i32
      %get3A = arith.index_cast %mul3A_266 : i32 to index
      %get3A_267 = tpu.vector_load %arg11[%get3A] {strides = array<i32>} : memref<2048xi32, #tpu.memory_space<vmem>>, vector<16xi32>,
      %mul3A_268 = arith.constant 2097152 : i32
      %mul3A_269 = vector.broadcast %mul3A_268 : i32 to vector<16xi32>
      %mul3A_270 = arith.muli %get3A_267, %mul3A_269 : vector<16xi32>
      %get3A_271 = arith.index_cast %mul3A_266 : i32 to index
      %get3A_272 = tpu.vector_load %arg12[%get3A_271] {strides = array<i32>} : memref<2048xi32, #tpu.memory_space<vmem>>, vector<16xi32>,
      %mul3A_273 = arith.constant 524288 : i32
      %mul3A_274 = vector.broadcast %mul3A_273 : i32 to vector<16xi32>
      %mul3A_275 = arith.muli %get3A_272, %mul3A_274 : vector<16xi32>
      %add3A_276 = arith.addi %mul3A_270, %mul3A_275 : vector<16xi32>
      %get3A_277 = arith.index_cast %mul3A_266 : i32 to index
      %get3A_278 = tpu.vector_load %arg13[%get3A_277] {strides = array<i32>} : memref<2048xi32, #tpu.memory_space<vmem>>, vector<16xi32>,
      %mul3A_279 = arith.constant 512 : i32
      %mul3A_280 = vector.broadcast %mul3A_279 : i32 to vector<16xi32>
      %mul3A_281 = arith.muli %get3A_278, %mul3A_280 : vector<16xi32>
      %add3A_282 = arith.addi %add3A_276, %mul3A_281 : vector<16xi32>
      %get3A_283 = arith.index_cast %mul3A_266 : i32 to index
      %get3A_284 = tpu.vector_load %arg14[%get3A_283] {strides = array<i32>} : memref<2048xi32, #tpu.memory_space<vmem>>, vector<16xi32>,
      %add3A_285 = arith.addi %add3A_282, %get3A_284 : vector<16xi32>
      %swap3A_286 = arith.index_cast %mul3A_266 : i32 to index
      %swap3A_287 = tpu.vector_load %arg18[%swap3A_286] {strides = array<i32>} : memref<2048xi32, #tpu.memory_space<vmem>>, vector<16xi32>,
      tpu.vector_store %arg18[%swap3A_286], %add3A_285 {strides = array<i32>} : memref<2048xi32, #tpu.memory_space<vmem>>, vector<16xi32>,
      %add3A_288 = arith.constant 262144 : i32
      %add3A_289 = vector.broadcast %add3A_288 : i32 to vector<16xi32>
      %add3A_290 = arith.addi %add3A_285, %add3A_289 : vector<16xi32>
      %swap3A_291 = arith.index_cast %mul3A_266 : i32 to index
      %swap3A_292 = tpu.vector_load %arg20[%swap3A_291] {strides = array<i32>} : memref<2048xi32, #tpu.memory_space<vmem>>, vector<16xi32>,
      tpu.vector_store %arg20[%swap3A_291], %add3A_290 {strides = array<i32>} : memref<2048xi32, #tpu.memory_space<vmem>>, vector<16xi32>,
      %scan3A_293 = arith.constant 0 : i32
      %scan3A_294 = arith.constant 1 : i32
      %scan3A_295 = arith.addi %scan3A_263, %scan3A_294 : i32
      %mul3A_296 = arith.constant 16 : i32
      %mul3A_297 = arith.muli %scan3A_295, %mul3A_296 : i32
      %get3A_298 = arith.index_cast %mul3A_297 : i32 to index
      %get3A_299 = tpu.vector_load %arg11[%get3A_298] {strides = array<i32>} : memref<2048xi32, #tpu.memory_space<vmem>>, vector<16xi32>,
      %mul3A_300 = arith.constant 2097152 : i32
      %mul3A_301 = vector.broadcast %mul3A_300 : i32 to vector<16xi32>
      %mul3A_302 = arith.muli %get3A_299, %mul3A_301 : vector<16xi32>
      %get3A_303 = arith.index_cast %mul3A_297 : i32 to index
      %get3A_304 = tpu.vector_load %arg12[%get3A_303] {strides = array<i32>} : memref<2048xi32, #tpu.memory_space<vmem>>, vector<16xi32>,
      %mul3A_305 = arith.constant 524288 : i32
      %mul3A_306 = vector.broadcast %mul3A_305 : i32 to vector<16xi32>
      %mul3A_307 = arith.muli %get3A_304, %mul3A_306 : vector<16xi32>
      %add3A_308 = arith.addi %mul3A_302, %mul3A_307 : vector<16xi32>
      %get3A_309 = arith.index_cast %mul3A_297 : i32 to index
      %get3A_310 = tpu.vector_load %arg13[%get3A_309] {strides = array<i32>} : memref<2048xi32, #tpu.memory_space<vmem>>, vector<16xi32>,
      %mul3A_311 = arith.constant 512 : i32
      %mul3A_312 = vector.broadcast %mul3A_311 : i32 to vector<16xi32>
      %mul3A_313 = arith.muli %get3A_310, %mul3A_312 : vector<16xi32>
      %add3A_314 = arith.addi %add3A_308, %mul3A_313 : vector<16xi32>
      %get3A_315 = arith.index_cast %mul3A_297 : i32 to index
      %get3A_316 = tpu.vector_load %arg14[%get3A_315] {strides = array<i32>} : memref<2048xi32, #tpu.memory_space<vmem>>, vector<16xi32>,
      %add3A_317 = arith.addi %add3A_314, %get3A_316 : vector<16xi32>
      %swap3A_318 = arith.index_cast %mul3A_297 : i32 to index
      %swap3A_319 = tpu.vector_load %arg18[%swap3A_318] {strides = array<i32>} : memref<2048xi32, #tpu.memory_space<vmem>>, vector<16xi32>,
      tpu.vector_store %arg18[%swap3A_318], %add3A_317 {strides = array<i32>} : memref<2048xi32, #tpu.memory_space<vmem>>, vector<16xi32>,
      %add3A_320 = arith.constant 262144 : i32
      %add3A_321 = vector.broadcast %add3A_320 : i32 to vector<16xi32>
      %add3A_322 = arith.addi %add3A_317, %add3A_321 : vector<16xi32>
      %swap3A_323 = arith.index_cast %mul3A_297 : i32 to index
      %swap3A_324 = tpu.vector_load %arg20[%swap3A_323] {strides = array<i32>} : memref<2048xi32, #tpu.memory_space<vmem>>, vector<16xi32>,
      tpu.vector_store %arg20[%swap3A_323], %add3A_322 {strides = array<i32>} : memref<2048xi32, #tpu.memory_space<vmem>>, vector<16xi32>,
      %scan3A_325 = arith.constant 0 : i32
      %scan3A_326 = arith.constant 2 : i32
      %scan3A_327 = arith.addi %scan3A_263, %scan3A_326 : i32
      %mul3A_328 = arith.constant 16 : i32
      %mul3A_329 = arith.muli %scan3A_327, %mul3A_328 : i32
      %get3A_330 = arith.index_cast %mul3A_329 : i32 to index
      %get3A_331 = tpu.vector_load %arg11[%get3A_330] {strides = array<i32>} : memref<2048xi32, #tpu.memory_space<vmem>>, vector<16xi32>,
      %mul3A_332 = arith.constant 2097152 : i32
      %mul3A_333 = vector.broadcast %mul3A_332 : i32 to vector<16xi32>
      %mul3A_334 = arith.muli %get3A_331, %mul3A_333 : vector<16xi32>
      %get3A_335 = arith.index_cast %mul3A_329 : i32 to index
      %get3A_336 = tpu.vector_load %arg12[%get3A_335] {strides = array<i32>} : memref<2048xi32, #tpu.memory_space<vmem>>, vector<16xi32>,
      %mul3A_337 = arith.constant 524288 : i32
      %mul3A_338 = vector.broadcast %mul3A_337 : i32 to vector<16xi32>
      %mul3A_339 = arith.muli %get3A_336, %mul3A_338 : vector<16xi32>
      %add3A_340 = arith.addi %mul3A_334, %mul3A_339 : vector<16xi32>
      %get3A_341 = arith.index_cast %mul3A_329 : i32 to index
      %get3A_342 = tpu.vector_load %arg13[%get3A_341] {strides = array<i32>} : memref<2048xi32, #tpu.memory_space<vmem>>, vector<16xi32>,
      %mul3A_343 = arith.constant 512 : i32
      %mul3A_344 = vector.broadcast %mul3A_343 : i32 to vector<16xi32>
      %mul3A_345 = arith.muli %get3A_342, %mul3A_344 : vector<16xi32>
      %add3A_346 = arith.addi %add3A_340, %mul3A_345 : vector<16xi32>
      %get3A_347 = arith.index_cast %mul3A_329 : i32 to index
      %get3A_348 = tpu.vector_load %arg14[%get3A_347] {strides = array<i32>} : memref<2048xi32, #tpu.memory_space<vmem>>, vector<16xi32>,
      %add3A_349 = arith.addi %add3A_346, %get3A_348 : vector<16xi32>
      %swap3A_350 = arith.index_cast %mul3A_329 : i32 to index
      %swap3A_351 = tpu.vector_load %arg18[%swap3A_350] {strides = array<i32>} : memref<2048xi32, #tpu.memory_space<vmem>>, vector<16xi32>,
      tpu.vector_store %arg18[%swap3A_350], %add3A_349 {strides = array<i32>} : memref<2048xi32, #tpu.memory_space<vmem>>, vector<16xi32>,
      %add3A_352 = arith.constant 262144 : i32
      %add3A_353 = vector.broadcast %add3A_352 : i32 to vector<16xi32>
      %add3A_354 = arith.addi %add3A_349, %add3A_353 : vector<16xi32>
      %swap3A_355 = arith.index_cast %mul3A_329 : i32 to index
      %swap3A_356 = tpu.vector_load %arg20[%swap3A_355] {strides = array<i32>} : memref<2048xi32, #tpu.memory_space<vmem>>, vector<16xi32>,
      tpu.vector_store %arg20[%swap3A_355], %add3A_354 {strides = array<i32>} : memref<2048xi32, #tpu.memory_space<vmem>>, vector<16xi32>,
      %scan3A_357 = arith.constant 0 : i32
      %scan3A_358 = arith.constant 3 : i32
      %scan3A_359 = arith.addi %scan3A_263, %scan3A_358 : i32
      %mul3A_360 = arith.constant 16 : i32
      %mul3A_361 = arith.muli %scan3A_359, %mul3A_360 : i32
      %get3A_362 = arith.index_cast %mul3A_361 : i32 to index
      %get3A_363 = tpu.vector_load %arg11[%get3A_362] {strides = array<i32>} : memref<2048xi32, #tpu.memory_space<vmem>>, vector<16xi32>,
      %mul3A_364 = arith.constant 2097152 : i32
      %mul3A_365 = vector.broadcast %mul3A_364 : i32 to vector<16xi32>
      %mul3A_366 = arith.muli %get3A_363, %mul3A_365 : vector<16xi32>
      %get3A_367 = arith.index_cast %mul3A_361 : i32 to index
      %get3A_368 = tpu.vector_load %arg12[%get3A_367] {strides = array<i32>} : memref<2048xi32, #tpu.memory_space<vmem>>, vector<16xi32>,
      %mul3A_369 = arith.constant 524288 : i32
      %mul3A_370 = vector.broadcast %mul3A_369 : i32 to vector<16xi32>
      %mul3A_371 = arith.muli %get3A_368, %mul3A_370 : vector<16xi32>
      %add3A_372 = arith.addi %mul3A_366, %mul3A_371 : vector<16xi32>
      %get3A_373 = arith.index_cast %mul3A_361 : i32 to index
      %get3A_374 = tpu.vector_load %arg13[%get3A_373] {strides = array<i32>} : memref<2048xi32, #tpu.memory_space<vmem>>, vector<16xi32>,
      %mul3A_375 = arith.constant 512 : i32
      %mul3A_376 = vector.broadcast %mul3A_375 : i32 to vector<16xi32>
      %mul3A_377 = arith.muli %get3A_374, %mul3A_376 : vector<16xi32>
      %add3A_378 = arith.addi %add3A_372, %mul3A_377 : vector<16xi32>
      %get3A_379 = arith.index_cast %mul3A_361 : i32 to index
      %get3A_380 = tpu.vector_load %arg14[%get3A_379] {strides = array<i32>} : memref<2048xi32, #tpu.memory_space<vmem>>, vector<16xi32>,
      %add3A_381 = arith.addi %add3A_378, %get3A_380 : vector<16xi32>
      %swap3A_382 = arith.index_cast %mul3A_361 : i32 to index
      %swap3A_383 = tpu.vector_load %arg18[%swap3A_382] {strides = array<i32>} : memref<2048xi32, #tpu.memory_space<vmem>>, vector<16xi32>,
      tpu.vector_store %arg18[%swap3A_382], %add3A_381 {strides = array<i32>} : memref<2048xi32, #tpu.memory_space<vmem>>, vector<16xi32>,
      %add3A_384 = arith.constant 262144 : i32
      %add3A_385 = vector.broadcast %add3A_384 : i32 to vector<16xi32>
      %add3A_386 = arith.addi %add3A_381, %add3A_385 : vector<16xi32>
      %swap3A_387 = arith.index_cast %mul3A_361 : i32 to index
      %swap3A_388 = tpu.vector_load %arg20[%swap3A_387] {strides = array<i32>} : memref<2048xi32, #tpu.memory_space<vmem>>, vector<16xi32>,
      tpu.vector_store %arg20[%swap3A_387], %add3A_386 {strides = array<i32>} : memref<2048xi32, #tpu.memory_space<vmem>>, vector<16xi32>,
      %scan3A_389 = arith.constant 0 : i32
      scf.yield %scan3A_389 : i32
    }
    %scan3A_221 = arith.constant 128 : i32
    %dma_start3A_222 = arith.constant 0 : i32
    %dma_start3A_223 = tpu.memref_slice %arg2[%dma_start3A_222] : memref<33554432xf32, #tpu.memory_space<hbm>> -> memref<33554432xf32, #tpu.memory_space<hbm>>
    tpu.enqueue_indirect_dma source(%dma_start3A_223 : memref<33554432xf32, #tpu.memory_space<hbm>>) target(%arg22 : memref<2048xf32, #tpu.memory_space<vmem>>) offsets(%arg18 : memref<2048xi32, #tpu.memory_space<vmem>>) semaphore(%arg27 : memref<!tpu.dma_semaphore, #tpu.memory_space<semaphore_mem>>)
    %dma_start3A_224 = arith.constant 0 : i32
    %dma_start3A_225 = tpu.memref_slice %arg2[%dma_start3A_224] : memref<33554432xf32, #tpu.memory_space<hbm>> -> memref<33554432xf32, #tpu.memory_space<hbm>>
    tpu.enqueue_indirect_dma source(%dma_start3A_225 : memref<33554432xf32, #tpu.memory_space<hbm>>) target(%arg24 : memref<2048xf32, #tpu.memory_space<vmem>>) offsets(%arg20 : memref<2048xi32, #tpu.memory_space<vmem>>) semaphore(%arg27 : memref<!tpu.dma_semaphore, #tpu.memory_space<semaphore_mem>>)
    %add3A_226 = arith.constant 12288 : i32
    %add3A_227 = arith.addi %mul3A_2, %add3A_226 : i32
    %min3A_228 = arith.constant 497952 : i32
    %min3A_229 = arith.minsi %add3A_227, %min3A_228 : i32
    %dma_wait3A_230 = arith.constant 0 : i32
    %dma_wait3A_231 = tpu.memref_slice %arg2[%dma_wait3A_230] : memref<33554432xf32, #tpu.memory_space<hbm>> -> memref<33554432xf32, #tpu.memory_space<hbm>>
    tpu.wait_indirect_dma semaphore(%arg26 : memref<!tpu.dma_semaphore, #tpu.memory_space<semaphore_mem>>) src(%dma_wait3A_231 : memref<33554432xf32, #tpu.memory_space<hbm>>) dst(%arg21 : memref<2048xf32, #tpu.memory_space<vmem>>)
    %dma_wait3A_232 = arith.constant 0 : i32
    %dma_wait3A_233 = tpu.memref_slice %arg2[%dma_wait3A_232] : memref<33554432xf32, #tpu.memory_space<hbm>> -> memref<33554432xf32, #tpu.memory_space<hbm>>
    tpu.wait_indirect_dma semaphore(%arg26 : memref<!tpu.dma_semaphore, #tpu.memory_space<semaphore_mem>>) src(%dma_wait3A_233 : memref<33554432xf32, #tpu.memory_space<hbm>>) dst(%arg23 : memref<2048xf32, #tpu.memory_space<vmem>>)
    %iota3A_234 = tpu.iota {dimensions = array<i32: 0>} : vector<16xi32>
    %sub3A_235 = arith.subi %min3A_229, %add3A_227 : i32
    %add3A_236 = vector.broadcast %sub3A_235 : i32 to vector<16xi32>
    %add3A_237 = arith.addi %iota3A_234, %add3A_236 : vector<16xi32>
    %scan3A_238 = arith.constant 0 : i32
    %scan3A_239 = arith.constant 128 : i32
    %scan3A_240 = arith.addi %scan3A_238, %scan3A_239 : i32
    %scan3A_241 = arith.constant 4 : i32
    %scan3A_242 = scf.for %scan3A_263 = %scan3A_238 to %scan3A_240 step %scan3A_241 iter_args(%scan3A_264 = %scan3A_209) -> (vector<16xf32>)  : i32 {
      %mul3A_265 = arith.constant 16 : i32
      %mul3A_266 = arith.muli %scan3A_263, %mul3A_265 : i32
      %get3A = arith.index_cast %mul3A_266 : i32 to index
      %get3A_267 = tpu.vector_load %arg15[%get3A] {strides = array<i32>} : memref<2048xi32, #tpu.memory_space<vmem>>, vector<16xi32>,
      %mul3A_268 = arith.constant 2 : i32
      %mul3A_269 = vector.broadcast %mul3A_268 : i32 to vector<16xi32>
      %mul3A_270 = arith.muli %get3A_267, %mul3A_269 : vector<16xi32>
      %gather3A = tpu.vector_load_idx %arg10[%mul3A_270] : memref<100000xf32, #tpu.memory_space<vmem>>[vector<16xi32>], vector<16xf32>,
      %add3A_271 = arith.constant 1 : i32
      %add3A_272 = vector.broadcast %add3A_271 : i32 to vector<16xi32>
      %add3A_273 = arith.addi %mul3A_270, %add3A_272 : vector<16xi32>
      %gather3A_274 = tpu.vector_load_idx %arg10[%add3A_273] : memref<100000xf32, #tpu.memory_space<vmem>>[vector<16xi32>], vector<16xf32>,
      %get3A_275 = arith.index_cast %mul3A_266 : i32 to index
      %get3A_276 = tpu.vector_load %arg21[%get3A_275] {strides = array<i32>} : memref<2048xf32, #tpu.memory_space<vmem>>, vector<16xf32>,
      %sub3A_277 = arith.subf %get3A_276, %gather3A : vector<16xf32>
      %get3A_278 = arith.index_cast %mul3A_266 : i32 to index
      %get3A_279 = tpu.vector_load %arg23[%get3A_278] {strides = array<i32>} : memref<2048xf32, #tpu.memory_space<vmem>>, vector<16xf32>,
      %sub3A_280 = arith.subf %get3A_279, %gather3A_274 : vector<16xf32>
      %mul3A_281 = arith.mulf %sub3A_277, %sub3A_277 : vector<16xf32>
      %mul3A_282 = arith.mulf %sub3A_280, %sub3A_280 : vector<16xf32>
      %add3A_283 = arith.addf %mul3A_281, %mul3A_282 : vector<16xf32>
      %mul3A_284 = arith.constant 16 : i32
      %mul3A_285 = arith.muli %scan3A_263, %mul3A_284 : i32
      %add3A_286 = vector.broadcast %mul3A_285 : i32 to vector<16xi32>
      %add3A_287 = arith.addi %add3A_237, %add3A_286 : vector<16xi32>
      %ge3A = arith.constant 0 : i32
      %ge3A_288 = vector.broadcast %ge3A : i32 to vector<16xi32>
      %ge3A_289 = arith.cmpi sge, %add3A_287, %ge3A_288 : vector<16xi32>
      %jit3A = arith.constant 0.000000e+00 : f32
      %broadcast_in_dim3A_290 = vector.broadcast %jit3A : f32 to vector<16xf32>
      %select_n3A = arith.select %ge3A_289, %add3A_283, %broadcast_in_dim3A_290 : vector<16xi1>, vector<16xf32>
      %add3A_291 = arith.addf %scan3A_264, %select_n3A : vector<16xf32>
      %scan3A_292 = arith.constant 1 : i32
      %scan3A_293 = arith.addi %scan3A_263, %scan3A_292 : i32
      %mul3A_294 = arith.constant 16 : i32
      %mul3A_295 = arith.muli %scan3A_293, %mul3A_294 : i32
      %get3A_296 = arith.index_cast %mul3A_295 : i32 to index
      %get3A_297 = tpu.vector_load %arg15[%get3A_296] {strides = array<i32>} : memref<2048xi32, #tpu.memory_space<vmem>>, vector<16xi32>,
      %mul3A_298 = arith.constant 2 : i32
      %mul3A_299 = vector.broadcast %mul3A_298 : i32 to vector<16xi32>
      %mul3A_300 = arith.muli %get3A_297, %mul3A_299 : vector<16xi32>
      %gather3A_301 = tpu.vector_load_idx %arg10[%mul3A_300] : memref<100000xf32, #tpu.memory_space<vmem>>[vector<16xi32>], vector<16xf32>,
      %add3A_302 = arith.constant 1 : i32
      %add3A_303 = vector.broadcast %add3A_302 : i32 to vector<16xi32>
      %add3A_304 = arith.addi %mul3A_300, %add3A_303 : vector<16xi32>
      %gather3A_305 = tpu.vector_load_idx %arg10[%add3A_304] : memref<100000xf32, #tpu.memory_space<vmem>>[vector<16xi32>], vector<16xf32>,
      %get3A_306 = arith.index_cast %mul3A_295 : i32 to index
      %get3A_307 = tpu.vector_load %arg21[%get3A_306] {strides = array<i32>} : memref<2048xf32, #tpu.memory_space<vmem>>, vector<16xf32>,
      %sub3A_308 = arith.subf %get3A_307, %gather3A_301 : vector<16xf32>
      %get3A_309 = arith.index_cast %mul3A_295 : i32 to index
      %get3A_310 = tpu.vector_load %arg23[%get3A_309] {strides = array<i32>} : memref<2048xf32, #tpu.memory_space<vmem>>, vector<16xf32>,
      %sub3A_311 = arith.subf %get3A_310, %gather3A_305 : vector<16xf32>
      %mul3A_312 = arith.mulf %sub3A_308, %sub3A_308 : vector<16xf32>
      %mul3A_313 = arith.mulf %sub3A_311, %sub3A_311 : vector<16xf32>
      %add3A_314 = arith.addf %mul3A_312, %mul3A_313 : vector<16xf32>
      %mul3A_315 = arith.constant 16 : i32
      %mul3A_316 = arith.muli %scan3A_293, %mul3A_315 : i32
      %add3A_317 = vector.broadcast %mul3A_316 : i32 to vector<16xi32>
      %add3A_318 = arith.addi %add3A_237, %add3A_317 : vector<16xi32>
      %ge3A_319 = arith.constant 0 : i32
      %ge3A_320 = vector.broadcast %ge3A_319 : i32 to vector<16xi32>
      %ge3A_321 = arith.cmpi sge, %add3A_318, %ge3A_320 : vector<16xi32>
      %jit3A_322 = arith.constant 0.000000e+00 : f32
      %broadcast_in_dim3A_323 = vector.broadcast %jit3A_322 : f32 to vector<16xf32>
      %select_n3A_324 = arith.select %ge3A_321, %add3A_314, %broadcast_in_dim3A_323 : vector<16xi1>, vector<16xf32>
      %add3A_325 = arith.addf %add3A_291, %select_n3A_324 : vector<16xf32>
      %scan3A_326 = arith.constant 2 : i32
      %scan3A_327 = arith.addi %scan3A_263, %scan3A_326 : i32
      %mul3A_328 = arith.constant 16 : i32
      %mul3A_329 = arith.muli %scan3A_327, %mul3A_328 : i32
      %get3A_330 = arith.index_cast %mul3A_329 : i32 to index
      %get3A_331 = tpu.vector_load %arg15[%get3A_330] {strides = array<i32>} : memref<2048xi32, #tpu.memory_space<vmem>>, vector<16xi32>,
      %mul3A_332 = arith.constant 2 : i32
      %mul3A_333 = vector.broadcast %mul3A_332 : i32 to vector<16xi32>
      %mul3A_334 = arith.muli %get3A_331, %mul3A_333 : vector<16xi32>
      %gather3A_335 = tpu.vector_load_idx %arg10[%mul3A_334] : memref<100000xf32, #tpu.memory_space<vmem>>[vector<16xi32>], vector<16xf32>,
      %add3A_336 = arith.constant 1 : i32
      %add3A_337 = vector.broadcast %add3A_336 : i32 to vector<16xi32>
      %add3A_338 = arith.addi %mul3A_334, %add3A_337 : vector<16xi32>
      %gather3A_339 = tpu.vector_load_idx %arg10[%add3A_338] : memref<100000xf32, #tpu.memory_space<vmem>>[vector<16xi32>], vector<16xf32>,
      %get3A_340 = arith.index_cast %mul3A_329 : i32 to index
      %get3A_341 = tpu.vector_load %arg21[%get3A_340] {strides = array<i32>} : memref<2048xf32, #tpu.memory_space<vmem>>, vector<16xf32>,
      %sub3A_342 = arith.subf %get3A_341, %gather3A_335 : vector<16xf32>
      %get3A_343 = arith.index_cast %mul3A_329 : i32 to index
      %get3A_344 = tpu.vector_load %arg23[%get3A_343] {strides = array<i32>} : memref<2048xf32, #tpu.memory_space<vmem>>, vector<16xf32>,
      %sub3A_345 = arith.subf %get3A_344, %gather3A_339 : vector<16xf32>
      %mul3A_346 = arith.mulf %sub3A_342, %sub3A_342 : vector<16xf32>
      %mul3A_347 = arith.mulf %sub3A_345, %sub3A_345 : vector<16xf32>
      %add3A_348 = arith.addf %mul3A_346, %mul3A_347 : vector<16xf32>
      %mul3A_349 = arith.constant 16 : i32
      %mul3A_350 = arith.muli %scan3A_327, %mul3A_349 : i32
      %add3A_351 = vector.broadcast %mul3A_350 : i32 to vector<16xi32>
      %add3A_352 = arith.addi %add3A_237, %add3A_351 : vector<16xi32>
      %ge3A_353 = arith.constant 0 : i32
      %ge3A_354 = vector.broadcast %ge3A_353 : i32 to vector<16xi32>
      %ge3A_355 = arith.cmpi sge, %add3A_352, %ge3A_354 : vector<16xi32>
      %jit3A_356 = arith.constant 0.000000e+00 : f32
      %broadcast_in_dim3A_357 = vector.broadcast %jit3A_356 : f32 to vector<16xf32>
      %select_n3A_358 = arith.select %ge3A_355, %add3A_348, %broadcast_in_dim3A_357 : vector<16xi1>, vector<16xf32>
      %add3A_359 = arith.addf %add3A_325, %select_n3A_358 : vector<16xf32>
      %scan3A_360 = arith.constant 3 : i32
      %scan3A_361 = arith.addi %scan3A_263, %scan3A_360 : i32
      %mul3A_362 = arith.constant 16 : i32
      %mul3A_363 = arith.muli %scan3A_361, %mul3A_362 : i32
      %get3A_364 = arith.index_cast %mul3A_363 : i32 to index
      %get3A_365 = tpu.vector_load %arg15[%get3A_364] {strides = array<i32>} : memref<2048xi32, #tpu.memory_space<vmem>>, vector<16xi32>,
      %mul3A_366 = arith.constant 2 : i32
      %mul3A_367 = vector.broadcast %mul3A_366 : i32 to vector<16xi32>
      %mul3A_368 = arith.muli %get3A_365, %mul3A_367 : vector<16xi32>
      %gather3A_369 = tpu.vector_load_idx %arg10[%mul3A_368] : memref<100000xf32, #tpu.memory_space<vmem>>[vector<16xi32>], vector<16xf32>,
      %add3A_370 = arith.constant 1 : i32
      %add3A_371 = vector.broadcast %add3A_370 : i32 to vector<16xi32>
      %add3A_372 = arith.addi %mul3A_368, %add3A_371 : vector<16xi32>
      %gather3A_373 = tpu.vector_load_idx %arg10[%add3A_372] : memref<100000xf32, #tpu.memory_space<vmem>>[vector<16xi32>], vector<16xf32>,
      %get3A_374 = arith.index_cast %mul3A_363 : i32 to index
      %get3A_375 = tpu.vector_load %arg21[%get3A_374] {strides = array<i32>} : memref<2048xf32, #tpu.memory_space<vmem>>, vector<16xf32>,
      %sub3A_376 = arith.subf %get3A_375, %gather3A_369 : vector<16xf32>
      %get3A_377 = arith.index_cast %mul3A_363 : i32 to index
      %get3A_378 = tpu.vector_load %arg23[%get3A_377] {strides = array<i32>} : memref<2048xf32, #tpu.memory_space<vmem>>, vector<16xf32>,
      %sub3A_379 = arith.subf %get3A_378, %gather3A_373 : vector<16xf32>
      %mul3A_380 = arith.mulf %sub3A_376, %sub3A_376 : vector<16xf32>
      %mul3A_381 = arith.mulf %sub3A_379, %sub3A_379 : vector<16xf32>
      %add3A_382 = arith.addf %mul3A_380, %mul3A_381 : vector<16xf32>
      %mul3A_383 = arith.constant 16 : i32
      %mul3A_384 = arith.muli %scan3A_361, %mul3A_383 : i32
      %add3A_385 = vector.broadcast %mul3A_384 : i32 to vector<16xi32>
      %add3A_386 = arith.addi %add3A_237, %add3A_385 : vector<16xi32>
      %ge3A_387 = arith.constant 0 : i32
      %ge3A_388 = vector.broadcast %ge3A_387 : i32 to vector<16xi32>
      %ge3A_389 = arith.cmpi sge, %add3A_386, %ge3A_388 : vector<16xi32>
      %jit3A_390 = arith.constant 0.000000e+00 : f32
      %broadcast_in_dim3A_391 = vector.broadcast %jit3A_390 : f32 to vector<16xf32>
      %select_n3A_392 = arith.select %ge3A_389, %add3A_382, %broadcast_in_dim3A_391 : vector<16xi1>, vector<16xf32>
      %add3A_393 = arith.addf %add3A_359, %select_n3A_392 : vector<16xf32>
      scf.yield %add3A_393 : vector<16xf32>
    }
    %scan3A_243 = arith.constant 128 : i32
    %add3A_244 = arith.constant 14336 : i32
    %add3A_245 = arith.addi %mul3A_2, %add3A_244 : i32
    %min3A_246 = arith.constant 497952 : i32
    %min3A_247 = arith.minsi %add3A_245, %min3A_246 : i32
    %dma_wait3A_248 = arith.constant 0 : i32
    %dma_wait3A_249 = tpu.memref_slice %arg2[%dma_wait3A_248] : memref<33554432xf32, #tpu.memory_space<hbm>> -> memref<33554432xf32, #tpu.memory_space<hbm>>
    tpu.wait_indirect_dma semaphore(%arg27 : memref<!tpu.dma_semaphore, #tpu.memory_space<semaphore_mem>>) src(%dma_wait3A_249 : memref<33554432xf32, #tpu.memory_space<hbm>>) dst(%arg22 : memref<2048xf32, #tpu.memory_space<vmem>>)
    %dma_wait3A_250 = arith.constant 0 : i32
    %dma_wait3A_251 = tpu.memref_slice %arg2[%dma_wait3A_250] : memref<33554432xf32, #tpu.memory_space<hbm>> -> memref<33554432xf32, #tpu.memory_space<hbm>>
    tpu.wait_indirect_dma semaphore(%arg27 : memref<!tpu.dma_semaphore, #tpu.memory_space<semaphore_mem>>) src(%dma_wait3A_251 : memref<33554432xf32, #tpu.memory_space<hbm>>) dst(%arg24 : memref<2048xf32, #tpu.memory_space<vmem>>)
    %iota3A_252 = tpu.iota {dimensions = array<i32: 0>} : vector<16xi32>
    %sub3A_253 = arith.subi %min3A_247, %add3A_245 : i32
    %add3A_254 = vector.broadcast %sub3A_253 : i32 to vector<16xi32>
    %add3A_255 = arith.addi %iota3A_252, %add3A_254 : vector<16xi32>
    %scan3A_256 = arith.constant 0 : i32
    %scan3A_257 = arith.constant 128 : i32
    %scan3A_258 = arith.addi %scan3A_256, %scan3A_257 : i32
    %scan3A_259 = arith.constant 4 : i32
    %scan3A_260 = scf.for %scan3A_263 = %scan3A_256 to %scan3A_258 step %scan3A_259 iter_args(%scan3A_264 = %scan3A_242) -> (vector<16xf32>)  : i32 {
      %mul3A_265 = arith.constant 16 : i32
      %mul3A_266 = arith.muli %scan3A_263, %mul3A_265 : i32
      %get3A = arith.index_cast %mul3A_266 : i32 to index
      %get3A_267 = tpu.vector_load %arg16[%get3A] {strides = array<i32>} : memref<2048xi32, #tpu.memory_space<vmem>>, vector<16xi32>,
      %mul3A_268 = arith.constant 2 : i32
      %mul3A_269 = vector.broadcast %mul3A_268 : i32 to vector<16xi32>
      %mul3A_270 = arith.muli %get3A_267, %mul3A_269 : vector<16xi32>
      %gather3A = tpu.vector_load_idx %arg10[%mul3A_270] : memref<100000xf32, #tpu.memory_space<vmem>>[vector<16xi32>], vector<16xf32>,
      %add3A_271 = arith.constant 1 : i32
      %add3A_272 = vector.broadcast %add3A_271 : i32 to vector<16xi32>
      %add3A_273 = arith.addi %mul3A_270, %add3A_272 : vector<16xi32>
      %gather3A_274 = tpu.vector_load_idx %arg10[%add3A_273] : memref<100000xf32, #tpu.memory_space<vmem>>[vector<16xi32>], vector<16xf32>,
      %get3A_275 = arith.index_cast %mul3A_266 : i32 to index
      %get3A_276 = tpu.vector_load %arg22[%get3A_275] {strides = array<i32>} : memref<2048xf32, #tpu.memory_space<vmem>>, vector<16xf32>,
      %sub3A_277 = arith.subf %get3A_276, %gather3A : vector<16xf32>
      %get3A_278 = arith.index_cast %mul3A_266 : i32 to index
      %get3A_279 = tpu.vector_load %arg24[%get3A_278] {strides = array<i32>} : memref<2048xf32, #tpu.memory_space<vmem>>, vector<16xf32>,
      %sub3A_280 = arith.subf %get3A_279, %gather3A_274 : vector<16xf32>
      %mul3A_281 = arith.mulf %sub3A_277, %sub3A_277 : vector<16xf32>
      %mul3A_282 = arith.mulf %sub3A_280, %sub3A_280 : vector<16xf32>
      %add3A_283 = arith.addf %mul3A_281, %mul3A_282 : vector<16xf32>
      %mul3A_284 = arith.constant 16 : i32
      %mul3A_285 = arith.muli %scan3A_263, %mul3A_284 : i32
      %add3A_286 = vector.broadcast %mul3A_285 : i32 to vector<16xi32>
      %add3A_287 = arith.addi %add3A_255, %add3A_286 : vector<16xi32>
      %ge3A = arith.constant 0 : i32
      %ge3A_288 = vector.broadcast %ge3A : i32 to vector<16xi32>
      %ge3A_289 = arith.cmpi sge, %add3A_287, %ge3A_288 : vector<16xi32>
      %jit3A = arith.constant 0.000000e+00 : f32
      %broadcast_in_dim3A_290 = vector.broadcast %jit3A : f32 to vector<16xf32>
      %select_n3A = arith.select %ge3A_289, %add3A_283, %broadcast_in_dim3A_290 : vector<16xi1>, vector<16xf32>
      %add3A_291 = arith.addf %scan3A_264, %select_n3A : vector<16xf32>
      %scan3A_292 = arith.constant 1 : i32
      %scan3A_293 = arith.addi %scan3A_263, %scan3A_292 : i32
      %mul3A_294 = arith.constant 16 : i32
      %mul3A_295 = arith.muli %scan3A_293, %mul3A_294 : i32
      %get3A_296 = arith.index_cast %mul3A_295 : i32 to index
      %get3A_297 = tpu.vector_load %arg16[%get3A_296] {strides = array<i32>} : memref<2048xi32, #tpu.memory_space<vmem>>, vector<16xi32>,
      %mul3A_298 = arith.constant 2 : i32
      %mul3A_299 = vector.broadcast %mul3A_298 : i32 to vector<16xi32>
      %mul3A_300 = arith.muli %get3A_297, %mul3A_299 : vector<16xi32>
      %gather3A_301 = tpu.vector_load_idx %arg10[%mul3A_300] : memref<100000xf32, #tpu.memory_space<vmem>>[vector<16xi32>], vector<16xf32>,
      %add3A_302 = arith.constant 1 : i32
      %add3A_303 = vector.broadcast %add3A_302 : i32 to vector<16xi32>
      %add3A_304 = arith.addi %mul3A_300, %add3A_303 : vector<16xi32>
      %gather3A_305 = tpu.vector_load_idx %arg10[%add3A_304] : memref<100000xf32, #tpu.memory_space<vmem>>[vector<16xi32>], vector<16xf32>,
      %get3A_306 = arith.index_cast %mul3A_295 : i32 to index
      %get3A_307 = tpu.vector_load %arg22[%get3A_306] {strides = array<i32>} : memref<2048xf32, #tpu.memory_space<vmem>>, vector<16xf32>,
      %sub3A_308 = arith.subf %get3A_307, %gather3A_301 : vector<16xf32>
      %get3A_309 = arith.index_cast %mul3A_295 : i32 to index
      %get3A_310 = tpu.vector_load %arg24[%get3A_309] {strides = array<i32>} : memref<2048xf32, #tpu.memory_space<vmem>>, vector<16xf32>,
      %sub3A_311 = arith.subf %get3A_310, %gather3A_305 : vector<16xf32>
      %mul3A_312 = arith.mulf %sub3A_308, %sub3A_308 : vector<16xf32>
      %mul3A_313 = arith.mulf %sub3A_311, %sub3A_311 : vector<16xf32>
      %add3A_314 = arith.addf %mul3A_312, %mul3A_313 : vector<16xf32>
      %mul3A_315 = arith.constant 16 : i32
      %mul3A_316 = arith.muli %scan3A_293, %mul3A_315 : i32
      %add3A_317 = vector.broadcast %mul3A_316 : i32 to vector<16xi32>
      %add3A_318 = arith.addi %add3A_255, %add3A_317 : vector<16xi32>
      %ge3A_319 = arith.constant 0 : i32
      %ge3A_320 = vector.broadcast %ge3A_319 : i32 to vector<16xi32>
      %ge3A_321 = arith.cmpi sge, %add3A_318, %ge3A_320 : vector<16xi32>
      %jit3A_322 = arith.constant 0.000000e+00 : f32
      %broadcast_in_dim3A_323 = vector.broadcast %jit3A_322 : f32 to vector<16xf32>
      %select_n3A_324 = arith.select %ge3A_321, %add3A_314, %broadcast_in_dim3A_323 : vector<16xi1>, vector<16xf32>
      %add3A_325 = arith.addf %add3A_291, %select_n3A_324 : vector<16xf32>
      %scan3A_326 = arith.constant 2 : i32
      %scan3A_327 = arith.addi %scan3A_263, %scan3A_326 : i32
      %mul3A_328 = arith.constant 16 : i32
      %mul3A_329 = arith.muli %scan3A_327, %mul3A_328 : i32
      %get3A_330 = arith.index_cast %mul3A_329 : i32 to index
      %get3A_331 = tpu.vector_load %arg16[%get3A_330] {strides = array<i32>} : memref<2048xi32, #tpu.memory_space<vmem>>, vector<16xi32>,
      %mul3A_332 = arith.constant 2 : i32
      %mul3A_333 = vector.broadcast %mul3A_332 : i32 to vector<16xi32>
      %mul3A_334 = arith.muli %get3A_331, %mul3A_333 : vector<16xi32>
      %gather3A_335 = tpu.vector_load_idx %arg10[%mul3A_334] : memref<100000xf32, #tpu.memory_space<vmem>>[vector<16xi32>], vector<16xf32>,
      %add3A_336 = arith.constant 1 : i32
      %add3A_337 = vector.broadcast %add3A_336 : i32 to vector<16xi32>
      %add3A_338 = arith.addi %mul3A_334, %add3A_337 : vector<16xi32>
      %gather3A_339 = tpu.vector_load_idx %arg10[%add3A_338] : memref<100000xf32, #tpu.memory_space<vmem>>[vector<16xi32>], vector<16xf32>,
      %get3A_340 = arith.index_cast %mul3A_329 : i32 to index
      %get3A_341 = tpu.vector_load %arg22[%get3A_340] {strides = array<i32>} : memref<2048xf32, #tpu.memory_space<vmem>>, vector<16xf32>,
      %sub3A_342 = arith.subf %get3A_341, %gather3A_335 : vector<16xf32>
      %get3A_343 = arith.index_cast %mul3A_329 : i32 to index
      %get3A_344 = tpu.vector_load %arg24[%get3A_343] {strides = array<i32>} : memref<2048xf32, #tpu.memory_space<vmem>>, vector<16xf32>,
      %sub3A_345 = arith.subf %get3A_344, %gather3A_339 : vector<16xf32>
      %mul3A_346 = arith.mulf %sub3A_342, %sub3A_342 : vector<16xf32>
      %mul3A_347 = arith.mulf %sub3A_345, %sub3A_345 : vector<16xf32>
      %add3A_348 = arith.addf %mul3A_346, %mul3A_347 : vector<16xf32>
      %mul3A_349 = arith.constant 16 : i32
      %mul3A_350 = arith.muli %scan3A_327, %mul3A_349 : i32
      %add3A_351 = vector.broadcast %mul3A_350 : i32 to vector<16xi32>
      %add3A_352 = arith.addi %add3A_255, %add3A_351 : vector<16xi32>
      %ge3A_353 = arith.constant 0 : i32
      %ge3A_354 = vector.broadcast %ge3A_353 : i32 to vector<16xi32>
      %ge3A_355 = arith.cmpi sge, %add3A_352, %ge3A_354 : vector<16xi32>
      %jit3A_356 = arith.constant 0.000000e+00 : f32
      %broadcast_in_dim3A_357 = vector.broadcast %jit3A_356 : f32 to vector<16xf32>
      %select_n3A_358 = arith.select %ge3A_355, %add3A_348, %broadcast_in_dim3A_357 : vector<16xi1>, vector<16xf32>
      %add3A_359 = arith.addf %add3A_325, %select_n3A_358 : vector<16xf32>
      %scan3A_360 = arith.constant 3 : i32
      %scan3A_361 = arith.addi %scan3A_263, %scan3A_360 : i32
      %mul3A_362 = arith.constant 16 : i32
      %mul3A_363 = arith.muli %scan3A_361, %mul3A_362 : i32
      %get3A_364 = arith.index_cast %mul3A_363 : i32 to index
      %get3A_365 = tpu.vector_load %arg16[%get3A_364] {strides = array<i32>} : memref<2048xi32, #tpu.memory_space<vmem>>, vector<16xi32>,
      %mul3A_366 = arith.constant 2 : i32
      %mul3A_367 = vector.broadcast %mul3A_366 : i32 to vector<16xi32>
      %mul3A_368 = arith.muli %get3A_365, %mul3A_367 : vector<16xi32>
      %gather3A_369 = tpu.vector_load_idx %arg10[%mul3A_368] : memref<100000xf32, #tpu.memory_space<vmem>>[vector<16xi32>], vector<16xf32>,
      %add3A_370 = arith.constant 1 : i32
      %add3A_371 = vector.broadcast %add3A_370 : i32 to vector<16xi32>
      %add3A_372 = arith.addi %mul3A_368, %add3A_371 : vector<16xi32>
      %gather3A_373 = tpu.vector_load_idx %arg10[%add3A_372] : memref<100000xf32, #tpu.memory_space<vmem>>[vector<16xi32>], vector<16xf32>,
      %get3A_374 = arith.index_cast %mul3A_363 : i32 to index
      %get3A_375 = tpu.vector_load %arg22[%get3A_374] {strides = array<i32>} : memref<2048xf32, #tpu.memory_space<vmem>>, vector<16xf32>,
      %sub3A_376 = arith.subf %get3A_375, %gather3A_369 : vector<16xf32>
      %get3A_377 = arith.index_cast %mul3A_363 : i32 to index
      %get3A_378 = tpu.vector_load %arg24[%get3A_377] {strides = array<i32>} : memref<2048xf32, #tpu.memory_space<vmem>>, vector<16xf32>,
      %sub3A_379 = arith.subf %get3A_378, %gather3A_373 : vector<16xf32>
      %mul3A_380 = arith.mulf %sub3A_376, %sub3A_376 : vector<16xf32>
      %mul3A_381 = arith.mulf %sub3A_379, %sub3A_379 : vector<16xf32>
      %add3A_382 = arith.addf %mul3A_380, %mul3A_381 : vector<16xf32>
      %mul3A_383 = arith.constant 16 : i32
      %mul3A_384 = arith.muli %scan3A_361, %mul3A_383 : i32
      %add3A_385 = vector.broadcast %mul3A_384 : i32 to vector<16xi32>
      %add3A_386 = arith.addi %add3A_255, %add3A_385 : vector<16xi32>
      %ge3A_387 = arith.constant 0 : i32
      %ge3A_388 = vector.broadcast %ge3A_387 : i32 to vector<16xi32>
      %ge3A_389 = arith.cmpi sge, %add3A_386, %ge3A_388 : vector<16xi32>
      %jit3A_390 = arith.constant 0.000000e+00 : f32
      %broadcast_in_dim3A_391 = vector.broadcast %jit3A_390 : f32 to vector<16xf32>
      %select_n3A_392 = arith.select %ge3A_389, %add3A_382, %broadcast_in_dim3A_391 : vector<16xi1>, vector<16xf32>
      %add3A_393 = arith.addf %add3A_359, %select_n3A_392 : vector<16xf32>
      scf.yield %add3A_393 : vector<16xf32>
    }
    %scan3A_261 = arith.constant 128 : i32
    %swap3A = arith.constant 0 : index
    %swap3A_262 = tpu.vector_load %arg25[%swap3A] {strides = array<i32>} : memref<16xf32, #tpu.memory_space<vmem>>, vector<16xf32>,
    tpu.vector_store %arg25[%swap3A], %scan3A_260 {strides = array<i32>} : memref<16xf32, #tpu.memory_space<vmem>>, vector<16xf32>,
    "tpu.region"() ({
      %run_scoped3A = tpu.sem_alloc : memref<!tpu.dma_semaphore, #tpu.memory_space<semaphore_mem>>
      %dma_start3A_263 = arith.constant 0 : i32
      %dma_start3A_264 = tpu.memref_slice %arg9[%add3A, %dma_start3A_263] : memref<32x16xf32, #tpu.memory_space<hbm>> -> memref<1x16xf32, #tpu.memory_space<hbm>>
      %dma_start3A_265 = tpu.memref_squeeze %dma_start3A_264 : memref<1x16xf32, #tpu.memory_space<hbm>> -> memref<16xf32, #tpu.memory_space<hbm>>
      %dma_start3A_266 = arith.constant 0 : i32
      %dma_start3A_267 = tpu.memref_slice %arg9[%add3A, %dma_start3A_266] : memref<32x16xf32, #tpu.memory_space<hbm>> -> memref<1x16xf32, #tpu.memory_space<hbm>>
      %dma_start3A_268 = tpu.memref_squeeze %dma_start3A_267 : memref<1x16xf32, #tpu.memory_space<hbm>> -> memref<16xf32, #tpu.memory_space<hbm>>
      tpu.enqueue_dma source(%arg25 : memref<16xf32, #tpu.memory_space<vmem>>) target(%dma_start3A_268 : memref<16xf32, #tpu.memory_space<hbm>>) target_semaphore(%run_scoped3A : memref<!tpu.dma_semaphore, #tpu.memory_space<semaphore_mem>>)
      %dma_wait3A_269 = arith.constant 0 : i32
      %dma_wait3A_270 = tpu.memref_slice %arg9[%add3A, %dma_wait3A_269] : memref<32x16xf32, #tpu.memory_space<hbm>> -> memref<1x16xf32, #tpu.memory_space<hbm>>
      %dma_wait3A_271 = tpu.memref_squeeze %dma_wait3A_270 : memref<1x16xf32, #tpu.memory_space<hbm>> -> memref<16xf32, #tpu.memory_space<hbm>>
      %dma_wait3A_272 = arith.constant 0 : i32
      %dma_wait3A_273 = tpu.memref_slice %arg9[%add3A, %dma_wait3A_272] : memref<32x16xf32, #tpu.memory_space<hbm>> -> memref<1x16xf32, #tpu.memory_space<hbm>>
      %dma_wait3A_274 = tpu.memref_squeeze %dma_wait3A_273 : memref<1x16xf32, #tpu.memory_space<hbm>> -> memref<16xf32, #tpu.memory_space<hbm>>
      tpu.wait_dma2 semaphore(%run_scoped3A : memref<!tpu.dma_semaphore, #tpu.memory_space<semaphore_mem>>) src(%arg25 : memref<16xf32, #tpu.memory_space<vmem>>) dst(%dma_wait3A_274 : memref<16xf32, #tpu.memory_space<hbm>>)
      tpu.yield
    }) : () -> ()
    return
  }
}

</mosaic_0001>

<sc_bundles>
// kernel: kernel.3.cloned.1.call-start
scs
__scs_entry_jumppad:
0x0: {  	(pc) =	sbr.rel $0x88, $3  }
0x1: {  	(tag) =	ssettag $0x0;
	lr =	simm.s32 $0x1  }
0x2: {  	[smem:$0x3F9A] =	sst lr;
	_ =	strace $0xD0000000  }
0x3: {  	_ = 	snop  }
0x4: {  	_ = 	snop  }
0x5: {  	_ = 	snop  }
0x6: {  	_ = 	snop  }
0x7: {  	_ = 	snop  }
__scs_overlays_trampoline_lowered:
0x8: {  	[smem:$0x3FA9] =	sst s0  }
0x9: {  	[smem:$0x3FAA] =	sst s1  }
0xa: {  	[smem:$0x3FAB] =	sst s2  }
0xb: {  	[smem:$0x3FAC] =	sst s3  }
0xc: {  	[smem:$0x3FAD] =	sst s4  }
0xd: {  	[smem:$0x3FAE] =	sst s5  }
0xe: {  	[smem:$0x3FAF] =	sst s6  }
0xf: {  	[smem:$0x3FB0] =	sst s7  }
0x10: {  	[smem:$0x3FB1] =	sst s8  }
0x11: {  	[smem:$0x3FB2] =	sst s9;
	s0 =	simm.s32 @!p0 $0x0  }
0x12: {  	s1 =	sld [smem:$0x3F98];
	s0 =	simm.s32 @p0 $0x1  }
0x13: {  	[smem:$0x3FB3] =	sst s0;
	s0 =	simm.s32 @!p1 $0x0  }
0x14: {  	s2 =	sld [smem:$0x3F97];
	s0 =	simm.s32 @p1 $0x1  }
0x15: {  	[smem:$0x3FB4] =	sst s0;
	s0 =	simm.s32 @!p2 $0x0  }
0x16: {  	s3 =	sld [smem:$0x3FDB];
	s0 =	simm.s32 @p2 $0x1  }
0x17: {  	s4 =	simm.s32 $0x1BF5;
	[smem:$0x3FB6] =	sst s0  }
0x18: {  	s0 =	sld [smem:$0x3F99];
	_ =	swait.ge [sflag:s4], $0x0  }
0x19: {  	s7 =	sld [smem:$0x3F9A]  }
0x1a: {  	s8 =	sadd.s32 $0xFFFFE003, lr  }
0x1b: {  	s9 =	sadd.s32 $0xFFFFFEF7, lr;
	s5 =	simm.s32 $0xFFFFFFFF;
	p2 =	slt.u32 s8, $0xFFFFF086  }
0x1c: {  	p1 =	slt.u32 s9, $0xF7A;
	s5 =	simm.s32 @!p2 $0x0  }
0x1d: {  	s5 =	simm.s32 @p1 $0x1;
	p0 =	seq.s32 s7, s2  }
0x1e: {  	s7 =	smul.u32 @!p0 $0xF7A, s2;
	p2 =	seq.s32 @!p0 s5, $0x0  }
0x1f: {  	s9 =	smul.u32 $0xF7A, s1;
	s8 =	simm.s32 @!p0 $0x1BF5;
	p2 =	por !p2, p0  }
0x20: {  	[sflag:s8] =	ssyncset.s32 @!p0 $0xFFFFF086;
	s6 =	sadd.s32 @!p0 s3, s7;
	s7 =	simm.s32 @!p0 $0x108  }
0x21: {  	s3 =	sadd.s32 s3, s9;
	s6 =	sadd.s32 @!p0 $0x88, s6;
	s7 =	simm.s32 @p2 $0x1082  }
0x22: {  	[simem:s7], [sflag:s8] =	dma.local @!p0 [hbm:s6], $0xF7A  }
0x23: {  	s9 =	sor.u32 $0xD0000000, s2;
	s6 =	simm.s32 $0x108;
	_ =	swait.ge @!p0 [sflag:s8], $0x0  }
0x24: {  	s3 =	sadd.s32 $0x88, s3;
	s6 =	simm.s32 @!p1 $0x1082;
	[sflag:s4] =	ssyncset.s32 $0xFFFFF086  }
0x25: {  	[simem:s6], [sflag:s4] =	dma.local [hbm:s3], $0xF7A  }
0x26: {  	[smem:$0x3F9A] =	sst s1;
	(tag) =	ssettag s2;
	_ =	strace s9  }
0x27: {  	s1 =	sld [smem:$0x3FAA]  }
0x28: {  	s2 =	sld [smem:$0x3FAB]  }
0x29: {  	s4 =	sld [smem:$0x3FAD]  }
0x2a: {  	p0 =	seq.s32 s5, $0x0;
	s5 =	sld [smem:$0x3FAE]  }
0x2b: {  	s6 =	sld [smem:$0x3FAF]  }
0x2c: {  	s7 =	sld [smem:$0x3FB0]  }
0x2d: {  	s3 =	simm.s32 $0x108;
	s8 =	sld [smem:$0x3FB1]  }
0x2e: {  	s3 =	simm.s32 @!p0 $0x1082;
	s9 =	sld [smem:$0x3FB2]  }
0x2f: {  	lr =	sadd.s32 s0, s3;
	s0 =	sld [smem:$0x3FA9]  }
0x30: {  	s3 =	sld [smem:$0x3FAC]  }
0x31: {  	[smem:$0x3FB5] =	sst s10  }
0x32: {  	s10 =	sld [smem:$0x3FB3];
	_ =	sdelay $0x3  }
0x33: {  	p0 =	seq.s32 s10, $0x1;
	s10 =	sld [smem:$0x3FB5];
	_ =	sdelay $0x3  }
0x34: {  	[smem:$0x3FB5] =	sst s10  }
0x35: {  	s10 =	sld [smem:$0x3FB4];
	_ =	sdelay $0x3  }
0x36: {  	p1 =	seq.s32 s10, $0x1;
	s10 =	sld [smem:$0x3FB5];
	_ =	sdelay $0x3  }
0x37: {  	[smem:$0x3FB5] =	sst s10  }
0x38: {  	s10 =	sld [smem:$0x3FB6]  }
0x39: {  	_ = 	snop;
	(pc) =	sbr.ind lr, $3  }
0x3a: {  	_ = 	snop  }
0x3b: {  	_ = 	snop  }
0x3c: {  	p2 =	seq.s32 s10, $0x1;
	s10 =	sld [smem:$0x3FB5]  }
0x3d: {  	_ =	shalt  }
0x3e: {  	_ =	shalt  }
0x3f: {  	_ =	shalt  }
0x40: {  	_ =	shalt  }
0x41: {  	_ =	shalt  }
0x42: {  	_ =	shalt  }
0x43: {  	_ =	shalt  }
0x44: {  	_ =	shalt  }
0x45: {  	_ =	shalt  }
0x46: {  	_ =	shalt  }
0x47: {  	_ =	shalt  }
0x48: {  	_ =	shalt  }
0x49: {  	_ =	shalt  }
0x4a: {  	_ =	shalt  }
0x4b: {  	_ =	shalt  }
0x4c: {  	_ =	shalt  }
0x4d: {  	_ =	shalt  }
0x4e: {  	_ =	shalt  }
0x4f: {  	_ =	shalt  }
0x50: {  	_ =	shalt  }
0x51: {  	_ =	shalt  }
0x52: {  	_ =	shalt  }
0x53: {  	_ =	shalt  }
0x54: {  	_ =	shalt  }
0x55: {  	_ =	shalt  }
0x56: {  	_ =	shalt  }
0x57: {  	_ =	shalt  }
0x58: {  	_ =	shalt  }
0x59: {  	_ =	shalt  }
0x5a: {  	_ =	shalt  }
0x5b: {  	_ =	shalt  }
0x5c: {  	_ =	shalt  }
0x5d: {  	_ =	shalt  }
0x5e: {  	_ =	shalt  }
0x5f: {  	_ =	shalt  }
0x60: {  	_ =	shalt  }
0x61: {  	_ =	shalt  }
0x62: {  	_ =	shalt  }
0x63: {  	_ =	shalt  }
0x64: {  	_ =	shalt  }
0x65: {  	_ =	shalt  }
0x66: {  	_ =	shalt  }
0x67: {  	_ =	shalt  }
0x68: {  	_ =	shalt  }
0x69: {  	_ =	shalt  }
0x6a: {  	_ =	shalt  }
0x6b: {  	_ =	shalt  }
0x6c: {  	_ =	shalt  }
0x6d: {  	_ =	shalt  }
0x6e: {  	_ =	shalt  }
0x6f: {  	_ =	shalt  }
0x70: {  	_ =	shalt  }
0x71: {  	_ =	shalt  }
0x72: {  	_ =	shalt  }
0x73: {  	_ =	shalt  }
0x74: {  	_ =	shalt  }
0x75: {  	_ =	shalt  }
0x76: {  	_ =	shalt  }
0x77: {  	_ =	shalt  }
0x78: {  	_ =	shalt  }
0x79: {  	_ =	shalt  }
0x7a: {  	_ =	shalt  }
0x7b: {  	_ =	shalt  }
0x7c: {  	_ =	shalt  }
0x7d: {  	_ =	shalt  }
0x7e: {  	_ =	shalt  }
0x7f: {  	_ =	shalt  }
0x80: {  	_ =	shalt  }
0x81: {  	_ =	shalt  }
0x82: {  	_ =	shalt  }
0x83: {  	_ =	shalt  }
0x84: {  	_ =	shalt  }
0x85: {  	_ =	shalt  }
0x86: {  	_ =	shalt  }
0x87: {  	_ =	shalt  }
.Lfunc_end0:
.L_simem_size_0:
called_computation.1_lowered:
.L_overlay_start_0:
0x88: {  	s2 =	sld [smem:$0x3FD9]  }
0x89: {  	s3 =	sld [smem:$0x3FFE];
	_ =	sdelay $0x1  }
0x8a: {  	s1 =	srdreg.scid  }
0x8b: {  	s0 =	sand.u32 $0x1, s1  }
0x8c: {  	s17 =	sshll.u32 s0, $0xA;
	s2 =	sadd.s32 s3, s2  }
0x8d: {  	s2 =	sadd.s32 s2, s17  }
0x8e: {  	[smem:$0x3FC1] =	sst s2  }
0x8f: {  	_ = 	snop  }
0x90: {  	s2 =	sld [smem:$0x3FC7]  }
0x91: {  	s18 =	sld [smem:$0x3FC6]  }
0x92: {  	s4 =	sld [smem:$0x3FC5]  }
0x93: {  	s5 =	sld [smem:$0x3FC4]  }
0x94: {  	s6 =	sld [smem:$0x3FC3];
	(tm) =	ssettm $0x1  }
0x95: {  	s7 =	sld [smem:$0x3FFB];
	_ =	sdelay $0x3  }
0x96: {  	_ =	strace s7  }
0x97: {  	s7 =	sld [smem:$0x3FFC];
	_ =	sdelay $0x3  }
0x98: {  	_ =	strace s7  }
0x99: {  	s7 =	sld [smem:$0x3FFD];
	_ =	sdelay $0x3  }
0x9a: {  	_ =	strace s7  }
0x9b: {  	_ =	strace $0x8FFFFFFF  }
0x9c: {  	s19 =	sld [smem:$0x3FDB];
	_ =	sdelay $0x1  }
0x9d: {  	s8 =	simm.s32 $_scs_section_size  }
0x9e: {  	s9 =	simm.s32 $_size__tile_overlayer_lowered;
	s10 =	simm.s32 $_tile_overlayer_lowered  }
0x9f: {  	s22 =	simm.s32 $0x1BFF;
	s21 =	sshll.u32 s10, $0x1;
	s7 =	sadd.s32 s8, s19  }
0xa0: {  	s11 =	simm.s32 $0x0;
	s20 =	sshll.u32 s9, $0x1;
	s9 =	sadd.s32 s21, s7  }
0xa1: {  	[timem:s11], [sflag:s22] =	dma.local [hbm:s9], s20  }
0xa2: {  	_ =	swait.ge [sflag:s22], s20  }
0xa3: {  	s8 =	ssub.s32 $0x0, s20;
	[sflag:s22] =	ssyncset.done $0x0  }
0xa4: {  	[sflag:s22] =	ssyncadd.s32 s8;
	_ =	sdelay $0x1  }
0xa5: {  	s23 =	simm.s32 $0x1B8B  }
0xa6: {  	_ =	swait.ge [sflag:s23], $0x1  }
0xa7: {  	[sflag:s23] =	ssyncset.done $0x0  }
0xa8: {  	s25 =	simm.s32 $0x1B8E;
	s24 =	sld [smem:$0x3FFE];
	[sflag:s23] =	ssyncadd.s32 $0xFFFFFFFF  }
0xa9: {  	s26 =	simm.s32 $execute0_lowered;
	[smem:$0x3FD2] =	sst s25  }
0xaa: {  	s9 =	sshll.u32 s26, $0x1;
	_ =	strace $0x80000049;
	[dreg:$0x1] =	wrdreg $0xFFFFFFFF  }
0xab: {  	s28 =	simm.s32 $_size_execute0_lowered;
	s7 =	sadd.s32 s7, s9;
	[dreg:$0x0] =	wrdreg $0x0  }
0xac: {  	s9 =	sshll.u32 s28, $0x1;
	[dreg:$0x2] =	wrdreg s7  }
0xad: {  	[dreg:$0x3] =	wrdreg s9  }
0xae: {  	[dreg:$0x4] =	wrdreg $0xC0  }
0xaf: {  	_ =	task [dreg:s11], $0x5FFFF  }
0xb0: {  	[dreg:$0x1] =	wrdreg $0xFFFFFFFF  }
0xb1: {  	[dreg:$0x0] =	wrdreg $0x60  }
0xb2: {  	[dreg:$0x2] =	wrdreg s24  }
0xb3: {  	[dreg:$0x3] =	wrdreg s2  }
0xb4: {  	[dreg:$0x4] =	wrdreg s18  }
0xb5: {  	[dreg:$0x5] =	wrdreg s4  }
0xb6: {  	[dreg:$0x6] =	wrdreg s5  }
0xb7: {  	[dreg:$0x7] =	wrdreg s6  }
0xb8: {  	[dreg:$0x8] =	wrdreg $0x9  }
0xb9: {  	_ =	task.clear_ibuf [dreg:s11], $0x9FFFF;
	_ =	strace $0x90000049  }
0xba: {  	s29 =	simm.s32 $0x9;
	_ =	strace $0x8000004B  }
0xbb: {  	_ =	swait.ge [sflag:s29], $0x1  }
0xbc: {  	[sflag:s29] =	ssyncadd.s32 $0xFFFFFFFF  }
0xbd: {  	_ =	strace $0x9000004B  }
0xbe: {  	_ =	sfence  }
0xbf: {  	s30 =	sld [smem:$0x0];
	_ =	sdelay $0x2  }
0xc0: {  	s31 =	sshll.u32 s1, $0xD;
	s1 =	sshrl.u32 s1, $0x2  }
0xc1: {  	s3 =	sand.u32 $0x4000, s31;
	s1 =	sadd.s32 s1, s30  }
0xc2: {  	s0 =	sor.u32 s3, s0;
	s1 =	sshll.u32 s1, $0x11  }
0xc3: {  	s0 =	sor.u32 s1, s0  }
0xc4: {  	s0 =	sadd.s32 $0x8F2B, s0  }
0xc5: {  	[sflag:s0] =	ssyncadd.remote.s32 $0x1  }
0xc6: {  	_ =	sfence.sel $0xFFFF  }
0xc7: {  	[dreg:$0x0] =	wrdreg $0xFFFFFFFF;
	(pc) =	sbr.abs _section_cstart, $3  }
0xc8: {  	[dreg:$0x1] =	wrdreg $0xFFFFFFFF  }
0xc9: {  	_ =	task.clear_ibuf [dreg:s11], $0x2FFFF;
	_ =	strace $0x9FFFFFFF  }
0xca: {  	(tm) =	ssettm $0x7FFFFFFF  }
0xcb: {  	_ =	shalt  }
tec
execute0_lowered:
.L_overlay_start_1:
0x0: {  	(tag) =	ssettag $0x1  }
0x1: {  	s1 =	srdreg.scid;
	s4 =	stileid.u32  }
0x2: {  	s0 =	rddreg [dreg:$0x1];
	s2 =	sand.u32 $0x1, s1;
	s14 =	sshll.u32 s4, $0x1  }
0x3: {  	s3 =	rddreg [dreg:$0x2];
	s4 =	sor.u32 s2, s14  }
0x4: {  	s5 =	rddreg [dreg:$0x3];
	s9 =	sshll.u32 s4, $0xE  }
0x5: {  	s7 =	rddreg [dreg:$0x4];
	s10 =	smin.u32 s9, $0x79920  }
0x6: {  	s8 =	rddreg [dreg:$0x5];
	s1 =	simm.s32 $0x0;
	s11 =	sshrl.u32 s10, $0x3  }
0x7: {  	[smem:$0x7FF] =	sst s1;
	s15 =	sadd.s32 s0, s11  }
0x8: {  	s12 =	sadd.s32 s3, s11;
	[dreg:$0x7] =	wrdreg s15  }
0x9: {  	s16 =	sor.u32 $0x800, s9;
	s17 =	sadd.s32 s5, s11;
	[dreg:$0x8] =	wrdreg s12  }
0xa: {  	s13 =	smin.u32 s16, $0x79920;
	s18 =	sadd.s32 s7, s11;
	[dreg:$0x9] =	wrdreg s17  }
0xb: {  	s11 =	sadd.s32 s8, s11;
	s19 =	sshrl.u32 s13, $0x3;
	[dreg:$0xa] =	wrdreg s18  }
0xc: {  	s2 =	ssub.s32 $0x2, s2;
	[dreg:$0xb] =	wrdreg s11;
	s20 =	sadd.s32 s0, s19  }
0xd: {  	s29 =	sor.u32 $0x1800, s9;
	s21 =	sadd.s32 s3, s19;
	[dreg:$0xc] =	wrdreg s20  }
0xe: {  	s13 =	ssub.s32 s13, s16;
	s22 =	sadd.s32 s5, s19;
	[dreg:$0xd] =	wrdreg s21  }
0xf: {  	s16 =	smin.u32 s29, $0x79920;
	s23 =	sadd.s32 s7, s19;
	[dreg:$0xe] =	wrdreg s22  }
0x10: {  	s11 =	sadd.s32 s8, s19;
	s19 =	sshrl.u32 s16, $0x3;
	[dreg:$0xf] =	wrdreg s23  }
0x11: {  	s14 =	sor.u32 $0x1000, s9;
	[dreg:$0x10] =	wrdreg s11;
	s11 =	sadd.s32 s0, s19  }
0x12: {  	s15 =	smin.u32 s14, $0x79920;
	s22 =	sadd.s32 s3, s19;
	[dreg:$0x16] =	wrdreg s11  }
0x13: {  	s24 =	sshrl.u32 s15, $0x3;
	s23 =	sadd.s32 s5, s19;
	[dreg:$0x17] =	wrdreg s22  }
0x14: {  	s6 =	sshrl.u32 s2, $0x1;
	s25 =	sadd.s32 s0, s24;
	[dreg:$0x18] =	wrdreg s23  }
0x15: {  	s6 =	ssub.s32 s2, s6;
	s26 =	sadd.s32 s3, s24;
	[dreg:$0x11] =	wrdreg s25  }
0x16: {  	s12 =	ssub.s32 s10, s9;
	s28 =	sadd.s32 s5, s24;
	[dreg:$0x12] =	wrdreg s26  }
0x17: {  	s15 =	ssub.s32 s15, s14;
	s14 =	sadd.s32 s7, s24;
	[dreg:$0x13] =	wrdreg s28  }
0x18: {  	s17 =	sor.u32 $0x2000, s9;
	s10 =	sadd.s32 s8, s24;
	[dreg:$0x14] =	wrdreg s14  }
0x19: {  	s18 =	smin.u32 s17, $0x79920;
	s24 =	sadd.s32 s7, s19;
	[dreg:$0x15] =	wrdreg s10  }
0x1a: {  	s2 =	sshrl.u32 s18, $0x3;
	[dreg:$0x19] =	wrdreg s24;
	s10 =	sadd.s32 s8, s19  }
0x1b: {  	s20 =	ssub.s32 s16, s29;
	s25 =	sadd.s32 s0, s2;
	[dreg:$0x1a] =	wrdreg s10  }
0x1c: {  	s29 =	sor.u32 $0x2800, s9;
	s26 =	sadd.s32 s3, s2;
	[dreg:$0x1b] =	wrdreg s25  }
0x1d: {  	s21 =	ssub.s32 s18, s17;
	s28 =	sadd.s32 s5, s2;
	[dreg:$0x1c] =	wrdreg s26  }
0x1e: {  	s16 =	smin.u32 s29, $0x79920;
	s14 =	sadd.s32 s7, s2;
	[dreg:$0x1d] =	wrdreg s28  }
0x1f: {  	s2 =	sadd.s32 s8, s2;
	s17 =	sshrl.u32 s16, $0x3;
	[dreg:$0x1e] =	wrdreg s14  }
0x20: {  	[dreg:$0x1f] =	wrdreg s2;
	s18 =	sadd.s32 s0, s17  }
0x21: {  	s19 =	sadd.s32 s3, s17;
	[smem:$0x7EC] =	sst s18  }
0x22: {  	s2 =	ssub.s32 s16, s29;
	s16 =	sadd.s32 s5, s17;
	[smem:$0x7ED] =	sst s19  }
0x23: {  	s11 =	sor.u32 $0x3000, s9;
	s22 =	sadd.s32 s7, s17;
	[smem:$0x7EE] =	sst s16  }
0x24: {  	s14 =	smin.u32 s11, $0x79920;
	s10 =	sadd.s32 s8, s17;
	[smem:$0x7EF] =	sst s22  }
0x25: {  	s23 =	sshrl.u32 s14, $0x3;
	[smem:$0x7F0] =	sst s10  }
0x26: {  	s22 =	rddreg [dreg:$0x0];
	s24 =	sadd.s32 s0, s23  }
0x27: {  	s25 =	sadd.s32 s3, s23;
	[smem:$0x7F1] =	sst s24  }
0x28: {  	s9 =	sor.u32 $0x3800, s9;
	s26 =	sadd.s32 s5, s23;
	[smem:$0x7F2] =	sst s25  }
0x29: {  	s28 =	smin.u32 s9, $0x79920;
	s17 =	sadd.s32 s7, s23;
	[smem:$0x7F3] =	sst s26  }
0x2a: {  	s29 =	sshrl.u32 s28, $0x3;
	s16 =	sadd.s32 s8, s23;
	[smem:$0x7F4] =	sst s17  }
0x2b: {  	s0 =	sadd.s32 s0, s29;
	[smem:$0x7F5] =	sst s16  }
0x2c: {  	s3 =	sadd.s32 s3, s29;
	[smem:$0x7F6] =	sst s0  }
0x2d: {  	s30 =	simm.s32 $0x3;
	s18 =	sadd.s32 s7, s29;
	[smem:$0x7F7] =	sst s3  }
0x2e: {  	s31 =	simm.s32 $0x18700;
	s19 =	sadd.s32 s8, s29;
	[smem:$0x7F9] =	sst s18  }
0x2f: {  	s23 =	ssub.s32 s14, s11;
	s17 =	sadd.s32 s5, s29;
	[smem:$0x7FA] =	sst s19  }
0x30: {  	s26 =	sshll.u32 s4, $0x4;
	s24 =	ssub.s32 s28, s9;
	s25 =	sadd.s32 $0x600, s22  }
0x31: {  	s0 =	sadd.s32 $0x400600, s22;
	s29 =	smax.u32 s6, $0x1;
	s4 =	simm.s32 $0x19F00  }
0x32: {  	s6 =	simm.s32 $0x800;
	s18 =	simm.s32 $0x1EF00;
	s19 =	simm.s32 $0x1  }
0x33: {  	[smem:$0x7F8] =	sst s17;
	s3 =	sadd.s32 s26, s22;
	s17 =	simm.s32 $0x1CF00  }
0x34: {  	s22 =	simm.s32 $0x2;
	_ =	strace $0x8000004A;
	[smem:$0x7FB] =	sst s0  }
0x35: {  	s26 =	simm.s32 $0x0;
	s28 =	sadd.s32 $0x403800, s3;
	[smem:$0x7FD] =	sst s29  }
0x36: {  	s0 =	simm.s32 $0x18F00;
	s3 =	simm.s32 $0x19700;
	[smem:$0x7FC] =	sst s28  }
.LBB2_1:
0x37: {  	s5 =	sld [smem:$0x7FB];
	_ =	sdelay $0x2  }
0x38: {  	[tilespmem:s1], [sflag:$0x3] =	stream.linear.gather [hbm4b:s5+s1], $0x18700, $0x38;
	[tilespmem:$0x1F780] =	vst v63  }
0x39: {  	_ =	swait.ge [sflag:s30], $0x18700  }
0x3a: {  	[sflag:s30] =	ssyncset.done $0x0  }
0x3b: {  	s9 =	rddreg [dreg:$0x7];
	[sflag:s30] =	ssyncadd.s32 $0xFFFE7900  }
0x3c: {  	[tilespmem:s31], [sflag:$0x3] =	stream.linear.gather [hbm4b:s9+s1], $0x800, $0x38;
	[tilespmem:$0x1F780] =	vst v63  }
0x3d: {  	_ =	swait.ge [sflag:s30], $0x800  }
0x3e: {  	[sflag:s30] =	ssyncset.done $0x0  }
0x3f: {  	s10 =	rddreg [dreg:$0x8];
	[sflag:s30] =	ssyncadd.s32 $0xFFFFF800  }
0x40: {  	[tilespmem:s0], [sflag:$0x3] =	stream.linear.gather [hbm4b:s10+s1], $0x800, $0x38;
	[tilespmem:$0x1F780] =	vst v63  }
0x41: {  	_ =	swait.ge [sflag:s30], $0x800  }
0x42: {  	[sflag:s30] =	ssyncset.done $0x0  }
0x43: {  	s11 =	rddreg [dreg:$0x9];
	[sflag:s30] =	ssyncadd.s32 $0xFFFFF800  }
0x44: {  	[tilespmem:s3], [sflag:$0x3] =	stream.linear.gather [hbm4b:s11+s1], $0x800, $0x38;
	[tilespmem:$0x1F780] =	vst v63  }
0x45: {  	_ =	swait.ge [sflag:s30], $0x800  }
0x46: {  	[sflag:s30] =	ssyncset.done $0x0  }
0x47: {  	s14 =	rddreg [dreg:$0xa];
	[sflag:s30] =	ssyncadd.s32 $0xFFFFF800  }
0x48: {  	[tilespmem:s4], [sflag:$0x3] =	stream.linear.gather [hbm4b:s14+s1], $0x800, $0x38;
	[tilespmem:$0x1F780] =	vst v63  }
0x49: {  	_ =	swait.ge [sflag:s30], $0x800  }
0x4a: {  	[sflag:s30] =	ssyncset.done $0x0  }
0x4b: {  	s7 =	simm.s32 $0x1A700;
	s16 =	rddreg [dreg:$0xb];
	[sflag:s30] =	ssyncadd.s32 $0xFFFFF800  }
0x4c: {  	[tilespmem:s7], [sflag:$0x3] =	stream.linear.gather [hbm4b:s16+s1], $0x800, $0x38;
	[tilespmem:$0x1F780] =	vst v63  }
0x4d: {  	_ =	swait.ge [sflag:s30], $0x800  }
0x4e: {  	[sflag:s30] =	ssyncset.done $0x0  }
0x4f: {  	s9 =	simm.s32 $0x18F20;
	[sflag:s30] =	ssyncadd.s32 $0xFFFFF800  }
0x50: {  	s10 =	simm.s32 $0x18720;
	v0 =	vld [tilespmem:s9+$0xFFFFFFE0]  }
0x51: {  	s16 =	simm.s32 $0x19720;
	v1 =	vld [tilespmem:s10+$0xFFFFFFE0]  }
0x52: {  	v2 =	vld [tilespmem:s16+$0xFFFFFFE0]  }
0x53: {  	s5 =	simm.s32 $0x19F20  }
0x54: {  	v3 =	vld [tilespmem:s5+$0xFFFFFFE0];
	_ =	sdelay $0x1  }
0x55: {  	v1 =	vshll.u32 v1, $0x15;
	v0 =	vshll.u32 v0, $0x13  }
0x56: {  	v0 =	vadd.s32 v1, v0;
	v1 =	vshll.u32 v2, $0x9  }
0x57: {  	v0 =	vadd.s32 v1, v0  }
0x58: {  	s7 =	simm.s32 $0x1B720;
	v0 =	vadd.s32 v3, v0  }
0x59: {  	s28 =	simm.s32 $0x1C720;
	[tilespmem:s7+$0xFFFFFFE0] =	vst v0;
	v0 =	vadd.s32 $0x40000, v0  }
0x5a: {  	[tilespmem:s28+$0xFFFFFFE0] =	vst v0  }
0x5b: {  	v0 =	vld [tilespmem:s10+$0xFFFFFFF0]  }
0x5c: {  	v1 =	vld [tilespmem:s9+$0xFFFFFFF0]  }
0x5d: {  	v2 =	vld [tilespmem:s16+$0xFFFFFFF0];
	_ =	sdelay $0x1  }
0x5e: {  	v3 =	vld [tilespmem:s5+$0xFFFFFFF0];
	_ =	sdelay $0x1  }
0x5f: {  	v0 =	vshll.u32 v0, $0x15;
	v1 =	vshll.u32 v1, $0x13  }
0x60: {  	v0 =	vadd.s32 v0, v1;
	v1 =	vshll.u32 v2, $0x9  }
0x61: {  	v0 =	vadd.s32 v1, v0  }
0x62: {  	v0 =	vadd.s32 v3, v0  }
0x63: {  	[tilespmem:s7+$0xFFFFFFF0] =	vst v0;
	v0 =	vadd.s32 $0x40000, v0  }
0x64: {  	[tilespmem:s28+$0xFFFFFFF0] =	vst v0  }
0x65: {  	v0 =	vld [tilespmem:s9+$0x0]  }
0x66: {  	v1 =	vld [tilespmem:s10+$0x0]  }
0x67: {  	v2 =	vld [tilespmem:s16+$0x0];
	_ =	sdelay $0x1  }
0x68: {  	v3 =	vld [tilespmem:s5+$0x0];
	_ =	sdelay $0x1  }
0x69: {  	v1 =	vshll.u32 v1, $0x15;
	v0 =	vshll.u32 v0, $0x13  }
0x6a: {  	v0 =	vadd.s32 v1, v0;
	v1 =	vshll.u32 v2, $0x9  }
0x6b: {  	v0 =	vadd.s32 v1, v0  }
0x6c: {  	v0 =	vadd.s32 v3, v0  }
0x6d: {  	[tilespmem:s7+$0x0] =	vst v0;
	v0 =	vadd.s32 $0x40000, v0  }
0x6e: {  	[tilespmem:s28+$0x0] =	vst v0  }
0x6f: {  	s8 =	simm.s32 $0x0;
	v0 =	vld [tilespmem:s10+$0x10]  }
0x70: {  	s29 =	simm.s32 $0x1C720;
	s11 =	simm.s32 $0x19F60;
	s14 =	simm.s32 $0x19760;
	v1 =	vld [tilespmem:s9+$0x10]  }
0x71: {  	s10 =	simm.s32 $0x18760;
	v2 =	vld [tilespmem:s16+$0x10];
	s16 =	simm.s32 $0x18F60;
	s9 =	simm.s32 $0x1B720  }
.LBB2_2:
0x72: {  	s8 =	sadd.s32 $0x4, s8;
	v3 =	vld [tilespmem:s5+$0x10];
	s28 =	sadd.s32 $0x40, s28;
	s7 =	sadd.s32 $0x40, s7  }
0x73: {  	s5 =	smov.u32 s11;
	p0 =	slt.u32 s8, $0x7C  }
0x74: {  	v0 =	vshll.u32 v0, $0x15  }
0x75: {  	v1 =	vshll.u32 v1, $0x13  }
0x76: {  	v0 =	vadd.s32 v0, v1;
	v1 =	vshll.u32 v2, $0x9  }
0x77: {  	v0 =	vadd.s32 v1, v0  }
0x78: {  	v0 =	vadd.s32 v3, v0  }
0x79: {  	[tilespmem:s9+$0x10] =	vst v0;
	v0 =	vadd.s32 $0x40000, v0;
	s9 =	smov.u32 s7  }
0x7a: {  	[tilespmem:s29+$0x10] =	vst v0;
	s29 =	smov.u32 s28  }
0x7b: {  	v0 =	vld [tilespmem:s16+$0xFFFFFFE0]  }
0x7c: {  	v1 =	vld [tilespmem:s10+$0xFFFFFFE0]  }
0x7d: {  	v2 =	vld [tilespmem:s14+$0xFFFFFFE0];
	_ =	sdelay $0x1  }
0x7e: {  	v3 =	vld [tilespmem:s11+$0xFFFFFFE0];
	_ =	sdelay $0x1  }
0x7f: {  	v0 =	vshll.u32 v0, $0x13;
	v1 =	vshll.u32 v1, $0x15  }
0x80: {  	v0 =	vadd.s32 v1, v0;
	v1 =	vshll.u32 v2, $0x9  }
0x81: {  	v0 =	vadd.s32 v1, v0  }
0x82: {  	v0 =	vadd.s32 v3, v0  }
0x83: {  	[tilespmem:s7+$0xFFFFFFE0] =	vst v0;
	v0 =	vadd.s32 $0x40000, v0  }
0x84: {  	[tilespmem:s28+$0xFFFFFFE0] =	vst v0  }
0x85: {  	v0 =	vld [tilespmem:s10+$0xFFFFFFF0]  }
0x86: {  	v1 =	vld [tilespmem:s16+$0xFFFFFFF0]  }
0x87: {  	v2 =	vld [tilespmem:s14+$0xFFFFFFF0];
	_ =	sdelay $0x1  }
0x88: {  	v3 =	vld [tilespmem:s11+$0xFFFFFFF0];
	_ =	sdelay $0x1  }
0x89: {  	v0 =	vshll.u32 v0, $0x15;
	v1 =	vshll.u32 v1, $0x13  }
0x8a: {  	v0 =	vadd.s32 v0, v1;
	v1 =	vshll.u32 v2, $0x9  }
0x8b: {  	v0 =	vadd.s32 v1, v0  }
0x8c: {  	v0 =	vadd.s32 v3, v0  }
0x8d: {  	[tilespmem:s7+$0xFFFFFFF0] =	vst v0;
	v0 =	vadd.s32 $0x40000, v0  }
0x8e: {  	[tilespmem:s28+$0xFFFFFFF0] =	vst v0  }
0x8f: {  	v0 =	vld [tilespmem:s16+$0x0]  }
0x90: {  	v1 =	vld [tilespmem:s10+$0x0]  }
0x91: {  	v2 =	vld [tilespmem:s14+$0x0];
	_ =	sdelay $0x1  }
0x92: {  	v3 =	vld [tilespmem:s11+$0x0];
	_ =	sdelay $0x1  }
0x93: {  	v0 =	vshll.u32 v0, $0x13;
	v1 =	vshll.u32 v1, $0x15  }
0x94: {  	v0 =	vadd.s32 v1, v0;
	v1 =	vshll.u32 v2, $0x9  }
0x95: {  	v0 =	vadd.s32 v1, v0  }
0x96: {  	v0 =	vadd.s32 v3, v0  }
.Ltmp0:
0x97: {  	[tilespmem:s7+$0x0] =	vst v0;
	v0 =	vadd.s32 $0x40000, v0;
	(pc) =	sbr.rel @p0 .LBB2_2-.Ltmp0, $4  }
0x98: {  	[tilespmem:s28+$0x0] =	vst v0  }
0x99: {  	v0 =	vld [tilespmem:s10+$0x10]  }
0x9a: {  	s10 =	sadd.s32 $0x40, s10;
	v1 =	vld [tilespmem:s16+$0x10]  }
0x9b: {  	s11 =	sadd.s32 $0x40, s11;
	s16 =	sadd.s32 $0x40, s16;
	v2 =	vld [tilespmem:s14+$0x10];
	s14 =	sadd.s32 $0x40, s14  }
0x9c: {  	_ = 	snop  }
0x9d: {  	v3 =	vld [tilespmem:s5+$0x10];
	_ =	sdelay $0x1  }
0x9e: {  	v0 =	vshll.u32 v0, $0x15;
	v1 =	vshll.u32 v1, $0x13  }
0x9f: {  	v0 =	vadd.s32 v0, v1;
	v1 =	vshll.u32 v2, $0x9  }
0xa0: {  	v0 =	vadd.s32 v1, v0  }
0xa1: {  	v0 =	vadd.s32 v3, v0  }
0xa2: {  	[tilespmem:s9+$0x10] =	vst v0;
	v0 =	vadd.s32 $0x40000, v0  }
0xa3: {  	s10 =	simm.s32 $0x1B700;
	s7 =	simm.s32 $0x1D700;
	[tilespmem:s29+$0x10] =	vst v0  }
0xa4: {  	[tilespmem:s7], [sflag:$0x1] =	stream.indirect.gather [hbm4b:s25+s6], $0x1, s10, s6, $0xb8;
	[tilespmem:$0x1F780] =	vst v63  }
0xa5: {  	s11 =	simm.s32 $0x1C700;
	s14 =	simm.s32 $0x1E700  }
0xa6: {  	[tilespmem:s14], [sflag:$0x1] =	stream.indirect.gather [hbm4b:s25+s6], $0x1, s11, s6, $0xb8;
	[tilespmem:$0x1F780] =	vst v63  }
0xa7: {  	s16 =	rddreg [dreg:$0xc]  }
0xa8: {  	[tilespmem:s31], [sflag:$0x3] =	stream.linear.gather [hbm4b:s16+s1], $0x800, $0x38;
	[tilespmem:$0x1F780] =	vst v63  }
0xa9: {  	_ =	swait.ge [sflag:s30], $0x800  }
0xaa: {  	[sflag:s30] =	ssyncset.done $0x0  }
0xab: {  	s7 =	rddreg [dreg:$0xd];
	[sflag:s30] =	ssyncadd.s32 $0xFFFFF800  }
0xac: {  	[tilespmem:s0], [sflag:$0x3] =	stream.linear.gather [hbm4b:s7+s1], $0x800, $0x38;
	[tilespmem:$0x1F780] =	vst v63  }
0xad: {  	_ =	swait.ge [sflag:s30], $0x800  }
0xae: {  	[sflag:s30] =	ssyncset.done $0x0  }
0xaf: {  	s8 =	rddreg [dreg:$0xe];
	[sflag:s30] =	ssyncadd.s32 $0xFFFFF800  }
0xb0: {  	[tilespmem:s3], [sflag:$0x3] =	stream.linear.gather [hbm4b:s8+s1], $0x800, $0x38;
	[tilespmem:$0x1F780] =	vst v63  }
0xb1: {  	_ =	swait.ge [sflag:s30], $0x800  }
0xb2: {  	[sflag:s30] =	ssyncset.done $0x0  }
0xb3: {  	s9 =	rddreg [dreg:$0xf];
	[sflag:s30] =	ssyncadd.s32 $0xFFFFF800  }
0xb4: {  	[tilespmem:s4], [sflag:$0x3] =	stream.linear.gather [hbm4b:s9+s1], $0x800, $0x38;
	[tilespmem:$0x1F780] =	vst v63  }
0xb5: {  	_ =	swait.ge [sflag:s30], $0x800  }
0xb6: {  	[sflag:s30] =	ssyncset.done $0x0  }
0xb7: {  	s11 =	simm.s32 $0x1AF00;
	s10 =	rddreg [dreg:$0x10];
	[sflag:s30] =	ssyncadd.s32 $0xFFFFF800  }
0xb8: {  	[tilespmem:s11], [sflag:$0x3] =	stream.linear.gather [hbm4b:s10+s1], $0x800, $0x38;
	[tilespmem:$0x1F780] =	vst v63  }
0xb9: {  	_ =	swait.ge [sflag:s30], $0x800  }
0xba: {  	[sflag:s30] =	ssyncset.done $0x0  }
0xbb: {  	s14 =	simm.s32 $0x18F20;
	[sflag:s30] =	ssyncadd.s32 $0xFFFFF800  }
0xbc: {  	s10 =	simm.s32 $0x18720;
	v0 =	vld [tilespmem:s14+$0xFFFFFFE0]  }
0xbd: {  	s16 =	simm.s32 $0x19720;
	v1 =	vld [tilespmem:s10+$0xFFFFFFE0]  }
0xbe: {  	v2 =	vld [tilespmem:s16+$0xFFFFFFE0]  }
0xbf: {  	s5 =	simm.s32 $0x19F20  }
0xc0: {  	v3 =	vld [tilespmem:s5+$0xFFFFFFE0];
	_ =	sdelay $0x1  }
0xc1: {  	v1 =	vshll.u32 v1, $0x15;
	v0 =	vshll.u32 v0, $0x13  }
0xc2: {  	v0 =	vadd.s32 v1, v0;
	v1 =	vshll.u32 v2, $0x9  }
0xc3: {  	v0 =	vadd.s32 v1, v0  }
0xc4: {  	s7 =	simm.s32 $0x1BF20;
	v0 =	vadd.s32 v3, v0  }
0xc5: {  	s28 =	simm.s32 $0x1CF20;
	[tilespmem:s7+$0xFFFFFFE0] =	vst v0;
	v0 =	vadd.s32 $0x40000, v0  }
0xc6: {  	[tilespmem:s28+$0xFFFFFFE0] =	vst v0  }
0xc7: {  	v0 =	vld [tilespmem:s10+$0xFFFFFFF0]  }
0xc8: {  	v1 =	vld [tilespmem:s14+$0xFFFFFFF0]  }
0xc9: {  	v2 =	vld [tilespmem:s16+$0xFFFFFFF0];
	_ =	sdelay $0x1  }
0xca: {  	v3 =	vld [tilespmem:s5+$0xFFFFFFF0];
	_ =	sdelay $0x1  }
0xcb: {  	v0 =	vshll.u32 v0, $0x15;
	v1 =	vshll.u32 v1, $0x13  }
0xcc: {  	v0 =	vadd.s32 v0, v1;
	v1 =	vshll.u32 v2, $0x9  }
0xcd: {  	v0 =	vadd.s32 v1, v0  }
0xce: {  	v0 =	vadd.s32 v3, v0  }
0xcf: {  	[tilespmem:s7+$0xFFFFFFF0] =	vst v0;
	v0 =	vadd.s32 $0x40000, v0  }
0xd0: {  	[tilespmem:s28+$0xFFFFFFF0] =	vst v0  }
0xd1: {  	v0 =	vld [tilespmem:s14+$0x0]  }
0xd2: {  	v1 =	vld [tilespmem:s10+$0x0]  }
0xd3: {  	v2 =	vld [tilespmem:s16+$0x0];
	_ =	sdelay $0x1  }
0xd4: {  	v3 =	vld [tilespmem:s5+$0x0];
	_ =	sdelay $0x1  }
0xd5: {  	v1 =	vshll.u32 v1, $0x15;
	v0 =	vshll.u32 v0, $0x13  }
0xd6: {  	v0 =	vadd.s32 v1, v0;
	v1 =	vshll.u32 v2, $0x9  }
0xd7: {  	v0 =	vadd.s32 v1, v0  }
0xd8: {  	v0 =	vadd.s32 v3, v0  }
0xd9: {  	[tilespmem:s7+$0x0] =	vst v0;
	v0 =	vadd.s32 $0x40000, v0  }
0xda: {  	[tilespmem:s28+$0x0] =	vst v0  }
0xdb: {  	s29 =	simm.s32 $0x1CF20;
	v0 =	vld [tilespmem:s10+$0x10]  }
0xdc: {  	s8 =	simm.s32 $0x0;
	s9 =	simm.s32 $0x1BF20;
	s11 =	simm.s32 $0x19F60;
	v1 =	vld [tilespmem:s14+$0x10]  }
0xdd: {  	s10 =	simm.s32 $0x18760;
	s14 =	simm.s32 $0x19760;
	v2 =	vld [tilespmem:s16+$0x10];
	s16 =	simm.s32 $0x18F60  }
.LBB2_4:
0xde: {  	s8 =	sadd.s32 $0x4, s8;
	v3 =	vld [tilespmem:s5+$0x10];
	s28 =	sadd.s32 $0x40, s28;
	s7 =	sadd.s32 $0x40, s7  }
0xdf: {  	s5 =	smov.u32 s11;
	p0 =	slt.u32 s8, $0x7C  }
0xe0: {  	v0 =	vshll.u32 v0, $0x15  }
0xe1: {  	v1 =	vshll.u32 v1, $0x13  }
0xe2: {  	v0 =	vadd.s32 v0, v1;
	v1 =	vshll.u32 v2, $0x9  }
0xe3: {  	v0 =	vadd.s32 v1, v0  }
0xe4: {  	v0 =	vadd.s32 v3, v0  }
0xe5: {  	[tilespmem:s9+$0x10] =	vst v0;
	v0 =	vadd.s32 $0x40000, v0;
	s9 =	smov.u32 s7  }
0xe6: {  	[tilespmem:s29+$0x10] =	vst v0;
	s29 =	smov.u32 s28  }
0xe7: {  	v0 =	vld [tilespmem:s16+$0xFFFFFFE0]  }
0xe8: {  	v1 =	vld [tilespmem:s10+$0xFFFFFFE0]  }
0xe9: {  	v2 =	vld [tilespmem:s14+$0xFFFFFFE0];
	_ =	sdelay $0x1  }
0xea: {  	v3 =	vld [tilespmem:s11+$0xFFFFFFE0];
	_ =	sdelay $0x1  }
0xeb: {  	v0 =	vshll.u32 v0, $0x13;
	v1 =	vshll.u32 v1, $0x15  }
0xec: {  	v0 =	vadd.s32 v1, v0;
	v1 =	vshll.u32 v2, $0x9  }
0xed: {  	v0 =	vadd.s32 v1, v0  }
0xee: {  	v0 =	vadd.s32 v3, v0  }
0xef: {  	[tilespmem:s7+$0xFFFFFFE0] =	vst v0;
	v0 =	vadd.s32 $0x40000, v0  }
0xf0: {  	[tilespmem:s28+$0xFFFFFFE0] =	vst v0  }
0xf1: {  	v0 =	vld [tilespmem:s10+$0xFFFFFFF0]  }
0xf2: {  	v1 =	vld [tilespmem:s16+$0xFFFFFFF0]  }
0xf3: {  	v2 =	vld [tilespmem:s14+$0xFFFFFFF0];
	_ =	sdelay $0x1  }
0xf4: {  	v3 =	vld [tilespmem:s11+$0xFFFFFFF0];
	_ =	sdelay $0x1  }
0xf5: {  	v0 =	vshll.u32 v0, $0x15;
	v1 =	vshll.u32 v1, $0x13  }
0xf6: {  	v0 =	vadd.s32 v0, v1;
	v1 =	vshll.u32 v2, $0x9  }
0xf7: {  	v0 =	vadd.s32 v1, v0  }
0xf8: {  	v0 =	vadd.s32 v3, v0  }
0xf9: {  	[tilespmem:s7+$0xFFFFFFF0] =	vst v0;
	v0 =	vadd.s32 $0x40000, v0  }
0xfa: {  	[tilespmem:s28+$0xFFFFFFF0] =	vst v0  }
0xfb: {  	v0 =	vld [tilespmem:s16+$0x0]  }
0xfc: {  	v1 =	vld [tilespmem:s10+$0x0]  }
0xfd: {  	v2 =	vld [tilespmem:s14+$0x0];
	_ =	sdelay $0x1  }
0xfe: {  	v3 =	vld [tilespmem:s11+$0x0];
	_ =	sdelay $0x1  }
0xff: {  	v0 =	vshll.u32 v0, $0x13;
	v1 =	vshll.u32 v1, $0x15  }
0x100: {  	v0 =	vadd.s32 v1, v0;
	v1 =	vshll.u32 v2, $0x9  }
0x101: {  	v0 =	vadd.s32 v1, v0  }
0x102: {  	v0 =	vadd.s32 v3, v0  }
.Ltmp1:
0x103: {  	[tilespmem:s7+$0x0] =	vst v0;
	v0 =	vadd.s32 $0x40000, v0;
	(pc) =	sbr.rel @p0 .LBB2_4-.Ltmp1, $4  }
0x104: {  	[tilespmem:s28+$0x0] =	vst v0  }
0x105: {  	v0 =	vld [tilespmem:s10+$0x10]  }
0x106: {  	s10 =	sadd.s32 $0x40, s10;
	v1 =	vld [tilespmem:s16+$0x10]  }
0x107: {  	s11 =	sadd.s32 $0x40, s11;
	s16 =	sadd.s32 $0x40, s16;
	v2 =	vld [tilespmem:s14+$0x10];
	s14 =	sadd.s32 $0x40, s14  }
0x108: {  	_ = 	snop  }
0x109: {  	v3 =	vld [tilespmem:s5+$0x10];
	_ =	sdelay $0x1  }
0x10a: {  	v0 =	vshll.u32 v0, $0x15;
	v1 =	vshll.u32 v1, $0x13  }
0x10b: {  	v0 =	vadd.s32 v0, v1;
	v1 =	vshll.u32 v2, $0x9  }
0x10c: {  	v0 =	vadd.s32 v1, v0  }
0x10d: {  	v0 =	vadd.s32 v3, v0  }
0x10e: {  	[tilespmem:s9+$0x10] =	vst v0;
	v0 =	vadd.s32 $0x40000, v0  }
0x10f: {  	s7 =	simm.s32 $0x1DF00;
	s9 =	simm.s32 $0x1BF00;
	[tilespmem:s29+$0x10] =	vst v0  }
0x110: {  	[tilespmem:s7], [sflag:$0x2] =	stream.indirect.gather [hbm4b:s25+s6], $0x1, s9, s6, $0xb8;
	[tilespmem:$0x1F780] =	vst v63  }
0x111: {  	_ = 	snop  }
0x112: {  	[tilespmem:s18], [sflag:$0x2] =	stream.indirect.gather [hbm4b:s25+s6], $0x1, s17, s6, $0xb8;
	[tilespmem:$0x1F780] =	vst v63  }
0x113: {  	_ =	swait.ge [sflag:s19], $0x800  }
0x114: {  	[sflag:s19] =	ssyncset.done $0x0  }
0x115: {  	[sflag:s19] =	ssyncadd.s32 $0xFFFFF800  }
0x116: {  	_ =	swait.ge [sflag:s19], $0x800  }
0x117: {  	[sflag:s19] =	ssyncset.done $0x0  }
0x118: {  	s10 =	simm.s32 $0x1A720;
	[sflag:s19] =	ssyncadd.s32 $0xFFFFF800  }
0x119: {  	s11 =	simm.s32 $0x1D720;
	v0 =	vld [tilespmem:s10+$0x0]  }
0x11a: {  	v3 =	vld [tilespmem:s11+$0x10]  }
0x11b: {  	v1 =	vld [tilespmem:s10+$0xFFFFFFE0]  }
0x11c: {  	v2 =	vld [tilespmem:s11+$0x0]  }
0x11d: {  	s8 =	simm.s32 $0x1E720;
	v5 =	vld [tilespmem:s10+$0xFFFFFFF0]  }
0x11e: {  	v4 =	vld [tilespmem:s8+$0x0]  }
0x11f: {  	v6 =	vld [tilespmem:s11+$0xFFFFFFF0]  }
0x120: {  	v8 =	vld [tilespmem:s10+$0x10];
	v0 =	vshll.u32 v0, $0x1  }
0x121: {  	v7 =	vld [tilespmem:s8+$0xFFFFFFF0];
	v1 =	vshll.u32 v1, $0x1  }
0x122: {  	v10 =	vld [tilespmem:s11+$0xFFFFFFE0];
	v5 =	vshll.u32 v5, $0x1  }
0x123: {  	s14 =	simm.s32 $0x1A760;
	v11 =	vld [tilespmem:s8+$0xFFFFFFE0];
	v9 =	vor.u32 $0x1, v1  }
0x124: {  	v13 =	vld [tilespmem:s14+$0x0];
	v12 =	vor.u32 $0x1, v5  }
0x125: {  	v8 =	vshll.u32 v8, $0x1;
	v14 =	vld.idx.msk [tilespmem:v0+s1+$0x0], $0xffff  }
0x126: {  	v15 =	vor.u32 $0x1, v8;
	v1 =	vld.idx.msk [tilespmem:v1+s1+$0x0], $0xffff  }
0x127: {  	v0 =	vor.u32 $0x1, v0;
	v5 =	vld.idx.msk [tilespmem:v5+s1+$0x0], $0xffff  }
0x128: {  	v9 =	vld.idx.msk [tilespmem:v9+s1+$0x0], $0xffff  }
0x129: {  	v12 =	vld.idx.msk [tilespmem:v12+s1+$0x0], $0xffff  }
0x12a: {  	v8 =	vld.idx.msk [tilespmem:v8+s1+$0x0], $0xffff  }
0x12b: {  	v15 =	vld.idx.msk [tilespmem:v15+s1+$0x0], $0xffff  }
0x12c: {  	v16 =	vld.idx.msk [tilespmem:v0+s1+$0x0], $0xffff  }
0x12d: {  	v1 =	vsub.f32 v10, v1;
	v10 =	vld [tilespmem:s8+$0x10];
	v9 =	vsub.f32 v11, v9  }
0x12e: {  	v5 =	vsub.f32 v6, v5;
	v6 =	vld [tilespmem:s14+$0xFFFFFFE0];
	v7 =	vsub.f32 v7, v12  }
0x12f: {  	s28 =	simm.s32 $0x1D760;
	v63 =	vld [tilespmem:s14+$0xFFFFFFF0];
	v14 =	vsub.f32 v2, v14;
	v11 =	vmul.f32 v1, v1;
	v9 =	vmul.f32 v9, v9  }
0x130: {  	s5 =	simm.s32 $0x1E760;
	v0 =	vld [tilespmem:s28+$0x10];
	v8 =	vsub.f32 v3, v8;
	v5 =	vmul.f32 v5, v5;
	v7 =	vmul.f32 v7, v7  }
0x131: {  	s10 =	sadd.s32 $0x0, s12;
	v2 =	vld [tilespmem:s5+$0x0];
	v12 =	vimm.f32 $0.0e+00;
	v4 =	vsub.f32 v4, v16;
	v9 =	vadd.f32 v9, v11  }
0x132: {  	p0 =	sgt.s32 s10, $0xFFFFFFFF;
	v3 =	vld [tilespmem:s28+$0xFFFFFFF0];
	v14 =	vmul.f32 v14, v14;
	v10 =	vsub.f32 v10, v15;
	v5 =	vadd.f32 v7, v5  }
0x133: {  	s16 =	sadd.s32 $0x10, s10;
	v1 =	vld [tilespmem:s28+$0x0];
	v11 =	vshll.u32 v6, $0x1;
	v9 =	vpsel !p0, $0x0, v9;
	v7 =	vmul.f32 v4, v4  }
0x134: {  	p5 =	sgt.s32 s16, $0xFFFFFFFF;
	v4 =	vld [tilespmem:s5+$0xFFFFFFF0];
	v17 =	vmul.f32 v10, v10;
	v10 =	vshll.u32 v13, $0x1;
	v6 =	vadd.f32 v9, v12  }
0x135: {  	s29 =	sadd.s32 $0x20, s10;
	v8 =	vmul.f32 v8, v8;
	v12 =	vld [tilespmem:s14+$0x10];
	v9 =	vpsel !p5, $0x0, v5;
	v15 =	vadd.f32 v7, v14  }
0x136: {  	s7 =	simm.s32 $0x0;
	p6 =	sgt.s32 s29, $0xFFFFFFFF;
	v13 =	vor.u32 $0x1, v11;
	v5 =	vld [tilespmem:s28+$0xFFFFFFE0];
	v7 =	vadd.f32 v9, v6  }
0x137: {  	s9 =	simm.s32 $0x1A7A0;
	s11 =	sadd.s32 $0x30, s10;
	s8 =	simm.s32 $0x4;
	v14 =	vshll.u32 v63, $0x1;
	v8 =	vadd.f32 v17, v8;
	v6 =	vld [tilespmem:s5+$0xFFFFFFE0];
	v9 =	vpsel !p6, $0x0, v15  }
.LBB2_6:
0x138: {  	v15 =	vld [tilespmem:s9+$0x0];
	v16 =	vor.u32 $0x1, v14;
	v7 =	vadd.f32 v9, v7;
	p0 =	sgt.s32 s11, $0xFFFFFFFF  }
0x139: {  	v9 =	vld.idx.msk [tilespmem:v10+s1+$0x0], $0xffff;
	v10 =	vor.u32 $0x1, v10;
	v8 =	vpsel !p0, $0x0, v8  }
0x13a: {  	v11 =	vld.idx.msk [tilespmem:v11+s1+$0x0], $0xffff;
	v12 =	vshll.u32 v12, $0x1;
	v7 =	vadd.f32 v8, v7  }
0x13b: {  	v8 =	vld.idx.msk [tilespmem:v13+s1+$0x0], $0xffff;
	v13 =	vor.u32 $0x1, v12  }
0x13c: {  	v14 =	vld.idx.msk [tilespmem:v14+s1+$0x0], $0xffff  }
0x13d: {  	v16 =	vld.idx.msk [tilespmem:v16+s1+$0x0], $0xffff  }
0x13e: {  	v17 =	vld.idx.msk [tilespmem:v10+s1+$0x0], $0xffff  }
0x13f: {  	v12 =	vld.idx.msk [tilespmem:v12+s1+$0x0], $0xffff  }
0x140: {  	v13 =	vld.idx.msk [tilespmem:v13+s1+$0x0], $0xffff  }
0x141: {  	s28 =	sadd.s32 $0x40, s28;
	v5 =	vsub.f32 v5, v11;
	v6 =	vsub.f32 v6, v8;
	v8 =	vld [tilespmem:s5+$0x10]  }
0x142: {  	v3 =	vsub.f32 v3, v14;
	v11 =	vld [tilespmem:s28+$0x10]  }
0x143: {  	v5 =	vmul.f32 v5, v5;
	v6 =	vmul.f32 v6, v6;
	v4 =	vsub.f32 v4, v16;
	v14 =	vld [tilespmem:s9+$0xFFFFFFE0]  }
0x144: {  	s8 =	sadd.s32 $0x4, s8;
	s7 =	sadd.s32 $0x40, s7;
	v10 =	vshll.u32 v15, $0x1;
	v9 =	vsub.f32 v1, v9;
	s5 =	sadd.s32 $0x40, s5;
	v15 =	vsub.f32 v2, v17;
	v1 =	vld [tilespmem:s28+$0x0]  }
0x145: {  	p0 =	slt.u32 s8, $0x7C;
	s10 =	sadd.s32 s12, s7;
	v5 =	vadd.f32 v6, v5;
	v6 =	vmul.f32 v3, v3;
	v4 =	vmul.f32 v4, v4;
	v2 =	vld [tilespmem:s5+$0x0]  }
0x146: {  	p1 =	sgt.s32 s10, $0xFFFFFFFF;
	v9 =	vmul.f32 v9, v9;
	v12 =	vsub.f32 v0, v12;
	v16 =	vld [tilespmem:s9+$0xFFFFFFF0];
	v8 =	vsub.f32 v8, v13  }
.Ltmp2:
0x147: {  	s11 =	sadd.s32 $0x10, s10;
	v5 =	vpsel !p1, $0x0, v5;
	v6 =	vadd.f32 v4, v6;
	v13 =	vmul.f32 v15, v15;
	v3 =	vld [tilespmem:s28+$0xFFFFFFF0];
	v0 =	vmovc v11;
	(pc) =	sbr.rel @p0 .LBB2_6-.Ltmp2, $4  }
0x148: {  	p1 =	sgt.s32 s11, $0xFFFFFFFF;
	v15 =	vmul.f32 v12, v12;
	v7 =	vadd.f32 v5, v7;
	v11 =	vshll.u32 v14, $0x1;
	v4 =	vld [tilespmem:s5+$0xFFFFFFF0]  }
0x149: {  	s11 =	sadd.s32 $0x20, s10;
	v6 =	vpsel !p1, $0x0, v6;
	v9 =	vadd.f32 v13, v9;
	v8 =	vmul.f32 v8, v8;
	v12 =	vld [tilespmem:s9+$0x10]  }
0x14a: {  	p1 =	sgt.s32 s11, $0xFFFFFFFF;
	v13 =	vor.u32 $0x1, v11;
	v7 =	vadd.f32 v6, v7;
	v5 =	vld [tilespmem:s28+$0xFFFFFFE0]  }
0x14b: {  	s11 =	sadd.s32 $0x30, s10;
	s9 =	sadd.s32 $0x40, s9;
	v9 =	vpsel !p1, $0x0, v9;
	v8 =	vadd.f32 v8, v15;
	v6 =	vld [tilespmem:s5+$0xFFFFFFE0];
	v14 =	vshll.u32 v16, $0x1  }
0x14c: {  	_ =	sdelay $0x3  }
0x14d: {  	v15 =	vor.u32 $0x1, v14;
	v16 =	vld.idx.msk [tilespmem:v10+s1+$0x0], $0xffff  }
0x14e: {  	v51 =	vor.u32 $0x1, v10;
	v11 =	vld.idx.msk [tilespmem:v11+s1+$0x0], $0xffff  }
0x14f: {  	v13 =	vld.idx.msk [tilespmem:v13+s1+$0x0], $0xffff;
	v12 =	vshll.u32 v12, $0x1  }
0x150: {  	v52 =	vld.idx.msk [tilespmem:v14+s1+$0x0], $0xffff;
	v17 =	vor.u32 $0x1, v12  }
0x151: {  	v18 =	vld [tilespmem:s5+$0x10]  }
0x152: {  	v15 =	vld.idx.msk [tilespmem:v15+s1+$0x0], $0xffff  }
0x153: {  	v10 =	vld.idx.msk [tilespmem:v51+s1+$0x0], $0xffff  }
0x154: {  	s14 =	rddreg [dreg:$0x11];
	v12 =	vld.idx.msk [tilespmem:v12+s1+$0x0], $0xffff  }
0x155: {  	v17 =	vld.idx.msk [tilespmem:v17+s1+$0x0], $0xffff;
	[tilespmem:s31], [sflag:$0x3] =	stream.linear.gather [hbm4b:s14+s1], $0x800, $0x38  }
0x156: {  	_ =	swait.ge [sflag:s30], $0x800  }
0x157: {  	[sflag:s30] =	ssyncset.done $0x0  }
0x158: {  	s16 =	rddreg [dreg:$0x12];
	[sflag:s30] =	ssyncadd.s32 $0xFFFFF800  }
0x159: {  	[tilespmem:s0], [sflag:$0x3] =	stream.linear.gather [hbm4b:s16+s1], $0x800, $0x38;
	[tilespmem:$0x1F780] =	vst v63  }
0x15a: {  	_ =	swait.ge [sflag:s30], $0x800  }
0x15b: {  	[sflag:s30] =	ssyncset.done $0x0  }
0x15c: {  	s8 =	rddreg [dreg:$0x13];
	[sflag:s30] =	ssyncadd.s32 $0xFFFFF800  }
0x15d: {  	[tilespmem:s3], [sflag:$0x3] =	stream.linear.gather [hbm4b:s8+s1], $0x800, $0x38;
	[tilespmem:$0x1F780] =	vst v63  }
0x15e: {  	_ =	swait.ge [sflag:s30], $0x800  }
0x15f: {  	[sflag:s30] =	ssyncset.done $0x0  }
0x160: {  	s9 =	rddreg [dreg:$0x14];
	[sflag:s30] =	ssyncadd.s32 $0xFFFFF800  }
0x161: {  	[tilespmem:s4], [sflag:$0x3] =	stream.linear.gather [hbm4b:s9+s1], $0x800, $0x38;
	[tilespmem:$0x1F780] =	vst v63  }
0x162: {  	_ =	swait.ge [sflag:s30], $0x800  }
0x163: {  	[sflag:s30] =	ssyncset.done $0x0  }
0x164: {  	s8 =	simm.s32 $0x1A700;
	s10 =	rddreg [dreg:$0x15];
	[sflag:s30] =	ssyncadd.s32 $0xFFFFF800  }
0x165: {  	[tilespmem:s8], [sflag:$0x3] =	stream.linear.gather [hbm4b:s10+s1], $0x800, $0x38;
	[tilespmem:$0x1F780] =	vst v63  }
0x166: {  	_ =	swait.ge [sflag:s30], $0x800  }
0x167: {  	[sflag:s30] =	ssyncset.done $0x0  }
0x168: {  	s9 =	simm.s32 $0x18F20;
	[sflag:s30] =	ssyncadd.s32 $0xFFFFF800  }
0x169: {  	s10 =	simm.s32 $0x18720;
	v19 =	vld [tilespmem:s9+$0xFFFFFFE0]  }
0x16a: {  	s8 =	simm.s32 $0x19720;
	v20 =	vld [tilespmem:s10+$0xFFFFFFE0]  }
0x16b: {  	v21 =	vld [tilespmem:s8+$0xFFFFFFE0]  }
0x16c: {  	s28 =	simm.s32 $0x19F20  }
0x16d: {  	v22 =	vld [tilespmem:s28+$0xFFFFFFE0];
	_ =	sdelay $0x1  }
0x16e: {  	v20 =	vshll.u32 v20, $0x15;
	v19 =	vshll.u32 v19, $0x13  }
0x16f: {  	v53 =	vshll.u32 v21, $0x9;
	v19 =	vadd.s32 v20, v19  }
0x170: {  	v19 =	vadd.s32 v53, v19  }
0x171: {  	s29 =	simm.s32 $0x1B720;
	v19 =	vadd.s32 v22, v19  }
0x172: {  	s5 =	simm.s32 $0x1C720;
	[tilespmem:s29+$0xFFFFFFE0] =	vst v19;
	v19 =	vadd.s32 $0x40000, v19  }
0x173: {  	[tilespmem:s5+$0xFFFFFFE0] =	vst v19  }
0x174: {  	v19 =	vld [tilespmem:s10+$0xFFFFFFF0]  }
0x175: {  	v54 =	vld [tilespmem:s9+$0xFFFFFFF0]  }
0x176: {  	v55 =	vld [tilespmem:s8+$0xFFFFFFF0];
	_ =	sdelay $0x1  }
0x177: {  	v56 =	vld [tilespmem:s28+$0xFFFFFFF0];
	_ =	sdelay $0x1  }
0x178: {  	v19 =	vshll.u32 v19, $0x15;
	v20 =	vshll.u32 v54, $0x13  }
0x179: {  	v57 =	vshll.u32 v55, $0x9;
	v19 =	vadd.s32 v19, v20  }
0x17a: {  	v19 =	vadd.s32 v57, v19  }
0x17b: {  	v19 =	vadd.s32 v56, v19  }
0x17c: {  	v5 =	vsub.f32 v5, v11;
	v6 =	vsub.f32 v6, v13;
	[tilespmem:s29+$0xFFFFFFF0] =	vst v19;
	v19 =	vadd.s32 $0x40000, v19  }
0x17d: {  	[tilespmem:s5+$0xFFFFFFF0] =	vst v19  }
0x17e: {  	v7 =	vadd.f32 v9, v7;
	v5 =	vmul.f32 v5, v5;
	v6 =	vmul.f32 v6, v6;
	v58 =	vld [tilespmem:s9+$0x0]  }
0x17f: {  	p0 =	sgt.s32 s11, $0xFFFFFFFF;
	s7 =	sadd.s32 $0x40, s7;
	v3 =	vsub.f32 v3, v52;
	v1 =	vsub.f32 v1, v16;
	v59 =	vld [tilespmem:s10+$0x0]  }
0x180: {  	v8 =	vpsel !p0, $0x0, v8;
	s7 =	sadd.s32 s12, s7;
	v5 =	vadd.f32 v6, v5;
	v4 =	vsub.f32 v4, v15;
	v60 =	vld [tilespmem:s8+$0x0]  }
0x181: {  	v7 =	vadd.f32 v8, v7;
	p3 =	sgt.s32 s7, $0xFFFFFFFF;
	v3 =	vmul.f32 v3, v3;
	v2 =	vsub.f32 v2, v10  }
0x182: {  	v1 =	vmul.f32 v1, v1;
	v5 =	vpsel !p3, $0x0, v5;
	v4 =	vmul.f32 v4, v4;
	v61 =	vld [tilespmem:s28+$0x0]  }
0x183: {  	v0 =	vsub.f32 v0, v12;
	v2 =	vmul.f32 v2, v2;
	v5 =	vadd.f32 v5, v7  }
0x184: {  	v3 =	vadd.f32 v4, v3;
	v4 =	vshll.u32 v59, $0x15;
	v9 =	vshll.u32 v58, $0x13  }
0x185: {  	s14 =	sadd.s32 $0x10, s7;
	v62 =	vsub.f32 v18, v17;
	v63 =	vshll.u32 v60, $0x9;
	v4 =	vadd.s32 v4, v9  }
0x186: {  	p4 =	sgt.s32 s14, $0xFFFFFFFF;
	v0 =	vmul.f32 v0, v0;
	v1 =	vadd.f32 v2, v1;
	v4 =	vadd.s32 v63, v4  }
0x187: {  	s16 =	sadd.s32 $0x20, s7;
	v2 =	vmul.f32 v62, v62;
	v3 =	vpsel !p4, $0x0, v3;
	v4 =	vadd.s32 v61, v4  }
0x188: {  	p5 =	sgt.s32 s16, $0xFFFFFFFF;
	v3 =	vadd.f32 v3, v5;
	[tilespmem:s29+$0x0] =	vst v4;
	v4 =	vadd.s32 $0x40000, v4  }
0x189: {  	s7 =	sadd.s32 $0x30, s7;
	v1 =	vpsel !p5, $0x0, v1;
	v2 =	vadd.f32 v2, v0;
	[tilespmem:s5+$0x0] =	vst v4  }
0x18a: {  	s11 =	simm.s32 $0x19F60;
	p6 =	sgt.s32 s7, $0xFFFFFFFF;
	v3 =	vadd.f32 v1, v3;
	v0 =	vld [tilespmem:s10+$0x10]  }
0x18b: {  	s14 =	simm.s32 $0x19760;
	s7 =	simm.s32 $0x0;
	s16 =	simm.s32 $0x18F60;
	v2 =	vpsel !p6, $0x0, v2;
	v1 =	vld [tilespmem:s9+$0x10]  }
0x18c: {  	v3 =	vadd.f32 v2, v3;
	s10 =	simm.s32 $0x18760;
	v2 =	vld [tilespmem:s8+$0x10];
	s9 =	simm.s32 $0x1B720;
	s8 =	simm.s32 $0x1C720  }
.LBB2_8:
0x18d: {  	s7 =	sadd.s32 $0x4, s7;
	v4 =	vld [tilespmem:s28+$0x10];
	s5 =	sadd.s32 $0x40, s5;
	s29 =	sadd.s32 $0x40, s29  }
0x18e: {  	s28 =	smov.u32 s11;
	p0 =	slt.u32 s7, $0x7C  }
0x18f: {  	v0 =	vshll.u32 v0, $0x15  }
0x190: {  	v1 =	vshll.u32 v1, $0x13  }
0x191: {  	v0 =	vadd.s32 v0, v1;
	v1 =	vshll.u32 v2, $0x9  }
0x192: {  	v0 =	vadd.s32 v1, v0  }
0x193: {  	v0 =	vadd.s32 v4, v0  }
0x194: {  	[tilespmem:s9+$0x10] =	vst v0;
	v0 =	vadd.s32 $0x40000, v0;
	s9 =	smov.u32 s29  }
0x195: {  	[tilespmem:s8+$0x10] =	vst v0;
	s8 =	smov.u32 s5  }
0x196: {  	v0 =	vld [tilespmem:s16+$0xFFFFFFE0]  }
0x197: {  	v1 =	vld [tilespmem:s10+$0xFFFFFFE0]  }
0x198: {  	v2 =	vld [tilespmem:s14+$0xFFFFFFE0];
	_ =	sdelay $0x1  }
0x199: {  	v4 =	vld [tilespmem:s11+$0xFFFFFFE0];
	_ =	sdelay $0x1  }
0x19a: {  	v0 =	vshll.u32 v0, $0x13;
	v1 =	vshll.u32 v1, $0x15  }
0x19b: {  	v0 =	vadd.s32 v1, v0;
	v1 =	vshll.u32 v2, $0x9  }
0x19c: {  	v0 =	vadd.s32 v1, v0  }
0x19d: {  	v0 =	vadd.s32 v4, v0  }
0x19e: {  	[tilespmem:s29+$0xFFFFFFE0] =	vst v0;
	v0 =	vadd.s32 $0x40000, v0  }
0x19f: {  	[tilespmem:s5+$0xFFFFFFE0] =	vst v0  }
0x1a0: {  	v0 =	vld [tilespmem:s10+$0xFFFFFFF0]  }
0x1a1: {  	v1 =	vld [tilespmem:s16+$0xFFFFFFF0]  }
0x1a2: {  	v2 =	vld [tilespmem:s14+$0xFFFFFFF0];
	_ =	sdelay $0x1  }
0x1a3: {  	v4 =	vld [tilespmem:s11+$0xFFFFFFF0];
	_ =	sdelay $0x1  }
0x1a4: {  	v0 =	vshll.u32 v0, $0x15;
	v1 =	vshll.u32 v1, $0x13  }
0x1a5: {  	v0 =	vadd.s32 v0, v1;
	v1 =	vshll.u32 v2, $0x9  }
0x1a6: {  	v0 =	vadd.s32 v1, v0  }
0x1a7: {  	v0 =	vadd.s32 v4, v0  }
0x1a8: {  	[tilespmem:s29+$0xFFFFFFF0] =	vst v0;
	v0 =	vadd.s32 $0x40000, v0  }
0x1a9: {  	[tilespmem:s5+$0xFFFFFFF0] =	vst v0  }
0x1aa: {  	v0 =	vld [tilespmem:s16+$0x0]  }
0x1ab: {  	v1 =	vld [tilespmem:s10+$0x0]  }
0x1ac: {  	v2 =	vld [tilespmem:s14+$0x0];
	_ =	sdelay $0x1  }
0x1ad: {  	v4 =	vld [tilespmem:s11+$0x0];
	_ =	sdelay $0x1  }
0x1ae: {  	v0 =	vshll.u32 v0, $0x13;
	v1 =	vshll.u32 v1, $0x15  }
0x1af: {  	v0 =	vadd.s32 v1, v0;
	v1 =	vshll.u32 v2, $0x9  }
0x1b0: {  	v0 =	vadd.s32 v1, v0  }
0x1b1: {  	v0 =	vadd.s32 v4, v0  }
.Ltmp3:
0x1b2: {  	[tilespmem:s29+$0x0] =	vst v0;
	v0 =	vadd.s32 $0x40000, v0;
	(pc) =	sbr.rel @p0 .LBB2_8-.Ltmp3, $4  }
0x1b3: {  	[tilespmem:s5+$0x0] =	vst v0  }
0x1b4: {  	v0 =	vld [tilespmem:s10+$0x10]  }
0x1b5: {  	s10 =	sadd.s32 $0x40, s10;
	v1 =	vld [tilespmem:s16+$0x10]  }
0x1b6: {  	s11 =	sadd.s32 $0x40, s11;
	s16 =	sadd.s32 $0x40, s16;
	v2 =	vld [tilespmem:s14+$0x10];
	s14 =	sadd.s32 $0x40, s14  }
0x1b7: {  	_ = 	snop  }
0x1b8: {  	v4 =	vld [tilespmem:s28+$0x10];
	_ =	sdelay $0x1  }
0x1b9: {  	v0 =	vshll.u32 v0, $0x15;
	v1 =	vshll.u32 v1, $0x13  }
0x1ba: {  	v0 =	vadd.s32 v0, v1;
	v1 =	vshll.u32 v2, $0x9  }
0x1bb: {  	v0 =	vadd.s32 v1, v0  }
0x1bc: {  	v0 =	vadd.s32 v4, v0  }
0x1bd: {  	[tilespmem:s9+$0x10] =	vst v0;
	v0 =	vadd.s32 $0x40000, v0  }
0x1be: {  	s5 =	simm.s32 $0x1B700;
	s7 =	simm.s32 $0x1D700;
	[tilespmem:s8+$0x10] =	vst v0  }
0x1bf: {  	[tilespmem:s7], [sflag:$0x1] =	stream.indirect.gather [hbm4b:s25+s6], $0x1, s5, s6, $0xb8;
	[tilespmem:$0x1F780] =	vst v63  }
0x1c0: {  	s8 =	simm.s32 $0x1E700;
	s7 =	simm.s32 $0x1C700  }
0x1c1: {  	[tilespmem:s8], [sflag:$0x1] =	stream.indirect.gather [hbm4b:s25+s6], $0x1, s7, s6, $0xb8;
	[tilespmem:$0x1F780] =	vst v63  }
0x1c2: {  	_ =	swait.ge [sflag:s22], $0x800  }
0x1c3: {  	[sflag:s22] =	ssyncset.done $0x0  }
0x1c4: {  	[sflag:s22] =	ssyncadd.s32 $0xFFFFF800  }
0x1c5: {  	_ =	swait.ge [sflag:s22], $0x800  }
0x1c6: {  	[sflag:s22] =	ssyncset.done $0x0  }
0x1c7: {  	s9 =	simm.s32 $0x1AF20;
	[sflag:s22] =	ssyncadd.s32 $0xFFFFF800  }
0x1c8: {  	s10 =	simm.s32 $0x1DF20;
	v0 =	vld [tilespmem:s9+$0x0]  }
0x1c9: {  	v4 =	vld [tilespmem:s10+$0x10]  }
0x1ca: {  	v1 =	vld [tilespmem:s9+$0xFFFFFFE0]  }
0x1cb: {  	v2 =	vld [tilespmem:s10+$0x0]  }
0x1cc: {  	s11 =	simm.s32 $0x1EF20;
	v6 =	vld [tilespmem:s9+$0xFFFFFFF0]  }
0x1cd: {  	v5 =	vld [tilespmem:s11+$0x0]  }
0x1ce: {  	v9 =	vld [tilespmem:s9+$0x10]  }
0x1cf: {  	v7 =	vld [tilespmem:s10+$0xFFFFFFF0];
	v0 =	vshll.u32 v0, $0x1  }
0x1d0: {  	v8 =	vld [tilespmem:s11+$0xFFFFFFF0];
	v1 =	vshll.u32 v1, $0x1  }
0x1d1: {  	v11 =	vld [tilespmem:s10+$0xFFFFFFE0];
	v6 =	vshll.u32 v6, $0x1  }
0x1d2: {  	s14 =	simm.s32 $0x1AF60;
	v12 =	vld [tilespmem:s11+$0xFFFFFFE0];
	v10 =	vor.u32 $0x1, v1  }
0x1d3: {  	v13 =	vld [tilespmem:s14+$0x0];
	v9 =	vshll.u32 v9, $0x1  }
0x1d4: {  	v14 =	vor.u32 $0x1, v6;
	v15 =	vld.idx.msk [tilespmem:v0+s1+$0x0], $0xffff  }
0x1d5: {  	v16 =	vor.u32 $0x1, v9;
	v1 =	vld.idx.msk [tilespmem:v1+s1+$0x0], $0xffff  }
0x1d6: {  	v0 =	vor.u32 $0x1, v0;
	v6 =	vld.idx.msk [tilespmem:v6+s1+$0x0], $0xffff  }
0x1d7: {  	v10 =	vld.idx.msk [tilespmem:v10+s1+$0x0], $0xffff  }
0x1d8: {  	v9 =	vld.idx.msk [tilespmem:v9+s1+$0x0], $0xffff  }
0x1d9: {  	v14 =	vld.idx.msk [tilespmem:v14+s1+$0x0], $0xffff  }
0x1da: {  	v16 =	vld.idx.msk [tilespmem:v16+s1+$0x0], $0xffff  }
0x1db: {  	v17 =	vld.idx.msk [tilespmem:v0+s1+$0x0], $0xffff  }
0x1dc: {  	s28 =	simm.s32 $0x1DF60;
	v1 =	vsub.f32 v11, v1;
	v11 =	vld [tilespmem:s11+$0x10];
	v10 =	vsub.f32 v12, v10  }
0x1dd: {  	v0 =	vld [tilespmem:s28+$0x10];
	v6 =	vsub.f32 v7, v6  }
0x1de: {  	v7 =	vld [tilespmem:s14+$0xFFFFFFE0];
	v8 =	vsub.f32 v8, v14;
	v12 =	vmul.f32 v1, v1;
	v10 =	vmul.f32 v10, v10  }
0x1df: {  	s5 =	simm.s32 $0x1EF60;
	v9 =	vsub.f32 v4, v9;
	v4 =	vld [tilespmem:s28+$0xFFFFFFF0];
	v14 =	vsub.f32 v2, v15;
	v6 =	vmul.f32 v6, v6  }
0x1e0: {  	s10 =	sadd.s32 $0x0, s13;
	v2 =	vld [tilespmem:s5+$0x0];
	v8 =	vmul.f32 v8, v8;
	v5 =	vsub.f32 v5, v17;
	v10 =	vadd.f32 v10, v12  }
0x1e1: {  	p0 =	sgt.s32 s10, $0xFFFFFFFF;
	v15 =	vld [tilespmem:s14+$0xFFFFFFF0];
	v63 =	vmul.f32 v9, v9;
	v14 =	vmul.f32 v14, v14;
	v16 =	vsub.f32 v11, v16  }
0x1e2: {  	s16 =	sadd.s32 $0x10, s10;
	v1 =	vld [tilespmem:s28+$0x0];
	v6 =	vadd.f32 v8, v6;
	v10 =	vpsel !p0, $0x0, v10;
	v8 =	vmul.f32 v5, v5  }
0x1e3: {  	p5 =	sgt.s32 s16, $0xFFFFFFFF;
	v11 =	vshll.u32 v7, $0x1;
	v12 =	vld [tilespmem:s14+$0x10];
	v7 =	vadd.f32 v10, v3;
	v10 =	vshll.u32 v13, $0x1  }
0x1e4: {  	s29 =	sadd.s32 $0x20, s10;
	v5 =	vld [tilespmem:s5+$0xFFFFFFF0];
	v6 =	vpsel !p5, $0x0, v6;
	v16 =	vmul.f32 v16, v16;
	v8 =	vadd.f32 v8, v14  }
0x1e5: {  	s7 =	simm.s32 $0x0;
	p6 =	sgt.s32 s29, $0xFFFFFFFF;
	v13 =	vor.u32 $0x1, v11;
	v3 =	vld [tilespmem:s28+$0xFFFFFFE0];
	v7 =	vadd.f32 v6, v7  }
0x1e6: {  	s8 =	simm.s32 $0x4;
	s9 =	simm.s32 $0x1AFA0;
	s11 =	sadd.s32 $0x30, s10;
	v14 =	vshll.u32 v15, $0x1;
	v6 =	vld [tilespmem:s5+$0xFFFFFFE0];
	v9 =	vpsel !p6, $0x0, v8;
	v8 =	vadd.f32 v16, v63  }
.LBB2_10:
0x1e7: {  	v15 =	vld [tilespmem:s9+$0x0];
	v16 =	vor.u32 $0x1, v14;
	v7 =	vadd.f32 v9, v7;
	p0 =	sgt.s32 s11, $0xFFFFFFFF  }
0x1e8: {  	v9 =	vld.idx.msk [tilespmem:v10+s1+$0x0], $0xffff;
	v10 =	vor.u32 $0x1, v10;
	v8 =	vpsel !p0, $0x0, v8  }
0x1e9: {  	v11 =	vld.idx.msk [tilespmem:v11+s1+$0x0], $0xffff;
	v12 =	vshll.u32 v12, $0x1;
	v7 =	vadd.f32 v8, v7  }
0x1ea: {  	v8 =	vld.idx.msk [tilespmem:v13+s1+$0x0], $0xffff;
	v13 =	vor.u32 $0x1, v12  }
0x1eb: {  	v14 =	vld.idx.msk [tilespmem:v14+s1+$0x0], $0xffff  }
0x1ec: {  	v16 =	vld.idx.msk [tilespmem:v16+s1+$0x0], $0xffff  }
0x1ed: {  	v17 =	vld.idx.msk [tilespmem:v10+s1+$0x0], $0xffff  }
0x1ee: {  	v12 =	vld.idx.msk [tilespmem:v12+s1+$0x0], $0xffff  }
0x1ef: {  	v13 =	vld.idx.msk [tilespmem:v13+s1+$0x0], $0xffff  }
0x1f0: {  	s28 =	sadd.s32 $0x40, s28;
	v3 =	vsub.f32 v3, v11;
	v6 =	vsub.f32 v6, v8;
	v8 =	vld [tilespmem:s5+$0x10]  }
0x1f1: {  	v4 =	vsub.f32 v4, v14;
	v11 =	vld [tilespmem:s28+$0x10]  }
0x1f2: {  	v3 =	vmul.f32 v3, v3;
	v6 =	vmul.f32 v6, v6;
	v5 =	vsub.f32 v5, v16;
	v14 =	vld [tilespmem:s9+$0xFFFFFFE0]  }
0x1f3: {  	s8 =	sadd.s32 $0x4, s8;
	s7 =	sadd.s32 $0x40, s7;
	v10 =	vshll.u32 v15, $0x1;
	v9 =	vsub.f32 v1, v9;
	s5 =	sadd.s32 $0x40, s5;
	v15 =	vsub.f32 v2, v17;
	v1 =	vld [tilespmem:s28+$0x0]  }
0x1f4: {  	p0 =	slt.u32 s8, $0x7C;
	s10 =	sadd.s32 s13, s7;
	v3 =	vadd.f32 v6, v3;
	v6 =	vmul.f32 v4, v4;
	v5 =	vmul.f32 v5, v5;
	v2 =	vld [tilespmem:s5+$0x0]  }
0x1f5: {  	p1 =	sgt.s32 s10, $0xFFFFFFFF;
	v9 =	vmul.f32 v9, v9;
	v12 =	vsub.f32 v0, v12;
	v16 =	vld [tilespmem:s9+$0xFFFFFFF0];
	v8 =	vsub.f32 v8, v13  }
.Ltmp4:
0x1f6: {  	s11 =	sadd.s32 $0x10, s10;
	v3 =	vpsel !p1, $0x0, v3;
	v6 =	vadd.f32 v5, v6;
	v13 =	vmul.f32 v15, v15;
	v4 =	vld [tilespmem:s28+$0xFFFFFFF0];
	v0 =	vmovc v11;
	(pc) =	sbr.rel @p0 .LBB2_10-.Ltmp4, $4  }
0x1f7: {  	p1 =	sgt.s32 s11, $0xFFFFFFFF;
	v15 =	vmul.f32 v12, v12;
	v7 =	vadd.f32 v3, v7;
	v11 =	vshll.u32 v14, $0x1;
	v5 =	vld [tilespmem:s5+$0xFFFFFFF0]  }
0x1f8: {  	s11 =	sadd.s32 $0x20, s10;
	v6 =	vpsel !p1, $0x0, v6;
	v9 =	vadd.f32 v13, v9;
	v8 =	vmul.f32 v8, v8;
	v12 =	vld [tilespmem:s9+$0x10]  }
0x1f9: {  	p1 =	sgt.s32 s11, $0xFFFFFFFF;
	v13 =	vor.u32 $0x1, v11;
	v7 =	vadd.f32 v6, v7;
	v3 =	vld [tilespmem:s28+$0xFFFFFFE0]  }
0x1fa: {  	s11 =	sadd.s32 $0x30, s10;
	s9 =	sadd.s32 $0x40, s9;
	v9 =	vpsel !p1, $0x0, v9;
	v8 =	vadd.f32 v8, v15;
	v6 =	vld [tilespmem:s5+$0xFFFFFFE0];
	v14 =	vshll.u32 v16, $0x1  }
0x1fb: {  	_ =	sdelay $0x3  }
0x1fc: {  	v15 =	vor.u32 $0x1, v14;
	v16 =	vld.idx.msk [tilespmem:v10+s1+$0x0], $0xffff  }
0x1fd: {  	v51 =	vor.u32 $0x1, v10;
	v11 =	vld.idx.msk [tilespmem:v11+s1+$0x0], $0xffff  }
0x1fe: {  	v13 =	vld.idx.msk [tilespmem:v13+s1+$0x0], $0xffff;
	v12 =	vshll.u32 v12, $0x1  }
0x1ff: {  	v52 =	vld.idx.msk [tilespmem:v14+s1+$0x0], $0xffff;
	v17 =	vor.u32 $0x1, v12  }
0x200: {  	v18 =	vld [tilespmem:s5+$0x10]  }
0x201: {  	v15 =	vld.idx.msk [tilespmem:v15+s1+$0x0], $0xffff  }
0x202: {  	v10 =	vld.idx.msk [tilespmem:v51+s1+$0x0], $0xffff  }
0x203: {  	s14 =	rddreg [dreg:$0x16];
	v12 =	vld.idx.msk [tilespmem:v12+s1+$0x0], $0xffff  }
0x204: {  	v17 =	vld.idx.msk [tilespmem:v17+s1+$0x0], $0xffff;
	[tilespmem:s31], [sflag:$0x3] =	stream.linear.gather [hbm4b:s14+s1], $0x800, $0x38  }
0x205: {  	_ =	swait.ge [sflag:s30], $0x800  }
0x206: {  	[sflag:s30] =	ssyncset.done $0x0  }
0x207: {  	s16 =	rddreg [dreg:$0x17];
	[sflag:s30] =	ssyncadd.s32 $0xFFFFF800  }
0x208: {  	[tilespmem:s0], [sflag:$0x3] =	stream.linear.gather [hbm4b:s16+s1], $0x800, $0x38;
	[tilespmem:$0x1F780] =	vst v63  }
0x209: {  	_ =	swait.ge [sflag:s30], $0x800  }
0x20a: {  	[sflag:s30] =	ssyncset.done $0x0  }
0x20b: {  	s8 =	rddreg [dreg:$0x18];
	[sflag:s30] =	ssyncadd.s32 $0xFFFFF800  }
0x20c: {  	[tilespmem:s3], [sflag:$0x3] =	stream.linear.gather [hbm4b:s8+s1], $0x800, $0x38;
	[tilespmem:$0x1F780] =	vst v63  }
0x20d: {  	_ =	swait.ge [sflag:s30], $0x800  }
0x20e: {  	[sflag:s30] =	ssyncset.done $0x0  }
0x20f: {  	s9 =	rddreg [dreg:$0x19];
	[sflag:s30] =	ssyncadd.s32 $0xFFFFF800  }
0x210: {  	[tilespmem:s4], [sflag:$0x3] =	stream.linear.gather [hbm4b:s9+s1], $0x800, $0x38;
	[tilespmem:$0x1F780] =	vst v63  }
0x211: {  	_ =	swait.ge [sflag:s30], $0x800  }
0x212: {  	[sflag:s30] =	ssyncset.done $0x0  }
0x213: {  	s8 =	simm.s32 $0x1AF00;
	s10 =	rddreg [dreg:$0x1a];
	[sflag:s30] =	ssyncadd.s32 $0xFFFFF800  }
0x214: {  	[tilespmem:s8], [sflag:$0x3] =	stream.linear.gather [hbm4b:s10+s1], $0x800, $0x38;
	[tilespmem:$0x1F780] =	vst v63  }
0x215: {  	_ =	swait.ge [sflag:s30], $0x800  }
0x216: {  	[sflag:s30] =	ssyncset.done $0x0  }
0x217: {  	s9 =	simm.s32 $0x18F20;
	[sflag:s30] =	ssyncadd.s32 $0xFFFFF800  }
0x218: {  	s10 =	simm.s32 $0x18720;
	v19 =	vld [tilespmem:s9+$0xFFFFFFE0]  }
0x219: {  	s8 =	simm.s32 $0x19720;
	v20 =	vld [tilespmem:s10+$0xFFFFFFE0]  }
0x21a: {  	v21 =	vld [tilespmem:s8+$0xFFFFFFE0]  }
0x21b: {  	s28 =	simm.s32 $0x19F20  }
0x21c: {  	v22 =	vld [tilespmem:s28+$0xFFFFFFE0];
	_ =	sdelay $0x1  }
0x21d: {  	v20 =	vshll.u32 v20, $0x15;
	v19 =	vshll.u32 v19, $0x13  }
0x21e: {  	v53 =	vshll.u32 v21, $0x9;
	v19 =	vadd.s32 v20, v19  }
0x21f: {  	v19 =	vadd.s32 v53, v19  }
0x220: {  	s29 =	simm.s32 $0x1BF20;
	v19 =	vadd.s32 v22, v19  }
0x221: {  	s5 =	simm.s32 $0x1CF20;
	[tilespmem:s29+$0xFFFFFFE0] =	vst v19;
	v19 =	vadd.s32 $0x40000, v19  }
0x222: {  	[tilespmem:s5+$0xFFFFFFE0] =	vst v19  }
0x223: {  	v19 =	vld [tilespmem:s10+$0xFFFFFFF0]  }
0x224: {  	v54 =	vld [tilespmem:s9+$0xFFFFFFF0]  }
0x225: {  	v55 =	vld [tilespmem:s8+$0xFFFFFFF0];
	_ =	sdelay $0x1  }
0x226: {  	v56 =	vld [tilespmem:s28+$0xFFFFFFF0];
	_ =	sdelay $0x1  }
0x227: {  	v19 =	vshll.u32 v19, $0x15;
	v20 =	vshll.u32 v54, $0x13  }
0x228: {  	v57 =	vshll.u32 v55, $0x9;
	v19 =	vadd.s32 v19, v20  }
0x229: {  	v19 =	vadd.s32 v57, v19  }
0x22a: {  	v19 =	vadd.s32 v56, v19  }
0x22b: {  	v3 =	vsub.f32 v3, v11;
	v6 =	vsub.f32 v6, v13;
	[tilespmem:s29+$0xFFFFFFF0] =	vst v19;
	v19 =	vadd.s32 $0x40000, v19  }
0x22c: {  	[tilespmem:s5+$0xFFFFFFF0] =	vst v19  }
0x22d: {  	v7 =	vadd.f32 v9, v7;
	v3 =	vmul.f32 v3, v3;
	v6 =	vmul.f32 v6, v6;
	v58 =	vld [tilespmem:s9+$0x0]  }
0x22e: {  	p0 =	sgt.s32 s11, $0xFFFFFFFF;
	s7 =	sadd.s32 $0x40, s7;
	v4 =	vsub.f32 v4, v52;
	v1 =	vsub.f32 v1, v16;
	v59 =	vld [tilespmem:s10+$0x0]  }
0x22f: {  	v8 =	vpsel !p0, $0x0, v8;
	s7 =	sadd.s32 s13, s7;
	v3 =	vadd.f32 v6, v3;
	v5 =	vsub.f32 v5, v15;
	v60 =	vld [tilespmem:s8+$0x0]  }
0x230: {  	v7 =	vadd.f32 v8, v7;
	p3 =	sgt.s32 s7, $0xFFFFFFFF;
	v4 =	vmul.f32 v4, v4;
	v2 =	vsub.f32 v2, v10  }
0x231: {  	v1 =	vmul.f32 v1, v1;
	v3 =	vpsel !p3, $0x0, v3;
	v5 =	vmul.f32 v5, v5;
	v61 =	vld [tilespmem:s28+$0x0]  }
0x232: {  	v0 =	vsub.f32 v0, v12;
	v2 =	vmul.f32 v2, v2;
	v3 =	vadd.f32 v3, v7  }
0x233: {  	v4 =	vadd.f32 v5, v4;
	v5 =	vshll.u32 v59, $0x15;
	v9 =	vshll.u32 v58, $0x13  }
0x234: {  	s14 =	sadd.s32 $0x10, s7;
	v62 =	vsub.f32 v18, v17;
	v63 =	vshll.u32 v60, $0x9;
	v5 =	vadd.s32 v5, v9  }
0x235: {  	p4 =	sgt.s32 s14, $0xFFFFFFFF;
	v0 =	vmul.f32 v0, v0;
	v1 =	vadd.f32 v2, v1;
	v5 =	vadd.s32 v63, v5  }
0x236: {  	s16 =	sadd.s32 $0x20, s7;
	v2 =	vmul.f32 v62, v62;
	v4 =	vpsel !p4, $0x0, v4;
	v5 =	vadd.s32 v61, v5  }
0x237: {  	p5 =	sgt.s32 s16, $0xFFFFFFFF;
	v3 =	vadd.f32 v4, v3;
	[tilespmem:s29+$0x0] =	vst v5;
	v4 =	vadd.s32 $0x40000, v5  }
0x238: {  	s7 =	sadd.s32 $0x30, s7;
	v1 =	vpsel !p5, $0x0, v1;
	v2 =	vadd.f32 v2, v0;
	[tilespmem:s5+$0x0] =	vst v4  }
0x239: {  	s11 =	simm.s32 $0x19F60;
	p6 =	sgt.s32 s7, $0xFFFFFFFF;
	v3 =	vadd.f32 v1, v3;
	v0 =	vld [tilespmem:s10+$0x10]  }
0x23a: {  	s14 =	simm.s32 $0x19760;
	s7 =	simm.s32 $0x0;
	s16 =	simm.s32 $0x18F60;
	v2 =	vpsel !p6, $0x0, v2;
	v1 =	vld [tilespmem:s9+$0x10]  }
0x23b: {  	v3 =	vadd.f32 v2, v3;
	s10 =	simm.s32 $0x18760;
	v2 =	vld [tilespmem:s8+$0x10];
	s9 =	simm.s32 $0x1BF20;
	s8 =	simm.s32 $0x1CF20  }
.LBB2_12:
0x23c: {  	s7 =	sadd.s32 $0x4, s7;
	v4 =	vld [tilespmem:s28+$0x10];
	s5 =	sadd.s32 $0x40, s5;
	s29 =	sadd.s32 $0x40, s29  }
0x23d: {  	s28 =	smov.u32 s11;
	p0 =	slt.u32 s7, $0x7C  }
0x23e: {  	v0 =	vshll.u32 v0, $0x15  }
0x23f: {  	v1 =	vshll.u32 v1, $0x13  }
0x240: {  	v0 =	vadd.s32 v0, v1;
	v1 =	vshll.u32 v2, $0x9  }
0x241: {  	v0 =	vadd.s32 v1, v0  }
0x242: {  	v0 =	vadd.s32 v4, v0  }
0x243: {  	[tilespmem:s9+$0x10] =	vst v0;
	v0 =	vadd.s32 $0x40000, v0;
	s9 =	smov.u32 s29  }
0x244: {  	[tilespmem:s8+$0x10] =	vst v0;
	s8 =	smov.u32 s5  }
0x245: {  	v0 =	vld [tilespmem:s16+$0xFFFFFFE0]  }
0x246: {  	v1 =	vld [tilespmem:s10+$0xFFFFFFE0]  }
0x247: {  	v2 =	vld [tilespmem:s14+$0xFFFFFFE0];
	_ =	sdelay $0x1  }
0x248: {  	v4 =	vld [tilespmem:s11+$0xFFFFFFE0];
	_ =	sdelay $0x1  }
0x249: {  	v0 =	vshll.u32 v0, $0x13;
	v1 =	vshll.u32 v1, $0x15  }
0x24a: {  	v0 =	vadd.s32 v1, v0;
	v1 =	vshll.u32 v2, $0x9  }
0x24b: {  	v0 =	vadd.s32 v1, v0  }
0x24c: {  	v0 =	vadd.s32 v4, v0  }
0x24d: {  	[tilespmem:s29+$0xFFFFFFE0] =	vst v0;
	v0 =	vadd.s32 $0x40000, v0  }
0x24e: {  	[tilespmem:s5+$0xFFFFFFE0] =	vst v0  }
0x24f: {  	v0 =	vld [tilespmem:s10+$0xFFFFFFF0]  }
0x250: {  	v1 =	vld [tilespmem:s16+$0xFFFFFFF0]  }
0x251: {  	v2 =	vld [tilespmem:s14+$0xFFFFFFF0];
	_ =	sdelay $0x1  }
0x252: {  	v4 =	vld [tilespmem:s11+$0xFFFFFFF0];
	_ =	sdelay $0x1  }
0x253: {  	v0 =	vshll.u32 v0, $0x15;
	v1 =	vshll.u32 v1, $0x13  }
0x254: {  	v0 =	vadd.s32 v0, v1;
	v1 =	vshll.u32 v2, $0x9  }
0x255: {  	v0 =	vadd.s32 v1, v0  }
0x256: {  	v0 =	vadd.s32 v4, v0  }
0x257: {  	[tilespmem:s29+$0xFFFFFFF0] =	vst v0;
	v0 =	vadd.s32 $0x40000, v0  }
0x258: {  	[tilespmem:s5+$0xFFFFFFF0] =	vst v0  }
0x259: {  	v0 =	vld [tilespmem:s16+$0x0]  }
0x25a: {  	v1 =	vld [tilespmem:s10+$0x0]  }
0x25b: {  	v2 =	vld [tilespmem:s14+$0x0];
	_ =	sdelay $0x1  }
0x25c: {  	v4 =	vld [tilespmem:s11+$0x0];
	_ =	sdelay $0x1  }
0x25d: {  	v0 =	vshll.u32 v0, $0x13;
	v1 =	vshll.u32 v1, $0x15  }
0x25e: {  	v0 =	vadd.s32 v1, v0;
	v1 =	vshll.u32 v2, $0x9  }
0x25f: {  	v0 =	vadd.s32 v1, v0  }
0x260: {  	v0 =	vadd.s32 v4, v0  }
.Ltmp5:
0x261: {  	[tilespmem:s29+$0x0] =	vst v0;
	v0 =	vadd.s32 $0x40000, v0;
	(pc) =	sbr.rel @p0 .LBB2_12-.Ltmp5, $4  }
0x262: {  	[tilespmem:s5+$0x0] =	vst v0  }
0x263: {  	v0 =	vld [tilespmem:s10+$0x10]  }
0x264: {  	s10 =	sadd.s32 $0x40, s10;
	v1 =	vld [tilespmem:s16+$0x10]  }
0x265: {  	s11 =	sadd.s32 $0x40, s11;
	s16 =	sadd.s32 $0x40, s16;
	v2 =	vld [tilespmem:s14+$0x10];
	s14 =	sadd.s32 $0x40, s14  }
0x266: {  	_ = 	snop  }
0x267: {  	v4 =	vld [tilespmem:s28+$0x10];
	_ =	sdelay $0x1  }
0x268: {  	v0 =	vshll.u32 v0, $0x15;
	v1 =	vshll.u32 v1, $0x13  }
0x269: {  	v0 =	vadd.s32 v0, v1;
	v1 =	vshll.u32 v2, $0x9  }
0x26a: {  	v0 =	vadd.s32 v1, v0  }
0x26b: {  	v0 =	vadd.s32 v4, v0  }
0x26c: {  	[tilespmem:s9+$0x10] =	vst v0;
	v0 =	vadd.s32 $0x40000, v0  }
0x26d: {  	s5 =	simm.s32 $0x1BF00;
	s7 =	simm.s32 $0x1DF00;
	[tilespmem:s8+$0x10] =	vst v0  }
0x26e: {  	[tilespmem:s7], [sflag:$0x2] =	stream.indirect.gather [hbm4b:s25+s6], $0x1, s5, s6, $0xb8;
	[tilespmem:$0x1F780] =	vst v63  }
0x26f: {  	_ = 	snop  }
0x270: {  	[tilespmem:s18], [sflag:$0x2] =	stream.indirect.gather [hbm4b:s25+s6], $0x1, s17, s6, $0xb8;
	[tilespmem:$0x1F780] =	vst v63  }
0x271: {  	_ =	swait.ge [sflag:s19], $0x800  }
0x272: {  	[sflag:s19] =	ssyncset.done $0x0  }
0x273: {  	[sflag:s19] =	ssyncadd.s32 $0xFFFFF800  }
0x274: {  	_ =	swait.ge [sflag:s19], $0x800  }
0x275: {  	[sflag:s19] =	ssyncset.done $0x0  }
0x276: {  	s9 =	simm.s32 $0x1A720;
	[sflag:s19] =	ssyncadd.s32 $0xFFFFF800  }
0x277: {  	s10 =	simm.s32 $0x1D720;
	v0 =	vld [tilespmem:s9+$0x0]  }
0x278: {  	v4 =	vld [tilespmem:s10+$0x10]  }
0x279: {  	v1 =	vld [tilespmem:s9+$0xFFFFFFE0]  }
0x27a: {  	v2 =	vld [tilespmem:s10+$0x0]  }
0x27b: {  	s11 =	simm.s32 $0x1E720;
	v6 =	vld [tilespmem:s9+$0xFFFFFFF0]  }
0x27c: {  	v5 =	vld [tilespmem:s11+$0x0]  }
0x27d: {  	v9 =	vld [tilespmem:s9+$0x10]  }
0x27e: {  	v7 =	vld [tilespmem:s10+$0xFFFFFFF0];
	v0 =	vshll.u32 v0, $0x1  }
0x27f: {  	v8 =	vld [tilespmem:s11+$0xFFFFFFF0];
	v1 =	vshll.u32 v1, $0x1  }
0x280: {  	v11 =	vld [tilespmem:s10+$0xFFFFFFE0];
	v6 =	vshll.u32 v6, $0x1  }
0x281: {  	s14 =	simm.s32 $0x1A760;
	v12 =	vld [tilespmem:s11+$0xFFFFFFE0];
	v10 =	vor.u32 $0x1, v1  }
0x282: {  	v13 =	vld [tilespmem:s14+$0x0];
	v9 =	vshll.u32 v9, $0x1  }
0x283: {  	v14 =	vor.u32 $0x1, v6;
	v15 =	vld.idx.msk [tilespmem:v0+s1+$0x0], $0xffff  }
0x284: {  	v16 =	vor.u32 $0x1, v9;
	v1 =	vld.idx.msk [tilespmem:v1+s1+$0x0], $0xffff  }
0x285: {  	v0 =	vor.u32 $0x1, v0;
	v6 =	vld.idx.msk [tilespmem:v6+s1+$0x0], $0xffff  }
0x286: {  	v10 =	vld.idx.msk [tilespmem:v10+s1+$0x0], $0xffff  }
0x287: {  	v9 =	vld.idx.msk [tilespmem:v9+s1+$0x0], $0xffff  }
0x288: {  	v14 =	vld.idx.msk [tilespmem:v14+s1+$0x0], $0xffff  }
0x289: {  	v16 =	vld.idx.msk [tilespmem:v16+s1+$0x0], $0xffff  }
0x28a: {  	v17 =	vld.idx.msk [tilespmem:v0+s1+$0x0], $0xffff  }
0x28b: {  	s28 =	simm.s32 $0x1D760;
	v1 =	vsub.f32 v11, v1;
	v11 =	vld [tilespmem:s11+$0x10];
	v10 =	vsub.f32 v12, v10  }
0x28c: {  	v0 =	vld [tilespmem:s28+$0x10];
	v6 =	vsub.f32 v7, v6  }
0x28d: {  	v7 =	vld [tilespmem:s14+$0xFFFFFFE0];
	v8 =	vsub.f32 v8, v14;
	v12 =	vmul.f32 v1, v1;
	v10 =	vmul.f32 v10, v10  }
0x28e: {  	s5 =	simm.s32 $0x1E760;
	v9 =	vsub.f32 v4, v9;
	v4 =	vld [tilespmem:s28+$0xFFFFFFF0];
	v14 =	vsub.f32 v2, v15;
	v6 =	vmul.f32 v6, v6  }
0x28f: {  	s10 =	sadd.s32 $0x0, s15;
	v2 =	vld [tilespmem:s5+$0x0];
	v8 =	vmul.f32 v8, v8;
	v5 =	vsub.f32 v5, v17;
	v10 =	vadd.f32 v10, v12  }
0x290: {  	p0 =	sgt.s32 s10, $0xFFFFFFFF;
	v15 =	vld [tilespmem:s14+$0xFFFFFFF0];
	v63 =	vmul.f32 v9, v9;
	v14 =	vmul.f32 v14, v14;
	v16 =	vsub.f32 v11, v16  }
0x291: {  	s16 =	sadd.s32 $0x10, s10;
	v1 =	vld [tilespmem:s28+$0x0];
	v6 =	vadd.f32 v8, v6;
	v10 =	vpsel !p0, $0x0, v10;
	v8 =	vmul.f32 v5, v5  }
0x292: {  	p5 =	sgt.s32 s16, $0xFFFFFFFF;
	v11 =	vshll.u32 v7, $0x1;
	v12 =	vld [tilespmem:s14+$0x10];
	v7 =	vadd.f32 v10, v3;
	v10 =	vshll.u32 v13, $0x1  }
0x293: {  	s29 =	sadd.s32 $0x20, s10;
	v5 =	vld [tilespmem:s5+$0xFFFFFFF0];
	v6 =	vpsel !p5, $0x0, v6;
	v16 =	vmul.f32 v16, v16;
	v8 =	vadd.f32 v8, v14  }
0x294: {  	s8 =	simm.s32 $0x4;
	p6 =	sgt.s32 s29, $0xFFFFFFFF;
	v13 =	vor.u32 $0x1, v11;
	v3 =	vld [tilespmem:s28+$0xFFFFFFE0];
	v7 =	vadd.f32 v6, v7  }
0x295: {  	s7 =	simm.s32 $0x0;
	s9 =	simm.s32 $0x1A7A0;
	s11 =	sadd.s32 $0x30, s10;
	v14 =	vshll.u32 v15, $0x1;
	v6 =	vld [tilespmem:s5+$0xFFFFFFE0];
	v9 =	vpsel !p6, $0x0, v8;
	v8 =	vadd.f32 v16, v63  }
.LBB2_14:
0x296: {  	v15 =	vld [tilespmem:s9+$0x0];
	v16 =	vor.u32 $0x1, v14;
	v7 =	vadd.f32 v9, v7;
	p0 =	sgt.s32 s11, $0xFFFFFFFF  }
0x297: {  	v9 =	vld.idx.msk [tilespmem:v10+s1+$0x0], $0xffff;
	v10 =	vor.u32 $0x1, v10;
	v8 =	vpsel !p0, $0x0, v8  }
0x298: {  	v11 =	vld.idx.msk [tilespmem:v11+s1+$0x0], $0xffff;
	v12 =	vshll.u32 v12, $0x1;
	v7 =	vadd.f32 v8, v7  }
0x299: {  	v8 =	vld.idx.msk [tilespmem:v13+s1+$0x0], $0xffff;
	v13 =	vor.u32 $0x1, v12  }
0x29a: {  	v14 =	vld.idx.msk [tilespmem:v14+s1+$0x0], $0xffff  }
0x29b: {  	v16 =	vld.idx.msk [tilespmem:v16+s1+$0x0], $0xffff  }
0x29c: {  	v17 =	vld.idx.msk [tilespmem:v10+s1+$0x0], $0xffff  }
0x29d: {  	v12 =	vld.idx.msk [tilespmem:v12+s1+$0x0], $0xffff  }
0x29e: {  	v13 =	vld.idx.msk [tilespmem:v13+s1+$0x0], $0xffff  }
0x29f: {  	s28 =	sadd.s32 $0x40, s28;
	v3 =	vsub.f32 v3, v11;
	v6 =	vsub.f32 v6, v8;
	v8 =	vld [tilespmem:s5+$0x10]  }
0x2a0: {  	v4 =	vsub.f32 v4, v14;
	v11 =	vld [tilespmem:s28+$0x10]  }
0x2a1: {  	v3 =	vmul.f32 v3, v3;
	v6 =	vmul.f32 v6, v6;
	v5 =	vsub.f32 v5, v16;
	v14 =	vld [tilespmem:s9+$0xFFFFFFE0]  }
0x2a2: {  	s8 =	sadd.s32 $0x4, s8;
	s7 =	sadd.s32 $0x40, s7;
	v10 =	vshll.u32 v15, $0x1;
	v9 =	vsub.f32 v1, v9;
	s5 =	sadd.s32 $0x40, s5;
	v15 =	vsub.f32 v2, v17;
	v1 =	vld [tilespmem:s28+$0x0]  }
0x2a3: {  	p0 =	slt.u32 s8, $0x7C;
	s10 =	sadd.s32 s15, s7;
	v3 =	vadd.f32 v6, v3;
	v6 =	vmul.f32 v4, v4;
	v5 =	vmul.f32 v5, v5;
	v2 =	vld [tilespmem:s5+$0x0]  }
0x2a4: {  	p1 =	sgt.s32 s10, $0xFFFFFFFF;
	v9 =	vmul.f32 v9, v9;
	v12 =	vsub.f32 v0, v12;
	v16 =	vld [tilespmem:s9+$0xFFFFFFF0];
	v8 =	vsub.f32 v8, v13  }
.Ltmp6:
0x2a5: {  	s11 =	sadd.s32 $0x10, s10;
	v3 =	vpsel !p1, $0x0, v3;
	v6 =	vadd.f32 v5, v6;
	v13 =	vmul.f32 v15, v15;
	v4 =	vld [tilespmem:s28+$0xFFFFFFF0];
	v0 =	vmovc v11;
	(pc) =	sbr.rel @p0 .LBB2_14-.Ltmp6, $4  }
0x2a6: {  	p1 =	sgt.s32 s11, $0xFFFFFFFF;
	v15 =	vmul.f32 v12, v12;
	v7 =	vadd.f32 v3, v7;
	v11 =	vshll.u32 v14, $0x1;
	v5 =	vld [tilespmem:s5+$0xFFFFFFF0]  }
0x2a7: {  	s11 =	sadd.s32 $0x20, s10;
	v6 =	vpsel !p1, $0x0, v6;
	v9 =	vadd.f32 v13, v9;
	v8 =	vmul.f32 v8, v8;
	v12 =	vld [tilespmem:s9+$0x10]  }
0x2a8: {  	p1 =	sgt.s32 s11, $0xFFFFFFFF;
	v13 =	vor.u32 $0x1, v11;
	v7 =	vadd.f32 v6, v7;
	v3 =	vld [tilespmem:s28+$0xFFFFFFE0]  }
0x2a9: {  	s11 =	sadd.s32 $0x30, s10;
	s9 =	sadd.s32 $0x40, s9;
	v9 =	vpsel !p1, $0x0, v9;
	v8 =	vadd.f32 v8, v15;
	v6 =	vld [tilespmem:s5+$0xFFFFFFE0];
	v14 =	vshll.u32 v16, $0x1  }
0x2aa: {  	_ =	sdelay $0x3  }
0x2ab: {  	v15 =	vor.u32 $0x1, v14;
	v16 =	vld.idx.msk [tilespmem:v10+s1+$0x0], $0xffff  }
0x2ac: {  	v51 =	vor.u32 $0x1, v10;
	v11 =	vld.idx.msk [tilespmem:v11+s1+$0x0], $0xffff  }
0x2ad: {  	v13 =	vld.idx.msk [tilespmem:v13+s1+$0x0], $0xffff;
	v12 =	vshll.u32 v12, $0x1  }
0x2ae: {  	v52 =	vld.idx.msk [tilespmem:v14+s1+$0x0], $0xffff;
	v17 =	vor.u32 $0x1, v12  }
0x2af: {  	v18 =	vld [tilespmem:s5+$0x10]  }
0x2b0: {  	v15 =	vld.idx.msk [tilespmem:v15+s1+$0x0], $0xffff  }
0x2b1: {  	v10 =	vld.idx.msk [tilespmem:v51+s1+$0x0], $0xffff  }
0x2b2: {  	s14 =	rddreg [dreg:$0x1b];
	v12 =	vld.idx.msk [tilespmem:v12+s1+$0x0], $0xffff  }
0x2b3: {  	v17 =	vld.idx.msk [tilespmem:v17+s1+$0x0], $0xffff;
	[tilespmem:s31], [sflag:$0x3] =	stream.linear.gather [hbm4b:s14+s1], $0x800, $0x38  }
0x2b4: {  	_ =	swait.ge [sflag:s30], $0x800  }
0x2b5: {  	[sflag:s30] =	ssyncset.done $0x0  }
0x2b6: {  	s16 =	rddreg [dreg:$0x1c];
	[sflag:s30] =	ssyncadd.s32 $0xFFFFF800  }
0x2b7: {  	[tilespmem:s0], [sflag:$0x3] =	stream.linear.gather [hbm4b:s16+s1], $0x800, $0x38;
	[tilespmem:$0x1F780] =	vst v63  }
0x2b8: {  	_ =	swait.ge [sflag:s30], $0x800  }
0x2b9: {  	[sflag:s30] =	ssyncset.done $0x0  }
0x2ba: {  	s8 =	rddreg [dreg:$0x1d];
	[sflag:s30] =	ssyncadd.s32 $0xFFFFF800  }
0x2bb: {  	[tilespmem:s3], [sflag:$0x3] =	stream.linear.gather [hbm4b:s8+s1], $0x800, $0x38;
	[tilespmem:$0x1F780] =	vst v63  }
0x2bc: {  	_ =	swait.ge [sflag:s30], $0x800  }
0x2bd: {  	[sflag:s30] =	ssyncset.done $0x0  }
0x2be: {  	s9 =	rddreg [dreg:$0x1e];
	[sflag:s30] =	ssyncadd.s32 $0xFFFFF800  }
0x2bf: {  	[tilespmem:s4], [sflag:$0x3] =	stream.linear.gather [hbm4b:s9+s1], $0x800, $0x38;
	[tilespmem:$0x1F780] =	vst v63  }
0x2c0: {  	_ =	swait.ge [sflag:s30], $0x800  }
0x2c1: {  	[sflag:s30] =	ssyncset.done $0x0  }
0x2c2: {  	s8 =	simm.s32 $0x1A700;
	s10 =	rddreg [dreg:$0x1f];
	[sflag:s30] =	ssyncadd.s32 $0xFFFFF800  }
0x2c3: {  	[tilespmem:s8], [sflag:$0x3] =	stream.linear.gather [hbm4b:s10+s1], $0x800, $0x38;
	[tilespmem:$0x1F780] =	vst v63  }
0x2c4: {  	_ =	swait.ge [sflag:s30], $0x800  }
0x2c5: {  	[sflag:s30] =	ssyncset.done $0x0  }
0x2c6: {  	s9 =	simm.s32 $0x18F20;
	[sflag:s30] =	ssyncadd.s32 $0xFFFFF800  }
0x2c7: {  	s10 =	simm.s32 $0x18720;
	v19 =	vld [tilespmem:s9+$0xFFFFFFE0]  }
0x2c8: {  	s8 =	simm.s32 $0x19720;
	v20 =	vld [tilespmem:s10+$0xFFFFFFE0]  }
0x2c9: {  	v21 =	vld [tilespmem:s8+$0xFFFFFFE0]  }
0x2ca: {  	s28 =	simm.s32 $0x19F20  }
0x2cb: {  	v22 =	vld [tilespmem:s28+$0xFFFFFFE0];
	_ =	sdelay $0x1  }
0x2cc: {  	v20 =	vshll.u32 v20, $0x15;
	v19 =	vshll.u32 v19, $0x13  }
0x2cd: {  	v53 =	vshll.u32 v21, $0x9;
	v19 =	vadd.s32 v20, v19  }
0x2ce: {  	v19 =	vadd.s32 v53, v19  }
0x2cf: {  	s29 =	simm.s32 $0x1B720;
	v19 =	vadd.s32 v22, v19  }
0x2d0: {  	s5 =	simm.s32 $0x1C720;
	[tilespmem:s29+$0xFFFFFFE0] =	vst v19;
	v19 =	vadd.s32 $0x40000, v19  }
0x2d1: {  	[tilespmem:s5+$0xFFFFFFE0] =	vst v19  }
0x2d2: {  	v19 =	vld [tilespmem:s10+$0xFFFFFFF0]  }
0x2d3: {  	v54 =	vld [tilespmem:s9+$0xFFFFFFF0]  }
0x2d4: {  	v55 =	vld [tilespmem:s8+$0xFFFFFFF0];
	_ =	sdelay $0x1  }
0x2d5: {  	v56 =	vld [tilespmem:s28+$0xFFFFFFF0];
	_ =	sdelay $0x1  }
0x2d6: {  	v19 =	vshll.u32 v19, $0x15;
	v20 =	vshll.u32 v54, $0x13  }
0x2d7: {  	v57 =	vshll.u32 v55, $0x9;
	v19 =	vadd.s32 v19, v20  }
0x2d8: {  	v19 =	vadd.s32 v57, v19  }
0x2d9: {  	v19 =	vadd.s32 v56, v19  }
0x2da: {  	v3 =	vsub.f32 v3, v11;
	v6 =	vsub.f32 v6, v13;
	[tilespmem:s29+$0xFFFFFFF0] =	vst v19;
	v19 =	vadd.s32 $0x40000, v19  }
0x2db: {  	[tilespmem:s5+$0xFFFFFFF0] =	vst v19  }
0x2dc: {  	v7 =	vadd.f32 v9, v7;
	v3 =	vmul.f32 v3, v3;
	v6 =	vmul.f32 v6, v6;
	v58 =	vld [tilespmem:s9+$0x0]  }
0x2dd: {  	p0 =	sgt.s32 s11, $0xFFFFFFFF;
	s7 =	sadd.s32 $0x40, s7;
	v4 =	vsub.f32 v4, v52;
	v1 =	vsub.f32 v1, v16;
	v59 =	vld [tilespmem:s10+$0x0]  }
0x2de: {  	v8 =	vpsel !p0, $0x0, v8;
	s7 =	sadd.s32 s15, s7;
	v3 =	vadd.f32 v6, v3;
	v5 =	vsub.f32 v5, v15;
	v60 =	vld [tilespmem:s8+$0x0]  }
0x2df: {  	v7 =	vadd.f32 v8, v7;
	p3 =	sgt.s32 s7, $0xFFFFFFFF;
	v4 =	vmul.f32 v4, v4;
	v2 =	vsub.f32 v2, v10  }
0x2e0: {  	v1 =	vmul.f32 v1, v1;
	v3 =	vpsel !p3, $0x0, v3;
	v5 =	vmul.f32 v5, v5;
	v61 =	vld [tilespmem:s28+$0x0]  }
0x2e1: {  	v0 =	vsub.f32 v0, v12;
	v2 =	vmul.f32 v2, v2;
	v3 =	vadd.f32 v3, v7  }
0x2e2: {  	v4 =	vadd.f32 v5, v4;
	v5 =	vshll.u32 v59, $0x15;
	v9 =	vshll.u32 v58, $0x13  }
0x2e3: {  	s14 =	sadd.s32 $0x10, s7;
	v62 =	vsub.f32 v18, v17;
	v63 =	vshll.u32 v60, $0x9;
	v5 =	vadd.s32 v5, v9  }
0x2e4: {  	p4 =	sgt.s32 s14, $0xFFFFFFFF;
	v0 =	vmul.f32 v0, v0;
	v1 =	vadd.f32 v2, v1;
	v5 =	vadd.s32 v63, v5  }
0x2e5: {  	s16 =	sadd.s32 $0x20, s7;
	v2 =	vmul.f32 v62, v62;
	v4 =	vpsel !p4, $0x0, v4;
	v5 =	vadd.s32 v61, v5  }
0x2e6: {  	p5 =	sgt.s32 s16, $0xFFFFFFFF;
	v3 =	vadd.f32 v4, v3;
	[tilespmem:s29+$0x0] =	vst v5;
	v4 =	vadd.s32 $0x40000, v5  }
0x2e7: {  	s7 =	sadd.s32 $0x30, s7;
	v1 =	vpsel !p5, $0x0, v1;
	v2 =	vadd.f32 v2, v0;
	[tilespmem:s5+$0x0] =	vst v4  }
0x2e8: {  	s11 =	simm.s32 $0x19F60;
	p6 =	sgt.s32 s7, $0xFFFFFFFF;
	v3 =	vadd.f32 v1, v3;
	v0 =	vld [tilespmem:s10+$0x10]  }
0x2e9: {  	s14 =	simm.s32 $0x19760;
	s7 =	simm.s32 $0x0;
	s16 =	simm.s32 $0x18F60;
	v2 =	vpsel !p6, $0x0, v2;
	v1 =	vld [tilespmem:s9+$0x10]  }
0x2ea: {  	v3 =	vadd.f32 v2, v3;
	s10 =	simm.s32 $0x18760;
	v2 =	vld [tilespmem:s8+$0x10];
	s9 =	simm.s32 $0x1B720;
	s8 =	simm.s32 $0x1C720  }
.LBB2_16:
0x2eb: {  	s7 =	sadd.s32 $0x4, s7;
	v4 =	vld [tilespmem:s28+$0x10];
	s5 =	sadd.s32 $0x40, s5;
	s29 =	sadd.s32 $0x40, s29  }
0x2ec: {  	s28 =	smov.u32 s11;
	p0 =	slt.u32 s7, $0x7C  }
0x2ed: {  	v0 =	vshll.u32 v0, $0x15  }
0x2ee: {  	v1 =	vshll.u32 v1, $0x13  }
0x2ef: {  	v0 =	vadd.s32 v0, v1;
	v1 =	vshll.u32 v2, $0x9  }
0x2f0: {  	v0 =	vadd.s32 v1, v0  }
0x2f1: {  	v0 =	vadd.s32 v4, v0  }
0x2f2: {  	[tilespmem:s9+$0x10] =	vst v0;
	v0 =	vadd.s32 $0x40000, v0;
	s9 =	smov.u32 s29  }
0x2f3: {  	[tilespmem:s8+$0x10] =	vst v0;
	s8 =	smov.u32 s5  }
0x2f4: {  	v0 =	vld [tilespmem:s16+$0xFFFFFFE0]  }
0x2f5: {  	v1 =	vld [tilespmem:s10+$0xFFFFFFE0]  }
0x2f6: {  	v2 =	vld [tilespmem:s14+$0xFFFFFFE0];
	_ =	sdelay $0x1  }
0x2f7: {  	v4 =	vld [tilespmem:s11+$0xFFFFFFE0];
	_ =	sdelay $0x1  }
0x2f8: {  	v0 =	vshll.u32 v0, $0x13;
	v1 =	vshll.u32 v1, $0x15  }
0x2f9: {  	v0 =	vadd.s32 v1, v0;
	v1 =	vshll.u32 v2, $0x9  }
0x2fa: {  	v0 =	vadd.s32 v1, v0  }
0x2fb: {  	v0 =	vadd.s32 v4, v0  }
0x2fc: {  	[tilespmem:s29+$0xFFFFFFE0] =	vst v0;
	v0 =	vadd.s32 $0x40000, v0  }
0x2fd: {  	[tilespmem:s5+$0xFFFFFFE0] =	vst v0  }
0x2fe: {  	v0 =	vld [tilespmem:s10+$0xFFFFFFF0]  }
0x2ff: {  	v1 =	vld [tilespmem:s16+$0xFFFFFFF0]  }
0x300: {  	v2 =	vld [tilespmem:s14+$0xFFFFFFF0];
	_ =	sdelay $0x1  }
0x301: {  	v4 =	vld [tilespmem:s11+$0xFFFFFFF0];
	_ =	sdelay $0x1  }
0x302: {  	v0 =	vshll.u32 v0, $0x15;
	v1 =	vshll.u32 v1, $0x13  }
0x303: {  	v0 =	vadd.s32 v0, v1;
	v1 =	vshll.u32 v2, $0x9  }
0x304: {  	v0 =	vadd.s32 v1, v0  }
0x305: {  	v0 =	vadd.s32 v4, v0  }
0x306: {  	[tilespmem:s29+$0xFFFFFFF0] =	vst v0;
	v0 =	vadd.s32 $0x40000, v0  }
0x307: {  	[tilespmem:s5+$0xFFFFFFF0] =	vst v0  }
0x308: {  	v0 =	vld [tilespmem:s16+$0x0]  }
0x309: {  	v1 =	vld [tilespmem:s10+$0x0]  }
0x30a: {  	v2 =	vld [tilespmem:s14+$0x0];
	_ =	sdelay $0x1  }
0x30b: {  	v4 =	vld [tilespmem:s11+$0x0];
	_ =	sdelay $0x1  }
0x30c: {  	v0 =	vshll.u32 v0, $0x13;
	v1 =	vshll.u32 v1, $0x15  }
0x30d: {  	v0 =	vadd.s32 v1, v0;
	v1 =	vshll.u32 v2, $0x9  }
0x30e: {  	v0 =	vadd.s32 v1, v0  }
0x30f: {  	v0 =	vadd.s32 v4, v0  }
.Ltmp7:
0x310: {  	[tilespmem:s29+$0x0] =	vst v0;
	v0 =	vadd.s32 $0x40000, v0;
	(pc) =	sbr.rel @p0 .LBB2_16-.Ltmp7, $4  }
0x311: {  	[tilespmem:s5+$0x0] =	vst v0  }
0x312: {  	v0 =	vld [tilespmem:s10+$0x10]  }
0x313: {  	s10 =	sadd.s32 $0x40, s10;
	v1 =	vld [tilespmem:s16+$0x10]  }
0x314: {  	s11 =	sadd.s32 $0x40, s11;
	s16 =	sadd.s32 $0x40, s16;
	v2 =	vld [tilespmem:s14+$0x10];
	s14 =	sadd.s32 $0x40, s14  }
0x315: {  	_ = 	snop  }
0x316: {  	v4 =	vld [tilespmem:s28+$0x10];
	_ =	sdelay $0x1  }
0x317: {  	v0 =	vshll.u32 v0, $0x15;
	v1 =	vshll.u32 v1, $0x13  }
0x318: {  	v0 =	vadd.s32 v0, v1;
	v1 =	vshll.u32 v2, $0x9  }
0x319: {  	v0 =	vadd.s32 v1, v0  }
0x31a: {  	v0 =	vadd.s32 v4, v0  }
0x31b: {  	[tilespmem:s9+$0x10] =	vst v0;
	v0 =	vadd.s32 $0x40000, v0  }
0x31c: {  	s5 =	simm.s32 $0x1B700;
	s7 =	simm.s32 $0x1D700;
	[tilespmem:s8+$0x10] =	vst v0  }
0x31d: {  	[tilespmem:s7], [sflag:$0x1] =	stream.indirect.gather [hbm4b:s25+s6], $0x1, s5, s6, $0xb8;
	[tilespmem:$0x1F780] =	vst v63  }
0x31e: {  	s8 =	simm.s32 $0x1E700;
	s7 =	simm.s32 $0x1C700  }
0x31f: {  	[tilespmem:s8], [sflag:$0x1] =	stream.indirect.gather [hbm4b:s25+s6], $0x1, s7, s6, $0xb8;
	[tilespmem:$0x1F780] =	vst v63  }
0x320: {  	_ =	swait.ge [sflag:s22], $0x800  }
0x321: {  	[sflag:s22] =	ssyncset.done $0x0  }
0x322: {  	[sflag:s22] =	ssyncadd.s32 $0xFFFFF800  }
0x323: {  	_ =	swait.ge [sflag:s22], $0x800  }
0x324: {  	[sflag:s22] =	ssyncset.done $0x0  }
0x325: {  	s9 =	simm.s32 $0x1AF20;
	[sflag:s22] =	ssyncadd.s32 $0xFFFFF800  }
0x326: {  	s10 =	simm.s32 $0x1DF20;
	v0 =	vld [tilespmem:s9+$0x0]  }
0x327: {  	v4 =	vld [tilespmem:s10+$0x10]  }
0x328: {  	v1 =	vld [tilespmem:s9+$0xFFFFFFE0]  }
0x329: {  	v2 =	vld [tilespmem:s10+$0x0]  }
0x32a: {  	s11 =	simm.s32 $0x1EF20;
	v6 =	vld [tilespmem:s9+$0xFFFFFFF0]  }
0x32b: {  	v5 =	vld [tilespmem:s11+$0x0]  }
0x32c: {  	v9 =	vld [tilespmem:s9+$0x10]  }
0x32d: {  	v7 =	vld [tilespmem:s10+$0xFFFFFFF0];
	v0 =	vshll.u32 v0, $0x1  }
0x32e: {  	v8 =	vld [tilespmem:s11+$0xFFFFFFF0];
	v1 =	vshll.u32 v1, $0x1  }
0x32f: {  	v11 =	vld [tilespmem:s10+$0xFFFFFFE0];
	v6 =	vshll.u32 v6, $0x1  }
0x330: {  	s14 =	simm.s32 $0x1AF60;
	v12 =	vld [tilespmem:s11+$0xFFFFFFE0];
	v10 =	vor.u32 $0x1, v1  }
0x331: {  	v13 =	vld [tilespmem:s14+$0x0];
	v9 =	vshll.u32 v9, $0x1  }
0x332: {  	v14 =	vor.u32 $0x1, v6;
	v15 =	vld.idx.msk [tilespmem:v0+s1+$0x0], $0xffff  }
0x333: {  	v16 =	vor.u32 $0x1, v9;
	v1 =	vld.idx.msk [tilespmem:v1+s1+$0x0], $0xffff  }
0x334: {  	v0 =	vor.u32 $0x1, v0;
	v6 =	vld.idx.msk [tilespmem:v6+s1+$0x0], $0xffff  }
0x335: {  	v10 =	vld.idx.msk [tilespmem:v10+s1+$0x0], $0xffff  }
0x336: {  	v9 =	vld.idx.msk [tilespmem:v9+s1+$0x0], $0xffff  }
0x337: {  	v14 =	vld.idx.msk [tilespmem:v14+s1+$0x0], $0xffff  }
0x338: {  	v16 =	vld.idx.msk [tilespmem:v16+s1+$0x0], $0xffff  }
0x339: {  	v17 =	vld.idx.msk [tilespmem:v0+s1+$0x0], $0xffff  }
0x33a: {  	s28 =	simm.s32 $0x1DF60;
	v1 =	vsub.f32 v11, v1;
	v11 =	vld [tilespmem:s11+$0x10];
	v10 =	vsub.f32 v12, v10  }
0x33b: {  	v0 =	vld [tilespmem:s28+$0x10];
	v6 =	vsub.f32 v7, v6  }
0x33c: {  	v7 =	vld [tilespmem:s14+$0xFFFFFFE0];
	v8 =	vsub.f32 v8, v14;
	v12 =	vmul.f32 v1, v1;
	v10 =	vmul.f32 v10, v10  }
0x33d: {  	s5 =	simm.s32 $0x1EF60;
	v9 =	vsub.f32 v4, v9;
	v4 =	vld [tilespmem:s28+$0xFFFFFFF0];
	v14 =	vsub.f32 v2, v15;
	v6 =	vmul.f32 v6, v6  }
0x33e: {  	s10 =	sadd.s32 $0x0, s20;
	v2 =	vld [tilespmem:s5+$0x0];
	v8 =	vmul.f32 v8, v8;
	v5 =	vsub.f32 v5, v17;
	v10 =	vadd.f32 v10, v12  }
0x33f: {  	p0 =	sgt.s32 s10, $0xFFFFFFFF;
	v15 =	vld [tilespmem:s14+$0xFFFFFFF0];
	v63 =	vmul.f32 v9, v9;
	v14 =	vmul.f32 v14, v14;
	v16 =	vsub.f32 v11, v16  }
0x340: {  	s16 =	sadd.s32 $0x10, s10;
	v1 =	vld [tilespmem:s28+$0x0];
	v6 =	vadd.f32 v8, v6;
	v10 =	vpsel !p0, $0x0, v10;
	v8 =	vmul.f32 v5, v5  }
0x341: {  	p5 =	sgt.s32 s16, $0xFFFFFFFF;
	v11 =	vshll.u32 v7, $0x1;
	v12 =	vld [tilespmem:s14+$0x10];
	v7 =	vadd.f32 v10, v3;
	v10 =	vshll.u32 v13, $0x1  }
0x342: {  	s29 =	sadd.s32 $0x20, s10;
	v5 =	vld [tilespmem:s5+$0xFFFFFFF0];
	v6 =	vpsel !p5, $0x0, v6;
	v16 =	vmul.f32 v16, v16;
	v8 =	vadd.f32 v8, v14  }
0x343: {  	s7 =	simm.s32 $0x0;
	p6 =	sgt.s32 s29, $0xFFFFFFFF;
	v13 =	vor.u32 $0x1, v11;
	v3 =	vld [tilespmem:s28+$0xFFFFFFE0];
	v7 =	vadd.f32 v6, v7  }
0x344: {  	s8 =	simm.s32 $0x4;
	s9 =	simm.s32 $0x1AFA0;
	s11 =	sadd.s32 $0x30, s10;
	v14 =	vshll.u32 v15, $0x1;
	v6 =	vld [tilespmem:s5+$0xFFFFFFE0];
	v9 =	vpsel !p6, $0x0, v8;
	v8 =	vadd.f32 v16, v63  }
.LBB2_18:
0x345: {  	v15 =	vld [tilespmem:s9+$0x0];
	v16 =	vor.u32 $0x1, v14;
	v7 =	vadd.f32 v9, v7;
	p0 =	sgt.s32 s11, $0xFFFFFFFF  }
0x346: {  	v9 =	vld.idx.msk [tilespmem:v10+s1+$0x0], $0xffff;
	v10 =	vor.u32 $0x1, v10;
	v8 =	vpsel !p0, $0x0, v8  }
0x347: {  	v11 =	vld.idx.msk [tilespmem:v11+s1+$0x0], $0xffff;
	v12 =	vshll.u32 v12, $0x1;
	v7 =	vadd.f32 v8, v7  }
0x348: {  	v8 =	vld.idx.msk [tilespmem:v13+s1+$0x0], $0xffff;
	v13 =	vor.u32 $0x1, v12  }
0x349: {  	v14 =	vld.idx.msk [tilespmem:v14+s1+$0x0], $0xffff  }
0x34a: {  	v16 =	vld.idx.msk [tilespmem:v16+s1+$0x0], $0xffff  }
0x34b: {  	v17 =	vld.idx.msk [tilespmem:v10+s1+$0x0], $0xffff  }
0x34c: {  	v12 =	vld.idx.msk [tilespmem:v12+s1+$0x0], $0xffff  }
0x34d: {  	v13 =	vld.idx.msk [tilespmem:v13+s1+$0x0], $0xffff  }
0x34e: {  	s28 =	sadd.s32 $0x40, s28;
	v3 =	vsub.f32 v3, v11;
	v6 =	vsub.f32 v6, v8;
	v8 =	vld [tilespmem:s5+$0x10]  }
0x34f: {  	v4 =	vsub.f32 v4, v14;
	v11 =	vld [tilespmem:s28+$0x10]  }
0x350: {  	v3 =	vmul.f32 v3, v3;
	v6 =	vmul.f32 v6, v6;
	v5 =	vsub.f32 v5, v16;
	v14 =	vld [tilespmem:s9+$0xFFFFFFE0]  }
0x351: {  	s8 =	sadd.s32 $0x4, s8;
	s7 =	sadd.s32 $0x40, s7;
	v10 =	vshll.u32 v15, $0x1;
	v9 =	vsub.f32 v1, v9;
	s5 =	sadd.s32 $0x40, s5;
	v15 =	vsub.f32 v2, v17;
	v1 =	vld [tilespmem:s28+$0x0]  }
0x352: {  	p0 =	slt.u32 s8, $0x7C;
	s10 =	sadd.s32 s20, s7;
	v3 =	vadd.f32 v6, v3;
	v6 =	vmul.f32 v4, v4;
	v5 =	vmul.f32 v5, v5;
	v2 =	vld [tilespmem:s5+$0x0]  }
0x353: {  	p1 =	sgt.s32 s10, $0xFFFFFFFF;
	v9 =	vmul.f32 v9, v9;
	v12 =	vsub.f32 v0, v12;
	v16 =	vld [tilespmem:s9+$0xFFFFFFF0];
	v8 =	vsub.f32 v8, v13  }
.Ltmp8:
0x354: {  	s11 =	sadd.s32 $0x10, s10;
	v3 =	vpsel !p1, $0x0, v3;
	v6 =	vadd.f32 v5, v6;
	v13 =	vmul.f32 v15, v15;
	v4 =	vld [tilespmem:s28+$0xFFFFFFF0];
	v0 =	vmovc v11;
	(pc) =	sbr.rel @p0 .LBB2_18-.Ltmp8, $4  }
0x355: {  	p1 =	sgt.s32 s11, $0xFFFFFFFF;
	v15 =	vmul.f32 v12, v12;
	v7 =	vadd.f32 v3, v7;
	v11 =	vshll.u32 v14, $0x1;
	v5 =	vld [tilespmem:s5+$0xFFFFFFF0]  }
0x356: {  	s11 =	sadd.s32 $0x20, s10;
	v6 =	vpsel !p1, $0x0, v6;
	v9 =	vadd.f32 v13, v9;
	v8 =	vmul.f32 v8, v8;
	v12 =	vld [tilespmem:s9+$0x10]  }
0x357: {  	p1 =	sgt.s32 s11, $0xFFFFFFFF;
	v13 =	vor.u32 $0x1, v11;
	v7 =	vadd.f32 v6, v7;
	v3 =	vld [tilespmem:s28+$0xFFFFFFE0]  }
0x358: {  	s11 =	sadd.s32 $0x30, s10;
	s9 =	sadd.s32 $0x40, s9;
	v9 =	vpsel !p1, $0x0, v9;
	v8 =	vadd.f32 v8, v15;
	v6 =	vld [tilespmem:s5+$0xFFFFFFE0];
	v14 =	vshll.u32 v16, $0x1  }
0x359: {  	_ =	sdelay $0x3  }
0x35a: {  	v15 =	vor.u32 $0x1, v14;
	v16 =	vld.idx.msk [tilespmem:v10+s1+$0x0], $0xffff  }
0x35b: {  	v51 =	vor.u32 $0x1, v10;
	v11 =	vld.idx.msk [tilespmem:v11+s1+$0x0], $0xffff  }
0x35c: {  	v13 =	vld.idx.msk [tilespmem:v13+s1+$0x0], $0xffff;
	v12 =	vshll.u32 v12, $0x1  }
0x35d: {  	v52 =	vld.idx.msk [tilespmem:v14+s1+$0x0], $0xffff;
	v17 =	vor.u32 $0x1, v12  }
0x35e: {  	v18 =	vld [tilespmem:s5+$0x10]  }
0x35f: {  	s14 =	sld [smem:$0x7EC];
	v15 =	vld.idx.msk [tilespmem:v15+s1+$0x0], $0xffff  }
0x360: {  	v10 =	vld.idx.msk [tilespmem:v51+s1+$0x0], $0xffff  }
0x361: {  	v12 =	vld.idx.msk [tilespmem:v12+s1+$0x0], $0xffff  }
0x362: {  	v17 =	vld.idx.msk [tilespmem:v17+s1+$0x0], $0xffff;
	[tilespmem:s31], [sflag:$0x3] =	stream.linear.gather [hbm4b:s14+s1], $0x800, $0x38  }
0x363: {  	_ =	swait.ge [sflag:s30], $0x800  }
0x364: {  	s16 =	sld [smem:$0x7ED]  }
0x365: {  	[sflag:s30] =	ssyncset.done $0x0  }
0x366: {  	[sflag:s30] =	ssyncadd.s32 $0xFFFFF800  }
0x367: {  	[tilespmem:s0], [sflag:$0x3] =	stream.linear.gather [hbm4b:s16+s1], $0x800, $0x38;
	[tilespmem:$0x1F780] =	vst v63  }
0x368: {  	_ =	swait.ge [sflag:s30], $0x800  }
0x369: {  	s8 =	sld [smem:$0x7EE]  }
0x36a: {  	[sflag:s30] =	ssyncset.done $0x0  }
0x36b: {  	[sflag:s30] =	ssyncadd.s32 $0xFFFFF800  }
0x36c: {  	[tilespmem:s3], [sflag:$0x3] =	stream.linear.gather [hbm4b:s8+s1], $0x800, $0x38;
	[tilespmem:$0x1F780] =	vst v63  }
0x36d: {  	_ =	swait.ge [sflag:s30], $0x800  }
0x36e: {  	s9 =	sld [smem:$0x7EF]  }
0x36f: {  	[sflag:s30] =	ssyncset.done $0x0  }
0x370: {  	[sflag:s30] =	ssyncadd.s32 $0xFFFFF800  }
0x371: {  	[tilespmem:s4], [sflag:$0x3] =	stream.linear.gather [hbm4b:s9+s1], $0x800, $0x38;
	[tilespmem:$0x1F780] =	vst v63  }
0x372: {  	_ =	swait.ge [sflag:s30], $0x800  }
0x373: {  	s10 =	sld [smem:$0x7F0]  }
0x374: {  	[sflag:s30] =	ssyncset.done $0x0  }
0x375: {  	s8 =	simm.s32 $0x1AF00;
	[sflag:s30] =	ssyncadd.s32 $0xFFFFF800  }
0x376: {  	[tilespmem:s8], [sflag:$0x3] =	stream.linear.gather [hbm4b:s10+s1], $0x800, $0x38;
	[tilespmem:$0x1F780] =	vst v63  }
0x377: {  	_ =	swait.ge [sflag:s30], $0x800  }
0x378: {  	[sflag:s30] =	ssyncset.done $0x0  }
0x379: {  	s9 =	simm.s32 $0x18F20;
	[sflag:s30] =	ssyncadd.s32 $0xFFFFF800  }
0x37a: {  	s10 =	simm.s32 $0x18720;
	v19 =	vld [tilespmem:s9+$0xFFFFFFE0]  }
0x37b: {  	s8 =	simm.s32 $0x19720;
	v20 =	vld [tilespmem:s10+$0xFFFFFFE0]  }
0x37c: {  	v21 =	vld [tilespmem:s8+$0xFFFFFFE0]  }
0x37d: {  	s28 =	simm.s32 $0x19F20  }
0x37e: {  	v22 =	vld [tilespmem:s28+$0xFFFFFFE0];
	_ =	sdelay $0x1  }
0x37f: {  	v20 =	vshll.u32 v20, $0x15;
	v19 =	vshll.u32 v19, $0x13  }
0x380: {  	v53 =	vshll.u32 v21, $0x9;
	v19 =	vadd.s32 v20, v19  }
0x381: {  	v19 =	vadd.s32 v53, v19  }
0x382: {  	s29 =	simm.s32 $0x1BF20;
	v19 =	vadd.s32 v22, v19  }
0x383: {  	s5 =	simm.s32 $0x1CF20;
	[tilespmem:s29+$0xFFFFFFE0] =	vst v19;
	v19 =	vadd.s32 $0x40000, v19  }
0x384: {  	[tilespmem:s5+$0xFFFFFFE0] =	vst v19  }
0x385: {  	v19 =	vld [tilespmem:s10+$0xFFFFFFF0]  }
0x386: {  	v54 =	vld [tilespmem:s9+$0xFFFFFFF0]  }
0x387: {  	v55 =	vld [tilespmem:s8+$0xFFFFFFF0];
	_ =	sdelay $0x1  }
0x388: {  	v56 =	vld [tilespmem:s28+$0xFFFFFFF0];
	_ =	sdelay $0x1  }
0x389: {  	v19 =	vshll.u32 v19, $0x15;
	v20 =	vshll.u32 v54, $0x13  }
0x38a: {  	v57 =	vshll.u32 v55, $0x9;
	v19 =	vadd.s32 v19, v20  }
0x38b: {  	v19 =	vadd.s32 v57, v19  }
0x38c: {  	v19 =	vadd.s32 v56, v19  }
0x38d: {  	v3 =	vsub.f32 v3, v11;
	v6 =	vsub.f32 v6, v13;
	[tilespmem:s29+$0xFFFFFFF0] =	vst v19;
	v19 =	vadd.s32 $0x40000, v19  }
0x38e: {  	[tilespmem:s5+$0xFFFFFFF0] =	vst v19  }
0x38f: {  	v7 =	vadd.f32 v9, v7;
	v3 =	vmul.f32 v3, v3;
	v6 =	vmul.f32 v6, v6;
	v58 =	vld [tilespmem:s9+$0x0]  }
0x390: {  	p0 =	sgt.s32 s11, $0xFFFFFFFF;
	s7 =	sadd.s32 $0x40, s7;
	v4 =	vsub.f32 v4, v52;
	v1 =	vsub.f32 v1, v16;
	v59 =	vld [tilespmem:s10+$0x0]  }
0x391: {  	v8 =	vpsel !p0, $0x0, v8;
	s7 =	sadd.s32 s20, s7;
	v3 =	vadd.f32 v6, v3;
	v5 =	vsub.f32 v5, v15;
	v60 =	vld [tilespmem:s8+$0x0]  }
0x392: {  	v7 =	vadd.f32 v8, v7;
	p3 =	sgt.s32 s7, $0xFFFFFFFF;
	v4 =	vmul.f32 v4, v4;
	v2 =	vsub.f32 v2, v10  }
0x393: {  	v1 =	vmul.f32 v1, v1;
	v3 =	vpsel !p3, $0x0, v3;
	v5 =	vmul.f32 v5, v5;
	v61 =	vld [tilespmem:s28+$0x0]  }
0x394: {  	v0 =	vsub.f32 v0, v12;
	v2 =	vmul.f32 v2, v2;
	v3 =	vadd.f32 v3, v7  }
0x395: {  	v4 =	vadd.f32 v5, v4;
	v5 =	vshll.u32 v59, $0x15;
	v9 =	vshll.u32 v58, $0x13  }
0x396: {  	s14 =	sadd.s32 $0x10, s7;
	v62 =	vsub.f32 v18, v17;
	v63 =	vshll.u32 v60, $0x9;
	v5 =	vadd.s32 v5, v9  }
0x397: {  	p4 =	sgt.s32 s14, $0xFFFFFFFF;
	v0 =	vmul.f32 v0, v0;
	v1 =	vadd.f32 v2, v1;
	v5 =	vadd.s32 v63, v5  }
0x398: {  	s16 =	sadd.s32 $0x20, s7;
	v2 =	vmul.f32 v62, v62;
	v4 =	vpsel !p4, $0x0, v4;
	v5 =	vadd.s32 v61, v5  }
0x399: {  	p5 =	sgt.s32 s16, $0xFFFFFFFF;
	v3 =	vadd.f32 v4, v3;
	[tilespmem:s29+$0x0] =	vst v5;
	v4 =	vadd.s32 $0x40000, v5  }
0x39a: {  	s7 =	sadd.s32 $0x30, s7;
	v1 =	vpsel !p5, $0x0, v1;
	v2 =	vadd.f32 v2, v0;
	[tilespmem:s5+$0x0] =	vst v4  }
0x39b: {  	s11 =	simm.s32 $0x19F60;
	p6 =	sgt.s32 s7, $0xFFFFFFFF;
	v3 =	vadd.f32 v1, v3;
	v0 =	vld [tilespmem:s10+$0x10]  }
0x39c: {  	s14 =	simm.s32 $0x19760;
	s7 =	simm.s32 $0x0;
	s16 =	simm.s32 $0x18F60;
	v2 =	vpsel !p6, $0x0, v2;
	v1 =	vld [tilespmem:s9+$0x10]  }
0x39d: {  	v3 =	vadd.f32 v2, v3;
	s10 =	simm.s32 $0x18760;
	v2 =	vld [tilespmem:s8+$0x10];
	s9 =	simm.s32 $0x1BF20;
	s8 =	simm.s32 $0x1CF20  }
.LBB2_20:
0x39e: {  	s7 =	sadd.s32 $0x4, s7;
	v4 =	vld [tilespmem:s28+$0x10];
	s5 =	sadd.s32 $0x40, s5;
	s29 =	sadd.s32 $0x40, s29  }
0x39f: {  	s28 =	smov.u32 s11;
	p0 =	slt.u32 s7, $0x7C  }
0x3a0: {  	v0 =	vshll.u32 v0, $0x15  }
0x3a1: {  	v1 =	vshll.u32 v1, $0x13  }
0x3a2: {  	v0 =	vadd.s32 v0, v1;
	v1 =	vshll.u32 v2, $0x9  }
0x3a3: {  	v0 =	vadd.s32 v1, v0  }
0x3a4: {  	v0 =	vadd.s32 v4, v0  }
0x3a5: {  	[tilespmem:s9+$0x10] =	vst v0;
	v0 =	vadd.s32 $0x40000, v0;
	s9 =	smov.u32 s29  }
0x3a6: {  	[tilespmem:s8+$0x10] =	vst v0;
	s8 =	smov.u32 s5  }
0x3a7: {  	v0 =	vld [tilespmem:s16+$0xFFFFFFE0]  }
0x3a8: {  	v1 =	vld [tilespmem:s10+$0xFFFFFFE0]  }
0x3a9: {  	v2 =	vld [tilespmem:s14+$0xFFFFFFE0];
	_ =	sdelay $0x1  }
0x3aa: {  	v4 =	vld [tilespmem:s11+$0xFFFFFFE0];
	_ =	sdelay $0x1  }
0x3ab: {  	v0 =	vshll.u32 v0, $0x13;
	v1 =	vshll.u32 v1, $0x15  }
0x3ac: {  	v0 =	vadd.s32 v1, v0;
	v1 =	vshll.u32 v2, $0x9  }
0x3ad: {  	v0 =	vadd.s32 v1, v0  }
0x3ae: {  	v0 =	vadd.s32 v4, v0  }
0x3af: {  	[tilespmem:s29+$0xFFFFFFE0] =	vst v0;
	v0 =	vadd.s32 $0x40000, v0  }
0x3b0: {  	[tilespmem:s5+$0xFFFFFFE0] =	vst v0  }
0x3b1: {  	v0 =	vld [tilespmem:s10+$0xFFFFFFF0]  }
0x3b2: {  	v1 =	vld [tilespmem:s16+$0xFFFFFFF0]  }
0x3b3: {  	v2 =	vld [tilespmem:s14+$0xFFFFFFF0];
	_ =	sdelay $0x1  }
0x3b4: {  	v4 =	vld [tilespmem:s11+$0xFFFFFFF0];
	_ =	sdelay $0x1  }
0x3b5: {  	v0 =	vshll.u32 v0, $0x15;
	v1 =	vshll.u32 v1, $0x13  }
0x3b6: {  	v0 =	vadd.s32 v0, v1;
	v1 =	vshll.u32 v2, $0x9  }
0x3b7: {  	v0 =	vadd.s32 v1, v0  }
0x3b8: {  	v0 =	vadd.s32 v4, v0  }
0x3b9: {  	[tilespmem:s29+$0xFFFFFFF0] =	vst v0;
	v0 =	vadd.s32 $0x40000, v0  }
0x3ba: {  	[tilespmem:s5+$0xFFFFFFF0] =	vst v0  }
0x3bb: {  	v0 =	vld [tilespmem:s16+$0x0]  }
0x3bc: {  	v1 =	vld [tilespmem:s10+$0x0]  }
0x3bd: {  	v2 =	vld [tilespmem:s14+$0x0];
	_ =	sdelay $0x1  }
0x3be: {  	v4 =	vld [tilespmem:s11+$0x0];
	_ =	sdelay $0x1  }
0x3bf: {  	v0 =	vshll.u32 v0, $0x13;
	v1 =	vshll.u32 v1, $0x15  }
0x3c0: {  	v0 =	vadd.s32 v1, v0;
	v1 =	vshll.u32 v2, $0x9  }
0x3c1: {  	v0 =	vadd.s32 v1, v0  }
0x3c2: {  	v0 =	vadd.s32 v4, v0  }
.Ltmp9:
0x3c3: {  	[tilespmem:s29+$0x0] =	vst v0;
	v0 =	vadd.s32 $0x40000, v0;
	(pc) =	sbr.rel @p0 .LBB2_20-.Ltmp9, $4  }
0x3c4: {  	[tilespmem:s5+$0x0] =	vst v0  }
0x3c5: {  	v0 =	vld [tilespmem:s10+$0x10]  }
0x3c6: {  	s10 =	sadd.s32 $0x40, s10;
	v1 =	vld [tilespmem:s16+$0x10]  }
0x3c7: {  	s11 =	sadd.s32 $0x40, s11;
	s16 =	sadd.s32 $0x40, s16;
	v2 =	vld [tilespmem:s14+$0x10];
	s14 =	sadd.s32 $0x40, s14  }
0x3c8: {  	_ = 	snop  }
0x3c9: {  	v4 =	vld [tilespmem:s28+$0x10];
	_ =	sdelay $0x1  }
0x3ca: {  	v0 =	vshll.u32 v0, $0x15;
	v1 =	vshll.u32 v1, $0x13  }
0x3cb: {  	v0 =	vadd.s32 v0, v1;
	v1 =	vshll.u32 v2, $0x9  }
0x3cc: {  	v0 =	vadd.s32 v1, v0  }
0x3cd: {  	v0 =	vadd.s32 v4, v0  }
0x3ce: {  	[tilespmem:s9+$0x10] =	vst v0;
	v0 =	vadd.s32 $0x40000, v0  }
0x3cf: {  	s5 =	simm.s32 $0x1BF00;
	s7 =	simm.s32 $0x1DF00;
	[tilespmem:s8+$0x10] =	vst v0  }
0x3d0: {  	[tilespmem:s7], [sflag:$0x2] =	stream.indirect.gather [hbm4b:s25+s6], $0x1, s5, s6, $0xb8;
	[tilespmem:$0x1F780] =	vst v63  }
0x3d1: {  	_ = 	snop  }
0x3d2: {  	[tilespmem:s18], [sflag:$0x2] =	stream.indirect.gather [hbm4b:s25+s6], $0x1, s17, s6, $0xb8;
	[tilespmem:$0x1F780] =	vst v63  }
0x3d3: {  	_ =	swait.ge [sflag:s19], $0x800  }
0x3d4: {  	[sflag:s19] =	ssyncset.done $0x0  }
0x3d5: {  	[sflag:s19] =	ssyncadd.s32 $0xFFFFF800  }
0x3d6: {  	_ =	swait.ge [sflag:s19], $0x800  }
0x3d7: {  	[sflag:s19] =	ssyncset.done $0x0  }
0x3d8: {  	s9 =	simm.s32 $0x1A720;
	[sflag:s19] =	ssyncadd.s32 $0xFFFFF800  }
0x3d9: {  	s10 =	simm.s32 $0x1D720;
	v0 =	vld [tilespmem:s9+$0x0]  }
0x3da: {  	v4 =	vld [tilespmem:s10+$0x10]  }
0x3db: {  	v1 =	vld [tilespmem:s9+$0xFFFFFFE0]  }
0x3dc: {  	v2 =	vld [tilespmem:s10+$0x0]  }
0x3dd: {  	s11 =	simm.s32 $0x1E720;
	v6 =	vld [tilespmem:s9+$0xFFFFFFF0]  }
0x3de: {  	v5 =	vld [tilespmem:s11+$0x0]  }
0x3df: {  	v9 =	vld [tilespmem:s9+$0x10]  }
0x3e0: {  	v7 =	vld [tilespmem:s10+$0xFFFFFFF0];
	v0 =	vshll.u32 v0, $0x1  }
0x3e1: {  	v8 =	vld [tilespmem:s11+$0xFFFFFFF0];
	v1 =	vshll.u32 v1, $0x1  }
0x3e2: {  	v11 =	vld [tilespmem:s10+$0xFFFFFFE0];
	v6 =	vshll.u32 v6, $0x1  }
0x3e3: {  	s14 =	simm.s32 $0x1A760;
	v12 =	vld [tilespmem:s11+$0xFFFFFFE0];
	v10 =	vor.u32 $0x1, v1  }
0x3e4: {  	v13 =	vld [tilespmem:s14+$0x0];
	v9 =	vshll.u32 v9, $0x1  }
0x3e5: {  	v14 =	vor.u32 $0x1, v6;
	v15 =	vld.idx.msk [tilespmem:v0+s1+$0x0], $0xffff  }
0x3e6: {  	v16 =	vor.u32 $0x1, v9;
	v1 =	vld.idx.msk [tilespmem:v1+s1+$0x0], $0xffff  }
0x3e7: {  	v0 =	vor.u32 $0x1, v0;
	v6 =	vld.idx.msk [tilespmem:v6+s1+$0x0], $0xffff  }
0x3e8: {  	v10 =	vld.idx.msk [tilespmem:v10+s1+$0x0], $0xffff  }
0x3e9: {  	v9 =	vld.idx.msk [tilespmem:v9+s1+$0x0], $0xffff  }
0x3ea: {  	v14 =	vld.idx.msk [tilespmem:v14+s1+$0x0], $0xffff  }
0x3eb: {  	v16 =	vld.idx.msk [tilespmem:v16+s1+$0x0], $0xffff  }
0x3ec: {  	v17 =	vld.idx.msk [tilespmem:v0+s1+$0x0], $0xffff  }
0x3ed: {  	s28 =	simm.s32 $0x1D760;
	v1 =	vsub.f32 v11, v1;
	v11 =	vld [tilespmem:s11+$0x10];
	v10 =	vsub.f32 v12, v10  }
0x3ee: {  	v0 =	vld [tilespmem:s28+$0x10];
	v6 =	vsub.f32 v7, v6  }
0x3ef: {  	v7 =	vld [tilespmem:s14+$0xFFFFFFE0];
	v8 =	vsub.f32 v8, v14;
	v12 =	vmul.f32 v1, v1;
	v10 =	vmul.f32 v10, v10  }
0x3f0: {  	s5 =	simm.s32 $0x1E760;
	v9 =	vsub.f32 v4, v9;
	v4 =	vld [tilespmem:s28+$0xFFFFFFF0];
	v14 =	vsub.f32 v2, v15;
	v6 =	vmul.f32 v6, v6  }
0x3f1: {  	s10 =	sadd.s32 $0x0, s21;
	v2 =	vld [tilespmem:s5+$0x0];
	v8 =	vmul.f32 v8, v8;
	v5 =	vsub.f32 v5, v17;
	v10 =	vadd.f32 v10, v12  }
0x3f2: {  	p0 =	sgt.s32 s10, $0xFFFFFFFF;
	v15 =	vld [tilespmem:s14+$0xFFFFFFF0];
	v63 =	vmul.f32 v9, v9;
	v14 =	vmul.f32 v14, v14;
	v16 =	vsub.f32 v11, v16  }
0x3f3: {  	s16 =	sadd.s32 $0x10, s10;
	v1 =	vld [tilespmem:s28+$0x0];
	v6 =	vadd.f32 v8, v6;
	v10 =	vpsel !p0, $0x0, v10;
	v8 =	vmul.f32 v5, v5  }
0x3f4: {  	p5 =	sgt.s32 s16, $0xFFFFFFFF;
	v11 =	vshll.u32 v7, $0x1;
	v12 =	vld [tilespmem:s14+$0x10];
	v7 =	vadd.f32 v10, v3;
	v10 =	vshll.u32 v13, $0x1  }
0x3f5: {  	s29 =	sadd.s32 $0x20, s10;
	v5 =	vld [tilespmem:s5+$0xFFFFFFF0];
	v6 =	vpsel !p5, $0x0, v6;
	v16 =	vmul.f32 v16, v16;
	v8 =	vadd.f32 v8, v14  }
0x3f6: {  	s8 =	simm.s32 $0x4;
	p6 =	sgt.s32 s29, $0xFFFFFFFF;
	v13 =	vor.u32 $0x1, v11;
	v3 =	vld [tilespmem:s28+$0xFFFFFFE0];
	v7 =	vadd.f32 v6, v7  }
0x3f7: {  	s7 =	simm.s32 $0x0;
	s9 =	simm.s32 $0x1A7A0;
	s11 =	sadd.s32 $0x30, s10;
	v14 =	vshll.u32 v15, $0x1;
	v6 =	vld [tilespmem:s5+$0xFFFFFFE0];
	v9 =	vpsel !p6, $0x0, v8;
	v8 =	vadd.f32 v16, v63  }
.LBB2_22:
0x3f8: {  	v15 =	vld [tilespmem:s9+$0x0];
	v16 =	vor.u32 $0x1, v14;
	v7 =	vadd.f32 v9, v7;
	p0 =	sgt.s32 s11, $0xFFFFFFFF  }
0x3f9: {  	v9 =	vld.idx.msk [tilespmem:v10+s1+$0x0], $0xffff;
	v10 =	vor.u32 $0x1, v10;
	v8 =	vpsel !p0, $0x0, v8  }
0x3fa: {  	v11 =	vld.idx.msk [tilespmem:v11+s1+$0x0], $0xffff;
	v12 =	vshll.u32 v12, $0x1;
	v7 =	vadd.f32 v8, v7  }
0x3fb: {  	v8 =	vld.idx.msk [tilespmem:v13+s1+$0x0], $0xffff;
	v13 =	vor.u32 $0x1, v12  }
0x3fc: {  	v14 =	vld.idx.msk [tilespmem:v14+s1+$0x0], $0xffff  }
0x3fd: {  	v16 =	vld.idx.msk [tilespmem:v16+s1+$0x0], $0xffff  }
0x3fe: {  	v17 =	vld.idx.msk [tilespmem:v10+s1+$0x0], $0xffff  }
0x3ff: {  	v12 =	vld.idx.msk [tilespmem:v12+s1+$0x0], $0xffff  }
0x400: {  	v13 =	vld.idx.msk [tilespmem:v13+s1+$0x0], $0xffff  }
0x401: {  	s28 =	sadd.s32 $0x40, s28;
	v3 =	vsub.f32 v3, v11;
	v6 =	vsub.f32 v6, v8;
	v8 =	vld [tilespmem:s5+$0x10]  }
0x402: {  	v4 =	vsub.f32 v4, v14;
	v11 =	vld [tilespmem:s28+$0x10]  }
0x403: {  	v3 =	vmul.f32 v3, v3;
	v6 =	vmul.f32 v6, v6;
	v5 =	vsub.f32 v5, v16;
	v14 =	vld [tilespmem:s9+$0xFFFFFFE0]  }
0x404: {  	s8 =	sadd.s32 $0x4, s8;
	s7 =	sadd.s32 $0x40, s7;
	v10 =	vshll.u32 v15, $0x1;
	v9 =	vsub.f32 v1, v9;
	s5 =	sadd.s32 $0x40, s5;
	v15 =	vsub.f32 v2, v17;
	v1 =	vld [tilespmem:s28+$0x0]  }
0x405: {  	p0 =	slt.u32 s8, $0x7C;
	s10 =	sadd.s32 s21, s7;
	v3 =	vadd.f32 v6, v3;
	v6 =	vmul.f32 v4, v4;
	v5 =	vmul.f32 v5, v5;
	v2 =	vld [tilespmem:s5+$0x0]  }
0x406: {  	p1 =	sgt.s32 s10, $0xFFFFFFFF;
	v9 =	vmul.f32 v9, v9;
	v12 =	vsub.f32 v0, v12;
	v16 =	vld [tilespmem:s9+$0xFFFFFFF0];
	v8 =	vsub.f32 v8, v13  }
.Ltmp10:
0x407: {  	s11 =	sadd.s32 $0x10, s10;
	v3 =	vpsel !p1, $0x0, v3;
	v6 =	vadd.f32 v5, v6;
	v13 =	vmul.f32 v15, v15;
	v4 =	vld [tilespmem:s28+$0xFFFFFFF0];
	v0 =	vmovc v11;
	(pc) =	sbr.rel @p0 .LBB2_22-.Ltmp10, $4  }
0x408: {  	p1 =	sgt.s32 s11, $0xFFFFFFFF;
	v15 =	vmul.f32 v12, v12;
	v7 =	vadd.f32 v3, v7;
	v11 =	vshll.u32 v14, $0x1;
	v5 =	vld [tilespmem:s5+$0xFFFFFFF0]  }
0x409: {  	s11 =	sadd.s32 $0x20, s10;
	v6 =	vpsel !p1, $0x0, v6;
	v9 =	vadd.f32 v13, v9;
	v8 =	vmul.f32 v8, v8;
	v12 =	vld [tilespmem:s9+$0x10]  }
0x40a: {  	p1 =	sgt.s32 s11, $0xFFFFFFFF;
	v13 =	vor.u32 $0x1, v11;
	v7 =	vadd.f32 v6, v7;
	v3 =	vld [tilespmem:s28+$0xFFFFFFE0]  }
0x40b: {  	s11 =	sadd.s32 $0x30, s10;
	s9 =	sadd.s32 $0x40, s9;
	v9 =	vpsel !p1, $0x0, v9;
	v8 =	vadd.f32 v8, v15;
	v6 =	vld [tilespmem:s5+$0xFFFFFFE0];
	v14 =	vshll.u32 v16, $0x1  }
0x40c: {  	_ =	sdelay $0x3  }
0x40d: {  	v15 =	vor.u32 $0x1, v14;
	v16 =	vld.idx.msk [tilespmem:v10+s1+$0x0], $0xffff  }
0x40e: {  	v51 =	vor.u32 $0x1, v10;
	v11 =	vld.idx.msk [tilespmem:v11+s1+$0x0], $0xffff  }
0x40f: {  	v13 =	vld.idx.msk [tilespmem:v13+s1+$0x0], $0xffff;
	v12 =	vshll.u32 v12, $0x1  }
0x410: {  	v52 =	vld.idx.msk [tilespmem:v14+s1+$0x0], $0xffff;
	v17 =	vor.u32 $0x1, v12  }
0x411: {  	v18 =	vld [tilespmem:s5+$0x10]  }
0x412: {  	s14 =	sld [smem:$0x7F1];
	v15 =	vld.idx.msk [tilespmem:v15+s1+$0x0], $0xffff  }
0x413: {  	v10 =	vld.idx.msk [tilespmem:v51+s1+$0x0], $0xffff  }
0x414: {  	v12 =	vld.idx.msk [tilespmem:v12+s1+$0x0], $0xffff  }
0x415: {  	v17 =	vld.idx.msk [tilespmem:v17+s1+$0x0], $0xffff;
	[tilespmem:s31], [sflag:$0x3] =	stream.linear.gather [hbm4b:s14+s1], $0x800, $0x38  }
0x416: {  	_ =	swait.ge [sflag:s30], $0x800  }
0x417: {  	s16 =	sld [smem:$0x7F2]  }
0x418: {  	[sflag:s30] =	ssyncset.done $0x0  }
0x419: {  	[sflag:s30] =	ssyncadd.s32 $0xFFFFF800  }
0x41a: {  	[tilespmem:s0], [sflag:$0x3] =	stream.linear.gather [hbm4b:s16+s1], $0x800, $0x38;
	[tilespmem:$0x1F780] =	vst v63  }
0x41b: {  	_ =	swait.ge [sflag:s30], $0x800  }
0x41c: {  	s8 =	sld [smem:$0x7F3]  }
0x41d: {  	[sflag:s30] =	ssyncset.done $0x0  }
0x41e: {  	[sflag:s30] =	ssyncadd.s32 $0xFFFFF800  }
0x41f: {  	[tilespmem:s3], [sflag:$0x3] =	stream.linear.gather [hbm4b:s8+s1], $0x800, $0x38;
	[tilespmem:$0x1F780] =	vst v63  }
0x420: {  	_ =	swait.ge [sflag:s30], $0x800  }
0x421: {  	s9 =	sld [smem:$0x7F4]  }
0x422: {  	[sflag:s30] =	ssyncset.done $0x0  }
0x423: {  	[sflag:s30] =	ssyncadd.s32 $0xFFFFF800  }
0x424: {  	[tilespmem:s4], [sflag:$0x3] =	stream.linear.gather [hbm4b:s9+s1], $0x800, $0x38;
	[tilespmem:$0x1F780] =	vst v63  }
0x425: {  	_ =	swait.ge [sflag:s30], $0x800  }
0x426: {  	s10 =	sld [smem:$0x7F5]  }
0x427: {  	[sflag:s30] =	ssyncset.done $0x0  }
0x428: {  	s8 =	simm.s32 $0x1A700;
	[sflag:s30] =	ssyncadd.s32 $0xFFFFF800  }
0x429: {  	[tilespmem:s8], [sflag:$0x3] =	stream.linear.gather [hbm4b:s10+s1], $0x800, $0x38;
	[tilespmem:$0x1F780] =	vst v63  }
0x42a: {  	_ =	swait.ge [sflag:s30], $0x800  }
0x42b: {  	[sflag:s30] =	ssyncset.done $0x0  }
0x42c: {  	s9 =	simm.s32 $0x18F20;
	[sflag:s30] =	ssyncadd.s32 $0xFFFFF800  }
0x42d: {  	s10 =	simm.s32 $0x18720;
	v19 =	vld [tilespmem:s9+$0xFFFFFFE0]  }
0x42e: {  	s8 =	simm.s32 $0x19720;
	v20 =	vld [tilespmem:s10+$0xFFFFFFE0]  }
0x42f: {  	v21 =	vld [tilespmem:s8+$0xFFFFFFE0]  }
0x430: {  	s28 =	simm.s32 $0x19F20  }
0x431: {  	v22 =	vld [tilespmem:s28+$0xFFFFFFE0];
	_ =	sdelay $0x1  }
0x432: {  	v20 =	vshll.u32 v20, $0x15;
	v19 =	vshll.u32 v19, $0x13  }
0x433: {  	v53 =	vshll.u32 v21, $0x9;
	v19 =	vadd.s32 v20, v19  }
0x434: {  	v19 =	vadd.s32 v53, v19  }
0x435: {  	s29 =	simm.s32 $0x1B720;
	v19 =	vadd.s32 v22, v19  }
0x436: {  	s5 =	simm.s32 $0x1C720;
	[tilespmem:s29+$0xFFFFFFE0] =	vst v19;
	v19 =	vadd.s32 $0x40000, v19  }
0x437: {  	[tilespmem:s5+$0xFFFFFFE0] =	vst v19  }
0x438: {  	v19 =	vld [tilespmem:s10+$0xFFFFFFF0]  }
0x439: {  	v54 =	vld [tilespmem:s9+$0xFFFFFFF0]  }
0x43a: {  	v55 =	vld [tilespmem:s8+$0xFFFFFFF0];
	_ =	sdelay $0x1  }
0x43b: {  	v56 =	vld [tilespmem:s28+$0xFFFFFFF0];
	_ =	sdelay $0x1  }
0x43c: {  	v19 =	vshll.u32 v19, $0x15;
	v20 =	vshll.u32 v54, $0x13  }
0x43d: {  	v57 =	vshll.u32 v55, $0x9;
	v19 =	vadd.s32 v19, v20  }
0x43e: {  	v19 =	vadd.s32 v57, v19  }
0x43f: {  	v19 =	vadd.s32 v56, v19  }
0x440: {  	v3 =	vsub.f32 v3, v11;
	v6 =	vsub.f32 v6, v13;
	[tilespmem:s29+$0xFFFFFFF0] =	vst v19;
	v19 =	vadd.s32 $0x40000, v19  }
0x441: {  	[tilespmem:s5+$0xFFFFFFF0] =	vst v19  }
0x442: {  	v7 =	vadd.f32 v9, v7;
	v3 =	vmul.f32 v3, v3;
	v6 =	vmul.f32 v6, v6;
	v58 =	vld [tilespmem:s9+$0x0]  }
0x443: {  	p0 =	sgt.s32 s11, $0xFFFFFFFF;
	s7 =	sadd.s32 $0x40, s7;
	v4 =	vsub.f32 v4, v52;
	v1 =	vsub.f32 v1, v16;
	v59 =	vld [tilespmem:s10+$0x0]  }
0x444: {  	v8 =	vpsel !p0, $0x0, v8;
	s7 =	sadd.s32 s21, s7;
	v3 =	vadd.f32 v6, v3;
	v5 =	vsub.f32 v5, v15;
	v60 =	vld [tilespmem:s8+$0x0]  }
0x445: {  	v7 =	vadd.f32 v8, v7;
	p3 =	sgt.s32 s7, $0xFFFFFFFF;
	v4 =	vmul.f32 v4, v4;
	v2 =	vsub.f32 v2, v10  }
0x446: {  	v1 =	vmul.f32 v1, v1;
	v3 =	vpsel !p3, $0x0, v3;
	v5 =	vmul.f32 v5, v5;
	v61 =	vld [tilespmem:s28+$0x0]  }
0x447: {  	v0 =	vsub.f32 v0, v12;
	v2 =	vmul.f32 v2, v2;
	v3 =	vadd.f32 v3, v7  }
0x448: {  	v4 =	vadd.f32 v5, v4;
	v5 =	vshll.u32 v59, $0x15;
	v9 =	vshll.u32 v58, $0x13  }
0x449: {  	s14 =	sadd.s32 $0x10, s7;
	v62 =	vsub.f32 v18, v17;
	v63 =	vshll.u32 v60, $0x9;
	v5 =	vadd.s32 v5, v9  }
0x44a: {  	p4 =	sgt.s32 s14, $0xFFFFFFFF;
	v0 =	vmul.f32 v0, v0;
	v1 =	vadd.f32 v2, v1;
	v5 =	vadd.s32 v63, v5  }
0x44b: {  	s16 =	sadd.s32 $0x20, s7;
	v2 =	vmul.f32 v62, v62;
	v4 =	vpsel !p4, $0x0, v4;
	v5 =	vadd.s32 v61, v5  }
0x44c: {  	p5 =	sgt.s32 s16, $0xFFFFFFFF;
	v3 =	vadd.f32 v4, v3;
	[tilespmem:s29+$0x0] =	vst v5;
	v4 =	vadd.s32 $0x40000, v5  }
0x44d: {  	s7 =	sadd.s32 $0x30, s7;
	v1 =	vpsel !p5, $0x0, v1;
	v2 =	vadd.f32 v2, v0;
	[tilespmem:s5+$0x0] =	vst v4  }
0x44e: {  	s11 =	simm.s32 $0x19F60;
	p6 =	sgt.s32 s7, $0xFFFFFFFF;
	v3 =	vadd.f32 v1, v3;
	v0 =	vld [tilespmem:s10+$0x10]  }
0x44f: {  	s14 =	simm.s32 $0x19760;
	s7 =	simm.s32 $0x0;
	s16 =	simm.s32 $0x18F60;
	v2 =	vpsel !p6, $0x0, v2;
	v1 =	vld [tilespmem:s9+$0x10]  }
0x450: {  	v3 =	vadd.f32 v2, v3;
	s10 =	simm.s32 $0x18760;
	v2 =	vld [tilespmem:s8+$0x10];
	s9 =	simm.s32 $0x1B720;
	s8 =	simm.s32 $0x1C720  }
.LBB2_24:
0x451: {  	s7 =	sadd.s32 $0x4, s7;
	v4 =	vld [tilespmem:s28+$0x10];
	s5 =	sadd.s32 $0x40, s5;
	s29 =	sadd.s32 $0x40, s29  }
0x452: {  	s28 =	smov.u32 s11;
	p0 =	slt.u32 s7, $0x7C  }
0x453: {  	v0 =	vshll.u32 v0, $0x15  }
0x454: {  	v1 =	vshll.u32 v1, $0x13  }
0x455: {  	v0 =	vadd.s32 v0, v1;
	v1 =	vshll.u32 v2, $0x9  }
0x456: {  	v0 =	vadd.s32 v1, v0  }
0x457: {  	v0 =	vadd.s32 v4, v0  }
0x458: {  	[tilespmem:s9+$0x10] =	vst v0;
	v0 =	vadd.s32 $0x40000, v0;
	s9 =	smov.u32 s29  }
0x459: {  	[tilespmem:s8+$0x10] =	vst v0;
	s8 =	smov.u32 s5  }
0x45a: {  	v0 =	vld [tilespmem:s16+$0xFFFFFFE0]  }
0x45b: {  	v1 =	vld [tilespmem:s10+$0xFFFFFFE0]  }
0x45c: {  	v2 =	vld [tilespmem:s14+$0xFFFFFFE0];
	_ =	sdelay $0x1  }
0x45d: {  	v4 =	vld [tilespmem:s11+$0xFFFFFFE0];
	_ =	sdelay $0x1  }
0x45e: {  	v0 =	vshll.u32 v0, $0x13;
	v1 =	vshll.u32 v1, $0x15  }
0x45f: {  	v0 =	vadd.s32 v1, v0;
	v1 =	vshll.u32 v2, $0x9  }
0x460: {  	v0 =	vadd.s32 v1, v0  }
0x461: {  	v0 =	vadd.s32 v4, v0  }
0x462: {  	[tilespmem:s29+$0xFFFFFFE0] =	vst v0;
	v0 =	vadd.s32 $0x40000, v0  }
0x463: {  	[tilespmem:s5+$0xFFFFFFE0] =	vst v0  }
0x464: {  	v0 =	vld [tilespmem:s10+$0xFFFFFFF0]  }
0x465: {  	v1 =	vld [tilespmem:s16+$0xFFFFFFF0]  }
0x466: {  	v2 =	vld [tilespmem:s14+$0xFFFFFFF0];
	_ =	sdelay $0x1  }
0x467: {  	v4 =	vld [tilespmem:s11+$0xFFFFFFF0];
	_ =	sdelay $0x1  }
0x468: {  	v0 =	vshll.u32 v0, $0x15;
	v1 =	vshll.u32 v1, $0x13  }
0x469: {  	v0 =	vadd.s32 v0, v1;
	v1 =	vshll.u32 v2, $0x9  }
0x46a: {  	v0 =	vadd.s32 v1, v0  }
0x46b: {  	v0 =	vadd.s32 v4, v0  }
0x46c: {  	[tilespmem:s29+$0xFFFFFFF0] =	vst v0;
	v0 =	vadd.s32 $0x40000, v0  }
0x46d: {  	[tilespmem:s5+$0xFFFFFFF0] =	vst v0  }
0x46e: {  	v0 =	vld [tilespmem:s16+$0x0]  }
0x46f: {  	v1 =	vld [tilespmem:s10+$0x0]  }
0x470: {  	v2 =	vld [tilespmem:s14+$0x0];
	_ =	sdelay $0x1  }
0x471: {  	v4 =	vld [tilespmem:s11+$0x0];
	_ =	sdelay $0x1  }
0x472: {  	v0 =	vshll.u32 v0, $0x13;
	v1 =	vshll.u32 v1, $0x15  }
0x473: {  	v0 =	vadd.s32 v1, v0;
	v1 =	vshll.u32 v2, $0x9  }
0x474: {  	v0 =	vadd.s32 v1, v0  }
0x475: {  	v0 =	vadd.s32 v4, v0  }
.Ltmp11:
0x476: {  	[tilespmem:s29+$0x0] =	vst v0;
	v0 =	vadd.s32 $0x40000, v0;
	(pc) =	sbr.rel @p0 .LBB2_24-.Ltmp11, $4  }
0x477: {  	[tilespmem:s5+$0x0] =	vst v0  }
0x478: {  	v0 =	vld [tilespmem:s10+$0x10]  }
0x479: {  	s10 =	sadd.s32 $0x40, s10;
	v1 =	vld [tilespmem:s16+$0x10]  }
0x47a: {  	s11 =	sadd.s32 $0x40, s11;
	s16 =	sadd.s32 $0x40, s16;
	v2 =	vld [tilespmem:s14+$0x10];
	s14 =	sadd.s32 $0x40, s14  }
0x47b: {  	_ = 	snop  }
0x47c: {  	v4 =	vld [tilespmem:s28+$0x10];
	_ =	sdelay $0x1  }
0x47d: {  	v0 =	vshll.u32 v0, $0x15;
	v1 =	vshll.u32 v1, $0x13  }
0x47e: {  	v0 =	vadd.s32 v0, v1;
	v1 =	vshll.u32 v2, $0x9  }
0x47f: {  	v0 =	vadd.s32 v1, v0  }
0x480: {  	v0 =	vadd.s32 v4, v0  }
0x481: {  	[tilespmem:s9+$0x10] =	vst v0;
	v0 =	vadd.s32 $0x40000, v0  }
0x482: {  	s5 =	simm.s32 $0x1B700;
	s7 =	simm.s32 $0x1D700;
	[tilespmem:s8+$0x10] =	vst v0  }
0x483: {  	[tilespmem:s7], [sflag:$0x1] =	stream.indirect.gather [hbm4b:s25+s6], $0x1, s5, s6, $0xb8;
	[tilespmem:$0x1F780] =	vst v63  }
0x484: {  	s8 =	simm.s32 $0x1E700;
	s7 =	simm.s32 $0x1C700  }
0x485: {  	[tilespmem:s8], [sflag:$0x1] =	stream.indirect.gather [hbm4b:s25+s6], $0x1, s7, s6, $0xb8;
	[tilespmem:$0x1F780] =	vst v63  }
0x486: {  	_ =	swait.ge [sflag:s22], $0x800  }
0x487: {  	[sflag:s22] =	ssyncset.done $0x0  }
0x488: {  	[sflag:s22] =	ssyncadd.s32 $0xFFFFF800  }
0x489: {  	_ =	swait.ge [sflag:s22], $0x800  }
0x48a: {  	[sflag:s22] =	ssyncset.done $0x0  }
0x48b: {  	s9 =	simm.s32 $0x1AF20;
	[sflag:s22] =	ssyncadd.s32 $0xFFFFF800  }
0x48c: {  	s10 =	simm.s32 $0x1DF20;
	v0 =	vld [tilespmem:s9+$0x0]  }
0x48d: {  	v4 =	vld [tilespmem:s10+$0x10]  }
0x48e: {  	v1 =	vld [tilespmem:s9+$0xFFFFFFE0]  }
0x48f: {  	v2 =	vld [tilespmem:s10+$0x0]  }
0x490: {  	s11 =	simm.s32 $0x1EF20;
	v6 =	vld [tilespmem:s9+$0xFFFFFFF0]  }
0x491: {  	v5 =	vld [tilespmem:s11+$0x0]  }
0x492: {  	v9 =	vld [tilespmem:s9+$0x10]  }
0x493: {  	v7 =	vld [tilespmem:s10+$0xFFFFFFF0];
	v0 =	vshll.u32 v0, $0x1  }
0x494: {  	v8 =	vld [tilespmem:s11+$0xFFFFFFF0];
	v1 =	vshll.u32 v1, $0x1  }
0x495: {  	v11 =	vld [tilespmem:s10+$0xFFFFFFE0];
	v6 =	vshll.u32 v6, $0x1  }
0x496: {  	s14 =	simm.s32 $0x1AF60;
	v12 =	vld [tilespmem:s11+$0xFFFFFFE0];
	v10 =	vor.u32 $0x1, v1  }
0x497: {  	v13 =	vld [tilespmem:s14+$0x0];
	v9 =	vshll.u32 v9, $0x1  }
0x498: {  	v14 =	vor.u32 $0x1, v6;
	v15 =	vld.idx.msk [tilespmem:v0+s1+$0x0], $0xffff  }
0x499: {  	v16 =	vor.u32 $0x1, v9;
	v1 =	vld.idx.msk [tilespmem:v1+s1+$0x0], $0xffff  }
0x49a: {  	v0 =	vor.u32 $0x1, v0;
	v6 =	vld.idx.msk [tilespmem:v6+s1+$0x0], $0xffff  }
0x49b: {  	v10 =	vld.idx.msk [tilespmem:v10+s1+$0x0], $0xffff  }
0x49c: {  	v9 =	vld.idx.msk [tilespmem:v9+s1+$0x0], $0xffff  }
0x49d: {  	v14 =	vld.idx.msk [tilespmem:v14+s1+$0x0], $0xffff  }
0x49e: {  	v16 =	vld.idx.msk [tilespmem:v16+s1+$0x0], $0xffff  }
0x49f: {  	v17 =	vld.idx.msk [tilespmem:v0+s1+$0x0], $0xffff  }
0x4a0: {  	s28 =	simm.s32 $0x1DF60;
	v1 =	vsub.f32 v11, v1;
	v11 =	vld [tilespmem:s11+$0x10];
	v10 =	vsub.f32 v12, v10  }
0x4a1: {  	v0 =	vld [tilespmem:s28+$0x10];
	v6 =	vsub.f32 v7, v6  }
0x4a2: {  	v7 =	vld [tilespmem:s14+$0xFFFFFFE0];
	v8 =	vsub.f32 v8, v14;
	v12 =	vmul.f32 v1, v1;
	v10 =	vmul.f32 v10, v10  }
0x4a3: {  	s5 =	simm.s32 $0x1EF60;
	v9 =	vsub.f32 v4, v9;
	v4 =	vld [tilespmem:s28+$0xFFFFFFF0];
	v14 =	vsub.f32 v2, v15;
	v6 =	vmul.f32 v6, v6  }
0x4a4: {  	s10 =	sadd.s32 $0x0, s2;
	v2 =	vld [tilespmem:s5+$0x0];
	v8 =	vmul.f32 v8, v8;
	v5 =	vsub.f32 v5, v17;
	v10 =	vadd.f32 v10, v12  }
0x4a5: {  	p0 =	sgt.s32 s10, $0xFFFFFFFF;
	v15 =	vld [tilespmem:s14+$0xFFFFFFF0];
	v63 =	vmul.f32 v9, v9;
	v14 =	vmul.f32 v14, v14;
	v16 =	vsub.f32 v11, v16  }
0x4a6: {  	s16 =	sadd.s32 $0x10, s10;
	v1 =	vld [tilespmem:s28+$0x0];
	v6 =	vadd.f32 v8, v6;
	v10 =	vpsel !p0, $0x0, v10;
	v8 =	vmul.f32 v5, v5  }
0x4a7: {  	p5 =	sgt.s32 s16, $0xFFFFFFFF;
	v11 =	vshll.u32 v7, $0x1;
	v12 =	vld [tilespmem:s14+$0x10];
	v7 =	vadd.f32 v10, v3;
	v10 =	vshll.u32 v13, $0x1  }
0x4a8: {  	s29 =	sadd.s32 $0x20, s10;
	v5 =	vld [tilespmem:s5+$0xFFFFFFF0];
	v6 =	vpsel !p5, $0x0, v6;
	v16 =	vmul.f32 v16, v16;
	v8 =	vadd.f32 v8, v14  }
0x4a9: {  	s7 =	simm.s32 $0x0;
	p6 =	sgt.s32 s29, $0xFFFFFFFF;
	v13 =	vor.u32 $0x1, v11;
	v3 =	vld [tilespmem:s28+$0xFFFFFFE0];
	v7 =	vadd.f32 v6, v7  }
0x4aa: {  	s8 =	simm.s32 $0x4;
	s9 =	simm.s32 $0x1AFA0;
	s11 =	sadd.s32 $0x30, s10;
	v14 =	vshll.u32 v15, $0x1;
	v6 =	vld [tilespmem:s5+$0xFFFFFFE0];
	v9 =	vpsel !p6, $0x0, v8;
	v8 =	vadd.f32 v16, v63  }
.LBB2_26:
0x4ab: {  	v15 =	vld [tilespmem:s9+$0x0];
	v16 =	vor.u32 $0x1, v14;
	v7 =	vadd.f32 v9, v7;
	p0 =	sgt.s32 s11, $0xFFFFFFFF  }
0x4ac: {  	v9 =	vld.idx.msk [tilespmem:v10+s1+$0x0], $0xffff;
	v10 =	vor.u32 $0x1, v10;
	v8 =	vpsel !p0, $0x0, v8  }
0x4ad: {  	v11 =	vld.idx.msk [tilespmem:v11+s1+$0x0], $0xffff;
	v12 =	vshll.u32 v12, $0x1;
	v7 =	vadd.f32 v8, v7  }
0x4ae: {  	v8 =	vld.idx.msk [tilespmem:v13+s1+$0x0], $0xffff;
	v13 =	vor.u32 $0x1, v12  }
0x4af: {  	v14 =	vld.idx.msk [tilespmem:v14+s1+$0x0], $0xffff  }
0x4b0: {  	v16 =	vld.idx.msk [tilespmem:v16+s1+$0x0], $0xffff  }
0x4b1: {  	v17 =	vld.idx.msk [tilespmem:v10+s1+$0x0], $0xffff  }
0x4b2: {  	v12 =	vld.idx.msk [tilespmem:v12+s1+$0x0], $0xffff  }
0x4b3: {  	v13 =	vld.idx.msk [tilespmem:v13+s1+$0x0], $0xffff  }
0x4b4: {  	s28 =	sadd.s32 $0x40, s28;
	v3 =	vsub.f32 v3, v11;
	v6 =	vsub.f32 v6, v8;
	v8 =	vld [tilespmem:s5+$0x10]  }
0x4b5: {  	v4 =	vsub.f32 v4, v14;
	v11 =	vld [tilespmem:s28+$0x10]  }
0x4b6: {  	v3 =	vmul.f32 v3, v3;
	v6 =	vmul.f32 v6, v6;
	v5 =	vsub.f32 v5, v16;
	v14 =	vld [tilespmem:s9+$0xFFFFFFE0]  }
0x4b7: {  	s8 =	sadd.s32 $0x4, s8;
	s7 =	sadd.s32 $0x40, s7;
	v10 =	vshll.u32 v15, $0x1;
	v9 =	vsub.f32 v1, v9;
	s5 =	sadd.s32 $0x40, s5;
	v15 =	vsub.f32 v2, v17;
	v1 =	vld [tilespmem:s28+$0x0]  }
0x4b8: {  	p0 =	slt.u32 s8, $0x7C;
	s10 =	sadd.s32 s2, s7;
	v3 =	vadd.f32 v6, v3;
	v6 =	vmul.f32 v4, v4;
	v5 =	vmul.f32 v5, v5;
	v2 =	vld [tilespmem:s5+$0x0]  }
0x4b9: {  	p1 =	sgt.s32 s10, $0xFFFFFFFF;
	v9 =	vmul.f32 v9, v9;
	v12 =	vsub.f32 v0, v12;
	v16 =	vld [tilespmem:s9+$0xFFFFFFF0];
	v8 =	vsub.f32 v8, v13  }
.Ltmp12:
0x4ba: {  	s11 =	sadd.s32 $0x10, s10;
	v3 =	vpsel !p1, $0x0, v3;
	v6 =	vadd.f32 v5, v6;
	v13 =	vmul.f32 v15, v15;
	v4 =	vld [tilespmem:s28+$0xFFFFFFF0];
	v0 =	vmovc v11;
	(pc) =	sbr.rel @p0 .LBB2_26-.Ltmp12, $4  }
0x4bb: {  	p1 =	sgt.s32 s11, $0xFFFFFFFF;
	v15 =	vmul.f32 v12, v12;
	v7 =	vadd.f32 v3, v7;
	v11 =	vshll.u32 v14, $0x1;
	v5 =	vld [tilespmem:s5+$0xFFFFFFF0]  }
0x4bc: {  	s11 =	sadd.s32 $0x20, s10;
	v6 =	vpsel !p1, $0x0, v6;
	v9 =	vadd.f32 v13, v9;
	v8 =	vmul.f32 v8, v8;
	v12 =	vld [tilespmem:s9+$0x10]  }
0x4bd: {  	p1 =	sgt.s32 s11, $0xFFFFFFFF;
	v13 =	vor.u32 $0x1, v11;
	v7 =	vadd.f32 v6, v7;
	v3 =	vld [tilespmem:s28+$0xFFFFFFE0]  }
0x4be: {  	s11 =	sadd.s32 $0x30, s10;
	s9 =	sadd.s32 $0x40, s9;
	v9 =	vpsel !p1, $0x0, v9;
	v8 =	vadd.f32 v8, v15;
	v6 =	vld [tilespmem:s5+$0xFFFFFFE0];
	v14 =	vshll.u32 v16, $0x1  }
0x4bf: {  	_ =	sdelay $0x3  }
0x4c0: {  	v15 =	vor.u32 $0x1, v14;
	v16 =	vld.idx.msk [tilespmem:v10+s1+$0x0], $0xffff  }
0x4c1: {  	v51 =	vor.u32 $0x1, v10;
	v11 =	vld.idx.msk [tilespmem:v11+s1+$0x0], $0xffff  }
0x4c2: {  	v13 =	vld.idx.msk [tilespmem:v13+s1+$0x0], $0xffff;
	v12 =	vshll.u32 v12, $0x1  }
0x4c3: {  	v52 =	vld.idx.msk [tilespmem:v14+s1+$0x0], $0xffff;
	v17 =	vor.u32 $0x1, v12  }
0x4c4: {  	v18 =	vld [tilespmem:s5+$0x10]  }
0x4c5: {  	s14 =	sld [smem:$0x7F6];
	v15 =	vld.idx.msk [tilespmem:v15+s1+$0x0], $0xffff  }
0x4c6: {  	v10 =	vld.idx.msk [tilespmem:v51+s1+$0x0], $0xffff  }
0x4c7: {  	v12 =	vld.idx.msk [tilespmem:v12+s1+$0x0], $0xffff  }
0x4c8: {  	v17 =	vld.idx.msk [tilespmem:v17+s1+$0x0], $0xffff;
	[tilespmem:s31], [sflag:$0x3] =	stream.linear.gather [hbm4b:s14+s1], $0x800, $0x38  }
0x4c9: {  	_ =	swait.ge [sflag:s30], $0x800  }
0x4ca: {  	s16 =	sld [smem:$0x7F7]  }
0x4cb: {  	[sflag:s30] =	ssyncset.done $0x0  }
0x4cc: {  	[sflag:s30] =	ssyncadd.s32 $0xFFFFF800  }
0x4cd: {  	[tilespmem:s0], [sflag:$0x3] =	stream.linear.gather [hbm4b:s16+s1], $0x800, $0x38;
	[tilespmem:$0x1F780] =	vst v63  }
0x4ce: {  	_ =	swait.ge [sflag:s30], $0x800  }
0x4cf: {  	s8 =	sld [smem:$0x7F8]  }
0x4d0: {  	[sflag:s30] =	ssyncset.done $0x0  }
0x4d1: {  	[sflag:s30] =	ssyncadd.s32 $0xFFFFF800  }
0x4d2: {  	[tilespmem:s3], [sflag:$0x3] =	stream.linear.gather [hbm4b:s8+s1], $0x800, $0x38;
	[tilespmem:$0x1F780] =	vst v63  }
0x4d3: {  	_ =	swait.ge [sflag:s30], $0x800  }
0x4d4: {  	s9 =	sld [smem:$0x7F9]  }
0x4d5: {  	[sflag:s30] =	ssyncset.done $0x0  }
0x4d6: {  	[sflag:s30] =	ssyncadd.s32 $0xFFFFF800  }
0x4d7: {  	[tilespmem:s4], [sflag:$0x3] =	stream.linear.gather [hbm4b:s9+s1], $0x800, $0x38;
	[tilespmem:$0x1F780] =	vst v63  }
0x4d8: {  	_ =	swait.ge [sflag:s30], $0x800  }
0x4d9: {  	s10 =	sld [smem:$0x7FA]  }
0x4da: {  	[sflag:s30] =	ssyncset.done $0x0  }
0x4db: {  	s8 =	simm.s32 $0x1AF00;
	[sflag:s30] =	ssyncadd.s32 $0xFFFFF800  }
0x4dc: {  	[tilespmem:s8], [sflag:$0x3] =	stream.linear.gather [hbm4b:s10+s1], $0x800, $0x38;
	[tilespmem:$0x1F780] =	vst v63  }
0x4dd: {  	_ =	swait.ge [sflag:s30], $0x800  }
0x4de: {  	[sflag:s30] =	ssyncset.done $0x0  }
0x4df: {  	s9 =	simm.s32 $0x18F20;
	[sflag:s30] =	ssyncadd.s32 $0xFFFFF800  }
0x4e0: {  	s10 =	simm.s32 $0x18720;
	v19 =	vld [tilespmem:s9+$0xFFFFFFE0]  }
0x4e1: {  	s8 =	simm.s32 $0x19720;
	v20 =	vld [tilespmem:s10+$0xFFFFFFE0]  }
0x4e2: {  	v21 =	vld [tilespmem:s8+$0xFFFFFFE0]  }
0x4e3: {  	s28 =	simm.s32 $0x19F20  }
0x4e4: {  	v22 =	vld [tilespmem:s28+$0xFFFFFFE0];
	_ =	sdelay $0x1  }
0x4e5: {  	v20 =	vshll.u32 v20, $0x15;
	v19 =	vshll.u32 v19, $0x13  }
0x4e6: {  	v53 =	vshll.u32 v21, $0x9;
	v19 =	vadd.s32 v20, v19  }
0x4e7: {  	v19 =	vadd.s32 v53, v19  }
0x4e8: {  	s29 =	simm.s32 $0x1BF20;
	v19 =	vadd.s32 v22, v19  }
0x4e9: {  	s5 =	simm.s32 $0x1CF20;
	[tilespmem:s29+$0xFFFFFFE0] =	vst v19;
	v19 =	vadd.s32 $0x40000, v19  }
0x4ea: {  	[tilespmem:s5+$0xFFFFFFE0] =	vst v19  }
0x4eb: {  	v19 =	vld [tilespmem:s10+$0xFFFFFFF0]  }
0x4ec: {  	v54 =	vld [tilespmem:s9+$0xFFFFFFF0]  }
0x4ed: {  	v55 =	vld [tilespmem:s8+$0xFFFFFFF0];
	_ =	sdelay $0x1  }
0x4ee: {  	v56 =	vld [tilespmem:s28+$0xFFFFFFF0];
	_ =	sdelay $0x1  }
0x4ef: {  	v19 =	vshll.u32 v19, $0x15;
	v20 =	vshll.u32 v54, $0x13  }
0x4f0: {  	v57 =	vshll.u32 v55, $0x9;
	v19 =	vadd.s32 v19, v20  }
0x4f1: {  	v19 =	vadd.s32 v57, v19  }
0x4f2: {  	v19 =	vadd.s32 v56, v19  }
0x4f3: {  	v3 =	vsub.f32 v3, v11;
	v6 =	vsub.f32 v6, v13;
	[tilespmem:s29+$0xFFFFFFF0] =	vst v19;
	v19 =	vadd.s32 $0x40000, v19  }
0x4f4: {  	[tilespmem:s5+$0xFFFFFFF0] =	vst v19  }
0x4f5: {  	v7 =	vadd.f32 v9, v7;
	v3 =	vmul.f32 v3, v3;
	v6 =	vmul.f32 v6, v6;
	v58 =	vld [tilespmem:s9+$0x0]  }
0x4f6: {  	p0 =	sgt.s32 s11, $0xFFFFFFFF;
	s7 =	sadd.s32 $0x40, s7;
	v4 =	vsub.f32 v4, v52;
	v1 =	vsub.f32 v1, v16;
	v59 =	vld [tilespmem:s10+$0x0]  }
0x4f7: {  	v8 =	vpsel !p0, $0x0, v8;
	s7 =	sadd.s32 s2, s7;
	v3 =	vadd.f32 v6, v3;
	v5 =	vsub.f32 v5, v15;
	v60 =	vld [tilespmem:s8+$0x0]  }
0x4f8: {  	v7 =	vadd.f32 v8, v7;
	p3 =	sgt.s32 s7, $0xFFFFFFFF;
	v4 =	vmul.f32 v4, v4;
	v2 =	vsub.f32 v2, v10  }
0x4f9: {  	v1 =	vmul.f32 v1, v1;
	v3 =	vpsel !p3, $0x0, v3;
	v5 =	vmul.f32 v5, v5;
	v61 =	vld [tilespmem:s28+$0x0]  }
0x4fa: {  	v0 =	vsub.f32 v0, v12;
	v2 =	vmul.f32 v2, v2;
	v3 =	vadd.f32 v3, v7  }
0x4fb: {  	v4 =	vadd.f32 v5, v4;
	v5 =	vshll.u32 v59, $0x15;
	v9 =	vshll.u32 v58, $0x13  }
0x4fc: {  	s14 =	sadd.s32 $0x10, s7;
	v62 =	vsub.f32 v18, v17;
	v63 =	vshll.u32 v60, $0x9;
	v5 =	vadd.s32 v5, v9  }
0x4fd: {  	p4 =	sgt.s32 s14, $0xFFFFFFFF;
	v0 =	vmul.f32 v0, v0;
	v1 =	vadd.f32 v2, v1;
	v5 =	vadd.s32 v63, v5  }
0x4fe: {  	s16 =	sadd.s32 $0x20, s7;
	v2 =	vmul.f32 v62, v62;
	v4 =	vpsel !p4, $0x0, v4;
	v5 =	vadd.s32 v61, v5  }
0x4ff: {  	p5 =	sgt.s32 s16, $0xFFFFFFFF;
	v3 =	vadd.f32 v4, v3;
	[tilespmem:s29+$0x0] =	vst v5;
	v4 =	vadd.s32 $0x40000, v5  }
0x500: {  	s7 =	sadd.s32 $0x30, s7;
	v1 =	vpsel !p5, $0x0, v1;
	v0 =	vadd.f32 v2, v0;
	[tilespmem:s5+$0x0] =	vst v4  }
0x501: {  	s11 =	simm.s32 $0x19F60;
	p6 =	sgt.s32 s7, $0xFFFFFFFF;
	v3 =	vadd.f32 v1, v3;
	v1 =	vld [tilespmem:s10+$0x10]  }
0x502: {  	s14 =	simm.s32 $0x19760;
	s7 =	simm.s32 $0x0;
	s16 =	simm.s32 $0x18F60;
	v0 =	vpsel !p6, $0x0, v0;
	v2 =	vld [tilespmem:s9+$0x10]  }
0x503: {  	v0 =	vadd.f32 v0, v3;
	s10 =	simm.s32 $0x18760;
	v3 =	vld [tilespmem:s8+$0x10];
	s9 =	simm.s32 $0x1BF20;
	s8 =	simm.s32 $0x1CF20  }
.LBB2_28:
0x504: {  	s7 =	sadd.s32 $0x4, s7;
	v4 =	vld [tilespmem:s28+$0x10];
	s5 =	sadd.s32 $0x40, s5;
	s29 =	sadd.s32 $0x40, s29  }
0x505: {  	s28 =	smov.u32 s11;
	p0 =	slt.u32 s7, $0x7C  }
0x506: {  	v1 =	vshll.u32 v1, $0x15  }
0x507: {  	v2 =	vshll.u32 v2, $0x13  }
0x508: {  	v1 =	vadd.s32 v1, v2;
	v2 =	vshll.u32 v3, $0x9  }
0x509: {  	v1 =	vadd.s32 v2, v1  }
0x50a: {  	v1 =	vadd.s32 v4, v1  }
0x50b: {  	[tilespmem:s9+$0x10] =	vst v1;
	v1 =	vadd.s32 $0x40000, v1;
	s9 =	smov.u32 s29  }
0x50c: {  	[tilespmem:s8+$0x10] =	vst v1;
	s8 =	smov.u32 s5  }
0x50d: {  	v1 =	vld [tilespmem:s16+$0xFFFFFFE0]  }
0x50e: {  	v2 =	vld [tilespmem:s10+$0xFFFFFFE0]  }
0x50f: {  	v3 =	vld [tilespmem:s14+$0xFFFFFFE0];
	_ =	sdelay $0x1  }
0x510: {  	v4 =	vld [tilespmem:s11+$0xFFFFFFE0];
	_ =	sdelay $0x1  }
0x511: {  	v1 =	vshll.u32 v1, $0x13;
	v2 =	vshll.u32 v2, $0x15  }
0x512: {  	v1 =	vadd.s32 v2, v1;
	v2 =	vshll.u32 v3, $0x9  }
0x513: {  	v1 =	vadd.s32 v2, v1  }
0x514: {  	v1 =	vadd.s32 v4, v1  }
0x515: {  	[tilespmem:s29+$0xFFFFFFE0] =	vst v1;
	v1 =	vadd.s32 $0x40000, v1  }
0x516: {  	[tilespmem:s5+$0xFFFFFFE0] =	vst v1  }
0x517: {  	v1 =	vld [tilespmem:s10+$0xFFFFFFF0]  }
0x518: {  	v2 =	vld [tilespmem:s16+$0xFFFFFFF0]  }
0x519: {  	v3 =	vld [tilespmem:s14+$0xFFFFFFF0];
	_ =	sdelay $0x1  }
0x51a: {  	v4 =	vld [tilespmem:s11+$0xFFFFFFF0];
	_ =	sdelay $0x1  }
0x51b: {  	v1 =	vshll.u32 v1, $0x15;
	v2 =	vshll.u32 v2, $0x13  }
0x51c: {  	v1 =	vadd.s32 v1, v2;
	v2 =	vshll.u32 v3, $0x9  }
0x51d: {  	v1 =	vadd.s32 v2, v1  }
0x51e: {  	v1 =	vadd.s32 v4, v1  }
0x51f: {  	[tilespmem:s29+$0xFFFFFFF0] =	vst v1;
	v1 =	vadd.s32 $0x40000, v1  }
0x520: {  	[tilespmem:s5+$0xFFFFFFF0] =	vst v1  }
0x521: {  	v1 =	vld [tilespmem:s16+$0x0]  }
0x522: {  	v2 =	vld [tilespmem:s10+$0x0]  }
0x523: {  	v3 =	vld [tilespmem:s14+$0x0];
	_ =	sdelay $0x1  }
0x524: {  	v4 =	vld [tilespmem:s11+$0x0];
	_ =	sdelay $0x1  }
0x525: {  	v1 =	vshll.u32 v1, $0x13;
	v2 =	vshll.u32 v2, $0x15  }
0x526: {  	v1 =	vadd.s32 v2, v1;
	v2 =	vshll.u32 v3, $0x9  }
0x527: {  	v1 =	vadd.s32 v2, v1  }
0x528: {  	v1 =	vadd.s32 v4, v1  }
.Ltmp13:
0x529: {  	[tilespmem:s29+$0x0] =	vst v1;
	v1 =	vadd.s32 $0x40000, v1;
	(pc) =	sbr.rel @p0 .LBB2_28-.Ltmp13, $4  }
0x52a: {  	[tilespmem:s5+$0x0] =	vst v1  }
0x52b: {  	v1 =	vld [tilespmem:s10+$0x10]  }
0x52c: {  	s10 =	sadd.s32 $0x40, s10;
	v2 =	vld [tilespmem:s16+$0x10]  }
0x52d: {  	s11 =	sadd.s32 $0x40, s11;
	s16 =	sadd.s32 $0x40, s16;
	v3 =	vld [tilespmem:s14+$0x10];
	s14 =	sadd.s32 $0x40, s14  }
0x52e: {  	_ = 	snop  }
0x52f: {  	v4 =	vld [tilespmem:s28+$0x10];
	_ =	sdelay $0x1  }
0x530: {  	v1 =	vshll.u32 v1, $0x15;
	v2 =	vshll.u32 v2, $0x13  }
0x531: {  	v1 =	vadd.s32 v1, v2;
	v2 =	vshll.u32 v3, $0x9  }
0x532: {  	v1 =	vadd.s32 v2, v1  }
0x533: {  	v1 =	vadd.s32 v4, v1  }
0x534: {  	[tilespmem:s9+$0x10] =	vst v1;
	v1 =	vadd.s32 $0x40000, v1  }
0x535: {  	s5 =	simm.s32 $0x1BF00;
	s7 =	simm.s32 $0x1DF00;
	[tilespmem:s8+$0x10] =	vst v1  }
0x536: {  	[tilespmem:s7], [sflag:$0x2] =	stream.indirect.gather [hbm4b:s25+s6], $0x1, s5, s6, $0xb8;
	[tilespmem:$0x1F780] =	vst v63  }
0x537: {  	_ = 	snop  }
0x538: {  	[tilespmem:s18], [sflag:$0x2] =	stream.indirect.gather [hbm4b:s25+s6], $0x1, s17, s6, $0xb8;
	[tilespmem:$0x1F780] =	vst v63  }
0x539: {  	_ =	swait.ge [sflag:s19], $0x800  }
0x53a: {  	[sflag:s19] =	ssyncset.done $0x0  }
0x53b: {  	[sflag:s19] =	ssyncadd.s32 $0xFFFFF800  }
0x53c: {  	_ =	swait.ge [sflag:s19], $0x800  }
0x53d: {  	[sflag:s19] =	ssyncset.done $0x0  }
0x53e: {  	s9 =	simm.s32 $0x1A720;
	[sflag:s19] =	ssyncadd.s32 $0xFFFFF800  }
0x53f: {  	s10 =	simm.s32 $0x1D720;
	v1 =	vld [tilespmem:s9+$0x0]  }
0x540: {  	v4 =	vld [tilespmem:s10+$0x10]  }
0x541: {  	v2 =	vld [tilespmem:s9+$0xFFFFFFE0]  }
0x542: {  	v3 =	vld [tilespmem:s10+$0x0]  }
0x543: {  	s11 =	simm.s32 $0x1E720;
	v6 =	vld [tilespmem:s9+$0xFFFFFFF0]  }
0x544: {  	v5 =	vld [tilespmem:s11+$0x0]  }
0x545: {  	v7 =	vld [tilespmem:s10+$0xFFFFFFF0]  }
0x546: {  	v9 =	vld [tilespmem:s9+$0x10];
	v1 =	vshll.u32 v1, $0x1  }
0x547: {  	v8 =	vld [tilespmem:s11+$0xFFFFFFF0];
	v2 =	vshll.u32 v2, $0x1  }
0x548: {  	v11 =	vld [tilespmem:s10+$0xFFFFFFE0];
	v6 =	vshll.u32 v6, $0x1  }
0x549: {  	s14 =	simm.s32 $0x1A760;
	v12 =	vld [tilespmem:s11+$0xFFFFFFE0];
	v10 =	vor.u32 $0x1, v2  }
0x54a: {  	v13 =	vld [tilespmem:s14+$0x0];
	v14 =	vor.u32 $0x1, v6  }
0x54b: {  	v9 =	vshll.u32 v9, $0x1;
	v15 =	vld.idx.msk [tilespmem:v1+s1+$0x0], $0xffff  }
0x54c: {  	v16 =	vor.u32 $0x1, v9;
	v2 =	vld.idx.msk [tilespmem:v2+s1+$0x0], $0xffff  }
0x54d: {  	v1 =	vor.u32 $0x1, v1;
	v6 =	vld.idx.msk [tilespmem:v6+s1+$0x0], $0xffff  }
0x54e: {  	v10 =	vld.idx.msk [tilespmem:v10+s1+$0x0], $0xffff  }
0x54f: {  	v14 =	vld.idx.msk [tilespmem:v14+s1+$0x0], $0xffff  }
0x550: {  	v9 =	vld.idx.msk [tilespmem:v9+s1+$0x0], $0xffff  }
0x551: {  	v16 =	vld.idx.msk [tilespmem:v16+s1+$0x0], $0xffff  }
0x552: {  	v17 =	vld.idx.msk [tilespmem:v1+s1+$0x0], $0xffff  }
0x553: {  	v2 =	vsub.f32 v11, v2;
	v11 =	vld [tilespmem:s11+$0x10];
	v10 =	vsub.f32 v12, v10  }
0x554: {  	s28 =	simm.s32 $0x1D760;
	v6 =	vsub.f32 v7, v6;
	v7 =	vld [tilespmem:s14+$0xFFFFFFE0];
	v8 =	vsub.f32 v8, v14  }
0x555: {  	v1 =	vld [tilespmem:s28+$0x10];
	v9 =	vsub.f32 v4, v9;
	v12 =	vmul.f32 v2, v2;
	v10 =	vmul.f32 v10, v10  }
0x556: {  	s7 =	simm.s32 $0x1E760;
	v4 =	vld [tilespmem:s28+$0xFFFFFFF0];
	v14 =	vsub.f32 v3, v15;
	v6 =	vmul.f32 v6, v6;
	v8 =	vmul.f32 v8, v8  }
0x557: {  	s10 =	sadd.s32 $0x0, s23;
	v3 =	vld [tilespmem:s7+$0x0];
	v62 =	vmul.f32 v9, v9;
	v5 =	vsub.f32 v5, v17;
	v10 =	vadd.f32 v10, v12  }
0x558: {  	p0 =	sgt.s32 s10, $0xFFFFFFFF;
	s16 =	sadd.s32 $0x10, s10;
	v15 =	vld [tilespmem:s14+$0xFFFFFFF0];
	v12 =	vmul.f32 v14, v14;
	v11 =	vsub.f32 v11, v16;
	v6 =	vadd.f32 v8, v6  }
0x559: {  	p5 =	sgt.s32 s16, $0xFFFFFFFF;
	v2 =	vld [tilespmem:s28+$0x0];
	v8 =	vshll.u32 v7, $0x1;
	v10 =	vpsel !p0, $0x0, v10;
	v14 =	vmul.f32 v5, v5  }
0x55a: {  	v9 =	vld [tilespmem:s14+$0x10];
	v7 =	vadd.f32 v10, v0;
	v10 =	vpsel !p5, $0x0, v6;
	v6 =	vshll.u32 v13, $0x1  }
0x55b: {  	s29 =	sadd.s32 $0x20, s10;
	v5 =	vld [tilespmem:s7+$0xFFFFFFF0];
	v11 =	vmul.f32 v11, v11;
	v63 =	vadd.f32 v14, v12  }
0x55c: {  	s8 =	simm.s32 $0x4;
	p6 =	sgt.s32 s29, $0xFFFFFFFF;
	v0 =	vld [tilespmem:s28+$0xFFFFFFE0];
	v12 =	vor.u32 $0x1, v8;
	v10 =	vadd.f32 v10, v7  }
0x55d: {  	s5 =	simm.s32 $0x0;
	s9 =	simm.s32 $0x1A7A0;
	s10 =	sadd.s32 $0x30, s10;
	v14 =	vshll.u32 v15, $0x1;
	v11 =	vadd.f32 v11, v62;
	v7 =	vld [tilespmem:s7+$0xFFFFFFE0];
	v13 =	vpsel !p6, $0x0, v63  }
.LBB2_30:
0x55e: {  	v15 =	vld [tilespmem:s9+$0x0];
	v16 =	vor.u32 $0x1, v14;
	v10 =	vadd.f32 v13, v10;
	p0 =	sgt.s32 s10, $0xFFFFFFFF  }
0x55f: {  	v13 =	vld.idx.msk [tilespmem:v6+s1+$0x0], $0xffff;
	v6 =	vor.u32 $0x1, v6;
	v11 =	vpsel !p0, $0x0, v11  }
0x560: {  	v8 =	vld.idx.msk [tilespmem:v8+s1+$0x0], $0xffff;
	v9 =	vshll.u32 v9, $0x1;
	v10 =	vadd.f32 v11, v10  }
0x561: {  	v11 =	vld.idx.msk [tilespmem:v12+s1+$0x0], $0xffff;
	v12 =	vor.u32 $0x1, v9  }
0x562: {  	v14 =	vld.idx.msk [tilespmem:v14+s1+$0x0], $0xffff  }
0x563: {  	v16 =	vld.idx.msk [tilespmem:v16+s1+$0x0], $0xffff  }
0x564: {  	v17 =	vld.idx.msk [tilespmem:v6+s1+$0x0], $0xffff  }
0x565: {  	v9 =	vld.idx.msk [tilespmem:v9+s1+$0x0], $0xffff  }
0x566: {  	v12 =	vld.idx.msk [tilespmem:v12+s1+$0x0], $0xffff  }
0x567: {  	s28 =	sadd.s32 $0x40, s28;
	v0 =	vsub.f32 v0, v8;
	v6 =	vsub.f32 v7, v11;
	v7 =	vld [tilespmem:s7+$0x10]  }
0x568: {  	v4 =	vsub.f32 v4, v14;
	v8 =	vld [tilespmem:s28+$0x10]  }
0x569: {  	v0 =	vmul.f32 v0, v0;
	v14 =	vmul.f32 v6, v6;
	v5 =	vsub.f32 v5, v16;
	v11 =	vld [tilespmem:s9+$0xFFFFFFE0]  }
0x56a: {  	s8 =	sadd.s32 $0x4, s8;
	s5 =	sadd.s32 $0x40, s5;
	v13 =	vsub.f32 v2, v13;
	s7 =	sadd.s32 $0x40, s7;
	v6 =	vshll.u32 v15, $0x1;
	v15 =	vsub.f32 v3, v17;
	v2 =	vld [tilespmem:s28+$0x0]  }
0x56b: {  	p0 =	slt.u32 s8, $0x7C;
	s10 =	sadd.s32 s23, s5;
	v0 =	vadd.f32 v14, v0;
	v14 =	vmul.f32 v4, v4;
	v5 =	vmul.f32 v5, v5;
	v3 =	vld [tilespmem:s7+$0x0]  }
0x56c: {  	p1 =	sgt.s32 s10, $0xFFFFFFFF;
	v13 =	vmul.f32 v13, v13;
	v9 =	vsub.f32 v1, v9;
	v16 =	vld [tilespmem:s9+$0xFFFFFFF0];
	v7 =	vsub.f32 v7, v12  }
.Ltmp14:
0x56d: {  	s11 =	sadd.s32 $0x10, s10;
	v0 =	vpsel !p1, $0x0, v0;
	v12 =	vadd.f32 v5, v14;
	v14 =	vmul.f32 v15, v15;
	v4 =	vld [tilespmem:s28+$0xFFFFFFF0];
	v1 =	vmovc v8;
	(pc) =	sbr.rel @p0 .LBB2_30-.Ltmp14, $4  }
0x56e: {  	p1 =	sgt.s32 s11, $0xFFFFFFFF;
	v10 =	vadd.f32 v0, v10;
	v8 =	vshll.u32 v11, $0x1;
	v5 =	vld [tilespmem:s7+$0xFFFFFFF0];
	v11 =	vmul.f32 v9, v9  }
0x56f: {  	s11 =	sadd.s32 $0x20, s10;
	v15 =	vpsel !p1, $0x0, v12;
	v13 =	vadd.f32 v14, v13;
	v17 =	vmul.f32 v7, v7;
	v9 =	vld [tilespmem:s9+$0x10]  }
0x570: {  	p1 =	sgt.s32 s11, $0xFFFFFFFF;
	v12 =	vor.u32 $0x1, v8;
	v10 =	vadd.f32 v15, v10;
	v0 =	vld [tilespmem:s28+$0xFFFFFFE0]  }
0x571: {  	s10 =	sadd.s32 $0x30, s10;
	s9 =	sadd.s32 $0x40, s9;
	v13 =	vpsel !p1, $0x0, v13;
	v11 =	vadd.f32 v17, v11;
	v7 =	vld [tilespmem:s7+$0xFFFFFFE0];
	v14 =	vshll.u32 v16, $0x1  }
0x572: {  	_ =	sdelay $0x3  }
0x573: {  	v15 =	vor.u32 $0x1, v14;
	v16 =	vld.idx.msk [tilespmem:v6+s1+$0x0], $0xffff  }
0x574: {  	v6 =	vor.u32 $0x1, v6;
	v8 =	vld.idx.msk [tilespmem:v8+s1+$0x0], $0xffff  }
0x575: {  	v12 =	vld.idx.msk [tilespmem:v12+s1+$0x0], $0xffff;
	v9 =	vshll.u32 v9, $0x1  }
0x576: {  	v14 =	vld.idx.msk [tilespmem:v14+s1+$0x0], $0xffff;
	v17 =	vor.u32 $0x1, v9  }
0x577: {  	v18 =	vld [tilespmem:s7+$0x10]  }
0x578: {  	v15 =	vld.idx.msk [tilespmem:v15+s1+$0x0], $0xffff  }
0x579: {  	v6 =	vld.idx.msk [tilespmem:v6+s1+$0x0], $0xffff  }
0x57a: {  	v9 =	vld.idx.msk [tilespmem:v9+s1+$0x0], $0xffff  }
0x57b: {  	v17 =	vld.idx.msk [tilespmem:v17+s1+$0x0], $0xffff;
	_ =	swait.ge [sflag:s22], $0x800  }
0x57c: {  	[sflag:s22] =	ssyncset.done $0x0  }
0x57d: {  	[sflag:s22] =	ssyncadd.s32 $0xFFFFF800  }
0x57e: {  	_ =	swait.ge [sflag:s22], $0x800  }
0x57f: {  	[sflag:s22] =	ssyncset.done $0x0  }
0x580: {  	s8 =	simm.s32 $0x1AF20;
	[sflag:s22] =	ssyncadd.s32 $0xFFFFF800  }
0x581: {  	s9 =	simm.s32 $0x1DF20;
	v19 =	vld [tilespmem:s8+$0x0]  }
0x582: {  	v20 =	vld [tilespmem:s9+$0x10]  }
0x583: {  	v21 =	vld [tilespmem:s8+$0xFFFFFFE0]  }
0x584: {  	s16 =	simm.s32 $0x1EF20;
	v22 =	vld [tilespmem:s9+$0x0]  }
0x585: {  	v23 =	vld [tilespmem:s16+$0x0]  }
0x586: {  	v10 =	vadd.f32 v13, v10;
	p0 =	sgt.s32 s10, $0xFFFFFFFF;
	v0 =	vsub.f32 v0, v8;
	v13 =	vld [tilespmem:s8+$0xFFFFFFF0]  }
0x587: {  	v8 =	vpsel !p0, $0x0, v11;
	v7 =	vsub.f32 v7, v12;
	v4 =	vsub.f32 v4, v14;
	v11 =	vld [tilespmem:s9+$0xFFFFFFF0]  }
0x588: {  	v2 =	vsub.f32 v2, v16;
	v8 =	vadd.f32 v8, v10;
	v59 =	vld [tilespmem:s8+$0x10];
	v10 =	vshll.u32 v19, $0x1  }
0x589: {  	v0 =	vmul.f32 v0, v0;
	v7 =	vmul.f32 v7, v7;
	v12 =	vld [tilespmem:s16+$0xFFFFFFF0];
	v14 =	vshll.u32 v21, $0x1  }
0x58a: {  	s5 =	sadd.s32 $0x40, s5;
	v4 =	vmul.f32 v4, v4;
	v5 =	vsub.f32 v5, v15;
	v60 =	vld [tilespmem:s9+$0xFFFFFFE0];
	v15 =	vor.u32 $0x1, v14  }
0x58b: {  	s29 =	simm.s32 $0x1AF60;
	s5 =	sadd.s32 s23, s5;
	v0 =	vadd.f32 v7, v0;
	v3 =	vsub.f32 v3, v6;
	v6 =	vld [tilespmem:s16+$0xFFFFFFE0];
	v7 =	vshll.u32 v13, $0x1  }
0x58c: {  	p6 =	sgt.s32 s5, $0xFFFFFFFF;
	v2 =	vmul.f32 v2, v2;
	v1 =	vsub.f32 v1, v9;
	v13 =	vld [tilespmem:s29+$0x0];
	v9 =	vor.u32 $0x1, v7  }
0x58d: {  	v0 =	vpsel !p6, $0x0, v0;
	v5 =	vmul.f32 v5, v5;
	v19 =	vshll.u32 v59, $0x1;
	v61 =	vld.idx.msk [tilespmem:v10+s1+$0x0], $0xffff  }
0x58e: {  	v3 =	vmul.f32 v3, v3;
	v17 =	vsub.f32 v18, v17;
	v10 =	vor.u32 $0x1, v10;
	v14 =	vld.idx.msk [tilespmem:v14+s1+$0x0], $0xffff  }
0x58f: {  	s10 =	sadd.s32 $0x10, s5;
	v0 =	vadd.f32 v0, v8;
	v4 =	vadd.f32 v5, v4;
	v5 =	vld.idx.msk [tilespmem:v15+s1+$0x0], $0xffff;
	v15 =	vor.u32 $0x1, v19  }
0x590: {  	p1 =	sgt.s32 s10, $0xFFFFFFFF;
	v2 =	vadd.f32 v3, v2;
	v1 =	vmul.f32 v1, v1;
	v3 =	vld.idx.msk [tilespmem:v7+s1+$0x0], $0xffff;
	v7 =	vmul.f32 v17, v17  }
0x591: {  	s11 =	sadd.s32 $0x20, s5;
	v4 =	vpsel !p1, $0x0, v4;
	v8 =	vld.idx.msk [tilespmem:v9+s1+$0x0], $0xffff  }
0x592: {  	p2 =	sgt.s32 s11, $0xFFFFFFFF;
	v0 =	vadd.f32 v4, v0;
	v1 =	vadd.f32 v7, v1;
	v7 =	vld.idx.msk [tilespmem:v19+s1+$0x0], $0xffff  }
0x593: {  	s5 =	sadd.s32 $0x30, s5;
	v2 =	vpsel !p2, $0x0, v2;
	v4 =	vld.idx.msk [tilespmem:v10+s1+$0x0], $0xffff  }
0x594: {  	p3 =	sgt.s32 s5, $0xFFFFFFFF;
	v0 =	vadd.f32 v2, v0;
	v9 =	vld.idx.msk [tilespmem:v15+s1+$0x0], $0xffff  }
0x595: {  	s7 =	simm.s32 $0x1DF60;
	v1 =	vpsel !p3, $0x0, v1;
	v2 =	vsub.f32 v60, v14;
	v5 =	vsub.f32 v6, v5;
	v6 =	vld [tilespmem:s16+$0x10]  }
0x596: {  	v10 =	vadd.f32 v1, v0;
	v0 =	vld [tilespmem:s7+$0x10];
	v8 =	vsub.f32 v12, v8  }
0x597: {  	v3 =	vsub.f32 v11, v3;
	v11 =	vld [tilespmem:s29+$0xFFFFFFE0];
	v14 =	vmul.f32 v2, v2;
	v5 =	vmul.f32 v5, v5  }
0x598: {  	v1 =	vld [tilespmem:s7+$0x0];
	v12 =	vsub.f32 v22, v61;
	v62 =	vsub.f32 v20, v7;
	v8 =	vmul.f32 v8, v8  }
0x599: {  	s14 =	sadd.s32 $0x0, s24;
	s5 =	simm.s32 $0x1EF60;
	v15 =	vld [tilespmem:s29+$0xFFFFFFF0];
	v4 =	vsub.f32 v23, v4;
	v5 =	vadd.f32 v5, v14;
	v14 =	vmul.f32 v3, v3  }
0x59a: {  	p4 =	sgt.s32 s14, $0xFFFFFFFF;
	v2 =	vld [tilespmem:s5+$0x0];
	v12 =	vmul.f32 v12, v12;
	v16 =	vmul.f32 v62, v62;
	v6 =	vsub.f32 v6, v9  }
0x59b: {  	s16 =	sadd.s32 $0x10, s14;
	v3 =	vld [tilespmem:s7+$0xFFFFFFF0];
	v5 =	vpsel !p4, $0x0, v5;
	v8 =	vadd.f32 v8, v14;
	v14 =	vmul.f32 v4, v4  }
0x59c: {  	p5 =	sgt.s32 s16, $0xFFFFFFFF;
	v7 =	vshll.u32 v11, $0x1;
	v9 =	vld [tilespmem:s29+$0x10];
	v11 =	vadd.f32 v5, v10;
	v5 =	vshll.u32 v13, $0x1  }
0x59d: {  	s29 =	sadd.s32 $0x20, s14;
	v4 =	vld [tilespmem:s5+$0xFFFFFFF0];
	v63 =	vmul.f32 v6, v6;
	v8 =	vpsel !p5, $0x0, v8;
	v14 =	vadd.f32 v14, v12  }
0x59e: {  	s28 =	simm.s32 $0x0;
	p6 =	sgt.s32 s29, $0xFFFFFFFF;
	v10 =	vor.u32 $0x1, v7;
	v6 =	vld [tilespmem:s7+$0xFFFFFFE0];
	v12 =	vadd.f32 v8, v11  }
0x59f: {  	s10 =	sadd.s32 $0x30, s14;
	s8 =	simm.s32 $0x4;
	s9 =	simm.s32 $0x1AFA0;
	v8 =	vld [tilespmem:s5+$0xFFFFFFE0];
	v11 =	vshll.u32 v15, $0x1;
	v13 =	vadd.f32 v63, v16;
	v14 =	vpsel !p6, $0x0, v14  }
.LBB2_32:
0x5a0: {  	v15 =	vld [tilespmem:s9+$0x0];
	v16 =	vor.u32 $0x1, v11;
	v12 =	vadd.f32 v14, v12;
	p0 =	sgt.s32 s10, $0xFFFFFFFF  }
0x5a1: {  	v14 =	vld.idx.msk [tilespmem:v5+s1+$0x0], $0xffff;
	v5 =	vor.u32 $0x1, v5;
	v13 =	vpsel !p0, $0x0, v13  }
0x5a2: {  	v7 =	vld.idx.msk [tilespmem:v7+s1+$0x0], $0xffff;
	v9 =	vshll.u32 v9, $0x1;
	v12 =	vadd.f32 v13, v12  }
0x5a3: {  	v10 =	vld.idx.msk [tilespmem:v10+s1+$0x0], $0xffff;
	v13 =	vor.u32 $0x1, v9  }
0x5a4: {  	v11 =	vld.idx.msk [tilespmem:v11+s1+$0x0], $0xffff  }
0x5a5: {  	v16 =	vld.idx.msk [tilespmem:v16+s1+$0x0], $0xffff  }
0x5a6: {  	v17 =	vld.idx.msk [tilespmem:v5+s1+$0x0], $0xffff  }
0x5a7: {  	v9 =	vld.idx.msk [tilespmem:v9+s1+$0x0], $0xffff  }
0x5a8: {  	v13 =	vld.idx.msk [tilespmem:v13+s1+$0x0], $0xffff  }
0x5a9: {  	s7 =	sadd.s32 $0x40, s7;
	v5 =	vsub.f32 v6, v7;
	v6 =	vsub.f32 v8, v10;
	v7 =	vld [tilespmem:s5+$0x10]  }
0x5aa: {  	v3 =	vsub.f32 v3, v11;
	v8 =	vld [tilespmem:s7+$0x10]  }
0x5ab: {  	v11 =	vmul.f32 v5, v5;
	v6 =	vmul.f32 v6, v6;
	v4 =	vsub.f32 v4, v16;
	v10 =	vld [tilespmem:s9+$0xFFFFFFE0]  }
0x5ac: {  	s8 =	sadd.s32 $0x4, s8;
	s28 =	sadd.s32 $0x40, s28;
	v14 =	vsub.f32 v1, v14;
	v5 =	vshll.u32 v15, $0x1;
	s5 =	sadd.s32 $0x40, s5;
	v15 =	vsub.f32 v2, v17;
	v1 =	vld [tilespmem:s7+$0x0]  }
0x5ad: {  	p0 =	slt.u32 s8, $0x7C;
	s10 =	sadd.s32 s24, s28;
	v6 =	vadd.f32 v6, v11;
	v11 =	vmul.f32 v3, v3;
	v4 =	vmul.f32 v4, v4;
	v2 =	vld [tilespmem:s5+$0x0]  }
0x5ae: {  	p1 =	sgt.s32 s10, $0xFFFFFFFF;
	v14 =	vmul.f32 v14, v14;
	v9 =	vsub.f32 v0, v9;
	v16 =	vld [tilespmem:s9+$0xFFFFFFF0];
	v13 =	vsub.f32 v7, v13  }
.Ltmp15:
0x5af: {  	s11 =	sadd.s32 $0x10, s10;
	v15 =	vmul.f32 v15, v15;
	v6 =	vpsel !p1, $0x0, v6;
	v11 =	vadd.f32 v4, v11;
	v3 =	vld [tilespmem:s7+$0xFFFFFFF0];
	v0 =	vmovc v8;
	(pc) =	sbr.rel @p0 .LBB2_32-.Ltmp15, $4  }
0x5b0: {  	p1 =	sgt.s32 s11, $0xFFFFFFFF;
	v17 =	vmul.f32 v9, v9;
	v8 =	vadd.f32 v6, v12;
	v7 =	vshll.u32 v10, $0x1;
	v4 =	vld [tilespmem:s5+$0xFFFFFFF0]  }
0x5b1: {  	s11 =	sadd.s32 $0x20, s10;
	v14 =	vadd.f32 v15, v14;
	v11 =	vpsel !p1, $0x0, v11;
	v13 =	vmul.f32 v13, v13;
	v9 =	vld [tilespmem:s9+$0x10]  }
0x5b2: {  	p1 =	sgt.s32 s11, $0xFFFFFFFF;
	v10 =	vor.u32 $0x1, v7;
	v12 =	vadd.f32 v11, v8;
	v6 =	vld [tilespmem:s7+$0xFFFFFFE0]  }
0x5b3: {  	s10 =	sadd.s32 $0x30, s10;
	s9 =	sadd.s32 $0x40, s9;
	v14 =	vpsel !p1, $0x0, v14;
	v13 =	vadd.f32 v13, v17;
	v8 =	vld [tilespmem:s5+$0xFFFFFFE0];
	v11 =	vshll.u32 v16, $0x1  }
0x5b4: {  	_ =	sdelay $0x2  }
0x5b5: {  	v15 =	vor.u32 $0x1, v11  }
0x5b6: {  	v7 =	vld.idx.msk [tilespmem:v7+s1+$0x0], $0xffff  }
0x5b7: {  	v55 =	vor.u32 $0x1, v5;
	v10 =	vld.idx.msk [tilespmem:v10+s1+$0x0], $0xffff  }
0x5b8: {  	v16 =	vld.idx.msk [tilespmem:v5+s1+$0x0], $0xffff;
	v9 =	vshll.u32 v9, $0x1  }
0x5b9: {  	v56 =	vld.idx.msk [tilespmem:v11+s1+$0x0], $0xffff;
	v17 =	vor.u32 $0x1, v9  }
0x5ba: {  	v15 =	vld.idx.msk [tilespmem:v15+s1+$0x0], $0xffff  }
0x5bb: {  	v12 =	vadd.f32 v14, v12;
	v59 =	vld [tilespmem:s5+$0x10]  }
0x5bc: {  	p0 =	sgt.s32 s10, $0xFFFFFFFF;
	v5 =	vld.idx.msk [tilespmem:v55+s1+$0x0], $0xffff;
	v6 =	vsub.f32 v6, v7;
	v8 =	vsub.f32 v8, v10  }
0x5bd: {  	v58 =	vpsel !p0, $0x0, v13;
	v9 =	vld.idx.msk [tilespmem:v9+s1+$0x0], $0xffff  }
0x5be: {  	v7 =	vadd.f32 v58, v12;
	v6 =	vmul.f32 v6, v6;
	v8 =	vmul.f32 v8, v8;
	v57 =	vld.idx.msk [tilespmem:v17+s1+$0x0], $0xffff  }
0x5bf: {  	s11 =	sadd.s32 $0x40, s28;
	v3 =	vsub.f32 v3, v56;
	v4 =	vsub.f32 v4, v15  }
0x5c0: {  	s5 =	sadd.s32 s24, s11;
	v1 =	vsub.f32 v1, v16;
	v60 =	vadd.f32 v8, v6  }
0x5c1: {  	p3 =	sgt.s32 s5, $0xFFFFFFFF;
	v3 =	vmul.f32 v3, v3;
	v2 =	vsub.f32 v2, v5;
	v4 =	vmul.f32 v4, v4  }
0x5c2: {  	v1 =	vmul.f32 v1, v1;
	v5 =	vpsel !p3, $0x0, v60;
	v0 =	vsub.f32 v0, v9  }
0x5c3: {  	s7 =	sadd.s32 $0x10, s5;
	v2 =	vmul.f32 v2, v2;
	v61 =	vsub.f32 v59, v57;
	v3 =	vadd.f32 v4, v3  }
0x5c4: {  	p4 =	sgt.s32 s7, $0xFFFFFFFF;
	v62 =	vadd.f32 v5, v7;
	v0 =	vmul.f32 v0, v0  }
0x5c5: {  	s14 =	sadd.s32 $0x20, s5;
	v1 =	vadd.f32 v2, v1;
	v63 =	vmul.f32 v61, v61;
	v3 =	vpsel !p4, $0x0, v3  }
0x5c6: {  	p5 =	sgt.s32 s14, $0xFFFFFFFF;
	v3 =	vadd.f32 v3, v62  }
0x5c7: {  	s5 =	sadd.s32 $0x30, s5;
	v1 =	vpsel !p5, $0x0, v1;
	v0 =	vadd.f32 v63, v0  }
0x5c8: {  	p6 =	sgt.s32 s5, $0xFFFFFFFF;
	v1 =	vadd.f32 v1, v3  }
0x5c9: {  	v0 =	vpsel !p6, $0x0, v0  }
0x5ca: {  	s16 =	sld [smem:$0x7FC];
	v0 =	vadd.f32 v0, v1;
	_ =	sdelay $0x1  }
0x5cb: {  	s28 =	simm.s32 $0x1F700;
	[tilespmem:$0x1F700] =	vst v0  }
0x5cc: {  	[hbm4b:s16+s1] =	stream.linear.scatter [tilespmem:s28], [sflag:$0x3], $0x80, $0x38;
	[tilespmem:$0x1F780] =	vst v63  }
0x5cd: {  	_ =	swait.ge [sflag:s30], $0x80  }
0x5ce: {  	s29 =	sld [smem:$0x7FD];
	_ =	sdelay $0x1  }
0x5cf: {  	s26 =	sadd.s32 $0x1, s26  }
0x5d0: {  	p0 =	sne.s32 s26, s29  }
.Ltmp16:
0x5d1: {  	_ = 	snop;
	(pc) =	sbr.rel @p0 .LBB2_1-.Ltmp16, $3  }
0x5d2: {  	_ =	sdelay $0x1  }
0x5d3: {  	[sflag:s30] =	ssyncset.done $0x0  }
0x5d4: {  	[sflag:s30] =	ssyncadd.s32 $0xFFFFFF80  }
0x5d5: {  	_ =	sfence.sel $0x180000  }
0x5d6: {  	[bflag:$0x0] =	sbarrier.arrive $0xFFFF  }
0x5d7: {  	_ =	strace $0x9000004A  }
0x5d8: {  	s0 =	stileid.u32;
	[bflag:$0x2] =	sbarrier.arrive $0xFFFF  }
0x5d9: {  	p0 =	sne.s32 s0, $0x0;
	s0 =	rddreg [dreg:$0x6]  }
0x5da: {  	s0 =	sadd.s32 @!p0 $0x100000, s0  }
0x5db: {  	[sflag:s0] =	ssyncadd.tile.s32 @!p0 $0x1;
	_ =	shalt  }
.Lfunc_end2:
_tile_overlayer_lowered:
.L_overlay_start_2:
0x5dc: {  	(tag) =	ssettag $0x2  }
0x5dd: {  	s0 =	rddreg [dreg:$0x0];
	s2 =	stileid.u32  }
0x5de: {  	s1 =	rddreg [dreg:$0x1];
	p0 =	sne.s32 s2, $0x0  }
0x5df: {  	s3 =	rddreg [dreg:$0x2];
	[bflag:$0x3] =	sbarrier.arrive $0xFFFF;
	s2 =	simm.s32 @!p0 $0x1C03  }
0x5e0: {  	[timem:s3], [sflag:s2] =	dma.local @!p0 [hbm:s0], s1  }
0x5e1: {  	s0 =	simm.s32 @!p0 $0x3  }
0x5e2: {  	_ =	swait.ge @!p0 [sflag:s0], s1  }
0x5e3: {  	s1 =	ssub.s32 @!p0 $0x0, s1;
	[sflag:s0] =	ssyncset.done @!p0 $0x0  }
0x5e4: {  	[sflag:s0] =	ssyncadd.s32 @!p0 s1  }
0x5e5: {  	[bflag:$0x3] =	sbarrier.arrive $0xFFFF  }
0x5e6: {  	_ =	shalt  }

// kernel: sparse-core-data-format-call.cloned.1.call-start
scs
called_computation_lowered:
.L_overlay_start_0:
0x0: {  	s2 =	sld [smem:$0x3FD9]  }
0x1: {  	s3 =	sld [smem:$0x3FFE];
	_ =	sdelay $0x1  }
0x2: {  	s1 =	srdreg.scid  }
0x3: {  	s0 =	sand.u32 $0x1, s1  }
0x4: {  	s18 =	sshll.u32 s0, $0xA;
	s2 =	sadd.s32 s3, s2  }
0x5: {  	s2 =	sadd.s32 s2, s18  }
0x6: {  	[smem:$0x3FC1] =	sst s2  }
0x7: {  	_ = 	snop  }
0x8: {  	s2 =	sld [smem:$0x3FC9];
	(tm) =	ssettm $0x1  }
0x9: {  	s19 =	sld [smem:$0x3FFB];
	_ =	sdelay $0x3  }
0xa: {  	_ =	strace s19  }
0xb: {  	s3 =	sld [smem:$0x3FFC];
	_ =	sdelay $0x3  }
0xc: {  	_ =	strace s3  }
0xd: {  	s3 =	sld [smem:$0x3FFD];
	_ =	sdelay $0x3  }
0xe: {  	_ =	strace s3  }
0xf: {  	_ =	strace $0x8FFFFFFF  }
0x10: {  	s20 =	sld [smem:$0x3FDB];
	_ =	sdelay $0x1  }
0x11: {  	s4 =	simm.s32 $_scs_section_size  }
0x12: {  	s5 =	simm.s32 $_size__tile_overlayer_lowered;
	s6 =	simm.s32 $_tile_overlayer_lowered  }
0x13: {  	s23 =	simm.s32 $0x1BFF;
	s22 =	sshll.u32 s6, $0x1;
	s3 =	sadd.s32 s4, s20  }
0x14: {  	s7 =	simm.s32 $0x0;
	s21 =	sshll.u32 s5, $0x1;
	s5 =	sadd.s32 s22, s3  }
0x15: {  	[timem:s7], [sflag:s23] =	dma.local [hbm:s5], s21  }
0x16: {  	_ =	swait.ge [sflag:s23], s21  }
0x17: {  	s4 =	ssub.s32 $0x0, s21;
	[sflag:s23] =	ssyncset.done $0x0  }
0x18: {  	[sflag:s23] =	ssyncadd.s32 s4;
	_ =	sdelay $0x1  }
0x19: {  	s24 =	simm.s32 $0x1B8B  }
0x1a: {  	_ =	swait.ge [sflag:s24], $0x1  }
0x1b: {  	[sflag:s24] =	ssyncset.done $0x0  }
0x1c: {  	s26 =	simm.s32 $0x1B8E;
	s25 =	sld [smem:$0x3FFE];
	[sflag:s24] =	ssyncadd.s32 $0xFFFFFFFF  }
0x1d: {  	s27 =	simm.s32 $execute0_lowered;
	[smem:$0x3FD2] =	sst s26  }
0x1e: {  	s5 =	sshll.u32 s27, $0x1;
	_ =	strace $0x80000046;
	[dreg:$0x1] =	wrdreg $0xFFFFFFFF  }
0x1f: {  	s28 =	simm.s32 $_size_execute0_lowered;
	s3 =	sadd.s32 s3, s5;
	[dreg:$0x0] =	wrdreg $0x0  }
0x20: {  	s5 =	sshll.u32 s28, $0x1;
	[dreg:$0x2] =	wrdreg s3  }
0x21: {  	[dreg:$0x3] =	wrdreg s5  }
0x22: {  	[dreg:$0x4] =	wrdreg $0xC0  }
0x23: {  	_ =	task [dreg:s7], $0x5FFFF  }
0x24: {  	[dreg:$0x1] =	wrdreg $0xFFFFFFFF  }
0x25: {  	[dreg:$0x0] =	wrdreg $0x60  }
0x26: {  	[dreg:$0x2] =	wrdreg s2  }
0x27: {  	[dreg:$0x3] =	wrdreg s25  }
0x28: {  	[dreg:$0x4] =	wrdreg $0x9  }
0x29: {  	_ =	task.clear_ibuf [dreg:s7], $0x5FFFF;
	_ =	strace $0x90000046  }
0x2a: {  	s29 =	simm.s32 $0x9;
	_ =	strace $0x80000048  }
0x2b: {  	_ =	swait.ge [sflag:s29], $0x1  }
0x2c: {  	[sflag:s29] =	ssyncadd.s32 $0xFFFFFFFF  }
0x2d: {  	_ =	strace $0x90000048  }
0x2e: {  	_ =	sfence  }
0x2f: {  	s30 =	sld [smem:$0x0];
	_ =	sdelay $0x2  }
0x30: {  	s31 =	sshll.u32 s1, $0xD;
	s1 =	sshrl.u32 s1, $0x2  }
0x31: {  	s3 =	sand.u32 $0x4000, s31;
	s1 =	sadd.s32 s1, s30  }
0x32: {  	s0 =	sor.u32 s3, s0;
	s1 =	sshll.u32 s1, $0x11  }
0x33: {  	s0 =	sor.u32 s1, s0  }
0x34: {  	s0 =	sadd.s32 $0x8F2B, s0  }
0x35: {  	[sflag:s0] =	ssyncadd.remote.s32 $0x1  }
0x36: {  	_ =	sfence.sel $0xFFFF  }
0x37: {  	[dreg:$0x0] =	wrdreg $0xFFFFFFFF;
	(pc) =	sbr.abs _section_cstart, $3  }
0x38: {  	[dreg:$0x1] =	wrdreg $0xFFFFFFFF  }
0x39: {  	_ =	task.clear_ibuf [dreg:s7], $0x2FFFF;
	_ =	strace $0x9FFFFFFF  }
0x3a: {  	(tm) =	ssettm $0x7FFFFFFF  }
0x3b: {  	_ =	shalt  }
tec
execute0_lowered:
.L_overlay_start_1:
0x0: {  	(tag) =	ssettag $0x1  }
0x1: {  	s0 =	srdreg.scid  }
0x2: {  	s1 =	sshll.u32 s0, $0x4  }
0x3: {  	s2 =	rddreg [dreg:$0x0];
	s0 =	stileid.u32;
	s1 =	sand.u32 $0x10, s1  }
0x4: {  	s4 =	rddreg [dreg:$0x1];
	s7 =	simm.s32 $0x1;
	s1 =	sor.u32 s0, s1  }
0x5: {  	s8 =	simm.s32 $0x2;
	s9 =	simm.s32 $0x0;
	s3 =	sshll.u32 s1, $0x2  }
0x6: {  	s12 =	simm.s32 $0x0;
	s11 =	simm.s32 $0x0;
	s6 =	ssub.s32 $0x2000, s3  }
.Ltmp0:
0x7: {  	s4 =	sadd.s32 $0x600, s4;
	s5 =	sand.u32 $0x7C, s6;
	(pc) =	sbr.rel .LBB1_1-.Ltmp0, $4  }
0x8: {  	s1 =	rddreg [dreg:$0x2];
	_ =	strace $0x80000047;
	p0 =	sne.s32 s5, $0x0  }
0x9: {  	s6 =	sshrl.u32 s6, $0x7;
	s5 =	simm.s32 $0x1;
	s7 =	simm.s32 @!p0 $0x0  }
0xa: {  	s10 =	smov.u32 s3;
	[sflag:s5] =	ssyncpa.u1 $0x0;
	s6 =	sadd.s32 s7, s6  }
0xb: {  	[sflag:s8] =	ssyncpa.u1 $0x0;
	s8 =	simm.s32 $0x0;
	s7 =	sadd.s32 $0x1, s6  }
.LBB1_9:
0xc: {  	s14 =	sadd.s32 $0x80, s10  }
0xd: {  	p1 =	sgt.s32 s14, $0x1FFF  }
0xe: {  	s14 =	smov.u32 @p1 s3;
	p1 =	sne.s32 s11, s7  }
.Ltmp1:
0xf: {  	p0 =	slt.u32 s11, $0x2;
	(pc) =	sbr.rel @!p1 .LBB1_10-.Ltmp1, $4  }
0x10: {  	s13 =	simm.s32 @!p0 $0x2  }
0x11: {  	s15 =	sadd.s32 $0x1, s11;
	_ =	swait.ge @!p0 [sflag:s13], $0x4000  }
0x12: {  	s12 =	smov.u32 s10;
	s9 =	sadd.s32 $0x4000, s9;
	[sflag:s13] =	ssyncset.done @!p0 $0x0  }
0x13: {  	s11 =	smov.u32 s15;
	s10 =	smov.u32 s14;
	[sflag:s13] =	ssyncadd.s32 @!p0 $0xFFFFC000  }
.LBB1_1:
0x14: {  	p0 =	sge.u32 s11, s6  }
0x15: {  	s13 =	sxor.u32 @!p0 $0xFFFFFFFF, s11  }
0x16: {  	s31 =	sadd.s32 $0xFFFFFFFF, s11;
	s14 =	sshll.u32 @!p0 s10, $0x9;
	s13 =	sshll.u32 @!p0 s13, $0xE  }
0x17: {  	s15 =	simm.s32 @!p0 $0x0;
	s14 =	sadd.s32 @!p0 s2, s14;
	s13 =	sand.u32 @!p0 $0x4000, s13  }
0x18: {  	[tilespmem:s13], [sflag:$0x1] =	stream.linear.gather @!p0 [hbm4b:s14+s15], $0x4000, $0x38;
	[tilespmem:$0x10000] =	vst v63  }
0x19: {  	p0 =	sge.u32 s31, s6  }
.Ltmp2:
0x1a: {  	_ = 	snop;
	(pc) =	sbr.rel @p0 .LBB1_9-.Ltmp2, $1  }
0x1b: {  	_ =	sdelay $0x3  }
0x1c: {  	s14 =	sand.u32 $0x4000, s9  }
0x1d: {  	_ =	swait.ge [sflag:s5], $0x4000;
	s15 =	sshll.u32 s11, $0xE;
	s16 =	simm.s32 $0x0  }
0x1e: {  	s13 =	sor.u32 $0x40, s14;
	[sflag:s5] =	ssyncset.done $0x0;
	s15 =	sand.u32 $0x4000, s15  }
0x1f: {  	s14 =	sor.u32 $0x8040, s14;
	[sflag:s5] =	ssyncadd.s32 $0xFFFFC000;
	s15 =	sor.u32 $0x8000, s15  }
.LBB1_3:
0x20: {  	s17 =	smov.u32 s14;
	s18 =	smov.u32 s13;
	s19 =	simm.s32 $0x0  }
.LBB1_4:
0x21: {  	v0 =	vmov s17;
	v2 =	vld [tilespmem:s18+$0x30]  }
0x22: {  	v4 =	vld [tilespmem:s18+$0xFFFFFFD0]  }
0x23: {  	v6 =	vld [tilespmem:s18+$0xFFFFFFE0]  }
0x24: {  	v7 =	vld [tilespmem:s18+$0xFFFFFFF0]  }
0x25: {  	s20 =	simm.s32 $0x0;
	v1 =	vld [tilespmem:s18+$0x0]  }
0x26: {  	v3 =	vld [tilespmem:s18+$0x10];
	[tilespmem:v0+s20+$0x30 ss:$0x1] =	vst.idx.msk $0xffff, v2  }
0x27: {  	v5 =	vld [tilespmem:s18+$0x20];
	[tilespmem:v0+s20+$0xFFFFFFD0 ss:$0x1] =	vst.idx.msk $0xffff, v4  }
0x28: {  	s21 =	sadd.s32 $0x80, s18;
	v2 =	vld [tilespmem:s18+$0xFFFFFFC0];
	[tilespmem:v0+s20+$0xFFFFFFE0 ss:$0x1] =	vst.idx.msk $0xffff, v6  }
0x29: {  	s22 =	simm.s32 $0x800;
	s23 =	simm.s32 $0x1000;
	v4 =	vld [tilespmem:s21+$0x30];
	[tilespmem:v0+s20+$0xFFFFFFF0 ss:$0x1] =	vst.idx.msk $0xffff, v7  }
.LBB1_5:
0x2a: {  	p0 =	sne.s32 s23, $0x3800;
	v6 =	vld [tilespmem:s21+$0xFFFFFFD0];
	[tilespmem:v0+s20+$0x0 ss:$0x1] =	vst.idx.msk $0xffff, v1  }
0x2b: {  	v7 =	vld [tilespmem:s21+$0xFFFFFFE0];
	[tilespmem:v0+s20+$0x10 ss:$0x1] =	vst.idx.msk $0xffff, v3  }
0x2c: {  	v8 =	vld [tilespmem:s21+$0xFFFFFFF0];
	[tilespmem:v0+s20+$0x20 ss:$0x1] =	vst.idx.msk $0xffff, v5  }
.Ltmp3:
0x2d: {  	v1 =	vld [tilespmem:s21+$0x0];
	[tilespmem:v0+s20+$0xFFFFFFC0 ss:$0x1] =	vst.idx.msk $0xffff, v2;
	s20 =	sshra.s32 s22, $0x2;
	s22 =	smov.u32 s23;
	(pc) =	sbr.rel @p0 .LBB1_5-.Ltmp3, $4  }
0x2e: {  	v3 =	vld [tilespmem:s21+$0x10];
	[tilespmem:v0+s20+$0x30 ss:$0x1] =	vst.idx.msk $0xffff, v4  }
0x2f: {  	[tilespmem:v0+s20+$0xFFFFFFD0 ss:$0x1] =	vst.idx.msk $0xffff, v6;
	v5 =	vld [tilespmem:s21+$0x20]  }
0x30: {  	v2 =	vld [tilespmem:s21+$0xFFFFFFC0];
	[tilespmem:v0+s20+$0xFFFFFFE0 ss:$0x1] =	vst.idx.msk $0xffff, v7;
	s21 =	sadd.s32 $0x80, s21  }
0x31: {  	s23 =	sadd.s32 $0x800, s23;
	v4 =	vld [tilespmem:s21+$0x30];
	[tilespmem:v0+s20+$0xFFFFFFF0 ss:$0x1] =	vst.idx.msk $0xffff, v8  }
0x32: {  	_ =	sdelay $0x3  }
0x33: {  	v6 =	vld [tilespmem:s21+$0xFFFFFFD0];
	[tilespmem:v0+s20+$0x0 ss:$0x1] =	vst.idx.msk $0xffff, v1  }
0x34: {  	v58 =	vld [tilespmem:s21+$0xFFFFFFE0];
	[tilespmem:v0+s20+$0x10 ss:$0x1] =	vst.idx.msk $0xffff, v3  }
0x35: {  	v59 =	vld [tilespmem:s21+$0xFFFFFFF0];
	[tilespmem:v0+s20+$0x20 ss:$0x1] =	vst.idx.msk $0xffff, v5  }
0x36: {  	s22 =	sshra.s32 s22, $0x2;
	v60 =	vld [tilespmem:s21+$0x0];
	[tilespmem:v0+s20+$0xFFFFFFC0 ss:$0x1] =	vst.idx.msk $0xffff, v2  }
0x37: {  	v61 =	vld [tilespmem:s21+$0x10];
	[tilespmem:v0+s22+$0x30 ss:$0x1] =	vst.idx.msk $0xffff, v4  }
0x38: {  	v62 =	vld [tilespmem:s21+$0x20];
	s19 =	sadd.s32 $0x1, s19;
	[tilespmem:v0+s22+$0xFFFFFFD0 ss:$0x1] =	vst.idx.msk $0xffff, v6  }
0x39: {  	v63 =	vld [tilespmem:s21+$0xFFFFFFC0];
	p0 =	sne.s32 s19, $0x4;
	[tilespmem:v0+s22+$0xFFFFFFE0 ss:$0x1] =	vst.idx.msk $0xffff, v58  }
.Ltmp4:
0x3a: {  	[tilespmem:v0+s22+$0xFFFFFFF0 ss:$0x1] =	vst.idx.msk $0xffff, v59;
	(pc) =	sbr.rel @p0 .LBB1_4-.Ltmp4, $4  }
0x3b: {  	[tilespmem:v0+s22+$0x0 ss:$0x1] =	vst.idx.msk $0xffff, v60  }
0x3c: {  	[tilespmem:v0+s22+$0x10 ss:$0x1] =	vst.idx.msk $0xffff, v61  }
0x3d: {  	[tilespmem:v0+s22+$0x20 ss:$0x1] =	vst.idx.msk $0xffff, v62  }
0x3e: {  	s18 =	sadd.s32 $0x400, s18;
	s17 =	sadd.s32 $0x80, s17;
	[tilespmem:v0+s22+$0xFFFFFFC0 ss:$0x1] =	vst.idx.msk $0xffff, v63  }
0x3f: {  	s16 =	sadd.s32 $0x1, s16  }
0x40: {  	p0 =	sne.s32 s16, $0x4  }
.Ltmp5:
0x41: {  	_ = 	snop;
	(pc) =	sbr.rel @p0 .LBB1_3-.Ltmp5, $2  }
0x42: {  	_ =	sdelay $0x2  }
0x43: {  	s13 =	sadd.s32 $0x1000, s13;
	s14 =	sadd.s32 $0x1000, s14  }
.Ltmp6:
0x44: {  	(pc) =	sbr.rel .LBB1_9-.Ltmp6, $4  }
0x45: {  	_ = 	snop  }
0x46: {  	s12 =	sshll.u32 s12, $0x9  }
0x47: {  	s12 =	sadd.s32 s4, s12  }
0x48: {  	[hbm4b:s12+s8] =	stream.linear.scatter [tilespmem:s15], [sflag:$0x2], $0x4000, $0x38;
	[tilespmem:$0x10000] =	vst v63  }
.LBB1_10:
0x49: {  	_ =	sfence.sel $0x180000  }
0x4a: {  	s2 =	simm.s32 $0x1;
	[bflag:$0x0] =	sbarrier.arrive $0xFFFF  }
0x4b: {  	s31 =	simm.s32 $0x2;
	[sflag:s2] =	ssyncpa.u1 $0x1  }
0x4c: {  	[sflag:s31] =	ssyncpa.u1 $0x1  }
0x4d: {  	p0 =	sne.s32 s0, $0x0;
	_ =	strace $0x90000047  }
0x4e: {  	s0 =	sadd.s32 @!p0 $0x100000, s1;
	[bflag:$0x2] =	sbarrier.arrive $0xFFFF  }
0x4f: {  	[sflag:s0] =	ssyncadd.tile.s32 @!p0 $0x1;
	_ =	shalt  }
.Lfunc_end1:
_tile_overlayer_lowered:
.L_overlay_start_2:
0x50: {  	(tag) =	ssettag $0x2  }
0x51: {  	s0 =	rddreg [dreg:$0x0];
	s2 =	stileid.u32  }
0x52: {  	s1 =	rddreg [dreg:$0x1];
	p0 =	sne.s32 s2, $0x0  }
0x53: {  	s3 =	rddreg [dreg:$0x2];
	[bflag:$0x3] =	sbarrier.arrive $0xFFFF;
	s2 =	simm.s32 @!p0 $0x1C01  }
0x54: {  	[timem:s3], [sflag:s2] =	dma.local @!p0 [hbm:s0], s1  }
0x55: {  	s0 =	simm.s32 @!p0 $0x1  }
0x56: {  	_ =	swait.ge @!p0 [sflag:s0], s1  }
0x57: {  	s1 =	ssub.s32 @!p0 $0x0, s1;
	[sflag:s0] =	ssyncset.done @!p0 $0x0  }
0x58: {  	[sflag:s0] =	ssyncadd.s32 @!p0 s1  }
0x59: {  	[bflag:$0x3] =	sbarrier.arrive $0xFFFF  }
0x5a: {  	_ =	shalt  }

</sc_bundles>
